<compile_context>
chip_gen: v7x
topology: tpu7x:2x2x1
jax: 0.10.2.dev20260603
libtpu: 0.0.44.dev20260713+nightly
codegen_flags: <defaults>
</compile_context>

<pallas_src>
import functools

import jax
import jax.numpy as jnp
from jax import lax
from jax.experimental import pallas as pl
from jax.experimental.pallas import tpu as pltpu
from jax.experimental.pallas import tpu_sc as plsc

N = 100000
E = 1600000
D_NODE = 128
D_EDGE = 16
D_GLOB = 64
B = 256

NC = 2
NS = 16
NW = NC * NS
L = 16

UE = 256
EU = E // UE
K_E = (EU + NW - 1) // NW
UN = 200
NU = N // UN
K_N = (NU + NW - 1) // NW


def _sc_body(src_hbm, attr_hbm, x_hbm, batch_hbm, ze_hbm, zn_hbm, zf_hbm,
             esum_hbm, nsum_hbm, ecnt_hbm, ncnt_hbm,
             batch_spm, eacc_spm, nacc_spm,
             idx0, idx1, seg0, seg1, at0, at1, ar0, ar1, x0, nb0,
             hist, cnt_v, si0, si1, sa0, sa1, sg0, sg1, ss0, ss1):
    c = lax.axis_index("c")
    s = lax.axis_index("s")
    wid = s * NC + c

    @pl.when(s == 0)
    def _():
        pltpu.sync_copy(batch_hbm, batch_spm)

    pltpu.sync_copy(ze_hbm, eacc_spm.at[pl.ds(s * (B // NS), B // NS)])
    pltpu.sync_copy(zn_hbm, nacc_spm.at[pl.ds(s * (B // NS), B // NS)])
    pltpu.sync_copy(zf_hbm, hist)
    plsc.subcore_barrier()

    lane = lax.broadcasted_iota(jnp.int32, (L,), 0) * B
    rows16 = lax.broadcasted_iota(jnp.int32, (L,), 0)
    ones = jnp.ones((L,), jnp.int32)

    def histo(segb, n):
        for i in range(n // L):
            segs = segb[pl.ds(i * L, L)]
            plsc.addupdate_scatter(hist, [lane + segs], ones)

    def cnt_out(out):
        for b in range(B // L):
            acc = hist[pl.ds(b * L, L)]
            for l in range(1, L):
                acc = acc + hist[pl.ds(l * B + b * L, L)]
            cnt_v[pl.ds(b * L, L)] = acc
        pltpu.sync_copy(cnt_v, out.at[wid])

    def transpose(atb, arb):
        @plsc.parallel_loop(0, UE // L, unroll=4)
        def _(g):
            off = pl.multiple_of(g * L, L)
            rows = rows16 + g * L
            for f in range(D_EDGE):
                vals = atb[f, pl.ds(off, L)]
                plsc.store_scatter(arb, [rows, jnp.full((L,), f, jnp.int32)],
                                   vals)

    def e_loads(t, idxb, atb, s_i, s_a):
        base = pl.multiple_of(t * UE, UE)
        di = pltpu.async_copy(src_hbm.at[pl.ds(base, UE)], idxb, s_i)
        da = pltpu.async_copy(attr_hbm.at[:, pl.ds(base, UE)], atb, s_a)
        return di, da

    def edge_pair(j, carry):
        t0 = (2 * j) * NW + wid
        t1 = t0 + NW
        di0, da0 = e_loads(t0, idx0, at0, si0, sa0)
        di0.wait()
        dg0 = pltpu.async_copy(batch_spm.at[idx0], seg0, sg0)

        @pl.when(t1 < EU)
        def _():
            e_loads(t1, idx1, at1, si1, sa1)

        da0.wait()
        transpose(at0, ar0)
        dg0.wait()
        ds0 = pltpu.async_copy(ar0, eacc_spm.at[seg0], ss0, add=True)
        histo(seg0, UE)

        @pl.when(t1 < EU)
        def _():
            base = pl.multiple_of(t1 * UE, UE)
            pltpu.make_async_copy(src_hbm.at[pl.ds(base, UE)], idx1, si1).wait()
            dg1 = pltpu.async_copy(batch_spm.at[idx1], seg1, sg1)
            pltpu.make_async_copy(attr_hbm.at[:, pl.ds(base, UE)], at1,
                                  sa1).wait()
            transpose(at1, ar1)
            dg1.wait()
            ds1 = pltpu.async_copy(ar1, eacc_spm.at[seg1], ss1, add=True)
            histo(seg1, UE)
            ds1.wait()

        ds0.wait()
        return carry

    lax.fori_loop(0, K_E // 2, edge_pair, 0)

    cnt_out(ecnt_hbm)
    pltpu.sync_copy(zf_hbm, hist)

    def n_loads(t, nbb, xb, s_i, s_a):
        base = pl.multiple_of(t * UN, UN)
        dn = pltpu.async_copy(batch_hbm.at[pl.ds(base, UN)], nbb, s_i)
        dx = pltpu.async_copy(x_hbm.at[pl.ds(base, UN)], xb, s_a)
        return dn, dx

    def node_step(k, carry):
        t = k * NW + wid

        @pl.when(t < NU)
        def _():
            dn0, dx0 = n_loads(t, nb0, x0, si0, sa0)
            dn0.wait()
            dx0.wait()
            ds0 = pltpu.async_copy(x0, nacc_spm.at[nb0], ss0, add=True)
            histo(nb0, UN)
            ds0.wait()

        return carry

    lax.fori_loop(0, K_N, node_step, 0)

    cnt_out(ncnt_hbm)

    plsc.subcore_barrier()

    @pl.when(s == 0)
    def _():
        pltpu.sync_copy(eacc_spm, esum_hbm.at[c])
        pltpu.sync_copy(nacc_spm, nsum_hbm.at[c])


def _sc_segment_sums(edge_src, edge_attr_t, x, batch):
    mesh = plsc.VectorSubcoreMesh(core_axis_name="c", subcore_axis_name="s",
                                  num_cores=NC, num_subcores=NS)
    ze = jnp.zeros((B // NS, D_EDGE), jnp.float32)
    zn = jnp.zeros((B // NS, D_NODE), jnp.float32)
    zf = jnp.zeros((L * B,), jnp.int32)
    out_type = (
        jax.ShapeDtypeStruct((NC, B, D_EDGE), jnp.float32),
        jax.ShapeDtypeStruct((NC, B, D_NODE), jnp.float32),
        jax.ShapeDtypeStruct((NW, B), jnp.int32),
        jax.ShapeDtypeStruct((NW, B), jnp.int32),
    )
    scratch = [
        pltpu.VMEM_SHARED((N,), jnp.int32),
        pltpu.VMEM_SHARED((B, D_EDGE), jnp.float32),
        pltpu.VMEM_SHARED((B, D_NODE), jnp.float32),
        pltpu.VMEM((UE,), jnp.int32),
        pltpu.VMEM((UE,), jnp.int32),
        pltpu.VMEM((UE,), jnp.int32),
        pltpu.VMEM((UE,), jnp.int32),
        pltpu.VMEM((D_EDGE, UE), jnp.float32),
        pltpu.VMEM((D_EDGE, UE), jnp.float32),
        pltpu.VMEM((UE, D_EDGE), jnp.float32),
        pltpu.VMEM((UE, D_EDGE), jnp.float32),
        pltpu.VMEM((UN, D_NODE), jnp.float32),
        pltpu.VMEM((UN,), jnp.int32),
        pltpu.VMEM((L * B,), jnp.int32),
        pltpu.VMEM((B,), jnp.int32),
        pltpu.SemaphoreType.DMA,
        pltpu.SemaphoreType.DMA,
        pltpu.SemaphoreType.DMA,
        pltpu.SemaphoreType.DMA,
        pltpu.SemaphoreType.DMA,
        pltpu.SemaphoreType.DMA,
        pltpu.SemaphoreType.DMA,
        pltpu.SemaphoreType.DMA,
    ]
    fn = pl.kernel(_sc_body, out_type=out_type, mesh=mesh,
                   scratch_types=scratch,
                   compiler_params=pltpu.CompilerParams(
                       needs_layout_passes=False))
    return fn(edge_src, edge_attr_t, x, batch, ze, zn, zf)


def _tc_body(u_ref, esum_ref, nsum_ref, ecnt_ref, ncnt_ref,
             w1u_ref, w1e_ref, w1n_ref, b1_ref, w2_ref, b2_ref,
             gamma_ref, beta_ref, out_ref):
    e_sum = esum_ref[0] + esum_ref[1]
    n_sum = nsum_ref[0] + nsum_ref[1]
    e_cnt = jnp.sum(ecnt_ref[...], axis=0).astype(jnp.float32)
    n_cnt = jnp.sum(ncnt_ref[...], axis=0).astype(jnp.float32)
    e_mean = e_sum / jnp.maximum(e_cnt, 1.0)[:, None]
    n_mean = n_sum / jnp.maximum(n_cnt, 1.0)[:, None]
    u = u_ref[...]
    h = (jnp.dot(u, w1u_ref[...], preferred_element_type=jnp.float32)
         + jnp.dot(e_mean, w1e_ref[...], preferred_element_type=jnp.float32)
         + jnp.dot(n_mean, w1n_ref[...], preferred_element_type=jnp.float32)
         + b1_ref[...])
    h = jnp.maximum(h, 0.0)
    y = jnp.dot(h, w2_ref[...], preferred_element_type=jnp.float32) + b2_ref[...] + u
    mu = jnp.mean(y, axis=-1, keepdims=True)
    var = jnp.mean((y - mu) ** 2, axis=-1, keepdims=True)
    y = (y - mu) * lax.rsqrt(var + 1e-5)
    out_ref[...] = y * gamma_ref[...] + beta_ref[...]


def kernel(x, edge_index, edge_attr, u, batch, W1, b1, W2, b2, gamma, beta):
    edge_src = edge_index[0]
    esum, nsum, ecnt, ncnt = _sc_segment_sums(edge_src, edge_attr.T, x, batch)
    w1u = W1[:D_GLOB]
    w1e = W1[D_GLOB:D_GLOB + D_EDGE]
    w1n = W1[D_GLOB + D_EDGE:]
    return pl.pallas_call(
        _tc_body,
        out_shape=jax.ShapeDtypeStruct((B, D_GLOB), jnp.float32),
    )(u, esum, nsum, ecnt, ncnt, w1u, w1e, w1n,
      b1[None, :], W2, b2[None, :], gamma[None, :], beta[None, :])

# --- scband reference (transcript-rebuilt; emitter-appended) ---
"""Pipeline reference for scband-global-update-53730040873193 (READ-ONLY COPY).

The authoritative reference and input builder live on the scoring server;
editing this copy changes nothing except your own understanding.
"""

import jax, jax.numpy as jnp
import numpy as np

N = 100000
E = 1600000
D_NODE = 128
D_EDGE = 16
D_GLOB = 64
B = 256
D_HID = 4 * D_GLOB


def setup_inputs(seed: int = 0) -> dict:
    key = jax.random.key(seed)
    ks = jax.random.split(key, 12)
    x = jax.random.normal(ks[0], (N, D_NODE), dtype=jnp.float32)
    edge_index = jax.random.randint(ks[1], (2, E), 0, N, dtype=jnp.int32)
    edge_attr = jax.random.normal(ks[2], (E, D_EDGE), dtype=jnp.float32)
    u = jax.random.normal(ks[3], (B, D_GLOB), dtype=jnp.float32)
    batch = jnp.sort(jax.random.randint(ks[4], (N,), 0, B, dtype=jnp.int32))
    W1 = jax.random.normal(ks[5], (D_NODE + D_EDGE + D_GLOB, D_HID), dtype=jnp.float32) * 0.02
    b1 = jnp.zeros((D_HID,), dtype=jnp.float32)
    W2 = jax.random.normal(ks[6], (D_HID, D_GLOB), dtype=jnp.float32) * 0.02
    b2 = jnp.zeros((D_GLOB,), dtype=jnp.float32)
    gamma = jnp.ones((D_GLOB,), dtype=jnp.float32)
    beta = jnp.zeros((D_GLOB,), dtype=jnp.float32)
    return {"x": x, "edge_index": edge_index, "edge_attr": edge_attr, "u": u,
            "batch": batch, "W1": W1, "b1": b1, "W2": W2, "b2": b2,
            "gamma": gamma, "beta": beta}


def _segment_mean(data, seg_ids, num_segments):
    s = jax.ops.segment_sum(data, seg_ids, num_segments=num_segments)
    c = jax.ops.segment_sum(jnp.ones((data.shape[0],), dtype=data.dtype), seg_ids,
                            num_segments=num_segments)
    return s / jnp.maximum(c, 1.0)[:, None]


def reference(x, edge_index, edge_attr, u, batch, W1, b1, W2, b2, gamma, beta):
    num_seg = u.shape[0]
    # scatter(edge_attr, batch[edge_index[0]], reduce='mean')
    edge_seg = jnp.take(batch, edge_index[0], axis=0)
    e_mean = _segment_mean(edge_attr, edge_seg, num_seg)
    # scatter(x, batch, reduce='mean')
    n_mean = _segment_mean(x, batch, num_seg)
    out = jnp.concatenate([u, e_mean, n_mean], axis=1)
    h = jnp.maximum(out @ W1 + b1, 0.0)
    out = h @ W2 + b2
    # LayerNorm(out + u, batch=arange(B)) -> per-row layernorm over features
    y = out + u
    mu = jnp.mean(y, axis=-1, keepdims=True)
    var = jnp.mean((y - mu) ** 2, axis=-1, keepdims=True)
    y = (y - mu) / jnp.sqrt(var + 1e-5)
    y = y * gamma + beta
    # dropout with p=0.0 is identity
    return y

if __name__ == "__main__":
    import jax
    _d = setup_inputs()
    print(jax.jit(kernel)(*tuple(_d.values())))

</pallas_src>

<mosaic_0001>
#map = affine_map<(d0, d1) -> (0)>
#map1 = affine_map<(d0, d1) -> (0, 0)>
#map2 = affine_map<(d0, d1) -> (0, 0, 0)>
module attributes {stable_mosaic.version = 14 : i64} {
  func.func @_sc_body(%arg0: i32, %arg1: i32, %arg2: memref<1600000xi32, #tpu.memory_space<hbm>>, %arg3: memref<16x1600000xf32, #tpu.memory_space<hbm>>, %arg4: memref<100000x128xf32, #tpu.memory_space<hbm>>, %arg5: memref<100000xi32, #tpu.memory_space<hbm>>, %arg6: memref<16x16xf32, #tpu.memory_space<hbm>>, %arg7: memref<16x128xf32, #tpu.memory_space<hbm>>, %arg8: memref<4096xi32, #tpu.memory_space<hbm>>, %arg9: memref<2x256x16xf32, #tpu.memory_space<hbm>>, %arg10: memref<2x256x128xf32, #tpu.memory_space<hbm>>, %arg11: memref<32x256xi32, #tpu.memory_space<hbm>>, %arg12: memref<32x256xi32, #tpu.memory_space<hbm>>, %arg13: memref<100000xi32, #tpu.memory_space<vmem_shared>>, %arg14: memref<256x16xf32, #tpu.memory_space<vmem_shared>>, %arg15: memref<256x128xf32, #tpu.memory_space<vmem_shared>>, %arg16: memref<256xi32, #tpu.memory_space<vmem>>, %arg17: memref<256xi32, #tpu.memory_space<vmem>>, %arg18: memref<256xi32, #tpu.memory_space<vmem>>, %arg19: memref<256xi32, #tpu.memory_space<vmem>>, %arg20: memref<16x256xf32, #tpu.memory_space<vmem>>, %arg21: memref<16x256xf32, #tpu.memory_space<vmem>>, %arg22: memref<256x16xf32, #tpu.memory_space<vmem>>, %arg23: memref<256x16xf32, #tpu.memory_space<vmem>>, %arg24: memref<200x128xf32, #tpu.memory_space<vmem>>, %arg25: memref<200xi32, #tpu.memory_space<vmem>>, %arg26: memref<4096xi32, #tpu.memory_space<vmem>>, %arg27: memref<256xi32, #tpu.memory_space<vmem>>, %arg28: memref<!tpu.dma_semaphore, #tpu.memory_space<semaphore_mem>>, %arg29: memref<!tpu.dma_semaphore, #tpu.memory_space<semaphore_mem>>, %arg30: memref<!tpu.dma_semaphore, #tpu.memory_space<semaphore_mem>>, %arg31: memref<!tpu.dma_semaphore, #tpu.memory_space<semaphore_mem>>, %arg32: memref<!tpu.dma_semaphore, #tpu.memory_space<semaphore_mem>>, %arg33: memref<!tpu.dma_semaphore, #tpu.memory_space<semaphore_mem>>, %arg34: memref<!tpu.dma_semaphore, #tpu.memory_space<semaphore_mem>>, %arg35: memref<!tpu.dma_semaphore, #tpu.memory_space<semaphore_mem>>) attributes {dimension_semantics = [#tpu.dimension_semantics<core_parallel>, #tpu.dimension_semantics<subcore_parallel>], iteration_bounds = array<i64: 2, 16>, scalar_prefetch = 0 : i64, scratch_operands = 23 : i64, tpu.core_type = #tpu.core_type<sc_vector_subcore>, window_params = [{transform_indices = #map}, {transform_indices = #map1}, {transform_indices = #map1}, {transform_indices = #map}, {transform_indices = #map1}, {transform_indices = #map1}, {transform_indices = #map}, {transform_indices = #map2}, {transform_indices = #map2}, {transform_indices = #map1}, {transform_indices = #map1}]} {
    %mul3A = arith.constant 2 : i32
    %mul3A_0 = arith.muli %arg1, %mul3A : i32
    %add3A = arith.addi %mul3A_0, %arg0 : i32
    %eq3A = arith.constant 0 : i32
    %eq3A_1 = arith.cmpi eq, %arg1, %eq3A : i32
    %convert_element_type3A = arith.extui %eq3A_1 : i1 to i32
    %cond3A = arith.constant 0 : i32
    %cond3A_2 = arith.cmpi ne, %convert_element_type3A, %cond3A : i32
    scf.if %cond3A_2 {
      "tpu.region"() ({
        %run_scoped3A = tpu.sem_alloc : memref<!tpu.dma_semaphore, #tpu.memory_space<semaphore_mem>>
        tpu.enqueue_dma source(%arg5 : memref<100000xi32, #tpu.memory_space<hbm>>) target(%arg13 : memref<100000xi32, #tpu.memory_space<vmem_shared>>) target_semaphore(%run_scoped3A : memref<!tpu.dma_semaphore, #tpu.memory_space<semaphore_mem>>)
        tpu.wait_dma2 semaphore(%run_scoped3A : memref<!tpu.dma_semaphore, #tpu.memory_space<semaphore_mem>>) src(%arg5 : memref<100000xi32, #tpu.memory_space<hbm>>) dst(%arg13 : memref<100000xi32, #tpu.memory_space<vmem_shared>>)
        tpu.yield
      }) : () -> ()
    } else {
    }
    %mul3A_3 = arith.constant 16 : i32
    %mul3A_4 = arith.muli %arg1, %mul3A_3 : i32
    "tpu.region"() ({
      %run_scoped3A = tpu.sem_alloc : memref<!tpu.dma_semaphore, #tpu.memory_space<semaphore_mem>>
      %dma_start3A = arith.constant 0 : i32
      %dma_start3A_1595 = tpu.memref_slice %arg14[%mul3A_4, %dma_start3A] : memref<256x16xf32, #tpu.memory_space<vmem_shared>> -> memref<16x16xf32, #tpu.memory_space<vmem_shared>>
      tpu.enqueue_dma source(%arg6 : memref<16x16xf32, #tpu.memory_space<hbm>>) target(%dma_start3A_1595 : memref<16x16xf32, #tpu.memory_space<vmem_shared>>) target_semaphore(%run_scoped3A : memref<!tpu.dma_semaphore, #tpu.memory_space<semaphore_mem>>)
      %dma_wait3A = arith.constant 0 : i32
      %dma_wait3A_1596 = tpu.memref_slice %arg14[%mul3A_4, %dma_wait3A] : memref<256x16xf32, #tpu.memory_space<vmem_shared>> -> memref<16x16xf32, #tpu.memory_space<vmem_shared>>
      tpu.wait_dma2 semaphore(%run_scoped3A : memref<!tpu.dma_semaphore, #tpu.memory_space<semaphore_mem>>) src(%arg6 : memref<16x16xf32, #tpu.memory_space<hbm>>) dst(%dma_wait3A_1596 : memref<16x16xf32, #tpu.memory_space<vmem_shared>>)
      tpu.yield
    }) : () -> ()
    %mul3A_5 = arith.constant 16 : i32
    %mul3A_6 = arith.muli %arg1, %mul3A_5 : i32
    "tpu.region"() ({
      %run_scoped3A = tpu.sem_alloc : memref<!tpu.dma_semaphore, #tpu.memory_space<semaphore_mem>>
      %dma_start3A = arith.constant 0 : i32
      %dma_start3A_1595 = tpu.memref_slice %arg15[%mul3A_6, %dma_start3A] : memref<256x128xf32, #tpu.memory_space<vmem_shared>> -> memref<16x128xf32, #tpu.memory_space<vmem_shared>>
      tpu.enqueue_dma source(%arg7 : memref<16x128xf32, #tpu.memory_space<hbm>>) target(%dma_start3A_1595 : memref<16x128xf32, #tpu.memory_space<vmem_shared>>) target_semaphore(%run_scoped3A : memref<!tpu.dma_semaphore, #tpu.memory_space<semaphore_mem>>)
      %dma_wait3A = arith.constant 0 : i32
      %dma_wait3A_1596 = tpu.memref_slice %arg15[%mul3A_6, %dma_wait3A] : memref<256x128xf32, #tpu.memory_space<vmem_shared>> -> memref<16x128xf32, #tpu.memory_space<vmem_shared>>
      tpu.wait_dma2 semaphore(%run_scoped3A : memref<!tpu.dma_semaphore, #tpu.memory_space<semaphore_mem>>) src(%arg7 : memref<16x128xf32, #tpu.memory_space<hbm>>) dst(%dma_wait3A_1596 : memref<16x128xf32, #tpu.memory_space<vmem_shared>>)
      tpu.yield
    }) : () -> ()
    "tpu.region"() ({
      %run_scoped3A = tpu.sem_alloc : memref<!tpu.dma_semaphore, #tpu.memory_space<semaphore_mem>>
      tpu.enqueue_dma source(%arg8 : memref<4096xi32, #tpu.memory_space<hbm>>) target(%arg26 : memref<4096xi32, #tpu.memory_space<vmem>>) target_semaphore(%run_scoped3A : memref<!tpu.dma_semaphore, #tpu.memory_space<semaphore_mem>>)
      tpu.wait_dma2 semaphore(%run_scoped3A : memref<!tpu.dma_semaphore, #tpu.memory_space<semaphore_mem>>) src(%arg8 : memref<4096xi32, #tpu.memory_space<hbm>>) dst(%arg26 : memref<4096xi32, #tpu.memory_space<vmem>>)
      tpu.yield
    }) : () -> ()
    %barrier3A = arith.constant 0 : index
    tpu.barrier barrier_id(%barrier3A)
    %iota3A = tpu.iota {dimensions = array<i32: 0>} : vector<16xi32>
    %mul3A_7 = arith.constant 256 : i32
    %mul3A_8 = vector.broadcast %mul3A_7 : i32 to vector<16xi32>
    %mul3A_9 = arith.muli %iota3A, %mul3A_8 : vector<16xi32>
    %iota3A_10 = tpu.iota {dimensions = array<i32: 0>} : vector<16xi32>
    %broadcast_in_dim3A = arith.constant 1 : i32
    %broadcast_in_dim3A_11 = vector.broadcast %broadcast_in_dim3A : i32 to vector<16xi32>
    %scan3A = arith.constant 0 : i32
    %scan3A_12 = arith.constant 0 : i32
    %scan3A_13 = arith.constant 98 : i32
    %scan3A_14 = arith.addi %scan3A_12, %scan3A_13 : i32
    %scan3A_15 = arith.constant 1 : i32
    scf.for %scan3A_1595 = %scan3A_12 to %scan3A_14 step %scan3A_15  : i32 {
      %mul3A_1596 = arith.constant 2 : i32
      %mul3A_1597 = arith.muli %mul3A_1596, %scan3A_1595 : i32
      %mul3A_1598 = arith.constant 32 : i32
      %mul3A_1599 = arith.muli %mul3A_1597, %mul3A_1598 : i32
      %add3A_1600 = arith.addi %mul3A_1599, %add3A : i32
      %add3A_1601 = arith.constant 32 : i32
      %add3A_1602 = arith.addi %add3A_1600, %add3A_1601 : i32
      %mul3A_1603 = arith.constant 256 : i32
      %mul3A_1604 = arith.muli %add3A_1600, %mul3A_1603 : i32
      %multiple_of3A = tpu.assume_multiple %mul3A_1604, 256 : i32
      %dma_start3A = tpu.memref_slice %arg2[%multiple_of3A] : memref<1600000xi32, #tpu.memory_space<hbm>> -> memref<256xi32, #tpu.memory_space<hbm>>
      %dma_start3A_1605 = tpu.memref_slice %arg2[%multiple_of3A] : memref<1600000xi32, #tpu.memory_space<hbm>> -> memref<256xi32, #tpu.memory_space<hbm>>
      tpu.enqueue_dma source(%dma_start3A_1605 : memref<256xi32, #tpu.memory_space<hbm>>) target(%arg16 : memref<256xi32, #tpu.memory_space<vmem>>) target_semaphore(%arg28 : memref<!tpu.dma_semaphore, #tpu.memory_space<semaphore_mem>>)
      %dma_start3A_1606 = arith.constant 0 : i32
      %dma_start3A_1607 = tpu.memref_slice %arg3[%dma_start3A_1606, %multiple_of3A] : memref<16x1600000xf32, #tpu.memory_space<hbm>> -> memref<16x256xf32, #tpu.memory_space<hbm>>
      %dma_start3A_1608 = arith.constant 0 : i32
      %dma_start3A_1609 = tpu.memref_slice %arg3[%dma_start3A_1608, %multiple_of3A] : memref<16x1600000xf32, #tpu.memory_space<hbm>> -> memref<16x256xf32, #tpu.memory_space<hbm>>
      tpu.enqueue_dma source(%dma_start3A_1609 : memref<16x256xf32, #tpu.memory_space<hbm>>) target(%arg20 : memref<16x256xf32, #tpu.memory_space<vmem>>) target_semaphore(%arg30 : memref<!tpu.dma_semaphore, #tpu.memory_space<semaphore_mem>>)
      %dma_wait3A = tpu.memref_slice %arg2[%multiple_of3A] : memref<1600000xi32, #tpu.memory_space<hbm>> -> memref<256xi32, #tpu.memory_space<hbm>>
      %dma_wait3A_1610 = tpu.memref_slice %arg2[%multiple_of3A] : memref<1600000xi32, #tpu.memory_space<hbm>> -> memref<256xi32, #tpu.memory_space<hbm>>
      tpu.wait_dma2 semaphore(%arg28 : memref<!tpu.dma_semaphore, #tpu.memory_space<semaphore_mem>>) src(%dma_wait3A_1610 : memref<256xi32, #tpu.memory_space<hbm>>) dst(%arg16 : memref<256xi32, #tpu.memory_space<vmem>>)
      %dma_start3A_1611 = arith.constant 0 : i32
      %dma_start3A_1612 = tpu.memref_slice %arg13[%dma_start3A_1611] : memref<100000xi32, #tpu.memory_space<vmem_shared>> -> memref<100000xi32, #tpu.memory_space<vmem_shared>>
      tpu.enqueue_indirect_dma source(%dma_start3A_1612 : memref<100000xi32, #tpu.memory_space<vmem_shared>>) target(%arg18 : memref<256xi32, #tpu.memory_space<vmem>>) offsets(%arg16 : memref<256xi32, #tpu.memory_space<vmem>>) semaphore(%arg32 : memref<!tpu.dma_semaphore, #tpu.memory_space<semaphore_mem>>)
      %lt3A = arith.constant 6250 : i32
      %lt3A_1613 = arith.cmpi slt, %add3A_1602, %lt3A : i32
      %convert_element_type3A_1614 = arith.extui %lt3A_1613 : i1 to i32
      %cond3A_1615 = arith.constant 0 : i32
      %cond3A_1616 = arith.cmpi ne, %convert_element_type3A_1614, %cond3A_1615 : i32
      scf.if %cond3A_1616 {
        %mul3A_1684 = arith.constant 256 : i32
        %mul3A_1685 = arith.muli %add3A_1602, %mul3A_1684 : i32
        %multiple_of3A_1686 = tpu.assume_multiple %mul3A_1685, 256 : i32
        %dma_start3A_1687 = tpu.memref_slice %arg2[%multiple_of3A_1686] : memref<1600000xi32, #tpu.memory_space<hbm>> -> memref<256xi32, #tpu.memory_space<hbm>>
        %dma_start3A_1688 = tpu.memref_slice %arg2[%multiple_of3A_1686] : memref<1600000xi32, #tpu.memory_space<hbm>> -> memref<256xi32, #tpu.memory_space<hbm>>
        tpu.enqueue_dma source(%dma_start3A_1688 : memref<256xi32, #tpu.memory_space<hbm>>) target(%arg17 : memref<256xi32, #tpu.memory_space<vmem>>) target_semaphore(%arg29 : memref<!tpu.dma_semaphore, #tpu.memory_space<semaphore_mem>>)
        %dma_start3A_1689 = arith.constant 0 : i32
        %dma_start3A_1690 = tpu.memref_slice %arg3[%dma_start3A_1689, %multiple_of3A_1686] : memref<16x1600000xf32, #tpu.memory_space<hbm>> -> memref<16x256xf32, #tpu.memory_space<hbm>>
        %dma_start3A_1691 = arith.constant 0 : i32
        %dma_start3A_1692 = tpu.memref_slice %arg3[%dma_start3A_1691, %multiple_of3A_1686] : memref<16x1600000xf32, #tpu.memory_space<hbm>> -> memref<16x256xf32, #tpu.memory_space<hbm>>
        tpu.enqueue_dma source(%dma_start3A_1692 : memref<16x256xf32, #tpu.memory_space<hbm>>) target(%arg21 : memref<16x256xf32, #tpu.memory_space<vmem>>) target_semaphore(%arg31 : memref<!tpu.dma_semaphore, #tpu.memory_space<semaphore_mem>>)
      } else {
      }
      %dma_wait3A_1617 = arith.constant 0 : i32
      %dma_wait3A_1618 = tpu.memref_slice %arg3[%dma_wait3A_1617, %multiple_of3A] : memref<16x1600000xf32, #tpu.memory_space<hbm>> -> memref<16x256xf32, #tpu.memory_space<hbm>>
      %dma_wait3A_1619 = arith.constant 0 : i32
      %dma_wait3A_1620 = tpu.memref_slice %arg3[%dma_wait3A_1619, %multiple_of3A] : memref<16x1600000xf32, #tpu.memory_space<hbm>> -> memref<16x256xf32, #tpu.memory_space<hbm>>
      tpu.wait_dma2 semaphore(%arg30 : memref<!tpu.dma_semaphore, #tpu.memory_space<semaphore_mem>>) src(%dma_wait3A_1620 : memref<16x256xf32, #tpu.memory_space<hbm>>) dst(%arg20 : memref<16x256xf32, #tpu.memory_space<vmem>>)
      %parallel_loop3A = arith.constant 0 : i32
      %parallel_loop3A_1621 = arith.constant 16 : i32
      %parallel_loop3A_1622 = arith.constant 1 : i32
      scf.for %parallel_loop3A_1684 = %parallel_loop3A to %parallel_loop3A_1621 step %parallel_loop3A_1622  : i32 {
        %parallel_loop3A_1685 = arith.constant 16 : i32
        %parallel_loop3A_1686 = arith.muli %parallel_loop3A_1684, %parallel_loop3A_1685 : i32
        %parallel_loop3A_1687 = tpu.assume_multiple %parallel_loop3A_1686, 16 : i32
        %parallel_loop3A_1688 = arith.constant 16 : i32
        %parallel_loop3A_1689 = arith.muli %parallel_loop3A_1684, %parallel_loop3A_1688 : i32
        %parallel_loop3A_1690 = vector.broadcast %parallel_loop3A_1689 : i32 to vector<16xi32>
        %parallel_loop3A_1691 = arith.addi %iota3A_10, %parallel_loop3A_1690 : vector<16xi32>
        %parallel_loop3A_1692 = arith.constant 0 : i32
        %parallel_loop3A_1693 = arith.index_cast %parallel_loop3A_1692 : i32 to index
        %parallel_loop3A_1694 = arith.index_cast %parallel_loop3A_1687 : i32 to index
        %parallel_loop3A_1695 = tpu.vector_load %arg20[%parallel_loop3A_1693, %parallel_loop3A_1694] {strides = array<i32>} : memref<16x256xf32, #tpu.memory_space<vmem>>, vector<16xf32>,
        %parallel_loop3A_1696 = arith.constant 0 : i32
        %parallel_loop3A_1697 = vector.broadcast %parallel_loop3A_1696 : i32 to vector<16xi32>
        tpu.vector_store_idx %arg22[%parallel_loop3A_1691, %parallel_loop3A_1697], %parallel_loop3A_1695 : memref<256x16xf32, #tpu.memory_space<vmem>>[vector<16xi32>, vector<16xi32>], vector<16xf32>,
        %parallel_loop3A_1698 = arith.constant 1 : i32
        %parallel_loop3A_1699 = arith.index_cast %parallel_loop3A_1698 : i32 to index
        %parallel_loop3A_1700 = arith.index_cast %parallel_loop3A_1687 : i32 to index
        %parallel_loop3A_1701 = tpu.vector_load %arg20[%parallel_loop3A_1699, %parallel_loop3A_1700] {strides = array<i32>} : memref<16x256xf32, #tpu.memory_space<vmem>>, vector<16xf32>,
        %parallel_loop3A_1702 = arith.constant 1 : i32
        %parallel_loop3A_1703 = vector.broadcast %parallel_loop3A_1702 : i32 to vector<16xi32>
        tpu.vector_store_idx %arg22[%parallel_loop3A_1691, %parallel_loop3A_1703], %parallel_loop3A_1701 : memref<256x16xf32, #tpu.memory_space<vmem>>[vector<16xi32>, vector<16xi32>], vector<16xf32>,
        %parallel_loop3A_1704 = arith.constant 2 : i32
        %parallel_loop3A_1705 = arith.index_cast %parallel_loop3A_1704 : i32 to index
        %parallel_loop3A_1706 = arith.index_cast %parallel_loop3A_1687 : i32 to index
        %parallel_loop3A_1707 = tpu.vector_load %arg20[%parallel_loop3A_1705, %parallel_loop3A_1706] {strides = array<i32>} : memref<16x256xf32, #tpu.memory_space<vmem>>, vector<16xf32>,
        %parallel_loop3A_1708 = arith.constant 2 : i32
        %parallel_loop3A_1709 = vector.broadcast %parallel_loop3A_1708 : i32 to vector<16xi32>
        tpu.vector_store_idx %arg22[%parallel_loop3A_1691, %parallel_loop3A_1709], %parallel_loop3A_1707 : memref<256x16xf32, #tpu.memory_space<vmem>>[vector<16xi32>, vector<16xi32>], vector<16xf32>,
        %parallel_loop3A_1710 = arith.constant 3 : i32
        %parallel_loop3A_1711 = arith.index_cast %parallel_loop3A_1710 : i32 to index
        %parallel_loop3A_1712 = arith.index_cast %parallel_loop3A_1687 : i32 to index
        %parallel_loop3A_1713 = tpu.vector_load %arg20[%parallel_loop3A_1711, %parallel_loop3A_1712] {strides = array<i32>} : memref<16x256xf32, #tpu.memory_space<vmem>>, vector<16xf32>,
        %parallel_loop3A_1714 = arith.constant 3 : i32
        %parallel_loop3A_1715 = vector.broadcast %parallel_loop3A_1714 : i32 to vector<16xi32>
        tpu.vector_store_idx %arg22[%parallel_loop3A_1691, %parallel_loop3A_1715], %parallel_loop3A_1713 : memref<256x16xf32, #tpu.memory_space<vmem>>[vector<16xi32>, vector<16xi32>], vector<16xf32>,
        %parallel_loop3A_1716 = arith.constant 4 : i32
        %parallel_loop3A_1717 = arith.index_cast %parallel_loop3A_1716 : i32 to index
        %parallel_loop3A_1718 = arith.index_cast %parallel_loop3A_1687 : i32 to index
        %parallel_loop3A_1719 = tpu.vector_load %arg20[%parallel_loop3A_1717, %parallel_loop3A_1718] {strides = array<i32>} : memref<16x256xf32, #tpu.memory_space<vmem>>, vector<16xf32>,
        %parallel_loop3A_1720 = arith.constant 4 : i32
        %parallel_loop3A_1721 = vector.broadcast %parallel_loop3A_1720 : i32 to vector<16xi32>
        tpu.vector_store_idx %arg22[%parallel_loop3A_1691, %parallel_loop3A_1721], %parallel_loop3A_1719 : memref<256x16xf32, #tpu.memory_space<vmem>>[vector<16xi32>, vector<16xi32>], vector<16xf32>,
        %parallel_loop3A_1722 = arith.constant 5 : i32
        %parallel_loop3A_1723 = arith.index_cast %parallel_loop3A_1722 : i32 to index
        %parallel_loop3A_1724 = arith.index_cast %parallel_loop3A_1687 : i32 to index
        %parallel_loop3A_1725 = tpu.vector_load %arg20[%parallel_loop3A_1723, %parallel_loop3A_1724] {strides = array<i32>} : memref<16x256xf32, #tpu.memory_space<vmem>>, vector<16xf32>,
        %parallel_loop3A_1726 = arith.constant 5 : i32
        %parallel_loop3A_1727 = vector.broadcast %parallel_loop3A_1726 : i32 to vector<16xi32>
        tpu.vector_store_idx %arg22[%parallel_loop3A_1691, %parallel_loop3A_1727], %parallel_loop3A_1725 : memref<256x16xf32, #tpu.memory_space<vmem>>[vector<16xi32>, vector<16xi32>], vector<16xf32>,
        %parallel_loop3A_1728 = arith.constant 6 : i32
        %parallel_loop3A_1729 = arith.index_cast %parallel_loop3A_1728 : i32 to index
        %parallel_loop3A_1730 = arith.index_cast %parallel_loop3A_1687 : i32 to index
        %parallel_loop3A_1731 = tpu.vector_load %arg20[%parallel_loop3A_1729, %parallel_loop3A_1730] {strides = array<i32>} : memref<16x256xf32, #tpu.memory_space<vmem>>, vector<16xf32>,
        %parallel_loop3A_1732 = arith.constant 6 : i32
        %parallel_loop3A_1733 = vector.broadcast %parallel_loop3A_1732 : i32 to vector<16xi32>
        tpu.vector_store_idx %arg22[%parallel_loop3A_1691, %parallel_loop3A_1733], %parallel_loop3A_1731 : memref<256x16xf32, #tpu.memory_space<vmem>>[vector<16xi32>, vector<16xi32>], vector<16xf32>,
        %parallel_loop3A_1734 = arith.constant 7 : i32
        %parallel_loop3A_1735 = arith.index_cast %parallel_loop3A_1734 : i32 to index
        %parallel_loop3A_1736 = arith.index_cast %parallel_loop3A_1687 : i32 to index
        %parallel_loop3A_1737 = tpu.vector_load %arg20[%parallel_loop3A_1735, %parallel_loop3A_1736] {strides = array<i32>} : memref<16x256xf32, #tpu.memory_space<vmem>>, vector<16xf32>,
        %parallel_loop3A_1738 = arith.constant 7 : i32
        %parallel_loop3A_1739 = vector.broadcast %parallel_loop3A_1738 : i32 to vector<16xi32>
        tpu.vector_store_idx %arg22[%parallel_loop3A_1691, %parallel_loop3A_1739], %parallel_loop3A_1737 : memref<256x16xf32, #tpu.memory_space<vmem>>[vector<16xi32>, vector<16xi32>], vector<16xf32>,
        %parallel_loop3A_1740 = arith.constant 8 : i32
        %parallel_loop3A_1741 = arith.index_cast %parallel_loop3A_1740 : i32 to index
        %parallel_loop3A_1742 = arith.index_cast %parallel_loop3A_1687 : i32 to index
        %parallel_loop3A_1743 = tpu.vector_load %arg20[%parallel_loop3A_1741, %parallel_loop3A_1742] {strides = array<i32>} : memref<16x256xf32, #tpu.memory_space<vmem>>, vector<16xf32>,
        %parallel_loop3A_1744 = arith.constant 8 : i32
        %parallel_loop3A_1745 = vector.broadcast %parallel_loop3A_1744 : i32 to vector<16xi32>
        tpu.vector_store_idx %arg22[%parallel_loop3A_1691, %parallel_loop3A_1745], %parallel_loop3A_1743 : memref<256x16xf32, #tpu.memory_space<vmem>>[vector<16xi32>, vector<16xi32>], vector<16xf32>,
        %parallel_loop3A_1746 = arith.constant 9 : i32
        %parallel_loop3A_1747 = arith.index_cast %parallel_loop3A_1746 : i32 to index
        %parallel_loop3A_1748 = arith.index_cast %parallel_loop3A_1687 : i32 to index
        %parallel_loop3A_1749 = tpu.vector_load %arg20[%parallel_loop3A_1747, %parallel_loop3A_1748] {strides = array<i32>} : memref<16x256xf32, #tpu.memory_space<vmem>>, vector<16xf32>,
        %parallel_loop3A_1750 = arith.constant 9 : i32
        %parallel_loop3A_1751 = vector.broadcast %parallel_loop3A_1750 : i32 to vector<16xi32>
        tpu.vector_store_idx %arg22[%parallel_loop3A_1691, %parallel_loop3A_1751], %parallel_loop3A_1749 : memref<256x16xf32, #tpu.memory_space<vmem>>[vector<16xi32>, vector<16xi32>], vector<16xf32>,
        %parallel_loop3A_1752 = arith.constant 10 : i32
        %parallel_loop3A_1753 = arith.index_cast %parallel_loop3A_1752 : i32 to index
        %parallel_loop3A_1754 = arith.index_cast %parallel_loop3A_1687 : i32 to index
        %parallel_loop3A_1755 = tpu.vector_load %arg20[%parallel_loop3A_1753, %parallel_loop3A_1754] {strides = array<i32>} : memref<16x256xf32, #tpu.memory_space<vmem>>, vector<16xf32>,
        %parallel_loop3A_1756 = arith.constant 10 : i32
        %parallel_loop3A_1757 = vector.broadcast %parallel_loop3A_1756 : i32 to vector<16xi32>
        tpu.vector_store_idx %arg22[%parallel_loop3A_1691, %parallel_loop3A_1757], %parallel_loop3A_1755 : memref<256x16xf32, #tpu.memory_space<vmem>>[vector<16xi32>, vector<16xi32>], vector<16xf32>,
        %parallel_loop3A_1758 = arith.constant 11 : i32
        %parallel_loop3A_1759 = arith.index_cast %parallel_loop3A_1758 : i32 to index
        %parallel_loop3A_1760 = arith.index_cast %parallel_loop3A_1687 : i32 to index
        %parallel_loop3A_1761 = tpu.vector_load %arg20[%parallel_loop3A_1759, %parallel_loop3A_1760] {strides = array<i32>} : memref<16x256xf32, #tpu.memory_space<vmem>>, vector<16xf32>,
        %parallel_loop3A_1762 = arith.constant 11 : i32
        %parallel_loop3A_1763 = vector.broadcast %parallel_loop3A_1762 : i32 to vector<16xi32>
        tpu.vector_store_idx %arg22[%parallel_loop3A_1691, %parallel_loop3A_1763], %parallel_loop3A_1761 : memref<256x16xf32, #tpu.memory_space<vmem>>[vector<16xi32>, vector<16xi32>], vector<16xf32>,
        %parallel_loop3A_1764 = arith.constant 12 : i32
        %parallel_loop3A_1765 = arith.index_cast %parallel_loop3A_1764 : i32 to index
        %parallel_loop3A_1766 = arith.index_cast %parallel_loop3A_1687 : i32 to index
        %parallel_loop3A_1767 = tpu.vector_load %arg20[%parallel_loop3A_1765, %parallel_loop3A_1766] {strides = array<i32>} : memref<16x256xf32, #tpu.memory_space<vmem>>, vector<16xf32>,
        %parallel_loop3A_1768 = arith.constant 12 : i32
        %parallel_loop3A_1769 = vector.broadcast %parallel_loop3A_1768 : i32 to vector<16xi32>
        tpu.vector_store_idx %arg22[%parallel_loop3A_1691, %parallel_loop3A_1769], %parallel_loop3A_1767 : memref<256x16xf32, #tpu.memory_space<vmem>>[vector<16xi32>, vector<16xi32>], vector<16xf32>,
        %parallel_loop3A_1770 = arith.constant 13 : i32
        %parallel_loop3A_1771 = arith.index_cast %parallel_loop3A_1770 : i32 to index
        %parallel_loop3A_1772 = arith.index_cast %parallel_loop3A_1687 : i32 to index
        %parallel_loop3A_1773 = tpu.vector_load %arg20[%parallel_loop3A_1771, %parallel_loop3A_1772] {strides = array<i32>} : memref<16x256xf32, #tpu.memory_space<vmem>>, vector<16xf32>,
        %parallel_loop3A_1774 = arith.constant 13 : i32
        %parallel_loop3A_1775 = vector.broadcast %parallel_loop3A_1774 : i32 to vector<16xi32>
        tpu.vector_store_idx %arg22[%parallel_loop3A_1691, %parallel_loop3A_1775], %parallel_loop3A_1773 : memref<256x16xf32, #tpu.memory_space<vmem>>[vector<16xi32>, vector<16xi32>], vector<16xf32>,
        %parallel_loop3A_1776 = arith.constant 14 : i32
        %parallel_loop3A_1777 = arith.index_cast %parallel_loop3A_1776 : i32 to index
        %parallel_loop3A_1778 = arith.index_cast %parallel_loop3A_1687 : i32 to index
        %parallel_loop3A_1779 = tpu.vector_load %arg20[%parallel_loop3A_1777, %parallel_loop3A_1778] {strides = array<i32>} : memref<16x256xf32, #tpu.memory_space<vmem>>, vector<16xf32>,
        %parallel_loop3A_1780 = arith.constant 14 : i32
        %parallel_loop3A_1781 = vector.broadcast %parallel_loop3A_1780 : i32 to vector<16xi32>
        tpu.vector_store_idx %arg22[%parallel_loop3A_1691, %parallel_loop3A_1781], %parallel_loop3A_1779 : memref<256x16xf32, #tpu.memory_space<vmem>>[vector<16xi32>, vector<16xi32>], vector<16xf32>,
        %parallel_loop3A_1782 = arith.constant 15 : i32
        %parallel_loop3A_1783 = arith.index_cast %parallel_loop3A_1782 : i32 to index
        %parallel_loop3A_1784 = arith.index_cast %parallel_loop3A_1687 : i32 to index
        %parallel_loop3A_1785 = tpu.vector_load %arg20[%parallel_loop3A_1783, %parallel_loop3A_1784] {strides = array<i32>} : memref<16x256xf32, #tpu.memory_space<vmem>>, vector<16xf32>,
        %parallel_loop3A_1786 = arith.constant 15 : i32
        %parallel_loop3A_1787 = vector.broadcast %parallel_loop3A_1786 : i32 to vector<16xi32>
        tpu.vector_store_idx %arg22[%parallel_loop3A_1691, %parallel_loop3A_1787], %parallel_loop3A_1785 : memref<256x16xf32, #tpu.memory_space<vmem>>[vector<16xi32>, vector<16xi32>], vector<16xf32>,
      } {sc.loop_unroll_factor = 4 : i64, sc.parallel_access}
      %dma_wait3A_1623 = arith.constant 0 : i32
      %dma_wait3A_1624 = tpu.memref_slice %arg13[%dma_wait3A_1623] : memref<100000xi32, #tpu.memory_space<vmem_shared>> -> memref<100000xi32, #tpu.memory_space<vmem_shared>>
      tpu.wait_indirect_dma semaphore(%arg32 : memref<!tpu.dma_semaphore, #tpu.memory_space<semaphore_mem>>) src(%dma_wait3A_1624 : memref<100000xi32, #tpu.memory_space<vmem_shared>>) dst(%arg18 : memref<256xi32, #tpu.memory_space<vmem>>)
      %dma_start3A_1625 = arith.constant 0 : i32
      %dma_start3A_1626 = arith.constant 0 : i32
      %dma_start3A_1627 = tpu.memref_slice %arg14[%dma_start3A_1625, %dma_start3A_1626] : memref<256x16xf32, #tpu.memory_space<vmem_shared>> -> memref<256x16xf32, #tpu.memory_space<vmem_shared>>
      tpu.enqueue_indirect_dma source(%arg22 : memref<256x16xf32, #tpu.memory_space<vmem>>) target(%dma_start3A_1627 : memref<256x16xf32, #tpu.memory_space<vmem_shared>>) offsets(%arg18 : memref<256xi32, #tpu.memory_space<vmem>>) semaphore(%arg34 : memref<!tpu.dma_semaphore, #tpu.memory_space<semaphore_mem>>) {add = true}
      %get3A_1628 = arith.constant 0 : index
      %get3A_1629 = tpu.vector_load %arg18[%get3A_1628] {strides = array<i32>} : memref<256xi32, #tpu.memory_space<vmem>>, vector<16xi32>,
      %add3A_1630 = arith.addi %mul3A_9, %get3A_1629 : vector<16xi32>
      tpu.vector_store_idx %arg26[%add3A_1630], %broadcast_in_dim3A_11 {add = true} : memref<4096xi32, #tpu.memory_space<vmem>>[vector<16xi32>], vector<16xi32>,
      %get3A_1631 = arith.constant 16 : index
      %get3A_1632 = tpu.vector_load %arg18[%get3A_1631] {strides = array<i32>} : memref<256xi32, #tpu.memory_space<vmem>>, vector<16xi32>,
      %add3A_1633 = arith.addi %mul3A_9, %get3A_1632 : vector<16xi32>
      tpu.vector_store_idx %arg26[%add3A_1633], %broadcast_in_dim3A_11 {add = true} : memref<4096xi32, #tpu.memory_space<vmem>>[vector<16xi32>], vector<16xi32>,
      %get3A_1634 = arith.constant 32 : index
      %get3A_1635 = tpu.vector_load %arg18[%get3A_1634] {strides = array<i32>} : memref<256xi32, #tpu.memory_space<vmem>>, vector<16xi32>,
      %add3A_1636 = arith.addi %mul3A_9, %get3A_1635 : vector<16xi32>
      tpu.vector_store_idx %arg26[%add3A_1636], %broadcast_in_dim3A_11 {add = true} : memref<4096xi32, #tpu.memory_space<vmem>>[vector<16xi32>], vector<16xi32>,
      %get3A_1637 = arith.constant 48 : index
      %get3A_1638 = tpu.vector_load %arg18[%get3A_1637] {strides = array<i32>} : memref<256xi32, #tpu.memory_space<vmem>>, vector<16xi32>,
      %add3A_1639 = arith.addi %mul3A_9, %get3A_1638 : vector<16xi32>
      tpu.vector_store_idx %arg26[%add3A_1639], %broadcast_in_dim3A_11 {add = true} : memref<4096xi32, #tpu.memory_space<vmem>>[vector<16xi32>], vector<16xi32>,
      %get3A_1640 = arith.constant 64 : index
      %get3A_1641 = tpu.vector_load %arg18[%get3A_1640] {strides = array<i32>} : memref<256xi32, #tpu.memory_space<vmem>>, vector<16xi32>,
      %add3A_1642 = arith.addi %mul3A_9, %get3A_1641 : vector<16xi32>
      tpu.vector_store_idx %arg26[%add3A_1642], %broadcast_in_dim3A_11 {add = true} : memref<4096xi32, #tpu.memory_space<vmem>>[vector<16xi32>], vector<16xi32>,
      %get3A_1643 = arith.constant 80 : index
      %get3A_1644 = tpu.vector_load %arg18[%get3A_1643] {strides = array<i32>} : memref<256xi32, #tpu.memory_space<vmem>>, vector<16xi32>,
      %add3A_1645 = arith.addi %mul3A_9, %get3A_1644 : vector<16xi32>
      tpu.vector_store_idx %arg26[%add3A_1645], %broadcast_in_dim3A_11 {add = true} : memref<4096xi32, #tpu.memory_space<vmem>>[vector<16xi32>], vector<16xi32>,
      %get3A_1646 = arith.constant 96 : index
      %get3A_1647 = tpu.vector_load %arg18[%get3A_1646] {strides = array<i32>} : memref<256xi32, #tpu.memory_space<vmem>>, vector<16xi32>,
      %add3A_1648 = arith.addi %mul3A_9, %get3A_1647 : vector<16xi32>
      tpu.vector_store_idx %arg26[%add3A_1648], %broadcast_in_dim3A_11 {add = true} : memref<4096xi32, #tpu.memory_space<vmem>>[vector<16xi32>], vector<16xi32>,
      %get3A_1649 = arith.constant 112 : index
      %get3A_1650 = tpu.vector_load %arg18[%get3A_1649] {strides = array<i32>} : memref<256xi32, #tpu.memory_space<vmem>>, vector<16xi32>,
      %add3A_1651 = arith.addi %mul3A_9, %get3A_1650 : vector<16xi32>
      tpu.vector_store_idx %arg26[%add3A_1651], %broadcast_in_dim3A_11 {add = true} : memref<4096xi32, #tpu.memory_space<vmem>>[vector<16xi32>], vector<16xi32>,
      %get3A_1652 = arith.constant 128 : index
      %get3A_1653 = tpu.vector_load %arg18[%get3A_1652] {strides = array<i32>} : memref<256xi32, #tpu.memory_space<vmem>>, vector<16xi32>,
      %add3A_1654 = arith.addi %mul3A_9, %get3A_1653 : vector<16xi32>
      tpu.vector_store_idx %arg26[%add3A_1654], %broadcast_in_dim3A_11 {add = true} : memref<4096xi32, #tpu.memory_space<vmem>>[vector<16xi32>], vector<16xi32>,
      %get3A_1655 = arith.constant 144 : index
      %get3A_1656 = tpu.vector_load %arg18[%get3A_1655] {strides = array<i32>} : memref<256xi32, #tpu.memory_space<vmem>>, vector<16xi32>,
      %add3A_1657 = arith.addi %mul3A_9, %get3A_1656 : vector<16xi32>
      tpu.vector_store_idx %arg26[%add3A_1657], %broadcast_in_dim3A_11 {add = true} : memref<4096xi32, #tpu.memory_space<vmem>>[vector<16xi32>], vector<16xi32>,
      %get3A_1658 = arith.constant 160 : index
      %get3A_1659 = tpu.vector_load %arg18[%get3A_1658] {strides = array<i32>} : memref<256xi32, #tpu.memory_space<vmem>>, vector<16xi32>,
      %add3A_1660 = arith.addi %mul3A_9, %get3A_1659 : vector<16xi32>
      tpu.vector_store_idx %arg26[%add3A_1660], %broadcast_in_dim3A_11 {add = true} : memref<4096xi32, #tpu.memory_space<vmem>>[vector<16xi32>], vector<16xi32>,
      %get3A_1661 = arith.constant 176 : index
      %get3A_1662 = tpu.vector_load %arg18[%get3A_1661] {strides = array<i32>} : memref<256xi32, #tpu.memory_space<vmem>>, vector<16xi32>,
      %add3A_1663 = arith.addi %mul3A_9, %get3A_1662 : vector<16xi32>
      tpu.vector_store_idx %arg26[%add3A_1663], %broadcast_in_dim3A_11 {add = true} : memref<4096xi32, #tpu.memory_space<vmem>>[vector<16xi32>], vector<16xi32>,
      %get3A_1664 = arith.constant 192 : index
      %get3A_1665 = tpu.vector_load %arg18[%get3A_1664] {strides = array<i32>} : memref<256xi32, #tpu.memory_space<vmem>>, vector<16xi32>,
      %add3A_1666 = arith.addi %mul3A_9, %get3A_1665 : vector<16xi32>
      tpu.vector_store_idx %arg26[%add3A_1666], %broadcast_in_dim3A_11 {add = true} : memref<4096xi32, #tpu.memory_space<vmem>>[vector<16xi32>], vector<16xi32>,
      %get3A_1667 = arith.constant 208 : index
      %get3A_1668 = tpu.vector_load %arg18[%get3A_1667] {strides = array<i32>} : memref<256xi32, #tpu.memory_space<vmem>>, vector<16xi32>,
      %add3A_1669 = arith.addi %mul3A_9, %get3A_1668 : vector<16xi32>
      tpu.vector_store_idx %arg26[%add3A_1669], %broadcast_in_dim3A_11 {add = true} : memref<4096xi32, #tpu.memory_space<vmem>>[vector<16xi32>], vector<16xi32>,
      %get3A_1670 = arith.constant 224 : index
      %get3A_1671 = tpu.vector_load %arg18[%get3A_1670] {strides = array<i32>} : memref<256xi32, #tpu.memory_space<vmem>>, vector<16xi32>,
      %add3A_1672 = arith.addi %mul3A_9, %get3A_1671 : vector<16xi32>
      tpu.vector_store_idx %arg26[%add3A_1672], %broadcast_in_dim3A_11 {add = true} : memref<4096xi32, #tpu.memory_space<vmem>>[vector<16xi32>], vector<16xi32>,
      %get3A_1673 = arith.constant 240 : index
      %get3A_1674 = tpu.vector_load %arg18[%get3A_1673] {strides = array<i32>} : memref<256xi32, #tpu.memory_space<vmem>>, vector<16xi32>,
      %add3A_1675 = arith.addi %mul3A_9, %get3A_1674 : vector<16xi32>
      tpu.vector_store_idx %arg26[%add3A_1675], %broadcast_in_dim3A_11 {add = true} : memref<4096xi32, #tpu.memory_space<vmem>>[vector<16xi32>], vector<16xi32>,
      %lt3A_1676 = arith.constant 6250 : i32
      %lt3A_1677 = arith.cmpi slt, %add3A_1602, %lt3A_1676 : i32
      %convert_element_type3A_1678 = arith.extui %lt3A_1677 : i1 to i32
      %cond3A_1679 = arith.constant 0 : i32
      %cond3A_1680 = arith.cmpi ne, %convert_element_type3A_1678, %cond3A_1679 : i32
      scf.if %cond3A_1680 {
        %mul3A_1684 = arith.constant 256 : i32
        %mul3A_1685 = arith.muli %add3A_1602, %mul3A_1684 : i32
        %multiple_of3A_1686 = tpu.assume_multiple %mul3A_1685, 256 : i32
        %dma_wait3A_1687 = tpu.memref_slice %arg2[%multiple_of3A_1686] : memref<1600000xi32, #tpu.memory_space<hbm>> -> memref<256xi32, #tpu.memory_space<hbm>>
        %dma_wait3A_1688 = tpu.memref_slice %arg2[%multiple_of3A_1686] : memref<1600000xi32, #tpu.memory_space<hbm>> -> memref<256xi32, #tpu.memory_space<hbm>>
        tpu.wait_dma2 semaphore(%arg29 : memref<!tpu.dma_semaphore, #tpu.memory_space<semaphore_mem>>) src(%dma_wait3A_1688 : memref<256xi32, #tpu.memory_space<hbm>>) dst(%arg17 : memref<256xi32, #tpu.memory_space<vmem>>)
        %dma_start3A_1689 = arith.constant 0 : i32
        %dma_start3A_1690 = tpu.memref_slice %arg13[%dma_start3A_1689] : memref<100000xi32, #tpu.memory_space<vmem_shared>> -> memref<100000xi32, #tpu.memory_space<vmem_shared>>
        tpu.enqueue_indirect_dma source(%dma_start3A_1690 : memref<100000xi32, #tpu.memory_space<vmem_shared>>) target(%arg19 : memref<256xi32, #tpu.memory_space<vmem>>) offsets(%arg17 : memref<256xi32, #tpu.memory_space<vmem>>) semaphore(%arg33 : memref<!tpu.dma_semaphore, #tpu.memory_space<semaphore_mem>>)
        %dma_wait3A_1691 = arith.constant 0 : i32
        %dma_wait3A_1692 = tpu.memref_slice %arg3[%dma_wait3A_1691, %multiple_of3A_1686] : memref<16x1600000xf32, #tpu.memory_space<hbm>> -> memref<16x256xf32, #tpu.memory_space<hbm>>
        %dma_wait3A_1693 = arith.constant 0 : i32
        %dma_wait3A_1694 = tpu.memref_slice %arg3[%dma_wait3A_1693, %multiple_of3A_1686] : memref<16x1600000xf32, #tpu.memory_space<hbm>> -> memref<16x256xf32, #tpu.memory_space<hbm>>
        tpu.wait_dma2 semaphore(%arg31 : memref<!tpu.dma_semaphore, #tpu.memory_space<semaphore_mem>>) src(%dma_wait3A_1694 : memref<16x256xf32, #tpu.memory_space<hbm>>) dst(%arg21 : memref<16x256xf32, #tpu.memory_space<vmem>>)
        %parallel_loop3A_1695 = arith.constant 0 : i32
        %parallel_loop3A_1696 = arith.constant 16 : i32
        %parallel_loop3A_1697 = arith.constant 1 : i32
        scf.for %parallel_loop3A_1754 = %parallel_loop3A_1695 to %parallel_loop3A_1696 step %parallel_loop3A_1697  : i32 {
          %parallel_loop3A_1755 = arith.constant 16 : i32
          %parallel_loop3A_1756 = arith.muli %parallel_loop3A_1754, %parallel_loop3A_1755 : i32
          %parallel_loop3A_1757 = tpu.assume_multiple %parallel_loop3A_1756, 16 : i32
          %parallel_loop3A_1758 = arith.constant 16 : i32
          %parallel_loop3A_1759 = arith.muli %parallel_loop3A_1754, %parallel_loop3A_1758 : i32
          %parallel_loop3A_1760 = vector.broadcast %parallel_loop3A_1759 : i32 to vector<16xi32>
          %parallel_loop3A_1761 = arith.addi %iota3A_10, %parallel_loop3A_1760 : vector<16xi32>
          %parallel_loop3A_1762 = arith.constant 0 : i32
          %parallel_loop3A_1763 = arith.index_cast %parallel_loop3A_1762 : i32 to index
          %parallel_loop3A_1764 = arith.index_cast %parallel_loop3A_1757 : i32 to index
          %parallel_loop3A_1765 = tpu.vector_load %arg21[%parallel_loop3A_1763, %parallel_loop3A_1764] {strides = array<i32>} : memref<16x256xf32, #tpu.memory_space<vmem>>, vector<16xf32>,
          %parallel_loop3A_1766 = arith.constant 0 : i32
          %parallel_loop3A_1767 = vector.broadcast %parallel_loop3A_1766 : i32 to vector<16xi32>
          tpu.vector_store_idx %arg23[%parallel_loop3A_1761, %parallel_loop3A_1767], %parallel_loop3A_1765 : memref<256x16xf32, #tpu.memory_space<vmem>>[vector<16xi32>, vector<16xi32>], vector<16xf32>,
          %parallel_loop3A_1768 = arith.constant 1 : i32
          %parallel_loop3A_1769 = arith.index_cast %parallel_loop3A_1768 : i32 to index
          %parallel_loop3A_1770 = arith.index_cast %parallel_loop3A_1757 : i32 to index
          %parallel_loop3A_1771 = tpu.vector_load %arg21[%parallel_loop3A_1769, %parallel_loop3A_1770] {strides = array<i32>} : memref<16x256xf32, #tpu.memory_space<vmem>>, vector<16xf32>,
          %parallel_loop3A_1772 = arith.constant 1 : i32
          %parallel_loop3A_1773 = vector.broadcast %parallel_loop3A_1772 : i32 to vector<16xi32>
          tpu.vector_store_idx %arg23[%parallel_loop3A_1761, %parallel_loop3A_1773], %parallel_loop3A_1771 : memref<256x16xf32, #tpu.memory_space<vmem>>[vector<16xi32>, vector<16xi32>], vector<16xf32>,
          %parallel_loop3A_1774 = arith.constant 2 : i32
          %parallel_loop3A_1775 = arith.index_cast %parallel_loop3A_1774 : i32 to index
          %parallel_loop3A_1776 = arith.index_cast %parallel_loop3A_1757 : i32 to index
          %parallel_loop3A_1777 = tpu.vector_load %arg21[%parallel_loop3A_1775, %parallel_loop3A_1776] {strides = array<i32>} : memref<16x256xf32, #tpu.memory_space<vmem>>, vector<16xf32>,
          %parallel_loop3A_1778 = arith.constant 2 : i32
          %parallel_loop3A_1779 = vector.broadcast %parallel_loop3A_1778 : i32 to vector<16xi32>
          tpu.vector_store_idx %arg23[%parallel_loop3A_1761, %parallel_loop3A_1779], %parallel_loop3A_1777 : memref<256x16xf32, #tpu.memory_space<vmem>>[vector<16xi32>, vector<16xi32>], vector<16xf32>,
          %parallel_loop3A_1780 = arith.constant 3 : i32
          %parallel_loop3A_1781 = arith.index_cast %parallel_loop3A_1780 : i32 to index
          %parallel_loop3A_1782 = arith.index_cast %parallel_loop3A_1757 : i32 to index
          %parallel_loop3A_1783 = tpu.vector_load %arg21[%parallel_loop3A_1781, %parallel_loop3A_1782] {strides = array<i32>} : memref<16x256xf32, #tpu.memory_space<vmem>>, vector<16xf32>,
          %parallel_loop3A_1784 = arith.constant 3 : i32
          %parallel_loop3A_1785 = vector.broadcast %parallel_loop3A_1784 : i32 to vector<16xi32>
          tpu.vector_store_idx %arg23[%parallel_loop3A_1761, %parallel_loop3A_1785], %parallel_loop3A_1783 : memref<256x16xf32, #tpu.memory_space<vmem>>[vector<16xi32>, vector<16xi32>], vector<16xf32>,
          %parallel_loop3A_1786 = arith.constant 4 : i32
          %parallel_loop3A_1787 = arith.index_cast %parallel_loop3A_1786 : i32 to index
          %parallel_loop3A_1788 = arith.index_cast %parallel_loop3A_1757 : i32 to index
          %parallel_loop3A_1789 = tpu.vector_load %arg21[%parallel_loop3A_1787, %parallel_loop3A_1788] {strides = array<i32>} : memref<16x256xf32, #tpu.memory_space<vmem>>, vector<16xf32>,
          %parallel_loop3A_1790 = arith.constant 4 : i32
          %parallel_loop3A_1791 = vector.broadcast %parallel_loop3A_1790 : i32 to vector<16xi32>
          tpu.vector_store_idx %arg23[%parallel_loop3A_1761, %parallel_loop3A_1791], %parallel_loop3A_1789 : memref<256x16xf32, #tpu.memory_space<vmem>>[vector<16xi32>, vector<16xi32>], vector<16xf32>,
          %parallel_loop3A_1792 = arith.constant 5 : i32
          %parallel_loop3A_1793 = arith.index_cast %parallel_loop3A_1792 : i32 to index
          %parallel_loop3A_1794 = arith.index_cast %parallel_loop3A_1757 : i32 to index
          %parallel_loop3A_1795 = tpu.vector_load %arg21[%parallel_loop3A_1793, %parallel_loop3A_1794] {strides = array<i32>} : memref<16x256xf32, #tpu.memory_space<vmem>>, vector<16xf32>,
          %parallel_loop3A_1796 = arith.constant 5 : i32
          %parallel_loop3A_1797 = vector.broadcast %parallel_loop3A_1796 : i32 to vector<16xi32>
          tpu.vector_store_idx %arg23[%parallel_loop3A_1761, %parallel_loop3A_1797], %parallel_loop3A_1795 : memref<256x16xf32, #tpu.memory_space<vmem>>[vector<16xi32>, vector<16xi32>], vector<16xf32>,
          %parallel_loop3A_1798 = arith.constant 6 : i32
          %parallel_loop3A_1799 = arith.index_cast %parallel_loop3A_1798 : i32 to index
          %parallel_loop3A_1800 = arith.index_cast %parallel_loop3A_1757 : i32 to index
          %parallel_loop3A_1801 = tpu.vector_load %arg21[%parallel_loop3A_1799, %parallel_loop3A_1800] {strides = array<i32>} : memref<16x256xf32, #tpu.memory_space<vmem>>, vector<16xf32>,
          %parallel_loop3A_1802 = arith.constant 6 : i32
          %parallel_loop3A_1803 = vector.broadcast %parallel_loop3A_1802 : i32 to vector<16xi32>
          tpu.vector_store_idx %arg23[%parallel_loop3A_1761, %parallel_loop3A_1803], %parallel_loop3A_1801 : memref<256x16xf32, #tpu.memory_space<vmem>>[vector<16xi32>, vector<16xi32>], vector<16xf32>,
          %parallel_loop3A_1804 = arith.constant 7 : i32
          %parallel_loop3A_1805 = arith.index_cast %parallel_loop3A_1804 : i32 to index
          %parallel_loop3A_1806 = arith.index_cast %parallel_loop3A_1757 : i32 to index
          %parallel_loop3A_1807 = tpu.vector_load %arg21[%parallel_loop3A_1805, %parallel_loop3A_1806] {strides = array<i32>} : memref<16x256xf32, #tpu.memory_space<vmem>>, vector<16xf32>,
          %parallel_loop3A_1808 = arith.constant 7 : i32
          %parallel_loop3A_1809 = vector.broadcast %parallel_loop3A_1808 : i32 to vector<16xi32>
          tpu.vector_store_idx %arg23[%parallel_loop3A_1761, %parallel_loop3A_1809], %parallel_loop3A_1807 : memref<256x16xf32, #tpu.memory_space<vmem>>[vector<16xi32>, vector<16xi32>], vector<16xf32>,
          %parallel_loop3A_1810 = arith.constant 8 : i32
          %parallel_loop3A_1811 = arith.index_cast %parallel_loop3A_1810 : i32 to index
          %parallel_loop3A_1812 = arith.index_cast %parallel_loop3A_1757 : i32 to index
          %parallel_loop3A_1813 = tpu.vector_load %arg21[%parallel_loop3A_1811, %parallel_loop3A_1812] {strides = array<i32>} : memref<16x256xf32, #tpu.memory_space<vmem>>, vector<16xf32>,
          %parallel_loop3A_1814 = arith.constant 8 : i32
          %parallel_loop3A_1815 = vector.broadcast %parallel_loop3A_1814 : i32 to vector<16xi32>
          tpu.vector_store_idx %arg23[%parallel_loop3A_1761, %parallel_loop3A_1815], %parallel_loop3A_1813 : memref<256x16xf32, #tpu.memory_space<vmem>>[vector<16xi32>, vector<16xi32>], vector<16xf32>,
          %parallel_loop3A_1816 = arith.constant 9 : i32
          %parallel_loop3A_1817 = arith.index_cast %parallel_loop3A_1816 : i32 to index
          %parallel_loop3A_1818 = arith.index_cast %parallel_loop3A_1757 : i32 to index
          %parallel_loop3A_1819 = tpu.vector_load %arg21[%parallel_loop3A_1817, %parallel_loop3A_1818] {strides = array<i32>} : memref<16x256xf32, #tpu.memory_space<vmem>>, vector<16xf32>,
          %parallel_loop3A_1820 = arith.constant 9 : i32
          %parallel_loop3A_1821 = vector.broadcast %parallel_loop3A_1820 : i32 to vector<16xi32>
          tpu.vector_store_idx %arg23[%parallel_loop3A_1761, %parallel_loop3A_1821], %parallel_loop3A_1819 : memref<256x16xf32, #tpu.memory_space<vmem>>[vector<16xi32>, vector<16xi32>], vector<16xf32>,
          %parallel_loop3A_1822 = arith.constant 10 : i32
          %parallel_loop3A_1823 = arith.index_cast %parallel_loop3A_1822 : i32 to index
          %parallel_loop3A_1824 = arith.index_cast %parallel_loop3A_1757 : i32 to index
          %parallel_loop3A_1825 = tpu.vector_load %arg21[%parallel_loop3A_1823, %parallel_loop3A_1824] {strides = array<i32>} : memref<16x256xf32, #tpu.memory_space<vmem>>, vector<16xf32>,
          %parallel_loop3A_1826 = arith.constant 10 : i32
          %parallel_loop3A_1827 = vector.broadcast %parallel_loop3A_1826 : i32 to vector<16xi32>
          tpu.vector_store_idx %arg23[%parallel_loop3A_1761, %parallel_loop3A_1827], %parallel_loop3A_1825 : memref<256x16xf32, #tpu.memory_space<vmem>>[vector<16xi32>, vector<16xi32>], vector<16xf32>,
          %parallel_loop3A_1828 = arith.constant 11 : i32
          %parallel_loop3A_1829 = arith.index_cast %parallel_loop3A_1828 : i32 to index
          %parallel_loop3A_1830 = arith.index_cast %parallel_loop3A_1757 : i32 to index
          %parallel_loop3A_1831 = tpu.vector_load %arg21[%parallel_loop3A_1829, %parallel_loop3A_1830] {strides = array<i32>} : memref<16x256xf32, #tpu.memory_space<vmem>>, vector<16xf32>,
          %parallel_loop3A_1832 = arith.constant 11 : i32
          %parallel_loop3A_1833 = vector.broadcast %parallel_loop3A_1832 : i32 to vector<16xi32>
          tpu.vector_store_idx %arg23[%parallel_loop3A_1761, %parallel_loop3A_1833], %parallel_loop3A_1831 : memref<256x16xf32, #tpu.memory_space<vmem>>[vector<16xi32>, vector<16xi32>], vector<16xf32>,
          %parallel_loop3A_1834 = arith.constant 12 : i32
          %parallel_loop3A_1835 = arith.index_cast %parallel_loop3A_1834 : i32 to index
          %parallel_loop3A_1836 = arith.index_cast %parallel_loop3A_1757 : i32 to index
          %parallel_loop3A_1837 = tpu.vector_load %arg21[%parallel_loop3A_1835, %parallel_loop3A_1836] {strides = array<i32>} : memref<16x256xf32, #tpu.memory_space<vmem>>, vector<16xf32>,
          %parallel_loop3A_1838 = arith.constant 12 : i32
          %parallel_loop3A_1839 = vector.broadcast %parallel_loop3A_1838 : i32 to vector<16xi32>
          tpu.vector_store_idx %arg23[%parallel_loop3A_1761, %parallel_loop3A_1839], %parallel_loop3A_1837 : memref<256x16xf32, #tpu.memory_space<vmem>>[vector<16xi32>, vector<16xi32>], vector<16xf32>,
          %parallel_loop3A_1840 = arith.constant 13 : i32
          %parallel_loop3A_1841 = arith.index_cast %parallel_loop3A_1840 : i32 to index
          %parallel_loop3A_1842 = arith.index_cast %parallel_loop3A_1757 : i32 to index
          %parallel_loop3A_1843 = tpu.vector_load %arg21[%parallel_loop3A_1841, %parallel_loop3A_1842] {strides = array<i32>} : memref<16x256xf32, #tpu.memory_space<vmem>>, vector<16xf32>,
          %parallel_loop3A_1844 = arith.constant 13 : i32
          %parallel_loop3A_1845 = vector.broadcast %parallel_loop3A_1844 : i32 to vector<16xi32>
          tpu.vector_store_idx %arg23[%parallel_loop3A_1761, %parallel_loop3A_1845], %parallel_loop3A_1843 : memref<256x16xf32, #tpu.memory_space<vmem>>[vector<16xi32>, vector<16xi32>], vector<16xf32>,
          %parallel_loop3A_1846 = arith.constant 14 : i32
          %parallel_loop3A_1847 = arith.index_cast %parallel_loop3A_1846 : i32 to index
          %parallel_loop3A_1848 = arith.index_cast %parallel_loop3A_1757 : i32 to index
          %parallel_loop3A_1849 = tpu.vector_load %arg21[%parallel_loop3A_1847, %parallel_loop3A_1848] {strides = array<i32>} : memref<16x256xf32, #tpu.memory_space<vmem>>, vector<16xf32>,
          %parallel_loop3A_1850 = arith.constant 14 : i32
          %parallel_loop3A_1851 = vector.broadcast %parallel_loop3A_1850 : i32 to vector<16xi32>
          tpu.vector_store_idx %arg23[%parallel_loop3A_1761, %parallel_loop3A_1851], %parallel_loop3A_1849 : memref<256x16xf32, #tpu.memory_space<vmem>>[vector<16xi32>, vector<16xi32>], vector<16xf32>,
          %parallel_loop3A_1852 = arith.constant 15 : i32
          %parallel_loop3A_1853 = arith.index_cast %parallel_loop3A_1852 : i32 to index
          %parallel_loop3A_1854 = arith.index_cast %parallel_loop3A_1757 : i32 to index
          %parallel_loop3A_1855 = tpu.vector_load %arg21[%parallel_loop3A_1853, %parallel_loop3A_1854] {strides = array<i32>} : memref<16x256xf32, #tpu.memory_space<vmem>>, vector<16xf32>,
          %parallel_loop3A_1856 = arith.constant 15 : i32
          %parallel_loop3A_1857 = vector.broadcast %parallel_loop3A_1856 : i32 to vector<16xi32>
          tpu.vector_store_idx %arg23[%parallel_loop3A_1761, %parallel_loop3A_1857], %parallel_loop3A_1855 : memref<256x16xf32, #tpu.memory_space<vmem>>[vector<16xi32>, vector<16xi32>], vector<16xf32>,
        } {sc.loop_unroll_factor = 4 : i64, sc.parallel_access}
        %dma_wait3A_1698 = arith.constant 0 : i32
        %dma_wait3A_1699 = tpu.memref_slice %arg13[%dma_wait3A_1698] : memref<100000xi32, #tpu.memory_space<vmem_shared>> -> memref<100000xi32, #tpu.memory_space<vmem_shared>>
        tpu.wait_indirect_dma semaphore(%arg33 : memref<!tpu.dma_semaphore, #tpu.memory_space<semaphore_mem>>) src(%dma_wait3A_1699 : memref<100000xi32, #tpu.memory_space<vmem_shared>>) dst(%arg19 : memref<256xi32, #tpu.memory_space<vmem>>)
        %dma_start3A_1700 = arith.constant 0 : i32
        %dma_start3A_1701 = arith.constant 0 : i32
        %dma_start3A_1702 = tpu.memref_slice %arg14[%dma_start3A_1700, %dma_start3A_1701] : memref<256x16xf32, #tpu.memory_space<vmem_shared>> -> memref<256x16xf32, #tpu.memory_space<vmem_shared>>
        tpu.enqueue_indirect_dma source(%arg23 : memref<256x16xf32, #tpu.memory_space<vmem>>) target(%dma_start3A_1702 : memref<256x16xf32, #tpu.memory_space<vmem_shared>>) offsets(%arg19 : memref<256xi32, #tpu.memory_space<vmem>>) semaphore(%arg35 : memref<!tpu.dma_semaphore, #tpu.memory_space<semaphore_mem>>) {add = true}
        %get3A_1703 = arith.constant 0 : index
        %get3A_1704 = tpu.vector_load %arg19[%get3A_1703] {strides = array<i32>} : memref<256xi32, #tpu.memory_space<vmem>>, vector<16xi32>,
        %add3A_1705 = arith.addi %mul3A_9, %get3A_1704 : vector<16xi32>
        tpu.vector_store_idx %arg26[%add3A_1705], %broadcast_in_dim3A_11 {add = true} : memref<4096xi32, #tpu.memory_space<vmem>>[vector<16xi32>], vector<16xi32>,
        %get3A_1706 = arith.constant 16 : index
        %get3A_1707 = tpu.vector_load %arg19[%get3A_1706] {strides = array<i32>} : memref<256xi32, #tpu.memory_space<vmem>>, vector<16xi32>,
        %add3A_1708 = arith.addi %mul3A_9, %get3A_1707 : vector<16xi32>
        tpu.vector_store_idx %arg26[%add3A_1708], %broadcast_in_dim3A_11 {add = true} : memref<4096xi32, #tpu.memory_space<vmem>>[vector<16xi32>], vector<16xi32>,
        %get3A_1709 = arith.constant 32 : index
        %get3A_1710 = tpu.vector_load %arg19[%get3A_1709] {strides = array<i32>} : memref<256xi32, #tpu.memory_space<vmem>>, vector<16xi32>,
        %add3A_1711 = arith.addi %mul3A_9, %get3A_1710 : vector<16xi32>
        tpu.vector_store_idx %arg26[%add3A_1711], %broadcast_in_dim3A_11 {add = true} : memref<4096xi32, #tpu.memory_space<vmem>>[vector<16xi32>], vector<16xi32>,
        %get3A_1712 = arith.constant 48 : index
        %get3A_1713 = tpu.vector_load %arg19[%get3A_1712] {strides = array<i32>} : memref<256xi32, #tpu.memory_space<vmem>>, vector<16xi32>,
        %add3A_1714 = arith.addi %mul3A_9, %get3A_1713 : vector<16xi32>
        tpu.vector_store_idx %arg26[%add3A_1714], %broadcast_in_dim3A_11 {add = true} : memref<4096xi32, #tpu.memory_space<vmem>>[vector<16xi32>], vector<16xi32>,
        %get3A_1715 = arith.constant 64 : index
        %get3A_1716 = tpu.vector_load %arg19[%get3A_1715] {strides = array<i32>} : memref<256xi32, #tpu.memory_space<vmem>>, vector<16xi32>,
        %add3A_1717 = arith.addi %mul3A_9, %get3A_1716 : vector<16xi32>
        tpu.vector_store_idx %arg26[%add3A_1717], %broadcast_in_dim3A_11 {add = true} : memref<4096xi32, #tpu.memory_space<vmem>>[vector<16xi32>], vector<16xi32>,
        %get3A_1718 = arith.constant 80 : index
        %get3A_1719 = tpu.vector_load %arg19[%get3A_1718] {strides = array<i32>} : memref<256xi32, #tpu.memory_space<vmem>>, vector<16xi32>,
        %add3A_1720 = arith.addi %mul3A_9, %get3A_1719 : vector<16xi32>
        tpu.vector_store_idx %arg26[%add3A_1720], %broadcast_in_dim3A_11 {add = true} : memref<4096xi32, #tpu.memory_space<vmem>>[vector<16xi32>], vector<16xi32>,
        %get3A_1721 = arith.constant 96 : index
        %get3A_1722 = tpu.vector_load %arg19[%get3A_1721] {strides = array<i32>} : memref<256xi32, #tpu.memory_space<vmem>>, vector<16xi32>,
        %add3A_1723 = arith.addi %mul3A_9, %get3A_1722 : vector<16xi32>
        tpu.vector_store_idx %arg26[%add3A_1723], %broadcast_in_dim3A_11 {add = true} : memref<4096xi32, #tpu.memory_space<vmem>>[vector<16xi32>], vector<16xi32>,
        %get3A_1724 = arith.constant 112 : index
        %get3A_1725 = tpu.vector_load %arg19[%get3A_1724] {strides = array<i32>} : memref<256xi32, #tpu.memory_space<vmem>>, vector<16xi32>,
        %add3A_1726 = arith.addi %mul3A_9, %get3A_1725 : vector<16xi32>
        tpu.vector_store_idx %arg26[%add3A_1726], %broadcast_in_dim3A_11 {add = true} : memref<4096xi32, #tpu.memory_space<vmem>>[vector<16xi32>], vector<16xi32>,
        %get3A_1727 = arith.constant 128 : index
        %get3A_1728 = tpu.vector_load %arg19[%get3A_1727] {strides = array<i32>} : memref<256xi32, #tpu.memory_space<vmem>>, vector<16xi32>,
        %add3A_1729 = arith.addi %mul3A_9, %get3A_1728 : vector<16xi32>
        tpu.vector_store_idx %arg26[%add3A_1729], %broadcast_in_dim3A_11 {add = true} : memref<4096xi32, #tpu.memory_space<vmem>>[vector<16xi32>], vector<16xi32>,
        %get3A_1730 = arith.constant 144 : index
        %get3A_1731 = tpu.vector_load %arg19[%get3A_1730] {strides = array<i32>} : memref<256xi32, #tpu.memory_space<vmem>>, vector<16xi32>,
        %add3A_1732 = arith.addi %mul3A_9, %get3A_1731 : vector<16xi32>
        tpu.vector_store_idx %arg26[%add3A_1732], %broadcast_in_dim3A_11 {add = true} : memref<4096xi32, #tpu.memory_space<vmem>>[vector<16xi32>], vector<16xi32>,
        %get3A_1733 = arith.constant 160 : index
        %get3A_1734 = tpu.vector_load %arg19[%get3A_1733] {strides = array<i32>} : memref<256xi32, #tpu.memory_space<vmem>>, vector<16xi32>,
        %add3A_1735 = arith.addi %mul3A_9, %get3A_1734 : vector<16xi32>
        tpu.vector_store_idx %arg26[%add3A_1735], %broadcast_in_dim3A_11 {add = true} : memref<4096xi32, #tpu.memory_space<vmem>>[vector<16xi32>], vector<16xi32>,
        %get3A_1736 = arith.constant 176 : index
        %get3A_1737 = tpu.vector_load %arg19[%get3A_1736] {strides = array<i32>} : memref<256xi32, #tpu.memory_space<vmem>>, vector<16xi32>,
        %add3A_1738 = arith.addi %mul3A_9, %get3A_1737 : vector<16xi32>
        tpu.vector_store_idx %arg26[%add3A_1738], %broadcast_in_dim3A_11 {add = true} : memref<4096xi32, #tpu.memory_space<vmem>>[vector<16xi32>], vector<16xi32>,
        %get3A_1739 = arith.constant 192 : index
        %get3A_1740 = tpu.vector_load %arg19[%get3A_1739] {strides = array<i32>} : memref<256xi32, #tpu.memory_space<vmem>>, vector<16xi32>,
        %add3A_1741 = arith.addi %mul3A_9, %get3A_1740 : vector<16xi32>
        tpu.vector_store_idx %arg26[%add3A_1741], %broadcast_in_dim3A_11 {add = true} : memref<4096xi32, #tpu.memory_space<vmem>>[vector<16xi32>], vector<16xi32>,
        %get3A_1742 = arith.constant 208 : index
        %get3A_1743 = tpu.vector_load %arg19[%get3A_1742] {strides = array<i32>} : memref<256xi32, #tpu.memory_space<vmem>>, vector<16xi32>,
        %add3A_1744 = arith.addi %mul3A_9, %get3A_1743 : vector<16xi32>
        tpu.vector_store_idx %arg26[%add3A_1744], %broadcast_in_dim3A_11 {add = true} : memref<4096xi32, #tpu.memory_space<vmem>>[vector<16xi32>], vector<16xi32>,
        %get3A_1745 = arith.constant 224 : index
        %get3A_1746 = tpu.vector_load %arg19[%get3A_1745] {strides = array<i32>} : memref<256xi32, #tpu.memory_space<vmem>>, vector<16xi32>,
        %add3A_1747 = arith.addi %mul3A_9, %get3A_1746 : vector<16xi32>
        tpu.vector_store_idx %arg26[%add3A_1747], %broadcast_in_dim3A_11 {add = true} : memref<4096xi32, #tpu.memory_space<vmem>>[vector<16xi32>], vector<16xi32>,
        %get3A_1748 = arith.constant 240 : index
        %get3A_1749 = tpu.vector_load %arg19[%get3A_1748] {strides = array<i32>} : memref<256xi32, #tpu.memory_space<vmem>>, vector<16xi32>,
        %add3A_1750 = arith.addi %mul3A_9, %get3A_1749 : vector<16xi32>
        tpu.vector_store_idx %arg26[%add3A_1750], %broadcast_in_dim3A_11 {add = true} : memref<4096xi32, #tpu.memory_space<vmem>>[vector<16xi32>], vector<16xi32>,
        %dma_wait3A_1751 = arith.constant 0 : i32
        %dma_wait3A_1752 = arith.constant 0 : i32
        %dma_wait3A_1753 = tpu.memref_slice %arg14[%dma_wait3A_1751, %dma_wait3A_1752] : memref<256x16xf32, #tpu.memory_space<vmem_shared>> -> memref<256x16xf32, #tpu.memory_space<vmem_shared>>
        tpu.wait_indirect_dma semaphore(%arg35 : memref<!tpu.dma_semaphore, #tpu.memory_space<semaphore_mem>>) src(%arg23 : memref<256x16xf32, #tpu.memory_space<vmem>>) dst(%dma_wait3A_1753 : memref<256x16xf32, #tpu.memory_space<vmem_shared>>)
      } else {
      }
      %dma_wait3A_1681 = arith.constant 0 : i32
      %dma_wait3A_1682 = arith.constant 0 : i32
      %dma_wait3A_1683 = tpu.memref_slice %arg14[%dma_wait3A_1681, %dma_wait3A_1682] : memref<256x16xf32, #tpu.memory_space<vmem_shared>> -> memref<256x16xf32, #tpu.memory_space<vmem_shared>>
      tpu.wait_indirect_dma semaphore(%arg34 : memref<!tpu.dma_semaphore, #tpu.memory_space<semaphore_mem>>) src(%arg22 : memref<256x16xf32, #tpu.memory_space<vmem>>) dst(%dma_wait3A_1683 : memref<256x16xf32, #tpu.memory_space<vmem_shared>>)
    }
    %scan3A_16 = arith.constant 98 : i32
    %get3A = arith.constant 0 : index
    %get3A_17 = tpu.vector_load %arg26[%get3A] {strides = array<i32>} : memref<4096xi32, #tpu.memory_space<vmem>>, vector<16xi32>,
    %get3A_18 = arith.constant 256 : index
    %get3A_19 = tpu.vector_load %arg26[%get3A_18] {strides = array<i32>} : memref<4096xi32, #tpu.memory_space<vmem>>, vector<16xi32>,
    %add3A_20 = arith.addi %get3A_17, %get3A_19 : vector<16xi32>
    %get3A_21 = arith.constant 512 : index
    %get3A_22 = tpu.vector_load %arg26[%get3A_21] {strides = array<i32>} : memref<4096xi32, #tpu.memory_space<vmem>>, vector<16xi32>,
    %add3A_23 = arith.addi %add3A_20, %get3A_22 : vector<16xi32>
    %get3A_24 = arith.constant 768 : index
    %get3A_25 = tpu.vector_load %arg26[%get3A_24] {strides = array<i32>} : memref<4096xi32, #tpu.memory_space<vmem>>, vector<16xi32>,
    %add3A_26 = arith.addi %add3A_23, %get3A_25 : vector<16xi32>
    %get3A_27 = arith.constant 1024 : index
    %get3A_28 = tpu.vector_load %arg26[%get3A_27] {strides = array<i32>} : memref<4096xi32, #tpu.memory_space<vmem>>, vector<16xi32>,
    %add3A_29 = arith.addi %add3A_26, %get3A_28 : vector<16xi32>
    %get3A_30 = arith.constant 1280 : index
    %get3A_31 = tpu.vector_load %arg26[%get3A_30] {strides = array<i32>} : memref<4096xi32, #tpu.memory_space<vmem>>, vector<16xi32>,
    %add3A_32 = arith.addi %add3A_29, %get3A_31 : vector<16xi32>
    %get3A_33 = arith.constant 1536 : index
    %get3A_34 = tpu.vector_load %arg26[%get3A_33] {strides = array<i32>} : memref<4096xi32, #tpu.memory_space<vmem>>, vector<16xi32>,
    %add3A_35 = arith.addi %add3A_32, %get3A_34 : vector<16xi32>
    %get3A_36 = arith.constant 1792 : index
    %get3A_37 = tpu.vector_load %arg26[%get3A_36] {strides = array<i32>} : memref<4096xi32, #tpu.memory_space<vmem>>, vector<16xi32>,
    %add3A_38 = arith.addi %add3A_35, %get3A_37 : vector<16xi32>
    %get3A_39 = arith.constant 2048 : index
    %get3A_40 = tpu.vector_load %arg26[%get3A_39] {strides = array<i32>} : memref<4096xi32, #tpu.memory_space<vmem>>, vector<16xi32>,
    %add3A_41 = arith.addi %add3A_38, %get3A_40 : vector<16xi32>
    %get3A_42 = arith.constant 2304 : index
    %get3A_43 = tpu.vector_load %arg26[%get3A_42] {strides = array<i32>} : memref<4096xi32, #tpu.memory_space<vmem>>, vector<16xi32>,
    %add3A_44 = arith.addi %add3A_41, %get3A_43 : vector<16xi32>
    %get3A_45 = arith.constant 2560 : index
    %get3A_46 = tpu.vector_load %arg26[%get3A_45] {strides = array<i32>} : memref<4096xi32, #tpu.memory_space<vmem>>, vector<16xi32>,
    %add3A_47 = arith.addi %add3A_44, %get3A_46 : vector<16xi32>
    %get3A_48 = arith.constant 2816 : index
    %get3A_49 = tpu.vector_load %arg26[%get3A_48] {strides = array<i32>} : memref<4096xi32, #tpu.memory_space<vmem>>, vector<16xi32>,
    %add3A_50 = arith.addi %add3A_47, %get3A_49 : vector<16xi32>
    %get3A_51 = arith.constant 3072 : index
    %get3A_52 = tpu.vector_load %arg26[%get3A_51] {strides = array<i32>} : memref<4096xi32, #tpu.memory_space<vmem>>, vector<16xi32>,
    %add3A_53 = arith.addi %add3A_50, %get3A_52 : vector<16xi32>
    %get3A_54 = arith.constant 3328 : index
    %get3A_55 = tpu.vector_load %arg26[%get3A_54] {strides = array<i32>} : memref<4096xi32, #tpu.memory_space<vmem>>, vector<16xi32>,
    %add3A_56 = arith.addi %add3A_53, %get3A_55 : vector<16xi32>
    %get3A_57 = arith.constant 3584 : index
    %get3A_58 = tpu.vector_load %arg26[%get3A_57] {strides = array<i32>} : memref<4096xi32, #tpu.memory_space<vmem>>, vector<16xi32>,
    %add3A_59 = arith.addi %add3A_56, %get3A_58 : vector<16xi32>
    %get3A_60 = arith.constant 3840 : index
    %get3A_61 = tpu.vector_load %arg26[%get3A_60] {strides = array<i32>} : memref<4096xi32, #tpu.memory_space<vmem>>, vector<16xi32>,
    %add3A_62 = arith.addi %add3A_59, %get3A_61 : vector<16xi32>
    %swap3A = arith.constant 0 : index
    %swap3A_63 = tpu.vector_load %arg27[%swap3A] {strides = array<i32>} : memref<256xi32, #tpu.memory_space<vmem>>, vector<16xi32>,
    tpu.vector_store %arg27[%swap3A], %add3A_62 {strides = array<i32>} : memref<256xi32, #tpu.memory_space<vmem>>, vector<16xi32>,
    %get3A_64 = arith.constant 16 : index
    %get3A_65 = tpu.vector_load %arg26[%get3A_64] {strides = array<i32>} : memref<4096xi32, #tpu.memory_space<vmem>>, vector<16xi32>,
    %get3A_66 = arith.constant 272 : index
    %get3A_67 = tpu.vector_load %arg26[%get3A_66] {strides = array<i32>} : memref<4096xi32, #tpu.memory_space<vmem>>, vector<16xi32>,
    %add3A_68 = arith.addi %get3A_65, %get3A_67 : vector<16xi32>
    %get3A_69 = arith.constant 528 : index
    %get3A_70 = tpu.vector_load %arg26[%get3A_69] {strides = array<i32>} : memref<4096xi32, #tpu.memory_space<vmem>>, vector<16xi32>,
    %add3A_71 = arith.addi %add3A_68, %get3A_70 : vector<16xi32>
    %get3A_72 = arith.constant 784 : index
    %get3A_73 = tpu.vector_load %arg26[%get3A_72] {strides = array<i32>} : memref<4096xi32, #tpu.memory_space<vmem>>, vector<16xi32>,
    %add3A_74 = arith.addi %add3A_71, %get3A_73 : vector<16xi32>
    %get3A_75 = arith.constant 1040 : index
    %get3A_76 = tpu.vector_load %arg26[%get3A_75] {strides = array<i32>} : memref<4096xi32, #tpu.memory_space<vmem>>, vector<16xi32>,
    %add3A_77 = arith.addi %add3A_74, %get3A_76 : vector<16xi32>
    %get3A_78 = arith.constant 1296 : index
    %get3A_79 = tpu.vector_load %arg26[%get3A_78] {strides = array<i32>} : memref<4096xi32, #tpu.memory_space<vmem>>, vector<16xi32>,
    %add3A_80 = arith.addi %add3A_77, %get3A_79 : vector<16xi32>
    %get3A_81 = arith.constant 1552 : index
    %get3A_82 = tpu.vector_load %arg26[%get3A_81] {strides = array<i32>} : memref<4096xi32, #tpu.memory_space<vmem>>, vector<16xi32>,
    %add3A_83 = arith.addi %add3A_80, %get3A_82 : vector<16xi32>
    %get3A_84 = arith.constant 1808 : index
    %get3A_85 = tpu.vector_load %arg26[%get3A_84] {strides = array<i32>} : memref<4096xi32, #tpu.memory_space<vmem>>, vector<16xi32>,
    %add3A_86 = arith.addi %add3A_83, %get3A_85 : vector<16xi32>
    %get3A_87 = arith.constant 2064 : index
    %get3A_88 = tpu.vector_load %arg26[%get3A_87] {strides = array<i32>} : memref<4096xi32, #tpu.memory_space<vmem>>, vector<16xi32>,
    %add3A_89 = arith.addi %add3A_86, %get3A_88 : vector<16xi32>
    %get3A_90 = arith.constant 2320 : index
    %get3A_91 = tpu.vector_load %arg26[%get3A_90] {strides = array<i32>} : memref<4096xi32, #tpu.memory_space<vmem>>, vector<16xi32>,
    %add3A_92 = arith.addi %add3A_89, %get3A_91 : vector<16xi32>
    %get3A_93 = arith.constant 2576 : index
    %get3A_94 = tpu.vector_load %arg26[%get3A_93] {strides = array<i32>} : memref<4096xi32, #tpu.memory_space<vmem>>, vector<16xi32>,
    %add3A_95 = arith.addi %add3A_92, %get3A_94 : vector<16xi32>
    %get3A_96 = arith.constant 2832 : index
    %get3A_97 = tpu.vector_load %arg26[%get3A_96] {strides = array<i32>} : memref<4096xi32, #tpu.memory_space<vmem>>, vector<16xi32>,
    %add3A_98 = arith.addi %add3A_95, %get3A_97 : vector<16xi32>
    %get3A_99 = arith.constant 3088 : index
    %get3A_100 = tpu.vector_load %arg26[%get3A_99] {strides = array<i32>} : memref<4096xi32, #tpu.memory_space<vmem>>, vector<16xi32>,
    %add3A_101 = arith.addi %add3A_98, %get3A_100 : vector<16xi32>
    %get3A_102 = arith.constant 3344 : index
    %get3A_103 = tpu.vector_load %arg26[%get3A_102] {strides = array<i32>} : memref<4096xi32, #tpu.memory_space<vmem>>, vector<16xi32>,
    %add3A_104 = arith.addi %add3A_101, %get3A_103 : vector<16xi32>
    %get3A_105 = arith.constant 3600 : index
    %get3A_106 = tpu.vector_load %arg26[%get3A_105] {strides = array<i32>} : memref<4096xi32, #tpu.memory_space<vmem>>, vector<16xi32>,
    %add3A_107 = arith.addi %add3A_104, %get3A_106 : vector<16xi32>
    %get3A_108 = arith.constant 3856 : index
    %get3A_109 = tpu.vector_load %arg26[%get3A_108] {strides = array<i32>} : memref<4096xi32, #tpu.memory_space<vmem>>, vector<16xi32>,
    %add3A_110 = arith.addi %add3A_107, %get3A_109 : vector<16xi32>
    %swap3A_111 = arith.constant 16 : index
    %swap3A_112 = tpu.vector_load %arg27[%swap3A_111] {strides = array<i32>} : memref<256xi32, #tpu.memory_space<vmem>>, vector<16xi32>,
    tpu.vector_store %arg27[%swap3A_111], %add3A_110 {strides = array<i32>} : memref<256xi32, #tpu.memory_space<vmem>>, vector<16xi32>,
    %get3A_113 = arith.constant 32 : index
    %get3A_114 = tpu.vector_load %arg26[%get3A_113] {strides = array<i32>} : memref<4096xi32, #tpu.memory_space<vmem>>, vector<16xi32>,
    %get3A_115 = arith.constant 288 : index
    %get3A_116 = tpu.vector_load %arg26[%get3A_115] {strides = array<i32>} : memref<4096xi32, #tpu.memory_space<vmem>>, vector<16xi32>,
    %add3A_117 = arith.addi %get3A_114, %get3A_116 : vector<16xi32>
    %get3A_118 = arith.constant 544 : index
    %get3A_119 = tpu.vector_load %arg26[%get3A_118] {strides = array<i32>} : memref<4096xi32, #tpu.memory_space<vmem>>, vector<16xi32>,
    %add3A_120 = arith.addi %add3A_117, %get3A_119 : vector<16xi32>
    %get3A_121 = arith.constant 800 : index
    %get3A_122 = tpu.vector_load %arg26[%get3A_121] {strides = array<i32>} : memref<4096xi32, #tpu.memory_space<vmem>>, vector<16xi32>,
    %add3A_123 = arith.addi %add3A_120, %get3A_122 : vector<16xi32>
    %get3A_124 = arith.constant 1056 : index
    %get3A_125 = tpu.vector_load %arg26[%get3A_124] {strides = array<i32>} : memref<4096xi32, #tpu.memory_space<vmem>>, vector<16xi32>,
    %add3A_126 = arith.addi %add3A_123, %get3A_125 : vector<16xi32>
    %get3A_127 = arith.constant 1312 : index
    %get3A_128 = tpu.vector_load %arg26[%get3A_127] {strides = array<i32>} : memref<4096xi32, #tpu.memory_space<vmem>>, vector<16xi32>,
    %add3A_129 = arith.addi %add3A_126, %get3A_128 : vector<16xi32>
    %get3A_130 = arith.constant 1568 : index
    %get3A_131 = tpu.vector_load %arg26[%get3A_130] {strides = array<i32>} : memref<4096xi32, #tpu.memory_space<vmem>>, vector<16xi32>,
    %add3A_132 = arith.addi %add3A_129, %get3A_131 : vector<16xi32>
    %get3A_133 = arith.constant 1824 : index
    %get3A_134 = tpu.vector_load %arg26[%get3A_133] {strides = array<i32>} : memref<4096xi32, #tpu.memory_space<vmem>>, vector<16xi32>,
    %add3A_135 = arith.addi %add3A_132, %get3A_134 : vector<16xi32>
    %get3A_136 = arith.constant 2080 : index
    %get3A_137 = tpu.vector_load %arg26[%get3A_136] {strides = array<i32>} : memref<4096xi32, #tpu.memory_space<vmem>>, vector<16xi32>,
    %add3A_138 = arith.addi %add3A_135, %get3A_137 : vector<16xi32>
    %get3A_139 = arith.constant 2336 : index
    %get3A_140 = tpu.vector_load %arg26[%get3A_139] {strides = array<i32>} : memref<4096xi32, #tpu.memory_space<vmem>>, vector<16xi32>,
    %add3A_141 = arith.addi %add3A_138, %get3A_140 : vector<16xi32>
    %get3A_142 = arith.constant 2592 : index
    %get3A_143 = tpu.vector_load %arg26[%get3A_142] {strides = array<i32>} : memref<4096xi32, #tpu.memory_space<vmem>>, vector<16xi32>,
    %add3A_144 = arith.addi %add3A_141, %get3A_143 : vector<16xi32>
    %get3A_145 = arith.constant 2848 : index
    %get3A_146 = tpu.vector_load %arg26[%get3A_145] {strides = array<i32>} : memref<4096xi32, #tpu.memory_space<vmem>>, vector<16xi32>,
    %add3A_147 = arith.addi %add3A_144, %get3A_146 : vector<16xi32>
    %get3A_148 = arith.constant 3104 : index
    %get3A_149 = tpu.vector_load %arg26[%get3A_148] {strides = array<i32>} : memref<4096xi32, #tpu.memory_space<vmem>>, vector<16xi32>,
    %add3A_150 = arith.addi %add3A_147, %get3A_149 : vector<16xi32>
    %get3A_151 = arith.constant 3360 : index
    %get3A_152 = tpu.vector_load %arg26[%get3A_151] {strides = array<i32>} : memref<4096xi32, #tpu.memory_space<vmem>>, vector<16xi32>,
    %add3A_153 = arith.addi %add3A_150, %get3A_152 : vector<16xi32>
    %get3A_154 = arith.constant 3616 : index
    %get3A_155 = tpu.vector_load %arg26[%get3A_154] {strides = array<i32>} : memref<4096xi32, #tpu.memory_space<vmem>>, vector<16xi32>,
    %add3A_156 = arith.addi %add3A_153, %get3A_155 : vector<16xi32>
    %get3A_157 = arith.constant 3872 : index
    %get3A_158 = tpu.vector_load %arg26[%get3A_157] {strides = array<i32>} : memref<4096xi32, #tpu.memory_space<vmem>>, vector<16xi32>,
    %add3A_159 = arith.addi %add3A_156, %get3A_158 : vector<16xi32>
    %swap3A_160 = arith.constant 32 : index
    %swap3A_161 = tpu.vector_load %arg27[%swap3A_160] {strides = array<i32>} : memref<256xi32, #tpu.memory_space<vmem>>, vector<16xi32>,
    tpu.vector_store %arg27[%swap3A_160], %add3A_159 {strides = array<i32>} : memref<256xi32, #tpu.memory_space<vmem>>, vector<16xi32>,
    %get3A_162 = arith.constant 48 : index
    %get3A_163 = tpu.vector_load %arg26[%get3A_162] {strides = array<i32>} : memref<4096xi32, #tpu.memory_space<vmem>>, vector<16xi32>,
    %get3A_164 = arith.constant 304 : index
    %get3A_165 = tpu.vector_load %arg26[%get3A_164] {strides = array<i32>} : memref<4096xi32, #tpu.memory_space<vmem>>, vector<16xi32>,
    %add3A_166 = arith.addi %get3A_163, %get3A_165 : vector<16xi32>
    %get3A_167 = arith.constant 560 : index
    %get3A_168 = tpu.vector_load %arg26[%get3A_167] {strides = array<i32>} : memref<4096xi32, #tpu.memory_space<vmem>>, vector<16xi32>,
    %add3A_169 = arith.addi %add3A_166, %get3A_168 : vector<16xi32>
    %get3A_170 = arith.constant 816 : index
    %get3A_171 = tpu.vector_load %arg26[%get3A_170] {strides = array<i32>} : memref<4096xi32, #tpu.memory_space<vmem>>, vector<16xi32>,
    %add3A_172 = arith.addi %add3A_169, %get3A_171 : vector<16xi32>
    %get3A_173 = arith.constant 1072 : index
    %get3A_174 = tpu.vector_load %arg26[%get3A_173] {strides = array<i32>} : memref<4096xi32, #tpu.memory_space<vmem>>, vector<16xi32>,
    %add3A_175 = arith.addi %add3A_172, %get3A_174 : vector<16xi32>
    %get3A_176 = arith.constant 1328 : index
    %get3A_177 = tpu.vector_load %arg26[%get3A_176] {strides = array<i32>} : memref<4096xi32, #tpu.memory_space<vmem>>, vector<16xi32>,
    %add3A_178 = arith.addi %add3A_175, %get3A_177 : vector<16xi32>
    %get3A_179 = arith.constant 1584 : index
    %get3A_180 = tpu.vector_load %arg26[%get3A_179] {strides = array<i32>} : memref<4096xi32, #tpu.memory_space<vmem>>, vector<16xi32>,
    %add3A_181 = arith.addi %add3A_178, %get3A_180 : vector<16xi32>
    %get3A_182 = arith.constant 1840 : index
    %get3A_183 = tpu.vector_load %arg26[%get3A_182] {strides = array<i32>} : memref<4096xi32, #tpu.memory_space<vmem>>, vector<16xi32>,
    %add3A_184 = arith.addi %add3A_181, %get3A_183 : vector<16xi32>
    %get3A_185 = arith.constant 2096 : index
    %get3A_186 = tpu.vector_load %arg26[%get3A_185] {strides = array<i32>} : memref<4096xi32, #tpu.memory_space<vmem>>, vector<16xi32>,
    %add3A_187 = arith.addi %add3A_184, %get3A_186 : vector<16xi32>
    %get3A_188 = arith.constant 2352 : index
    %get3A_189 = tpu.vector_load %arg26[%get3A_188] {strides = array<i32>} : memref<4096xi32, #tpu.memory_space<vmem>>, vector<16xi32>,
    %add3A_190 = arith.addi %add3A_187, %get3A_189 : vector<16xi32>
    %get3A_191 = arith.constant 2608 : index
    %get3A_192 = tpu.vector_load %arg26[%get3A_191] {strides = array<i32>} : memref<4096xi32, #tpu.memory_space<vmem>>, vector<16xi32>,
    %add3A_193 = arith.addi %add3A_190, %get3A_192 : vector<16xi32>
    %get3A_194 = arith.constant 2864 : index
    %get3A_195 = tpu.vector_load %arg26[%get3A_194] {strides = array<i32>} : memref<4096xi32, #tpu.memory_space<vmem>>, vector<16xi32>,
    %add3A_196 = arith.addi %add3A_193, %get3A_195 : vector<16xi32>
    %get3A_197 = arith.constant 3120 : index
    %get3A_198 = tpu.vector_load %arg26[%get3A_197] {strides = array<i32>} : memref<4096xi32, #tpu.memory_space<vmem>>, vector<16xi32>,
    %add3A_199 = arith.addi %add3A_196, %get3A_198 : vector<16xi32>
    %get3A_200 = arith.constant 3376 : index
    %get3A_201 = tpu.vector_load %arg26[%get3A_200] {strides = array<i32>} : memref<4096xi32, #tpu.memory_space<vmem>>, vector<16xi32>,
    %add3A_202 = arith.addi %add3A_199, %get3A_201 : vector<16xi32>
    %get3A_203 = arith.constant 3632 : index
    %get3A_204 = tpu.vector_load %arg26[%get3A_203] {strides = array<i32>} : memref<4096xi32, #tpu.memory_space<vmem>>, vector<16xi32>,
    %add3A_205 = arith.addi %add3A_202, %get3A_204 : vector<16xi32>
    %get3A_206 = arith.constant 3888 : index
    %get3A_207 = tpu.vector_load %arg26[%get3A_206] {strides = array<i32>} : memref<4096xi32, #tpu.memory_space<vmem>>, vector<16xi32>,
    %add3A_208 = arith.addi %add3A_205, %get3A_207 : vector<16xi32>
    %swap3A_209 = arith.constant 48 : index
    %swap3A_210 = tpu.vector_load %arg27[%swap3A_209] {strides = array<i32>} : memref<256xi32, #tpu.memory_space<vmem>>, vector<16xi32>,
    tpu.vector_store %arg27[%swap3A_209], %add3A_208 {strides = array<i32>} : memref<256xi32, #tpu.memory_space<vmem>>, vector<16xi32>,
    %get3A_211 = arith.constant 64 : index
    %get3A_212 = tpu.vector_load %arg26[%get3A_211] {strides = array<i32>} : memref<4096xi32, #tpu.memory_space<vmem>>, vector<16xi32>,
    %get3A_213 = arith.constant 320 : index
    %get3A_214 = tpu.vector_load %arg26[%get3A_213] {strides = array<i32>} : memref<4096xi32, #tpu.memory_space<vmem>>, vector<16xi32>,
    %add3A_215 = arith.addi %get3A_212, %get3A_214 : vector<16xi32>
    %get3A_216 = arith.constant 576 : index
    %get3A_217 = tpu.vector_load %arg26[%get3A_216] {strides = array<i32>} : memref<4096xi32, #tpu.memory_space<vmem>>, vector<16xi32>,
    %add3A_218 = arith.addi %add3A_215, %get3A_217 : vector<16xi32>
    %get3A_219 = arith.constant 832 : index
    %get3A_220 = tpu.vector_load %arg26[%get3A_219] {strides = array<i32>} : memref<4096xi32, #tpu.memory_space<vmem>>, vector<16xi32>,
    %add3A_221 = arith.addi %add3A_218, %get3A_220 : vector<16xi32>
    %get3A_222 = arith.constant 1088 : index
    %get3A_223 = tpu.vector_load %arg26[%get3A_222] {strides = array<i32>} : memref<4096xi32, #tpu.memory_space<vmem>>, vector<16xi32>,
    %add3A_224 = arith.addi %add3A_221, %get3A_223 : vector<16xi32>
    %get3A_225 = arith.constant 1344 : index
    %get3A_226 = tpu.vector_load %arg26[%get3A_225] {strides = array<i32>} : memref<4096xi32, #tpu.memory_space<vmem>>, vector<16xi32>,
    %add3A_227 = arith.addi %add3A_224, %get3A_226 : vector<16xi32>
    %get3A_228 = arith.constant 1600 : index
    %get3A_229 = tpu.vector_load %arg26[%get3A_228] {strides = array<i32>} : memref<4096xi32, #tpu.memory_space<vmem>>, vector<16xi32>,
    %add3A_230 = arith.addi %add3A_227, %get3A_229 : vector<16xi32>
    %get3A_231 = arith.constant 1856 : index
    %get3A_232 = tpu.vector_load %arg26[%get3A_231] {strides = array<i32>} : memref<4096xi32, #tpu.memory_space<vmem>>, vector<16xi32>,
    %add3A_233 = arith.addi %add3A_230, %get3A_232 : vector<16xi32>
    %get3A_234 = arith.constant 2112 : index
    %get3A_235 = tpu.vector_load %arg26[%get3A_234] {strides = array<i32>} : memref<4096xi32, #tpu.memory_space<vmem>>, vector<16xi32>,
    %add3A_236 = arith.addi %add3A_233, %get3A_235 : vector<16xi32>
    %get3A_237 = arith.constant 2368 : index
    %get3A_238 = tpu.vector_load %arg26[%get3A_237] {strides = array<i32>} : memref<4096xi32, #tpu.memory_space<vmem>>, vector<16xi32>,
    %add3A_239 = arith.addi %add3A_236, %get3A_238 : vector<16xi32>
    %get3A_240 = arith.constant 2624 : index
    %get3A_241 = tpu.vector_load %arg26[%get3A_240] {strides = array<i32>} : memref<4096xi32, #tpu.memory_space<vmem>>, vector<16xi32>,
    %add3A_242 = arith.addi %add3A_239, %get3A_241 : vector<16xi32>
    %get3A_243 = arith.constant 2880 : index
    %get3A_244 = tpu.vector_load %arg26[%get3A_243] {strides = array<i32>} : memref<4096xi32, #tpu.memory_space<vmem>>, vector<16xi32>,
    %add3A_245 = arith.addi %add3A_242, %get3A_244 : vector<16xi32>
    %get3A_246 = arith.constant 3136 : index
    %get3A_247 = tpu.vector_load %arg26[%get3A_246] {strides = array<i32>} : memref<4096xi32, #tpu.memory_space<vmem>>, vector<16xi32>,
    %add3A_248 = arith.addi %add3A_245, %get3A_247 : vector<16xi32>
    %get3A_249 = arith.constant 3392 : index
    %get3A_250 = tpu.vector_load %arg26[%get3A_249] {strides = array<i32>} : memref<4096xi32, #tpu.memory_space<vmem>>, vector<16xi32>,
    %add3A_251 = arith.addi %add3A_248, %get3A_250 : vector<16xi32>
    %get3A_252 = arith.constant 3648 : index
    %get3A_253 = tpu.vector_load %arg26[%get3A_252] {strides = array<i32>} : memref<4096xi32, #tpu.memory_space<vmem>>, vector<16xi32>,
    %add3A_254 = arith.addi %add3A_251, %get3A_253 : vector<16xi32>
    %get3A_255 = arith.constant 3904 : index
    %get3A_256 = tpu.vector_load %arg26[%get3A_255] {strides = array<i32>} : memref<4096xi32, #tpu.memory_space<vmem>>, vector<16xi32>,
    %add3A_257 = arith.addi %add3A_254, %get3A_256 : vector<16xi32>
    %swap3A_258 = arith.constant 64 : index
    %swap3A_259 = tpu.vector_load %arg27[%swap3A_258] {strides = array<i32>} : memref<256xi32, #tpu.memory_space<vmem>>, vector<16xi32>,
    tpu.vector_store %arg27[%swap3A_258], %add3A_257 {strides = array<i32>} : memref<256xi32, #tpu.memory_space<vmem>>, vector<16xi32>,
    %get3A_260 = arith.constant 80 : index
    %get3A_261 = tpu.vector_load %arg26[%get3A_260] {strides = array<i32>} : memref<4096xi32, #tpu.memory_space<vmem>>, vector<16xi32>,
    %get3A_262 = arith.constant 336 : index
    %get3A_263 = tpu.vector_load %arg26[%get3A_262] {strides = array<i32>} : memref<4096xi32, #tpu.memory_space<vmem>>, vector<16xi32>,
    %add3A_264 = arith.addi %get3A_261, %get3A_263 : vector<16xi32>
    %get3A_265 = arith.constant 592 : index
    %get3A_266 = tpu.vector_load %arg26[%get3A_265] {strides = array<i32>} : memref<4096xi32, #tpu.memory_space<vmem>>, vector<16xi32>,
    %add3A_267 = arith.addi %add3A_264, %get3A_266 : vector<16xi32>
    %get3A_268 = arith.constant 848 : index
    %get3A_269 = tpu.vector_load %arg26[%get3A_268] {strides = array<i32>} : memref<4096xi32, #tpu.memory_space<vmem>>, vector<16xi32>,
    %add3A_270 = arith.addi %add3A_267, %get3A_269 : vector<16xi32>
    %get3A_271 = arith.constant 1104 : index
    %get3A_272 = tpu.vector_load %arg26[%get3A_271] {strides = array<i32>} : memref<4096xi32, #tpu.memory_space<vmem>>, vector<16xi32>,
    %add3A_273 = arith.addi %add3A_270, %get3A_272 : vector<16xi32>
    %get3A_274 = arith.constant 1360 : index
    %get3A_275 = tpu.vector_load %arg26[%get3A_274] {strides = array<i32>} : memref<4096xi32, #tpu.memory_space<vmem>>, vector<16xi32>,
    %add3A_276 = arith.addi %add3A_273, %get3A_275 : vector<16xi32>
    %get3A_277 = arith.constant 1616 : index
    %get3A_278 = tpu.vector_load %arg26[%get3A_277] {strides = array<i32>} : memref<4096xi32, #tpu.memory_space<vmem>>, vector<16xi32>,
    %add3A_279 = arith.addi %add3A_276, %get3A_278 : vector<16xi32>
    %get3A_280 = arith.constant 1872 : index
    %get3A_281 = tpu.vector_load %arg26[%get3A_280] {strides = array<i32>} : memref<4096xi32, #tpu.memory_space<vmem>>, vector<16xi32>,
    %add3A_282 = arith.addi %add3A_279, %get3A_281 : vector<16xi32>
    %get3A_283 = arith.constant 2128 : index
    %get3A_284 = tpu.vector_load %arg26[%get3A_283] {strides = array<i32>} : memref<4096xi32, #tpu.memory_space<vmem>>, vector<16xi32>,
    %add3A_285 = arith.addi %add3A_282, %get3A_284 : vector<16xi32>
    %get3A_286 = arith.constant 2384 : index
    %get3A_287 = tpu.vector_load %arg26[%get3A_286] {strides = array<i32>} : memref<4096xi32, #tpu.memory_space<vmem>>, vector<16xi32>,
    %add3A_288 = arith.addi %add3A_285, %get3A_287 : vector<16xi32>
    %get3A_289 = arith.constant 2640 : index
    %get3A_290 = tpu.vector_load %arg26[%get3A_289] {strides = array<i32>} : memref<4096xi32, #tpu.memory_space<vmem>>, vector<16xi32>,
    %add3A_291 = arith.addi %add3A_288, %get3A_290 : vector<16xi32>
    %get3A_292 = arith.constant 2896 : index
    %get3A_293 = tpu.vector_load %arg26[%get3A_292] {strides = array<i32>} : memref<4096xi32, #tpu.memory_space<vmem>>, vector<16xi32>,
    %add3A_294 = arith.addi %add3A_291, %get3A_293 : vector<16xi32>
    %get3A_295 = arith.constant 3152 : index
    %get3A_296 = tpu.vector_load %arg26[%get3A_295] {strides = array<i32>} : memref<4096xi32, #tpu.memory_space<vmem>>, vector<16xi32>,
    %add3A_297 = arith.addi %add3A_294, %get3A_296 : vector<16xi32>
    %get3A_298 = arith.constant 3408 : index
    %get3A_299 = tpu.vector_load %arg26[%get3A_298] {strides = array<i32>} : memref<4096xi32, #tpu.memory_space<vmem>>, vector<16xi32>,
    %add3A_300 = arith.addi %add3A_297, %get3A_299 : vector<16xi32>
    %get3A_301 = arith.constant 3664 : index
    %get3A_302 = tpu.vector_load %arg26[%get3A_301] {strides = array<i32>} : memref<4096xi32, #tpu.memory_space<vmem>>, vector<16xi32>,
    %add3A_303 = arith.addi %add3A_300, %get3A_302 : vector<16xi32>
    %get3A_304 = arith.constant 3920 : index
    %get3A_305 = tpu.vector_load %arg26[%get3A_304] {strides = array<i32>} : memref<4096xi32, #tpu.memory_space<vmem>>, vector<16xi32>,
    %add3A_306 = arith.addi %add3A_303, %get3A_305 : vector<16xi32>
    %swap3A_307 = arith.constant 80 : index
    %swap3A_308 = tpu.vector_load %arg27[%swap3A_307] {strides = array<i32>} : memref<256xi32, #tpu.memory_space<vmem>>, vector<16xi32>,
    tpu.vector_store %arg27[%swap3A_307], %add3A_306 {strides = array<i32>} : memref<256xi32, #tpu.memory_space<vmem>>, vector<16xi32>,
    %get3A_309 = arith.constant 96 : index
    %get3A_310 = tpu.vector_load %arg26[%get3A_309] {strides = array<i32>} : memref<4096xi32, #tpu.memory_space<vmem>>, vector<16xi32>,
    %get3A_311 = arith.constant 352 : index
    %get3A_312 = tpu.vector_load %arg26[%get3A_311] {strides = array<i32>} : memref<4096xi32, #tpu.memory_space<vmem>>, vector<16xi32>,
    %add3A_313 = arith.addi %get3A_310, %get3A_312 : vector<16xi32>
    %get3A_314 = arith.constant 608 : index
    %get3A_315 = tpu.vector_load %arg26[%get3A_314] {strides = array<i32>} : memref<4096xi32, #tpu.memory_space<vmem>>, vector<16xi32>,
    %add3A_316 = arith.addi %add3A_313, %get3A_315 : vector<16xi32>
    %get3A_317 = arith.constant 864 : index
    %get3A_318 = tpu.vector_load %arg26[%get3A_317] {strides = array<i32>} : memref<4096xi32, #tpu.memory_space<vmem>>, vector<16xi32>,
    %add3A_319 = arith.addi %add3A_316, %get3A_318 : vector<16xi32>
    %get3A_320 = arith.constant 1120 : index
    %get3A_321 = tpu.vector_load %arg26[%get3A_320] {strides = array<i32>} : memref<4096xi32, #tpu.memory_space<vmem>>, vector<16xi32>,
    %add3A_322 = arith.addi %add3A_319, %get3A_321 : vector<16xi32>
    %get3A_323 = arith.constant 1376 : index
    %get3A_324 = tpu.vector_load %arg26[%get3A_323] {strides = array<i32>} : memref<4096xi32, #tpu.memory_space<vmem>>, vector<16xi32>,
    %add3A_325 = arith.addi %add3A_322, %get3A_324 : vector<16xi32>
    %get3A_326 = arith.constant 1632 : index
    %get3A_327 = tpu.vector_load %arg26[%get3A_326] {strides = array<i32>} : memref<4096xi32, #tpu.memory_space<vmem>>, vector<16xi32>,
    %add3A_328 = arith.addi %add3A_325, %get3A_327 : vector<16xi32>
    %get3A_329 = arith.constant 1888 : index
    %get3A_330 = tpu.vector_load %arg26[%get3A_329] {strides = array<i32>} : memref<4096xi32, #tpu.memory_space<vmem>>, vector<16xi32>,
    %add3A_331 = arith.addi %add3A_328, %get3A_330 : vector<16xi32>
    %get3A_332 = arith.constant 2144 : index
    %get3A_333 = tpu.vector_load %arg26[%get3A_332] {strides = array<i32>} : memref<4096xi32, #tpu.memory_space<vmem>>, vector<16xi32>,
    %add3A_334 = arith.addi %add3A_331, %get3A_333 : vector<16xi32>
    %get3A_335 = arith.constant 2400 : index
    %get3A_336 = tpu.vector_load %arg26[%get3A_335] {strides = array<i32>} : memref<4096xi32, #tpu.memory_space<vmem>>, vector<16xi32>,
    %add3A_337 = arith.addi %add3A_334, %get3A_336 : vector<16xi32>
    %get3A_338 = arith.constant 2656 : index
    %get3A_339 = tpu.vector_load %arg26[%get3A_338] {strides = array<i32>} : memref<4096xi32, #tpu.memory_space<vmem>>, vector<16xi32>,
    %add3A_340 = arith.addi %add3A_337, %get3A_339 : vector<16xi32>
    %get3A_341 = arith.constant 2912 : index
    %get3A_342 = tpu.vector_load %arg26[%get3A_341] {strides = array<i32>} : memref<4096xi32, #tpu.memory_space<vmem>>, vector<16xi32>,
    %add3A_343 = arith.addi %add3A_340, %get3A_342 : vector<16xi32>
    %get3A_344 = arith.constant 3168 : index
    %get3A_345 = tpu.vector_load %arg26[%get3A_344] {strides = array<i32>} : memref<4096xi32, #tpu.memory_space<vmem>>, vector<16xi32>,
    %add3A_346 = arith.addi %add3A_343, %get3A_345 : vector<16xi32>
    %get3A_347 = arith.constant 3424 : index
    %get3A_348 = tpu.vector_load %arg26[%get3A_347] {strides = array<i32>} : memref<4096xi32, #tpu.memory_space<vmem>>, vector<16xi32>,
    %add3A_349 = arith.addi %add3A_346, %get3A_348 : vector<16xi32>
    %get3A_350 = arith.constant 3680 : index
    %get3A_351 = tpu.vector_load %arg26[%get3A_350] {strides = array<i32>} : memref<4096xi32, #tpu.memory_space<vmem>>, vector<16xi32>,
    %add3A_352 = arith.addi %add3A_349, %get3A_351 : vector<16xi32>
    %get3A_353 = arith.constant 3936 : index
    %get3A_354 = tpu.vector_load %arg26[%get3A_353] {strides = array<i32>} : memref<4096xi32, #tpu.memory_space<vmem>>, vector<16xi32>,
    %add3A_355 = arith.addi %add3A_352, %get3A_354 : vector<16xi32>
    %swap3A_356 = arith.constant 96 : index
    %swap3A_357 = tpu.vector_load %arg27[%swap3A_356] {strides = array<i32>} : memref<256xi32, #tpu.memory_space<vmem>>, vector<16xi32>,
    tpu.vector_store %arg27[%swap3A_356], %add3A_355 {strides = array<i32>} : memref<256xi32, #tpu.memory_space<vmem>>, vector<16xi32>,
    %get3A_358 = arith.constant 112 : index
    %get3A_359 = tpu.vector_load %arg26[%get3A_358] {strides = array<i32>} : memref<4096xi32, #tpu.memory_space<vmem>>, vector<16xi32>,
    %get3A_360 = arith.constant 368 : index
    %get3A_361 = tpu.vector_load %arg26[%get3A_360] {strides = array<i32>} : memref<4096xi32, #tpu.memory_space<vmem>>, vector<16xi32>,
    %add3A_362 = arith.addi %get3A_359, %get3A_361 : vector<16xi32>
    %get3A_363 = arith.constant 624 : index
    %get3A_364 = tpu.vector_load %arg26[%get3A_363] {strides = array<i32>} : memref<4096xi32, #tpu.memory_space<vmem>>, vector<16xi32>,
    %add3A_365 = arith.addi %add3A_362, %get3A_364 : vector<16xi32>
    %get3A_366 = arith.constant 880 : index
    %get3A_367 = tpu.vector_load %arg26[%get3A_366] {strides = array<i32>} : memref<4096xi32, #tpu.memory_space<vmem>>, vector<16xi32>,
    %add3A_368 = arith.addi %add3A_365, %get3A_367 : vector<16xi32>
    %get3A_369 = arith.constant 1136 : index
    %get3A_370 = tpu.vector_load %arg26[%get3A_369] {strides = array<i32>} : memref<4096xi32, #tpu.memory_space<vmem>>, vector<16xi32>,
    %add3A_371 = arith.addi %add3A_368, %get3A_370 : vector<16xi32>
    %get3A_372 = arith.constant 1392 : index
    %get3A_373 = tpu.vector_load %arg26[%get3A_372] {strides = array<i32>} : memref<4096xi32, #tpu.memory_space<vmem>>, vector<16xi32>,
    %add3A_374 = arith.addi %add3A_371, %get3A_373 : vector<16xi32>
    %get3A_375 = arith.constant 1648 : index
    %get3A_376 = tpu.vector_load %arg26[%get3A_375] {strides = array<i32>} : memref<4096xi32, #tpu.memory_space<vmem>>, vector<16xi32>,
    %add3A_377 = arith.addi %add3A_374, %get3A_376 : vector<16xi32>
    %get3A_378 = arith.constant 1904 : index
    %get3A_379 = tpu.vector_load %arg26[%get3A_378] {strides = array<i32>} : memref<4096xi32, #tpu.memory_space<vmem>>, vector<16xi32>,
    %add3A_380 = arith.addi %add3A_377, %get3A_379 : vector<16xi32>
    %get3A_381 = arith.constant 2160 : index
    %get3A_382 = tpu.vector_load %arg26[%get3A_381] {strides = array<i32>} : memref<4096xi32, #tpu.memory_space<vmem>>, vector<16xi32>,
    %add3A_383 = arith.addi %add3A_380, %get3A_382 : vector<16xi32>
    %get3A_384 = arith.constant 2416 : index
    %get3A_385 = tpu.vector_load %arg26[%get3A_384] {strides = array<i32>} : memref<4096xi32, #tpu.memory_space<vmem>>, vector<16xi32>,
    %add3A_386 = arith.addi %add3A_383, %get3A_385 : vector<16xi32>
    %get3A_387 = arith.constant 2672 : index
    %get3A_388 = tpu.vector_load %arg26[%get3A_387] {strides = array<i32>} : memref<4096xi32, #tpu.memory_space<vmem>>, vector<16xi32>,
    %add3A_389 = arith.addi %add3A_386, %get3A_388 : vector<16xi32>
    %get3A_390 = arith.constant 2928 : index
    %get3A_391 = tpu.vector_load %arg26[%get3A_390] {strides = array<i32>} : memref<4096xi32, #tpu.memory_space<vmem>>, vector<16xi32>,
    %add3A_392 = arith.addi %add3A_389, %get3A_391 : vector<16xi32>
    %get3A_393 = arith.constant 3184 : index
    %get3A_394 = tpu.vector_load %arg26[%get3A_393] {strides = array<i32>} : memref<4096xi32, #tpu.memory_space<vmem>>, vector<16xi32>,
    %add3A_395 = arith.addi %add3A_392, %get3A_394 : vector<16xi32>
    %get3A_396 = arith.constant 3440 : index
    %get3A_397 = tpu.vector_load %arg26[%get3A_396] {strides = array<i32>} : memref<4096xi32, #tpu.memory_space<vmem>>, vector<16xi32>,
    %add3A_398 = arith.addi %add3A_395, %get3A_397 : vector<16xi32>
    %get3A_399 = arith.constant 3696 : index
    %get3A_400 = tpu.vector_load %arg26[%get3A_399] {strides = array<i32>} : memref<4096xi32, #tpu.memory_space<vmem>>, vector<16xi32>,
    %add3A_401 = arith.addi %add3A_398, %get3A_400 : vector<16xi32>
    %get3A_402 = arith.constant 3952 : index
    %get3A_403 = tpu.vector_load %arg26[%get3A_402] {strides = array<i32>} : memref<4096xi32, #tpu.memory_space<vmem>>, vector<16xi32>,
    %add3A_404 = arith.addi %add3A_401, %get3A_403 : vector<16xi32>
    %swap3A_405 = arith.constant 112 : index
    %swap3A_406 = tpu.vector_load %arg27[%swap3A_405] {strides = array<i32>} : memref<256xi32, #tpu.memory_space<vmem>>, vector<16xi32>,
    tpu.vector_store %arg27[%swap3A_405], %add3A_404 {strides = array<i32>} : memref<256xi32, #tpu.memory_space<vmem>>, vector<16xi32>,
    %get3A_407 = arith.constant 128 : index
    %get3A_408 = tpu.vector_load %arg26[%get3A_407] {strides = array<i32>} : memref<4096xi32, #tpu.memory_space<vmem>>, vector<16xi32>,
    %get3A_409 = arith.constant 384 : index
    %get3A_410 = tpu.vector_load %arg26[%get3A_409] {strides = array<i32>} : memref<4096xi32, #tpu.memory_space<vmem>>, vector<16xi32>,
    %add3A_411 = arith.addi %get3A_408, %get3A_410 : vector<16xi32>
    %get3A_412 = arith.constant 640 : index
    %get3A_413 = tpu.vector_load %arg26[%get3A_412] {strides = array<i32>} : memref<4096xi32, #tpu.memory_space<vmem>>, vector<16xi32>,
    %add3A_414 = arith.addi %add3A_411, %get3A_413 : vector<16xi32>
    %get3A_415 = arith.constant 896 : index
    %get3A_416 = tpu.vector_load %arg26[%get3A_415] {strides = array<i32>} : memref<4096xi32, #tpu.memory_space<vmem>>, vector<16xi32>,
    %add3A_417 = arith.addi %add3A_414, %get3A_416 : vector<16xi32>
    %get3A_418 = arith.constant 1152 : index
    %get3A_419 = tpu.vector_load %arg26[%get3A_418] {strides = array<i32>} : memref<4096xi32, #tpu.memory_space<vmem>>, vector<16xi32>,
    %add3A_420 = arith.addi %add3A_417, %get3A_419 : vector<16xi32>
    %get3A_421 = arith.constant 1408 : index
    %get3A_422 = tpu.vector_load %arg26[%get3A_421] {strides = array<i32>} : memref<4096xi32, #tpu.memory_space<vmem>>, vector<16xi32>,
    %add3A_423 = arith.addi %add3A_420, %get3A_422 : vector<16xi32>
    %get3A_424 = arith.constant 1664 : index
    %get3A_425 = tpu.vector_load %arg26[%get3A_424] {strides = array<i32>} : memref<4096xi32, #tpu.memory_space<vmem>>, vector<16xi32>,
    %add3A_426 = arith.addi %add3A_423, %get3A_425 : vector<16xi32>
    %get3A_427 = arith.constant 1920 : index
    %get3A_428 = tpu.vector_load %arg26[%get3A_427] {strides = array<i32>} : memref<4096xi32, #tpu.memory_space<vmem>>, vector<16xi32>,
    %add3A_429 = arith.addi %add3A_426, %get3A_428 : vector<16xi32>
    %get3A_430 = arith.constant 2176 : index
    %get3A_431 = tpu.vector_load %arg26[%get3A_430] {strides = array<i32>} : memref<4096xi32, #tpu.memory_space<vmem>>, vector<16xi32>,
    %add3A_432 = arith.addi %add3A_429, %get3A_431 : vector<16xi32>
    %get3A_433 = arith.constant 2432 : index
    %get3A_434 = tpu.vector_load %arg26[%get3A_433] {strides = array<i32>} : memref<4096xi32, #tpu.memory_space<vmem>>, vector<16xi32>,
    %add3A_435 = arith.addi %add3A_432, %get3A_434 : vector<16xi32>
    %get3A_436 = arith.constant 2688 : index
    %get3A_437 = tpu.vector_load %arg26[%get3A_436] {strides = array<i32>} : memref<4096xi32, #tpu.memory_space<vmem>>, vector<16xi32>,
    %add3A_438 = arith.addi %add3A_435, %get3A_437 : vector<16xi32>
    %get3A_439 = arith.constant 2944 : index
    %get3A_440 = tpu.vector_load %arg26[%get3A_439] {strides = array<i32>} : memref<4096xi32, #tpu.memory_space<vmem>>, vector<16xi32>,
    %add3A_441 = arith.addi %add3A_438, %get3A_440 : vector<16xi32>
    %get3A_442 = arith.constant 3200 : index
    %get3A_443 = tpu.vector_load %arg26[%get3A_442] {strides = array<i32>} : memref<4096xi32, #tpu.memory_space<vmem>>, vector<16xi32>,
    %add3A_444 = arith.addi %add3A_441, %get3A_443 : vector<16xi32>
    %get3A_445 = arith.constant 3456 : index
    %get3A_446 = tpu.vector_load %arg26[%get3A_445] {strides = array<i32>} : memref<4096xi32, #tpu.memory_space<vmem>>, vector<16xi32>,
    %add3A_447 = arith.addi %add3A_444, %get3A_446 : vector<16xi32>
    %get3A_448 = arith.constant 3712 : index
    %get3A_449 = tpu.vector_load %arg26[%get3A_448] {strides = array<i32>} : memref<4096xi32, #tpu.memory_space<vmem>>, vector<16xi32>,
    %add3A_450 = arith.addi %add3A_447, %get3A_449 : vector<16xi32>
    %get3A_451 = arith.constant 3968 : index
    %get3A_452 = tpu.vector_load %arg26[%get3A_451] {strides = array<i32>} : memref<4096xi32, #tpu.memory_space<vmem>>, vector<16xi32>,
    %add3A_453 = arith.addi %add3A_450, %get3A_452 : vector<16xi32>
    %swap3A_454 = arith.constant 128 : index
    %swap3A_455 = tpu.vector_load %arg27[%swap3A_454] {strides = array<i32>} : memref<256xi32, #tpu.memory_space<vmem>>, vector<16xi32>,
    tpu.vector_store %arg27[%swap3A_454], %add3A_453 {strides = array<i32>} : memref<256xi32, #tpu.memory_space<vmem>>, vector<16xi32>,
    %get3A_456 = arith.constant 144 : index
    %get3A_457 = tpu.vector_load %arg26[%get3A_456] {strides = array<i32>} : memref<4096xi32, #tpu.memory_space<vmem>>, vector<16xi32>,
    %get3A_458 = arith.constant 400 : index
    %get3A_459 = tpu.vector_load %arg26[%get3A_458] {strides = array<i32>} : memref<4096xi32, #tpu.memory_space<vmem>>, vector<16xi32>,
    %add3A_460 = arith.addi %get3A_457, %get3A_459 : vector<16xi32>
    %get3A_461 = arith.constant 656 : index
    %get3A_462 = tpu.vector_load %arg26[%get3A_461] {strides = array<i32>} : memref<4096xi32, #tpu.memory_space<vmem>>, vector<16xi32>,
    %add3A_463 = arith.addi %add3A_460, %get3A_462 : vector<16xi32>
    %get3A_464 = arith.constant 912 : index
    %get3A_465 = tpu.vector_load %arg26[%get3A_464] {strides = array<i32>} : memref<4096xi32, #tpu.memory_space<vmem>>, vector<16xi32>,
    %add3A_466 = arith.addi %add3A_463, %get3A_465 : vector<16xi32>
    %get3A_467 = arith.constant 1168 : index
    %get3A_468 = tpu.vector_load %arg26[%get3A_467] {strides = array<i32>} : memref<4096xi32, #tpu.memory_space<vmem>>, vector<16xi32>,
    %add3A_469 = arith.addi %add3A_466, %get3A_468 : vector<16xi32>
    %get3A_470 = arith.constant 1424 : index
    %get3A_471 = tpu.vector_load %arg26[%get3A_470] {strides = array<i32>} : memref<4096xi32, #tpu.memory_space<vmem>>, vector<16xi32>,
    %add3A_472 = arith.addi %add3A_469, %get3A_471 : vector<16xi32>
    %get3A_473 = arith.constant 1680 : index
    %get3A_474 = tpu.vector_load %arg26[%get3A_473] {strides = array<i32>} : memref<4096xi32, #tpu.memory_space<vmem>>, vector<16xi32>,
    %add3A_475 = arith.addi %add3A_472, %get3A_474 : vector<16xi32>
    %get3A_476 = arith.constant 1936 : index
    %get3A_477 = tpu.vector_load %arg26[%get3A_476] {strides = array<i32>} : memref<4096xi32, #tpu.memory_space<vmem>>, vector<16xi32>,
    %add3A_478 = arith.addi %add3A_475, %get3A_477 : vector<16xi32>
    %get3A_479 = arith.constant 2192 : index
    %get3A_480 = tpu.vector_load %arg26[%get3A_479] {strides = array<i32>} : memref<4096xi32, #tpu.memory_space<vmem>>, vector<16xi32>,
    %add3A_481 = arith.addi %add3A_478, %get3A_480 : vector<16xi32>
    %get3A_482 = arith.constant 2448 : index
    %get3A_483 = tpu.vector_load %arg26[%get3A_482] {strides = array<i32>} : memref<4096xi32, #tpu.memory_space<vmem>>, vector<16xi32>,
    %add3A_484 = arith.addi %add3A_481, %get3A_483 : vector<16xi32>
    %get3A_485 = arith.constant 2704 : index
    %get3A_486 = tpu.vector_load %arg26[%get3A_485] {strides = array<i32>} : memref<4096xi32, #tpu.memory_space<vmem>>, vector<16xi32>,
    %add3A_487 = arith.addi %add3A_484, %get3A_486 : vector<16xi32>
    %get3A_488 = arith.constant 2960 : index
    %get3A_489 = tpu.vector_load %arg26[%get3A_488] {strides = array<i32>} : memref<4096xi32, #tpu.memory_space<vmem>>, vector<16xi32>,
    %add3A_490 = arith.addi %add3A_487, %get3A_489 : vector<16xi32>
    %get3A_491 = arith.constant 3216 : index
    %get3A_492 = tpu.vector_load %arg26[%get3A_491] {strides = array<i32>} : memref<4096xi32, #tpu.memory_space<vmem>>, vector<16xi32>,
    %add3A_493 = arith.addi %add3A_490, %get3A_492 : vector<16xi32>
    %get3A_494 = arith.constant 3472 : index
    %get3A_495 = tpu.vector_load %arg26[%get3A_494] {strides = array<i32>} : memref<4096xi32, #tpu.memory_space<vmem>>, vector<16xi32>,
    %add3A_496 = arith.addi %add3A_493, %get3A_495 : vector<16xi32>
    %get3A_497 = arith.constant 3728 : index
    %get3A_498 = tpu.vector_load %arg26[%get3A_497] {strides = array<i32>} : memref<4096xi32, #tpu.memory_space<vmem>>, vector<16xi32>,
    %add3A_499 = arith.addi %add3A_496, %get3A_498 : vector<16xi32>
    %get3A_500 = arith.constant 3984 : index
    %get3A_501 = tpu.vector_load %arg26[%get3A_500] {strides = array<i32>} : memref<4096xi32, #tpu.memory_space<vmem>>, vector<16xi32>,
    %add3A_502 = arith.addi %add3A_499, %get3A_501 : vector<16xi32>
    %swap3A_503 = arith.constant 144 : index
    %swap3A_504 = tpu.vector_load %arg27[%swap3A_503] {strides = array<i32>} : memref<256xi32, #tpu.memory_space<vmem>>, vector<16xi32>,
    tpu.vector_store %arg27[%swap3A_503], %add3A_502 {strides = array<i32>} : memref<256xi32, #tpu.memory_space<vmem>>, vector<16xi32>,
    %get3A_505 = arith.constant 160 : index
    %get3A_506 = tpu.vector_load %arg26[%get3A_505] {strides = array<i32>} : memref<4096xi32, #tpu.memory_space<vmem>>, vector<16xi32>,
    %get3A_507 = arith.constant 416 : index
    %get3A_508 = tpu.vector_load %arg26[%get3A_507] {strides = array<i32>} : memref<4096xi32, #tpu.memory_space<vmem>>, vector<16xi32>,
    %add3A_509 = arith.addi %get3A_506, %get3A_508 : vector<16xi32>
    %get3A_510 = arith.constant 672 : index
    %get3A_511 = tpu.vector_load %arg26[%get3A_510] {strides = array<i32>} : memref<4096xi32, #tpu.memory_space<vmem>>, vector<16xi32>,
    %add3A_512 = arith.addi %add3A_509, %get3A_511 : vector<16xi32>
    %get3A_513 = arith.constant 928 : index
    %get3A_514 = tpu.vector_load %arg26[%get3A_513] {strides = array<i32>} : memref<4096xi32, #tpu.memory_space<vmem>>, vector<16xi32>,
    %add3A_515 = arith.addi %add3A_512, %get3A_514 : vector<16xi32>
    %get3A_516 = arith.constant 1184 : index
    %get3A_517 = tpu.vector_load %arg26[%get3A_516] {strides = array<i32>} : memref<4096xi32, #tpu.memory_space<vmem>>, vector<16xi32>,
    %add3A_518 = arith.addi %add3A_515, %get3A_517 : vector<16xi32>
    %get3A_519 = arith.constant 1440 : index
    %get3A_520 = tpu.vector_load %arg26[%get3A_519] {strides = array<i32>} : memref<4096xi32, #tpu.memory_space<vmem>>, vector<16xi32>,
    %add3A_521 = arith.addi %add3A_518, %get3A_520 : vector<16xi32>
    %get3A_522 = arith.constant 1696 : index
    %get3A_523 = tpu.vector_load %arg26[%get3A_522] {strides = array<i32>} : memref<4096xi32, #tpu.memory_space<vmem>>, vector<16xi32>,
    %add3A_524 = arith.addi %add3A_521, %get3A_523 : vector<16xi32>
    %get3A_525 = arith.constant 1952 : index
    %get3A_526 = tpu.vector_load %arg26[%get3A_525] {strides = array<i32>} : memref<4096xi32, #tpu.memory_space<vmem>>, vector<16xi32>,
    %add3A_527 = arith.addi %add3A_524, %get3A_526 : vector<16xi32>
    %get3A_528 = arith.constant 2208 : index
    %get3A_529 = tpu.vector_load %arg26[%get3A_528] {strides = array<i32>} : memref<4096xi32, #tpu.memory_space<vmem>>, vector<16xi32>,
    %add3A_530 = arith.addi %add3A_527, %get3A_529 : vector<16xi32>
    %get3A_531 = arith.constant 2464 : index
    %get3A_532 = tpu.vector_load %arg26[%get3A_531] {strides = array<i32>} : memref<4096xi32, #tpu.memory_space<vmem>>, vector<16xi32>,
    %add3A_533 = arith.addi %add3A_530, %get3A_532 : vector<16xi32>
    %get3A_534 = arith.constant 2720 : index
    %get3A_535 = tpu.vector_load %arg26[%get3A_534] {strides = array<i32>} : memref<4096xi32, #tpu.memory_space<vmem>>, vector<16xi32>,
    %add3A_536 = arith.addi %add3A_533, %get3A_535 : vector<16xi32>
    %get3A_537 = arith.constant 2976 : index
    %get3A_538 = tpu.vector_load %arg26[%get3A_537] {strides = array<i32>} : memref<4096xi32, #tpu.memory_space<vmem>>, vector<16xi32>,
    %add3A_539 = arith.addi %add3A_536, %get3A_538 : vector<16xi32>
    %get3A_540 = arith.constant 3232 : index
    %get3A_541 = tpu.vector_load %arg26[%get3A_540] {strides = array<i32>} : memref<4096xi32, #tpu.memory_space<vmem>>, vector<16xi32>,
    %add3A_542 = arith.addi %add3A_539, %get3A_541 : vector<16xi32>
    %get3A_543 = arith.constant 3488 : index
    %get3A_544 = tpu.vector_load %arg26[%get3A_543] {strides = array<i32>} : memref<4096xi32, #tpu.memory_space<vmem>>, vector<16xi32>,
    %add3A_545 = arith.addi %add3A_542, %get3A_544 : vector<16xi32>
    %get3A_546 = arith.constant 3744 : index
    %get3A_547 = tpu.vector_load %arg26[%get3A_546] {strides = array<i32>} : memref<4096xi32, #tpu.memory_space<vmem>>, vector<16xi32>,
    %add3A_548 = arith.addi %add3A_545, %get3A_547 : vector<16xi32>
    %get3A_549 = arith.constant 4000 : index
    %get3A_550 = tpu.vector_load %arg26[%get3A_549] {strides = array<i32>} : memref<4096xi32, #tpu.memory_space<vmem>>, vector<16xi32>,
    %add3A_551 = arith.addi %add3A_548, %get3A_550 : vector<16xi32>
    %swap3A_552 = arith.constant 160 : index
    %swap3A_553 = tpu.vector_load %arg27[%swap3A_552] {strides = array<i32>} : memref<256xi32, #tpu.memory_space<vmem>>, vector<16xi32>,
    tpu.vector_store %arg27[%swap3A_552], %add3A_551 {strides = array<i32>} : memref<256xi32, #tpu.memory_space<vmem>>, vector<16xi32>,
    %get3A_554 = arith.constant 176 : index
    %get3A_555 = tpu.vector_load %arg26[%get3A_554] {strides = array<i32>} : memref<4096xi32, #tpu.memory_space<vmem>>, vector<16xi32>,
    %get3A_556 = arith.constant 432 : index
    %get3A_557 = tpu.vector_load %arg26[%get3A_556] {strides = array<i32>} : memref<4096xi32, #tpu.memory_space<vmem>>, vector<16xi32>,
    %add3A_558 = arith.addi %get3A_555, %get3A_557 : vector<16xi32>
    %get3A_559 = arith.constant 688 : index
    %get3A_560 = tpu.vector_load %arg26[%get3A_559] {strides = array<i32>} : memref<4096xi32, #tpu.memory_space<vmem>>, vector<16xi32>,
    %add3A_561 = arith.addi %add3A_558, %get3A_560 : vector<16xi32>
    %get3A_562 = arith.constant 944 : index
    %get3A_563 = tpu.vector_load %arg26[%get3A_562] {strides = array<i32>} : memref<4096xi32, #tpu.memory_space<vmem>>, vector<16xi32>,
    %add3A_564 = arith.addi %add3A_561, %get3A_563 : vector<16xi32>
    %get3A_565 = arith.constant 1200 : index
    %get3A_566 = tpu.vector_load %arg26[%get3A_565] {strides = array<i32>} : memref<4096xi32, #tpu.memory_space<vmem>>, vector<16xi32>,
    %add3A_567 = arith.addi %add3A_564, %get3A_566 : vector<16xi32>
    %get3A_568 = arith.constant 1456 : index
    %get3A_569 = tpu.vector_load %arg26[%get3A_568] {strides = array<i32>} : memref<4096xi32, #tpu.memory_space<vmem>>, vector<16xi32>,
    %add3A_570 = arith.addi %add3A_567, %get3A_569 : vector<16xi32>
    %get3A_571 = arith.constant 1712 : index
    %get3A_572 = tpu.vector_load %arg26[%get3A_571] {strides = array<i32>} : memref<4096xi32, #tpu.memory_space<vmem>>, vector<16xi32>,
    %add3A_573 = arith.addi %add3A_570, %get3A_572 : vector<16xi32>
    %get3A_574 = arith.constant 1968 : index
    %get3A_575 = tpu.vector_load %arg26[%get3A_574] {strides = array<i32>} : memref<4096xi32, #tpu.memory_space<vmem>>, vector<16xi32>,
    %add3A_576 = arith.addi %add3A_573, %get3A_575 : vector<16xi32>
    %get3A_577 = arith.constant 2224 : index
    %get3A_578 = tpu.vector_load %arg26[%get3A_577] {strides = array<i32>} : memref<4096xi32, #tpu.memory_space<vmem>>, vector<16xi32>,
    %add3A_579 = arith.addi %add3A_576, %get3A_578 : vector<16xi32>
    %get3A_580 = arith.constant 2480 : index
    %get3A_581 = tpu.vector_load %arg26[%get3A_580] {strides = array<i32>} : memref<4096xi32, #tpu.memory_space<vmem>>, vector<16xi32>,
    %add3A_582 = arith.addi %add3A_579, %get3A_581 : vector<16xi32>
    %get3A_583 = arith.constant 2736 : index
    %get3A_584 = tpu.vector_load %arg26[%get3A_583] {strides = array<i32>} : memref<4096xi32, #tpu.memory_space<vmem>>, vector<16xi32>,
    %add3A_585 = arith.addi %add3A_582, %get3A_584 : vector<16xi32>
    %get3A_586 = arith.constant 2992 : index
    %get3A_587 = tpu.vector_load %arg26[%get3A_586] {strides = array<i32>} : memref<4096xi32, #tpu.memory_space<vmem>>, vector<16xi32>,
    %add3A_588 = arith.addi %add3A_585, %get3A_587 : vector<16xi32>
    %get3A_589 = arith.constant 3248 : index
    %get3A_590 = tpu.vector_load %arg26[%get3A_589] {strides = array<i32>} : memref<4096xi32, #tpu.memory_space<vmem>>, vector<16xi32>,
    %add3A_591 = arith.addi %add3A_588, %get3A_590 : vector<16xi32>
    %get3A_592 = arith.constant 3504 : index
    %get3A_593 = tpu.vector_load %arg26[%get3A_592] {strides = array<i32>} : memref<4096xi32, #tpu.memory_space<vmem>>, vector<16xi32>,
    %add3A_594 = arith.addi %add3A_591, %get3A_593 : vector<16xi32>
    %get3A_595 = arith.constant 3760 : index
    %get3A_596 = tpu.vector_load %arg26[%get3A_595] {strides = array<i32>} : memref<4096xi32, #tpu.memory_space<vmem>>, vector<16xi32>,
    %add3A_597 = arith.addi %add3A_594, %get3A_596 : vector<16xi32>
    %get3A_598 = arith.constant 4016 : index
    %get3A_599 = tpu.vector_load %arg26[%get3A_598] {strides = array<i32>} : memref<4096xi32, #tpu.memory_space<vmem>>, vector<16xi32>,
    %add3A_600 = arith.addi %add3A_597, %get3A_599 : vector<16xi32>
    %swap3A_601 = arith.constant 176 : index
    %swap3A_602 = tpu.vector_load %arg27[%swap3A_601] {strides = array<i32>} : memref<256xi32, #tpu.memory_space<vmem>>, vector<16xi32>,
    tpu.vector_store %arg27[%swap3A_601], %add3A_600 {strides = array<i32>} : memref<256xi32, #tpu.memory_space<vmem>>, vector<16xi32>,
    %get3A_603 = arith.constant 192 : index
    %get3A_604 = tpu.vector_load %arg26[%get3A_603] {strides = array<i32>} : memref<4096xi32, #tpu.memory_space<vmem>>, vector<16xi32>,
    %get3A_605 = arith.constant 448 : index
    %get3A_606 = tpu.vector_load %arg26[%get3A_605] {strides = array<i32>} : memref<4096xi32, #tpu.memory_space<vmem>>, vector<16xi32>,
    %add3A_607 = arith.addi %get3A_604, %get3A_606 : vector<16xi32>
    %get3A_608 = arith.constant 704 : index
    %get3A_609 = tpu.vector_load %arg26[%get3A_608] {strides = array<i32>} : memref<4096xi32, #tpu.memory_space<vmem>>, vector<16xi32>,
    %add3A_610 = arith.addi %add3A_607, %get3A_609 : vector<16xi32>
    %get3A_611 = arith.constant 960 : index
    %get3A_612 = tpu.vector_load %arg26[%get3A_611] {strides = array<i32>} : memref<4096xi32, #tpu.memory_space<vmem>>, vector<16xi32>,
    %add3A_613 = arith.addi %add3A_610, %get3A_612 : vector<16xi32>
    %get3A_614 = arith.constant 1216 : index
    %get3A_615 = tpu.vector_load %arg26[%get3A_614] {strides = array<i32>} : memref<4096xi32, #tpu.memory_space<vmem>>, vector<16xi32>,
    %add3A_616 = arith.addi %add3A_613, %get3A_615 : vector<16xi32>
    %get3A_617 = arith.constant 1472 : index
    %get3A_618 = tpu.vector_load %arg26[%get3A_617] {strides = array<i32>} : memref<4096xi32, #tpu.memory_space<vmem>>, vector<16xi32>,
    %add3A_619 = arith.addi %add3A_616, %get3A_618 : vector<16xi32>
    %get3A_620 = arith.constant 1728 : index
    %get3A_621 = tpu.vector_load %arg26[%get3A_620] {strides = array<i32>} : memref<4096xi32, #tpu.memory_space<vmem>>, vector<16xi32>,
    %add3A_622 = arith.addi %add3A_619, %get3A_621 : vector<16xi32>
    %get3A_623 = arith.constant 1984 : index
    %get3A_624 = tpu.vector_load %arg26[%get3A_623] {strides = array<i32>} : memref<4096xi32, #tpu.memory_space<vmem>>, vector<16xi32>,
    %add3A_625 = arith.addi %add3A_622, %get3A_624 : vector<16xi32>
    %get3A_626 = arith.constant 2240 : index
    %get3A_627 = tpu.vector_load %arg26[%get3A_626] {strides = array<i32>} : memref<4096xi32, #tpu.memory_space<vmem>>, vector<16xi32>,
    %add3A_628 = arith.addi %add3A_625, %get3A_627 : vector<16xi32>
    %get3A_629 = arith.constant 2496 : index
    %get3A_630 = tpu.vector_load %arg26[%get3A_629] {strides = array<i32>} : memref<4096xi32, #tpu.memory_space<vmem>>, vector<16xi32>,
    %add3A_631 = arith.addi %add3A_628, %get3A_630 : vector<16xi32>
    %get3A_632 = arith.constant 2752 : index
    %get3A_633 = tpu.vector_load %arg26[%get3A_632] {strides = array<i32>} : memref<4096xi32, #tpu.memory_space<vmem>>, vector<16xi32>,
    %add3A_634 = arith.addi %add3A_631, %get3A_633 : vector<16xi32>
    %get3A_635 = arith.constant 3008 : index
    %get3A_636 = tpu.vector_load %arg26[%get3A_635] {strides = array<i32>} : memref<4096xi32, #tpu.memory_space<vmem>>, vector<16xi32>,
    %add3A_637 = arith.addi %add3A_634, %get3A_636 : vector<16xi32>
    %get3A_638 = arith.constant 3264 : index
    %get3A_639 = tpu.vector_load %arg26[%get3A_638] {strides = array<i32>} : memref<4096xi32, #tpu.memory_space<vmem>>, vector<16xi32>,
    %add3A_640 = arith.addi %add3A_637, %get3A_639 : vector<16xi32>
    %get3A_641 = arith.constant 3520 : index
    %get3A_642 = tpu.vector_load %arg26[%get3A_641] {strides = array<i32>} : memref<4096xi32, #tpu.memory_space<vmem>>, vector<16xi32>,
    %add3A_643 = arith.addi %add3A_640, %get3A_642 : vector<16xi32>
    %get3A_644 = arith.constant 3776 : index
    %get3A_645 = tpu.vector_load %arg26[%get3A_644] {strides = array<i32>} : memref<4096xi32, #tpu.memory_space<vmem>>, vector<16xi32>,
    %add3A_646 = arith.addi %add3A_643, %get3A_645 : vector<16xi32>
    %get3A_647 = arith.constant 4032 : index
    %get3A_648 = tpu.vector_load %arg26[%get3A_647] {strides = array<i32>} : memref<4096xi32, #tpu.memory_space<vmem>>, vector<16xi32>,
    %add3A_649 = arith.addi %add3A_646, %get3A_648 : vector<16xi32>
    %swap3A_650 = arith.constant 192 : index
    %swap3A_651 = tpu.vector_load %arg27[%swap3A_650] {strides = array<i32>} : memref<256xi32, #tpu.memory_space<vmem>>, vector<16xi32>,
    tpu.vector_store %arg27[%swap3A_650], %add3A_649 {strides = array<i32>} : memref<256xi32, #tpu.memory_space<vmem>>, vector<16xi32>,
    %get3A_652 = arith.constant 208 : index
    %get3A_653 = tpu.vector_load %arg26[%get3A_652] {strides = array<i32>} : memref<4096xi32, #tpu.memory_space<vmem>>, vector<16xi32>,
    %get3A_654 = arith.constant 464 : index
    %get3A_655 = tpu.vector_load %arg26[%get3A_654] {strides = array<i32>} : memref<4096xi32, #tpu.memory_space<vmem>>, vector<16xi32>,
    %add3A_656 = arith.addi %get3A_653, %get3A_655 : vector<16xi32>
    %get3A_657 = arith.constant 720 : index
    %get3A_658 = tpu.vector_load %arg26[%get3A_657] {strides = array<i32>} : memref<4096xi32, #tpu.memory_space<vmem>>, vector<16xi32>,
    %add3A_659 = arith.addi %add3A_656, %get3A_658 : vector<16xi32>
    %get3A_660 = arith.constant 976 : index
    %get3A_661 = tpu.vector_load %arg26[%get3A_660] {strides = array<i32>} : memref<4096xi32, #tpu.memory_space<vmem>>, vector<16xi32>,
    %add3A_662 = arith.addi %add3A_659, %get3A_661 : vector<16xi32>
    %get3A_663 = arith.constant 1232 : index
    %get3A_664 = tpu.vector_load %arg26[%get3A_663] {strides = array<i32>} : memref<4096xi32, #tpu.memory_space<vmem>>, vector<16xi32>,
    %add3A_665 = arith.addi %add3A_662, %get3A_664 : vector<16xi32>
    %get3A_666 = arith.constant 1488 : index
    %get3A_667 = tpu.vector_load %arg26[%get3A_666] {strides = array<i32>} : memref<4096xi32, #tpu.memory_space<vmem>>, vector<16xi32>,
    %add3A_668 = arith.addi %add3A_665, %get3A_667 : vector<16xi32>
    %get3A_669 = arith.constant 1744 : index
    %get3A_670 = tpu.vector_load %arg26[%get3A_669] {strides = array<i32>} : memref<4096xi32, #tpu.memory_space<vmem>>, vector<16xi32>,
    %add3A_671 = arith.addi %add3A_668, %get3A_670 : vector<16xi32>
    %get3A_672 = arith.constant 2000 : index
    %get3A_673 = tpu.vector_load %arg26[%get3A_672] {strides = array<i32>} : memref<4096xi32, #tpu.memory_space<vmem>>, vector<16xi32>,
    %add3A_674 = arith.addi %add3A_671, %get3A_673 : vector<16xi32>
    %get3A_675 = arith.constant 2256 : index
    %get3A_676 = tpu.vector_load %arg26[%get3A_675] {strides = array<i32>} : memref<4096xi32, #tpu.memory_space<vmem>>, vector<16xi32>,
    %add3A_677 = arith.addi %add3A_674, %get3A_676 : vector<16xi32>
    %get3A_678 = arith.constant 2512 : index
    %get3A_679 = tpu.vector_load %arg26[%get3A_678] {strides = array<i32>} : memref<4096xi32, #tpu.memory_space<vmem>>, vector<16xi32>,
    %add3A_680 = arith.addi %add3A_677, %get3A_679 : vector<16xi32>
    %get3A_681 = arith.constant 2768 : index
    %get3A_682 = tpu.vector_load %arg26[%get3A_681] {strides = array<i32>} : memref<4096xi32, #tpu.memory_space<vmem>>, vector<16xi32>,
    %add3A_683 = arith.addi %add3A_680, %get3A_682 : vector<16xi32>
    %get3A_684 = arith.constant 3024 : index
    %get3A_685 = tpu.vector_load %arg26[%get3A_684] {strides = array<i32>} : memref<4096xi32, #tpu.memory_space<vmem>>, vector<16xi32>,
    %add3A_686 = arith.addi %add3A_683, %get3A_685 : vector<16xi32>
    %get3A_687 = arith.constant 3280 : index
    %get3A_688 = tpu.vector_load %arg26[%get3A_687] {strides = array<i32>} : memref<4096xi32, #tpu.memory_space<vmem>>, vector<16xi32>,
    %add3A_689 = arith.addi %add3A_686, %get3A_688 : vector<16xi32>
    %get3A_690 = arith.constant 3536 : index
    %get3A_691 = tpu.vector_load %arg26[%get3A_690] {strides = array<i32>} : memref<4096xi32, #tpu.memory_space<vmem>>, vector<16xi32>,
    %add3A_692 = arith.addi %add3A_689, %get3A_691 : vector<16xi32>
    %get3A_693 = arith.constant 3792 : index
    %get3A_694 = tpu.vector_load %arg26[%get3A_693] {strides = array<i32>} : memref<4096xi32, #tpu.memory_space<vmem>>, vector<16xi32>,
    %add3A_695 = arith.addi %add3A_692, %get3A_694 : vector<16xi32>
    %get3A_696 = arith.constant 4048 : index
    %get3A_697 = tpu.vector_load %arg26[%get3A_696] {strides = array<i32>} : memref<4096xi32, #tpu.memory_space<vmem>>, vector<16xi32>,
    %add3A_698 = arith.addi %add3A_695, %get3A_697 : vector<16xi32>
    %swap3A_699 = arith.constant 208 : index
    %swap3A_700 = tpu.vector_load %arg27[%swap3A_699] {strides = array<i32>} : memref<256xi32, #tpu.memory_space<vmem>>, vector<16xi32>,
    tpu.vector_store %arg27[%swap3A_699], %add3A_698 {strides = array<i32>} : memref<256xi32, #tpu.memory_space<vmem>>, vector<16xi32>,
    %get3A_701 = arith.constant 224 : index
    %get3A_702 = tpu.vector_load %arg26[%get3A_701] {strides = array<i32>} : memref<4096xi32, #tpu.memory_space<vmem>>, vector<16xi32>,
    %get3A_703 = arith.constant 480 : index
    %get3A_704 = tpu.vector_load %arg26[%get3A_703] {strides = array<i32>} : memref<4096xi32, #tpu.memory_space<vmem>>, vector<16xi32>,
    %add3A_705 = arith.addi %get3A_702, %get3A_704 : vector<16xi32>
    %get3A_706 = arith.constant 736 : index
    %get3A_707 = tpu.vector_load %arg26[%get3A_706] {strides = array<i32>} : memref<4096xi32, #tpu.memory_space<vmem>>, vector<16xi32>,
    %add3A_708 = arith.addi %add3A_705, %get3A_707 : vector<16xi32>
    %get3A_709 = arith.constant 992 : index
    %get3A_710 = tpu.vector_load %arg26[%get3A_709] {strides = array<i32>} : memref<4096xi32, #tpu.memory_space<vmem>>, vector<16xi32>,
    %add3A_711 = arith.addi %add3A_708, %get3A_710 : vector<16xi32>
    %get3A_712 = arith.constant 1248 : index
    %get3A_713 = tpu.vector_load %arg26[%get3A_712] {strides = array<i32>} : memref<4096xi32, #tpu.memory_space<vmem>>, vector<16xi32>,
    %add3A_714 = arith.addi %add3A_711, %get3A_713 : vector<16xi32>
    %get3A_715 = arith.constant 1504 : index
    %get3A_716 = tpu.vector_load %arg26[%get3A_715] {strides = array<i32>} : memref<4096xi32, #tpu.memory_space<vmem>>, vector<16xi32>,
    %add3A_717 = arith.addi %add3A_714, %get3A_716 : vector<16xi32>
    %get3A_718 = arith.constant 1760 : index
    %get3A_719 = tpu.vector_load %arg26[%get3A_718] {strides = array<i32>} : memref<4096xi32, #tpu.memory_space<vmem>>, vector<16xi32>,
    %add3A_720 = arith.addi %add3A_717, %get3A_719 : vector<16xi32>
    %get3A_721 = arith.constant 2016 : index
    %get3A_722 = tpu.vector_load %arg26[%get3A_721] {strides = array<i32>} : memref<4096xi32, #tpu.memory_space<vmem>>, vector<16xi32>,
    %add3A_723 = arith.addi %add3A_720, %get3A_722 : vector<16xi32>
    %get3A_724 = arith.constant 2272 : index
    %get3A_725 = tpu.vector_load %arg26[%get3A_724] {strides = array<i32>} : memref<4096xi32, #tpu.memory_space<vmem>>, vector<16xi32>,
    %add3A_726 = arith.addi %add3A_723, %get3A_725 : vector<16xi32>
    %get3A_727 = arith.constant 2528 : index
    %get3A_728 = tpu.vector_load %arg26[%get3A_727] {strides = array<i32>} : memref<4096xi32, #tpu.memory_space<vmem>>, vector<16xi32>,
    %add3A_729 = arith.addi %add3A_726, %get3A_728 : vector<16xi32>
    %get3A_730 = arith.constant 2784 : index
    %get3A_731 = tpu.vector_load %arg26[%get3A_730] {strides = array<i32>} : memref<4096xi32, #tpu.memory_space<vmem>>, vector<16xi32>,
    %add3A_732 = arith.addi %add3A_729, %get3A_731 : vector<16xi32>
    %get3A_733 = arith.constant 3040 : index
    %get3A_734 = tpu.vector_load %arg26[%get3A_733] {strides = array<i32>} : memref<4096xi32, #tpu.memory_space<vmem>>, vector<16xi32>,
    %add3A_735 = arith.addi %add3A_732, %get3A_734 : vector<16xi32>
    %get3A_736 = arith.constant 3296 : index
    %get3A_737 = tpu.vector_load %arg26[%get3A_736] {strides = array<i32>} : memref<4096xi32, #tpu.memory_space<vmem>>, vector<16xi32>,
    %add3A_738 = arith.addi %add3A_735, %get3A_737 : vector<16xi32>
    %get3A_739 = arith.constant 3552 : index
    %get3A_740 = tpu.vector_load %arg26[%get3A_739] {strides = array<i32>} : memref<4096xi32, #tpu.memory_space<vmem>>, vector<16xi32>,
    %add3A_741 = arith.addi %add3A_738, %get3A_740 : vector<16xi32>
    %get3A_742 = arith.constant 3808 : index
    %get3A_743 = tpu.vector_load %arg26[%get3A_742] {strides = array<i32>} : memref<4096xi32, #tpu.memory_space<vmem>>, vector<16xi32>,
    %add3A_744 = arith.addi %add3A_741, %get3A_743 : vector<16xi32>
    %get3A_745 = arith.constant 4064 : index
    %get3A_746 = tpu.vector_load %arg26[%get3A_745] {strides = array<i32>} : memref<4096xi32, #tpu.memory_space<vmem>>, vector<16xi32>,
    %add3A_747 = arith.addi %add3A_744, %get3A_746 : vector<16xi32>
    %swap3A_748 = arith.constant 224 : index
    %swap3A_749 = tpu.vector_load %arg27[%swap3A_748] {strides = array<i32>} : memref<256xi32, #tpu.memory_space<vmem>>, vector<16xi32>,
    tpu.vector_store %arg27[%swap3A_748], %add3A_747 {strides = array<i32>} : memref<256xi32, #tpu.memory_space<vmem>>, vector<16xi32>,
    %get3A_750 = arith.constant 240 : index
    %get3A_751 = tpu.vector_load %arg26[%get3A_750] {strides = array<i32>} : memref<4096xi32, #tpu.memory_space<vmem>>, vector<16xi32>,
    %get3A_752 = arith.constant 496 : index
    %get3A_753 = tpu.vector_load %arg26[%get3A_752] {strides = array<i32>} : memref<4096xi32, #tpu.memory_space<vmem>>, vector<16xi32>,
    %add3A_754 = arith.addi %get3A_751, %get3A_753 : vector<16xi32>
    %get3A_755 = arith.constant 752 : index
    %get3A_756 = tpu.vector_load %arg26[%get3A_755] {strides = array<i32>} : memref<4096xi32, #tpu.memory_space<vmem>>, vector<16xi32>,
    %add3A_757 = arith.addi %add3A_754, %get3A_756 : vector<16xi32>
    %get3A_758 = arith.constant 1008 : index
    %get3A_759 = tpu.vector_load %arg26[%get3A_758] {strides = array<i32>} : memref<4096xi32, #tpu.memory_space<vmem>>, vector<16xi32>,
    %add3A_760 = arith.addi %add3A_757, %get3A_759 : vector<16xi32>
    %get3A_761 = arith.constant 1264 : index
    %get3A_762 = tpu.vector_load %arg26[%get3A_761] {strides = array<i32>} : memref<4096xi32, #tpu.memory_space<vmem>>, vector<16xi32>,
    %add3A_763 = arith.addi %add3A_760, %get3A_762 : vector<16xi32>
    %get3A_764 = arith.constant 1520 : index
    %get3A_765 = tpu.vector_load %arg26[%get3A_764] {strides = array<i32>} : memref<4096xi32, #tpu.memory_space<vmem>>, vector<16xi32>,
    %add3A_766 = arith.addi %add3A_763, %get3A_765 : vector<16xi32>
    %get3A_767 = arith.constant 1776 : index
    %get3A_768 = tpu.vector_load %arg26[%get3A_767] {strides = array<i32>} : memref<4096xi32, #tpu.memory_space<vmem>>, vector<16xi32>,
    %add3A_769 = arith.addi %add3A_766, %get3A_768 : vector<16xi32>
    %get3A_770 = arith.constant 2032 : index
    %get3A_771 = tpu.vector_load %arg26[%get3A_770] {strides = array<i32>} : memref<4096xi32, #tpu.memory_space<vmem>>, vector<16xi32>,
    %add3A_772 = arith.addi %add3A_769, %get3A_771 : vector<16xi32>
    %get3A_773 = arith.constant 2288 : index
    %get3A_774 = tpu.vector_load %arg26[%get3A_773] {strides = array<i32>} : memref<4096xi32, #tpu.memory_space<vmem>>, vector<16xi32>,
    %add3A_775 = arith.addi %add3A_772, %get3A_774 : vector<16xi32>
    %get3A_776 = arith.constant 2544 : index
    %get3A_777 = tpu.vector_load %arg26[%get3A_776] {strides = array<i32>} : memref<4096xi32, #tpu.memory_space<vmem>>, vector<16xi32>,
    %add3A_778 = arith.addi %add3A_775, %get3A_777 : vector<16xi32>
    %get3A_779 = arith.constant 2800 : index
    %get3A_780 = tpu.vector_load %arg26[%get3A_779] {strides = array<i32>} : memref<4096xi32, #tpu.memory_space<vmem>>, vector<16xi32>,
    %add3A_781 = arith.addi %add3A_778, %get3A_780 : vector<16xi32>
    %get3A_782 = arith.constant 3056 : index
    %get3A_783 = tpu.vector_load %arg26[%get3A_782] {strides = array<i32>} : memref<4096xi32, #tpu.memory_space<vmem>>, vector<16xi32>,
    %add3A_784 = arith.addi %add3A_781, %get3A_783 : vector<16xi32>
    %get3A_785 = arith.constant 3312 : index
    %get3A_786 = tpu.vector_load %arg26[%get3A_785] {strides = array<i32>} : memref<4096xi32, #tpu.memory_space<vmem>>, vector<16xi32>,
    %add3A_787 = arith.addi %add3A_784, %get3A_786 : vector<16xi32>
    %get3A_788 = arith.constant 3568 : index
    %get3A_789 = tpu.vector_load %arg26[%get3A_788] {strides = array<i32>} : memref<4096xi32, #tpu.memory_space<vmem>>, vector<16xi32>,
    %add3A_790 = arith.addi %add3A_787, %get3A_789 : vector<16xi32>
    %get3A_791 = arith.constant 3824 : index
    %get3A_792 = tpu.vector_load %arg26[%get3A_791] {strides = array<i32>} : memref<4096xi32, #tpu.memory_space<vmem>>, vector<16xi32>,
    %add3A_793 = arith.addi %add3A_790, %get3A_792 : vector<16xi32>
    %get3A_794 = arith.constant 4080 : index
    %get3A_795 = tpu.vector_load %arg26[%get3A_794] {strides = array<i32>} : memref<4096xi32, #tpu.memory_space<vmem>>, vector<16xi32>,
    %add3A_796 = arith.addi %add3A_793, %get3A_795 : vector<16xi32>
    %swap3A_797 = arith.constant 240 : index
    %swap3A_798 = tpu.vector_load %arg27[%swap3A_797] {strides = array<i32>} : memref<256xi32, #tpu.memory_space<vmem>>, vector<16xi32>,
    tpu.vector_store %arg27[%swap3A_797], %add3A_796 {strides = array<i32>} : memref<256xi32, #tpu.memory_space<vmem>>, vector<16xi32>,
    "tpu.region"() ({
      %run_scoped3A = tpu.sem_alloc : memref<!tpu.dma_semaphore, #tpu.memory_space<semaphore_mem>>
      %dma_start3A = arith.constant 0 : i32
      %dma_start3A_1595 = tpu.memref_slice %arg11[%add3A, %dma_start3A] : memref<32x256xi32, #tpu.memory_space<hbm>> -> memref<1x256xi32, #tpu.memory_space<hbm>>
      %dma_start3A_1596 = tpu.memref_squeeze %dma_start3A_1595 : memref<1x256xi32, #tpu.memory_space<hbm>> -> memref<256xi32, #tpu.memory_space<hbm>>
      %dma_start3A_1597 = arith.constant 0 : i32
      %dma_start3A_1598 = tpu.memref_slice %arg11[%add3A, %dma_start3A_1597] : memref<32x256xi32, #tpu.memory_space<hbm>> -> memref<1x256xi32, #tpu.memory_space<hbm>>
      %dma_start3A_1599 = tpu.memref_squeeze %dma_start3A_1598 : memref<1x256xi32, #tpu.memory_space<hbm>> -> memref<256xi32, #tpu.memory_space<hbm>>
      tpu.enqueue_dma source(%arg27 : memref<256xi32, #tpu.memory_space<vmem>>) target(%dma_start3A_1599 : memref<256xi32, #tpu.memory_space<hbm>>) target_semaphore(%run_scoped3A : memref<!tpu.dma_semaphore, #tpu.memory_space<semaphore_mem>>)
      %dma_wait3A = arith.constant 0 : i32
      %dma_wait3A_1600 = tpu.memref_slice %arg11[%add3A, %dma_wait3A] : memref<32x256xi32, #tpu.memory_space<hbm>> -> memref<1x256xi32, #tpu.memory_space<hbm>>
      %dma_wait3A_1601 = tpu.memref_squeeze %dma_wait3A_1600 : memref<1x256xi32, #tpu.memory_space<hbm>> -> memref<256xi32, #tpu.memory_space<hbm>>
      %dma_wait3A_1602 = arith.constant 0 : i32
      %dma_wait3A_1603 = tpu.memref_slice %arg11[%add3A, %dma_wait3A_1602] : memref<32x256xi32, #tpu.memory_space<hbm>> -> memref<1x256xi32, #tpu.memory_space<hbm>>
      %dma_wait3A_1604 = tpu.memref_squeeze %dma_wait3A_1603 : memref<1x256xi32, #tpu.memory_space<hbm>> -> memref<256xi32, #tpu.memory_space<hbm>>
      tpu.wait_dma2 semaphore(%run_scoped3A : memref<!tpu.dma_semaphore, #tpu.memory_space<semaphore_mem>>) src(%arg27 : memref<256xi32, #tpu.memory_space<vmem>>) dst(%dma_wait3A_1604 : memref<256xi32, #tpu.memory_space<hbm>>)
      tpu.yield
    }) : () -> ()
    "tpu.region"() ({
      %run_scoped3A = tpu.sem_alloc : memref<!tpu.dma_semaphore, #tpu.memory_space<semaphore_mem>>
      tpu.enqueue_dma source(%arg8 : memref<4096xi32, #tpu.memory_space<hbm>>) target(%arg26 : memref<4096xi32, #tpu.memory_space<vmem>>) target_semaphore(%run_scoped3A : memref<!tpu.dma_semaphore, #tpu.memory_space<semaphore_mem>>)
      tpu.wait_dma2 semaphore(%run_scoped3A : memref<!tpu.dma_semaphore, #tpu.memory_space<semaphore_mem>>) src(%arg8 : memref<4096xi32, #tpu.memory_space<hbm>>) dst(%arg26 : memref<4096xi32, #tpu.memory_space<vmem>>)
      tpu.yield
    }) : () -> ()
    %scan3A_799 = arith.constant 0 : i32
    %scan3A_800 = arith.constant 0 : i32
    %scan3A_801 = arith.constant 16 : i32
    %scan3A_802 = arith.addi %scan3A_800, %scan3A_801 : i32
    %scan3A_803 = arith.constant 1 : i32
    scf.for %scan3A_1595 = %scan3A_800 to %scan3A_802 step %scan3A_803  : i32 {
      %mul3A_1596 = arith.constant 32 : i32
      %mul3A_1597 = arith.muli %scan3A_1595, %mul3A_1596 : i32
      %add3A_1598 = arith.addi %mul3A_1597, %add3A : i32
      %lt3A = arith.constant 500 : i32
      %lt3A_1599 = arith.cmpi slt, %add3A_1598, %lt3A : i32
      %convert_element_type3A_1600 = arith.extui %lt3A_1599 : i1 to i32
      %cond3A_1601 = arith.constant 0 : i32
      %cond3A_1602 = arith.cmpi ne, %convert_element_type3A_1600, %cond3A_1601 : i32
      scf.if %cond3A_1602 {
        %mul3A_1603 = arith.constant 200 : i32
        %mul3A_1604 = arith.muli %add3A_1598, %mul3A_1603 : i32
        %multiple_of3A = tpu.assume_multiple %mul3A_1604, 200 : i32
        %dma_start3A = tpu.memref_slice %arg5[%multiple_of3A] : memref<100000xi32, #tpu.memory_space<hbm>> -> memref<200xi32, #tpu.memory_space<hbm>>
        %dma_start3A_1605 = tpu.memref_slice %arg5[%multiple_of3A] : memref<100000xi32, #tpu.memory_space<hbm>> -> memref<200xi32, #tpu.memory_space<hbm>>
        tpu.enqueue_dma source(%dma_start3A_1605 : memref<200xi32, #tpu.memory_space<hbm>>) target(%arg25 : memref<200xi32, #tpu.memory_space<vmem>>) target_semaphore(%arg28 : memref<!tpu.dma_semaphore, #tpu.memory_space<semaphore_mem>>)
        %dma_start3A_1606 = arith.constant 0 : i32
        %dma_start3A_1607 = tpu.memref_slice %arg4[%multiple_of3A, %dma_start3A_1606] : memref<100000x128xf32, #tpu.memory_space<hbm>> -> memref<200x128xf32, #tpu.memory_space<hbm>>
        %dma_start3A_1608 = arith.constant 0 : i32
        %dma_start3A_1609 = tpu.memref_slice %arg4[%multiple_of3A, %dma_start3A_1608] : memref<100000x128xf32, #tpu.memory_space<hbm>> -> memref<200x128xf32, #tpu.memory_space<hbm>>
        tpu.enqueue_dma source(%dma_start3A_1609 : memref<200x128xf32, #tpu.memory_space<hbm>>) target(%arg24 : memref<200x128xf32, #tpu.memory_space<vmem>>) target_semaphore(%arg30 : memref<!tpu.dma_semaphore, #tpu.memory_space<semaphore_mem>>)
        %dma_wait3A = tpu.memref_slice %arg5[%multiple_of3A] : memref<100000xi32, #tpu.memory_space<hbm>> -> memref<200xi32, #tpu.memory_space<hbm>>
        %dma_wait3A_1610 = tpu.memref_slice %arg5[%multiple_of3A] : memref<100000xi32, #tpu.memory_space<hbm>> -> memref<200xi32, #tpu.memory_space<hbm>>
        tpu.wait_dma2 semaphore(%arg28 : memref<!tpu.dma_semaphore, #tpu.memory_space<semaphore_mem>>) src(%dma_wait3A_1610 : memref<200xi32, #tpu.memory_space<hbm>>) dst(%arg25 : memref<200xi32, #tpu.memory_space<vmem>>)
        %dma_wait3A_1611 = arith.constant 0 : i32
        %dma_wait3A_1612 = tpu.memref_slice %arg4[%multiple_of3A, %dma_wait3A_1611] : memref<100000x128xf32, #tpu.memory_space<hbm>> -> memref<200x128xf32, #tpu.memory_space<hbm>>
        %dma_wait3A_1613 = arith.constant 0 : i32
        %dma_wait3A_1614 = tpu.memref_slice %arg4[%multiple_of3A, %dma_wait3A_1613] : memref<100000x128xf32, #tpu.memory_space<hbm>> -> memref<200x128xf32, #tpu.memory_space<hbm>>
        tpu.wait_dma2 semaphore(%arg30 : memref<!tpu.dma_semaphore, #tpu.memory_space<semaphore_mem>>) src(%dma_wait3A_1614 : memref<200x128xf32, #tpu.memory_space<hbm>>) dst(%arg24 : memref<200x128xf32, #tpu.memory_space<vmem>>)
        %dma_start3A_1615 = arith.constant 0 : i32
        %dma_start3A_1616 = arith.constant 0 : i32
        %dma_start3A_1617 = tpu.memref_slice %arg15[%dma_start3A_1615, %dma_start3A_1616] : memref<256x128xf32, #tpu.memory_space<vmem_shared>> -> memref<256x128xf32, #tpu.memory_space<vmem_shared>>
        tpu.enqueue_indirect_dma source(%arg24 : memref<200x128xf32, #tpu.memory_space<vmem>>) target(%dma_start3A_1617 : memref<256x128xf32, #tpu.memory_space<vmem_shared>>) offsets(%arg25 : memref<200xi32, #tpu.memory_space<vmem>>) semaphore(%arg34 : memref<!tpu.dma_semaphore, #tpu.memory_space<semaphore_mem>>) {add = true}
        %get3A_1618 = arith.constant 0 : index
        %get3A_1619 = tpu.vector_load %arg25[%get3A_1618] {strides = array<i32>} : memref<200xi32, #tpu.memory_space<vmem>>, vector<16xi32>,
        %add3A_1620 = arith.addi %mul3A_9, %get3A_1619 : vector<16xi32>
        tpu.vector_store_idx %arg26[%add3A_1620], %broadcast_in_dim3A_11 {add = true} : memref<4096xi32, #tpu.memory_space<vmem>>[vector<16xi32>], vector<16xi32>,
        %get3A_1621 = arith.constant 16 : index
        %get3A_1622 = tpu.vector_load %arg25[%get3A_1621] {strides = array<i32>} : memref<200xi32, #tpu.memory_space<vmem>>, vector<16xi32>,
        %add3A_1623 = arith.addi %mul3A_9, %get3A_1622 : vector<16xi32>
        tpu.vector_store_idx %arg26[%add3A_1623], %broadcast_in_dim3A_11 {add = true} : memref<4096xi32, #tpu.memory_space<vmem>>[vector<16xi32>], vector<16xi32>,
        %get3A_1624 = arith.constant 32 : index
        %get3A_1625 = tpu.vector_load %arg25[%get3A_1624] {strides = array<i32>} : memref<200xi32, #tpu.memory_space<vmem>>, vector<16xi32>,
        %add3A_1626 = arith.addi %mul3A_9, %get3A_1625 : vector<16xi32>
        tpu.vector_store_idx %arg26[%add3A_1626], %broadcast_in_dim3A_11 {add = true} : memref<4096xi32, #tpu.memory_space<vmem>>[vector<16xi32>], vector<16xi32>,
        %get3A_1627 = arith.constant 48 : index
        %get3A_1628 = tpu.vector_load %arg25[%get3A_1627] {strides = array<i32>} : memref<200xi32, #tpu.memory_space<vmem>>, vector<16xi32>,
        %add3A_1629 = arith.addi %mul3A_9, %get3A_1628 : vector<16xi32>
        tpu.vector_store_idx %arg26[%add3A_1629], %broadcast_in_dim3A_11 {add = true} : memref<4096xi32, #tpu.memory_space<vmem>>[vector<16xi32>], vector<16xi32>,
        %get3A_1630 = arith.constant 64 : index
        %get3A_1631 = tpu.vector_load %arg25[%get3A_1630] {strides = array<i32>} : memref<200xi32, #tpu.memory_space<vmem>>, vector<16xi32>,
        %add3A_1632 = arith.addi %mul3A_9, %get3A_1631 : vector<16xi32>
        tpu.vector_store_idx %arg26[%add3A_1632], %broadcast_in_dim3A_11 {add = true} : memref<4096xi32, #tpu.memory_space<vmem>>[vector<16xi32>], vector<16xi32>,
        %get3A_1633 = arith.constant 80 : index
        %get3A_1634 = tpu.vector_load %arg25[%get3A_1633] {strides = array<i32>} : memref<200xi32, #tpu.memory_space<vmem>>, vector<16xi32>,
        %add3A_1635 = arith.addi %mul3A_9, %get3A_1634 : vector<16xi32>
        tpu.vector_store_idx %arg26[%add3A_1635], %broadcast_in_dim3A_11 {add = true} : memref<4096xi32, #tpu.memory_space<vmem>>[vector<16xi32>], vector<16xi32>,
        %get3A_1636 = arith.constant 96 : index
        %get3A_1637 = tpu.vector_load %arg25[%get3A_1636] {strides = array<i32>} : memref<200xi32, #tpu.memory_space<vmem>>, vector<16xi32>,
        %add3A_1638 = arith.addi %mul3A_9, %get3A_1637 : vector<16xi32>
        tpu.vector_store_idx %arg26[%add3A_1638], %broadcast_in_dim3A_11 {add = true} : memref<4096xi32, #tpu.memory_space<vmem>>[vector<16xi32>], vector<16xi32>,
        %get3A_1639 = arith.constant 112 : index
        %get3A_1640 = tpu.vector_load %arg25[%get3A_1639] {strides = array<i32>} : memref<200xi32, #tpu.memory_space<vmem>>, vector<16xi32>,
        %add3A_1641 = arith.addi %mul3A_9, %get3A_1640 : vector<16xi32>
        tpu.vector_store_idx %arg26[%add3A_1641], %broadcast_in_dim3A_11 {add = true} : memref<4096xi32, #tpu.memory_space<vmem>>[vector<16xi32>], vector<16xi32>,
        %get3A_1642 = arith.constant 128 : index
        %get3A_1643 = tpu.vector_load %arg25[%get3A_1642] {strides = array<i32>} : memref<200xi32, #tpu.memory_space<vmem>>, vector<16xi32>,
        %add3A_1644 = arith.addi %mul3A_9, %get3A_1643 : vector<16xi32>
        tpu.vector_store_idx %arg26[%add3A_1644], %broadcast_in_dim3A_11 {add = true} : memref<4096xi32, #tpu.memory_space<vmem>>[vector<16xi32>], vector<16xi32>,
        %get3A_1645 = arith.constant 144 : index
        %get3A_1646 = tpu.vector_load %arg25[%get3A_1645] {strides = array<i32>} : memref<200xi32, #tpu.memory_space<vmem>>, vector<16xi32>,
        %add3A_1647 = arith.addi %mul3A_9, %get3A_1646 : vector<16xi32>
        tpu.vector_store_idx %arg26[%add3A_1647], %broadcast_in_dim3A_11 {add = true} : memref<4096xi32, #tpu.memory_space<vmem>>[vector<16xi32>], vector<16xi32>,
        %get3A_1648 = arith.constant 160 : index
        %get3A_1649 = tpu.vector_load %arg25[%get3A_1648] {strides = array<i32>} : memref<200xi32, #tpu.memory_space<vmem>>, vector<16xi32>,
        %add3A_1650 = arith.addi %mul3A_9, %get3A_1649 : vector<16xi32>
        tpu.vector_store_idx %arg26[%add3A_1650], %broadcast_in_dim3A_11 {add = true} : memref<4096xi32, #tpu.memory_space<vmem>>[vector<16xi32>], vector<16xi32>,
        %get3A_1651 = arith.constant 176 : index
        %get3A_1652 = tpu.vector_load %arg25[%get3A_1651] {strides = array<i32>} : memref<200xi32, #tpu.memory_space<vmem>>, vector<16xi32>,
        %add3A_1653 = arith.addi %mul3A_9, %get3A_1652 : vector<16xi32>
        tpu.vector_store_idx %arg26[%add3A_1653], %broadcast_in_dim3A_11 {add = true} : memref<4096xi32, #tpu.memory_space<vmem>>[vector<16xi32>], vector<16xi32>,
        %dma_wait3A_1654 = arith.constant 0 : i32
        %dma_wait3A_1655 = arith.constant 0 : i32
        %dma_wait3A_1656 = tpu.memref_slice %arg15[%dma_wait3A_1654, %dma_wait3A_1655] : memref<256x128xf32, #tpu.memory_space<vmem_shared>> -> memref<256x128xf32, #tpu.memory_space<vmem_shared>>
        tpu.wait_indirect_dma semaphore(%arg34 : memref<!tpu.dma_semaphore, #tpu.memory_space<semaphore_mem>>) src(%arg24 : memref<200x128xf32, #tpu.memory_space<vmem>>) dst(%dma_wait3A_1656 : memref<256x128xf32, #tpu.memory_space<vmem_shared>>)
      } else {
      }
    }
    %scan3A_804 = arith.constant 16 : i32
    %get3A_805 = arith.constant 0 : index
    %get3A_806 = tpu.vector_load %arg26[%get3A_805] {strides = array<i32>} : memref<4096xi32, #tpu.memory_space<vmem>>, vector<16xi32>,
    %get3A_807 = arith.constant 256 : index
    %get3A_808 = tpu.vector_load %arg26[%get3A_807] {strides = array<i32>} : memref<4096xi32, #tpu.memory_space<vmem>>, vector<16xi32>,
    %add3A_809 = arith.addi %get3A_806, %get3A_808 : vector<16xi32>
    %get3A_810 = arith.constant 512 : index
    %get3A_811 = tpu.vector_load %arg26[%get3A_810] {strides = array<i32>} : memref<4096xi32, #tpu.memory_space<vmem>>, vector<16xi32>,
    %add3A_812 = arith.addi %add3A_809, %get3A_811 : vector<16xi32>
    %get3A_813 = arith.constant 768 : index
    %get3A_814 = tpu.vector_load %arg26[%get3A_813] {strides = array<i32>} : memref<4096xi32, #tpu.memory_space<vmem>>, vector<16xi32>,
    %add3A_815 = arith.addi %add3A_812, %get3A_814 : vector<16xi32>
    %get3A_816 = arith.constant 1024 : index
    %get3A_817 = tpu.vector_load %arg26[%get3A_816] {strides = array<i32>} : memref<4096xi32, #tpu.memory_space<vmem>>, vector<16xi32>,
    %add3A_818 = arith.addi %add3A_815, %get3A_817 : vector<16xi32>
    %get3A_819 = arith.constant 1280 : index
    %get3A_820 = tpu.vector_load %arg26[%get3A_819] {strides = array<i32>} : memref<4096xi32, #tpu.memory_space<vmem>>, vector<16xi32>,
    %add3A_821 = arith.addi %add3A_818, %get3A_820 : vector<16xi32>
    %get3A_822 = arith.constant 1536 : index
    %get3A_823 = tpu.vector_load %arg26[%get3A_822] {strides = array<i32>} : memref<4096xi32, #tpu.memory_space<vmem>>, vector<16xi32>,
    %add3A_824 = arith.addi %add3A_821, %get3A_823 : vector<16xi32>
    %get3A_825 = arith.constant 1792 : index
    %get3A_826 = tpu.vector_load %arg26[%get3A_825] {strides = array<i32>} : memref<4096xi32, #tpu.memory_space<vmem>>, vector<16xi32>,
    %add3A_827 = arith.addi %add3A_824, %get3A_826 : vector<16xi32>
    %get3A_828 = arith.constant 2048 : index
    %get3A_829 = tpu.vector_load %arg26[%get3A_828] {strides = array<i32>} : memref<4096xi32, #tpu.memory_space<vmem>>, vector<16xi32>,
    %add3A_830 = arith.addi %add3A_827, %get3A_829 : vector<16xi32>
    %get3A_831 = arith.constant 2304 : index
    %get3A_832 = tpu.vector_load %arg26[%get3A_831] {strides = array<i32>} : memref<4096xi32, #tpu.memory_space<vmem>>, vector<16xi32>,
    %add3A_833 = arith.addi %add3A_830, %get3A_832 : vector<16xi32>
    %get3A_834 = arith.constant 2560 : index
    %get3A_835 = tpu.vector_load %arg26[%get3A_834] {strides = array<i32>} : memref<4096xi32, #tpu.memory_space<vmem>>, vector<16xi32>,
    %add3A_836 = arith.addi %add3A_833, %get3A_835 : vector<16xi32>
    %get3A_837 = arith.constant 2816 : index
    %get3A_838 = tpu.vector_load %arg26[%get3A_837] {strides = array<i32>} : memref<4096xi32, #tpu.memory_space<vmem>>, vector<16xi32>,
    %add3A_839 = arith.addi %add3A_836, %get3A_838 : vector<16xi32>
    %get3A_840 = arith.constant 3072 : index
    %get3A_841 = tpu.vector_load %arg26[%get3A_840] {strides = array<i32>} : memref<4096xi32, #tpu.memory_space<vmem>>, vector<16xi32>,
    %add3A_842 = arith.addi %add3A_839, %get3A_841 : vector<16xi32>
    %get3A_843 = arith.constant 3328 : index
    %get3A_844 = tpu.vector_load %arg26[%get3A_843] {strides = array<i32>} : memref<4096xi32, #tpu.memory_space<vmem>>, vector<16xi32>,
    %add3A_845 = arith.addi %add3A_842, %get3A_844 : vector<16xi32>
    %get3A_846 = arith.constant 3584 : index
    %get3A_847 = tpu.vector_load %arg26[%get3A_846] {strides = array<i32>} : memref<4096xi32, #tpu.memory_space<vmem>>, vector<16xi32>,
    %add3A_848 = arith.addi %add3A_845, %get3A_847 : vector<16xi32>
    %get3A_849 = arith.constant 3840 : index
    %get3A_850 = tpu.vector_load %arg26[%get3A_849] {strides = array<i32>} : memref<4096xi32, #tpu.memory_space<vmem>>, vector<16xi32>,
    %add3A_851 = arith.addi %add3A_848, %get3A_850 : vector<16xi32>
    %swap3A_852 = arith.constant 0 : index
    %swap3A_853 = tpu.vector_load %arg27[%swap3A_852] {strides = array<i32>} : memref<256xi32, #tpu.memory_space<vmem>>, vector<16xi32>,
    tpu.vector_store %arg27[%swap3A_852], %add3A_851 {strides = array<i32>} : memref<256xi32, #tpu.memory_space<vmem>>, vector<16xi32>,
    %get3A_854 = arith.constant 16 : index
    %get3A_855 = tpu.vector_load %arg26[%get3A_854] {strides = array<i32>} : memref<4096xi32, #tpu.memory_space<vmem>>, vector<16xi32>,
    %get3A_856 = arith.constant 272 : index
    %get3A_857 = tpu.vector_load %arg26[%get3A_856] {strides = array<i32>} : memref<4096xi32, #tpu.memory_space<vmem>>, vector<16xi32>,
    %add3A_858 = arith.addi %get3A_855, %get3A_857 : vector<16xi32>
    %get3A_859 = arith.constant 528 : index
    %get3A_860 = tpu.vector_load %arg26[%get3A_859] {strides = array<i32>} : memref<4096xi32, #tpu.memory_space<vmem>>, vector<16xi32>,
    %add3A_861 = arith.addi %add3A_858, %get3A_860 : vector<16xi32>
    %get3A_862 = arith.constant 784 : index
    %get3A_863 = tpu.vector_load %arg26[%get3A_862] {strides = array<i32>} : memref<4096xi32, #tpu.memory_space<vmem>>, vector<16xi32>,
    %add3A_864 = arith.addi %add3A_861, %get3A_863 : vector<16xi32>
    %get3A_865 = arith.constant 1040 : index
    %get3A_866 = tpu.vector_load %arg26[%get3A_865] {strides = array<i32>} : memref<4096xi32, #tpu.memory_space<vmem>>, vector<16xi32>,
    %add3A_867 = arith.addi %add3A_864, %get3A_866 : vector<16xi32>
    %get3A_868 = arith.constant 1296 : index
    %get3A_869 = tpu.vector_load %arg26[%get3A_868] {strides = array<i32>} : memref<4096xi32, #tpu.memory_space<vmem>>, vector<16xi32>,
    %add3A_870 = arith.addi %add3A_867, %get3A_869 : vector<16xi32>
    %get3A_871 = arith.constant 1552 : index
    %get3A_872 = tpu.vector_load %arg26[%get3A_871] {strides = array<i32>} : memref<4096xi32, #tpu.memory_space<vmem>>, vector<16xi32>,
    %add3A_873 = arith.addi %add3A_870, %get3A_872 : vector<16xi32>
    %get3A_874 = arith.constant 1808 : index
    %get3A_875 = tpu.vector_load %arg26[%get3A_874] {strides = array<i32>} : memref<4096xi32, #tpu.memory_space<vmem>>, vector<16xi32>,
    %add3A_876 = arith.addi %add3A_873, %get3A_875 : vector<16xi32>
    %get3A_877 = arith.constant 2064 : index
    %get3A_878 = tpu.vector_load %arg26[%get3A_877] {strides = array<i32>} : memref<4096xi32, #tpu.memory_space<vmem>>, vector<16xi32>,
    %add3A_879 = arith.addi %add3A_876, %get3A_878 : vector<16xi32>
    %get3A_880 = arith.constant 2320 : index
    %get3A_881 = tpu.vector_load %arg26[%get3A_880] {strides = array<i32>} : memref<4096xi32, #tpu.memory_space<vmem>>, vector<16xi32>,
    %add3A_882 = arith.addi %add3A_879, %get3A_881 : vector<16xi32>
    %get3A_883 = arith.constant 2576 : index
    %get3A_884 = tpu.vector_load %arg26[%get3A_883] {strides = array<i32>} : memref<4096xi32, #tpu.memory_space<vmem>>, vector<16xi32>,
    %add3A_885 = arith.addi %add3A_882, %get3A_884 : vector<16xi32>
    %get3A_886 = arith.constant 2832 : index
    %get3A_887 = tpu.vector_load %arg26[%get3A_886] {strides = array<i32>} : memref<4096xi32, #tpu.memory_space<vmem>>, vector<16xi32>,
    %add3A_888 = arith.addi %add3A_885, %get3A_887 : vector<16xi32>
    %get3A_889 = arith.constant 3088 : index
    %get3A_890 = tpu.vector_load %arg26[%get3A_889] {strides = array<i32>} : memref<4096xi32, #tpu.memory_space<vmem>>, vector<16xi32>,
    %add3A_891 = arith.addi %add3A_888, %get3A_890 : vector<16xi32>
    %get3A_892 = arith.constant 3344 : index
    %get3A_893 = tpu.vector_load %arg26[%get3A_892] {strides = array<i32>} : memref<4096xi32, #tpu.memory_space<vmem>>, vector<16xi32>,
    %add3A_894 = arith.addi %add3A_891, %get3A_893 : vector<16xi32>
    %get3A_895 = arith.constant 3600 : index
    %get3A_896 = tpu.vector_load %arg26[%get3A_895] {strides = array<i32>} : memref<4096xi32, #tpu.memory_space<vmem>>, vector<16xi32>,
    %add3A_897 = arith.addi %add3A_894, %get3A_896 : vector<16xi32>
    %get3A_898 = arith.constant 3856 : index
    %get3A_899 = tpu.vector_load %arg26[%get3A_898] {strides = array<i32>} : memref<4096xi32, #tpu.memory_space<vmem>>, vector<16xi32>,
    %add3A_900 = arith.addi %add3A_897, %get3A_899 : vector<16xi32>
    %swap3A_901 = arith.constant 16 : index
    %swap3A_902 = tpu.vector_load %arg27[%swap3A_901] {strides = array<i32>} : memref<256xi32, #tpu.memory_space<vmem>>, vector<16xi32>,
    tpu.vector_store %arg27[%swap3A_901], %add3A_900 {strides = array<i32>} : memref<256xi32, #tpu.memory_space<vmem>>, vector<16xi32>,
    %get3A_903 = arith.constant 32 : index
    %get3A_904 = tpu.vector_load %arg26[%get3A_903] {strides = array<i32>} : memref<4096xi32, #tpu.memory_space<vmem>>, vector<16xi32>,
    %get3A_905 = arith.constant 288 : index
    %get3A_906 = tpu.vector_load %arg26[%get3A_905] {strides = array<i32>} : memref<4096xi32, #tpu.memory_space<vmem>>, vector<16xi32>,
    %add3A_907 = arith.addi %get3A_904, %get3A_906 : vector<16xi32>
    %get3A_908 = arith.constant 544 : index
    %get3A_909 = tpu.vector_load %arg26[%get3A_908] {strides = array<i32>} : memref<4096xi32, #tpu.memory_space<vmem>>, vector<16xi32>,
    %add3A_910 = arith.addi %add3A_907, %get3A_909 : vector<16xi32>
    %get3A_911 = arith.constant 800 : index
    %get3A_912 = tpu.vector_load %arg26[%get3A_911] {strides = array<i32>} : memref<4096xi32, #tpu.memory_space<vmem>>, vector<16xi32>,
    %add3A_913 = arith.addi %add3A_910, %get3A_912 : vector<16xi32>
    %get3A_914 = arith.constant 1056 : index
    %get3A_915 = tpu.vector_load %arg26[%get3A_914] {strides = array<i32>} : memref<4096xi32, #tpu.memory_space<vmem>>, vector<16xi32>,
    %add3A_916 = arith.addi %add3A_913, %get3A_915 : vector<16xi32>
    %get3A_917 = arith.constant 1312 : index
    %get3A_918 = tpu.vector_load %arg26[%get3A_917] {strides = array<i32>} : memref<4096xi32, #tpu.memory_space<vmem>>, vector<16xi32>,
    %add3A_919 = arith.addi %add3A_916, %get3A_918 : vector<16xi32>
    %get3A_920 = arith.constant 1568 : index
    %get3A_921 = tpu.vector_load %arg26[%get3A_920] {strides = array<i32>} : memref<4096xi32, #tpu.memory_space<vmem>>, vector<16xi32>,
    %add3A_922 = arith.addi %add3A_919, %get3A_921 : vector<16xi32>
    %get3A_923 = arith.constant 1824 : index
    %get3A_924 = tpu.vector_load %arg26[%get3A_923] {strides = array<i32>} : memref<4096xi32, #tpu.memory_space<vmem>>, vector<16xi32>,
    %add3A_925 = arith.addi %add3A_922, %get3A_924 : vector<16xi32>
    %get3A_926 = arith.constant 2080 : index
    %get3A_927 = tpu.vector_load %arg26[%get3A_926] {strides = array<i32>} : memref<4096xi32, #tpu.memory_space<vmem>>, vector<16xi32>,
    %add3A_928 = arith.addi %add3A_925, %get3A_927 : vector<16xi32>
    %get3A_929 = arith.constant 2336 : index
    %get3A_930 = tpu.vector_load %arg26[%get3A_929] {strides = array<i32>} : memref<4096xi32, #tpu.memory_space<vmem>>, vector<16xi32>,
    %add3A_931 = arith.addi %add3A_928, %get3A_930 : vector<16xi32>
    %get3A_932 = arith.constant 2592 : index
    %get3A_933 = tpu.vector_load %arg26[%get3A_932] {strides = array<i32>} : memref<4096xi32, #tpu.memory_space<vmem>>, vector<16xi32>,
    %add3A_934 = arith.addi %add3A_931, %get3A_933 : vector<16xi32>
    %get3A_935 = arith.constant 2848 : index
    %get3A_936 = tpu.vector_load %arg26[%get3A_935] {strides = array<i32>} : memref<4096xi32, #tpu.memory_space<vmem>>, vector<16xi32>,
    %add3A_937 = arith.addi %add3A_934, %get3A_936 : vector<16xi32>
    %get3A_938 = arith.constant 3104 : index
    %get3A_939 = tpu.vector_load %arg26[%get3A_938] {strides = array<i32>} : memref<4096xi32, #tpu.memory_space<vmem>>, vector<16xi32>,
    %add3A_940 = arith.addi %add3A_937, %get3A_939 : vector<16xi32>
    %get3A_941 = arith.constant 3360 : index
    %get3A_942 = tpu.vector_load %arg26[%get3A_941] {strides = array<i32>} : memref<4096xi32, #tpu.memory_space<vmem>>, vector<16xi32>,
    %add3A_943 = arith.addi %add3A_940, %get3A_942 : vector<16xi32>
    %get3A_944 = arith.constant 3616 : index
    %get3A_945 = tpu.vector_load %arg26[%get3A_944] {strides = array<i32>} : memref<4096xi32, #tpu.memory_space<vmem>>, vector<16xi32>,
    %add3A_946 = arith.addi %add3A_943, %get3A_945 : vector<16xi32>
    %get3A_947 = arith.constant 3872 : index
    %get3A_948 = tpu.vector_load %arg26[%get3A_947] {strides = array<i32>} : memref<4096xi32, #tpu.memory_space<vmem>>, vector<16xi32>,
    %add3A_949 = arith.addi %add3A_946, %get3A_948 : vector<16xi32>
    %swap3A_950 = arith.constant 32 : index
    %swap3A_951 = tpu.vector_load %arg27[%swap3A_950] {strides = array<i32>} : memref<256xi32, #tpu.memory_space<vmem>>, vector<16xi32>,
    tpu.vector_store %arg27[%swap3A_950], %add3A_949 {strides = array<i32>} : memref<256xi32, #tpu.memory_space<vmem>>, vector<16xi32>,
    %get3A_952 = arith.constant 48 : index
    %get3A_953 = tpu.vector_load %arg26[%get3A_952] {strides = array<i32>} : memref<4096xi32, #tpu.memory_space<vmem>>, vector<16xi32>,
    %get3A_954 = arith.constant 304 : index
    %get3A_955 = tpu.vector_load %arg26[%get3A_954] {strides = array<i32>} : memref<4096xi32, #tpu.memory_space<vmem>>, vector<16xi32>,
    %add3A_956 = arith.addi %get3A_953, %get3A_955 : vector<16xi32>
    %get3A_957 = arith.constant 560 : index
    %get3A_958 = tpu.vector_load %arg26[%get3A_957] {strides = array<i32>} : memref<4096xi32, #tpu.memory_space<vmem>>, vector<16xi32>,
    %add3A_959 = arith.addi %add3A_956, %get3A_958 : vector<16xi32>
    %get3A_960 = arith.constant 816 : index
    %get3A_961 = tpu.vector_load %arg26[%get3A_960] {strides = array<i32>} : memref<4096xi32, #tpu.memory_space<vmem>>, vector<16xi32>,
    %add3A_962 = arith.addi %add3A_959, %get3A_961 : vector<16xi32>
    %get3A_963 = arith.constant 1072 : index
    %get3A_964 = tpu.vector_load %arg26[%get3A_963] {strides = array<i32>} : memref<4096xi32, #tpu.memory_space<vmem>>, vector<16xi32>,
    %add3A_965 = arith.addi %add3A_962, %get3A_964 : vector<16xi32>
    %get3A_966 = arith.constant 1328 : index
    %get3A_967 = tpu.vector_load %arg26[%get3A_966] {strides = array<i32>} : memref<4096xi32, #tpu.memory_space<vmem>>, vector<16xi32>,
    %add3A_968 = arith.addi %add3A_965, %get3A_967 : vector<16xi32>
    %get3A_969 = arith.constant 1584 : index
    %get3A_970 = tpu.vector_load %arg26[%get3A_969] {strides = array<i32>} : memref<4096xi32, #tpu.memory_space<vmem>>, vector<16xi32>,
    %add3A_971 = arith.addi %add3A_968, %get3A_970 : vector<16xi32>
    %get3A_972 = arith.constant 1840 : index
    %get3A_973 = tpu.vector_load %arg26[%get3A_972] {strides = array<i32>} : memref<4096xi32, #tpu.memory_space<vmem>>, vector<16xi32>,
    %add3A_974 = arith.addi %add3A_971, %get3A_973 : vector<16xi32>
    %get3A_975 = arith.constant 2096 : index
    %get3A_976 = tpu.vector_load %arg26[%get3A_975] {strides = array<i32>} : memref<4096xi32, #tpu.memory_space<vmem>>, vector<16xi32>,
    %add3A_977 = arith.addi %add3A_974, %get3A_976 : vector<16xi32>
    %get3A_978 = arith.constant 2352 : index
    %get3A_979 = tpu.vector_load %arg26[%get3A_978] {strides = array<i32>} : memref<4096xi32, #tpu.memory_space<vmem>>, vector<16xi32>,
    %add3A_980 = arith.addi %add3A_977, %get3A_979 : vector<16xi32>
    %get3A_981 = arith.constant 2608 : index
    %get3A_982 = tpu.vector_load %arg26[%get3A_981] {strides = array<i32>} : memref<4096xi32, #tpu.memory_space<vmem>>, vector<16xi32>,
    %add3A_983 = arith.addi %add3A_980, %get3A_982 : vector<16xi32>
    %get3A_984 = arith.constant 2864 : index
    %get3A_985 = tpu.vector_load %arg26[%get3A_984] {strides = array<i32>} : memref<4096xi32, #tpu.memory_space<vmem>>, vector<16xi32>,
    %add3A_986 = arith.addi %add3A_983, %get3A_985 : vector<16xi32>
    %get3A_987 = arith.constant 3120 : index
    %get3A_988 = tpu.vector_load %arg26[%get3A_987] {strides = array<i32>} : memref<4096xi32, #tpu.memory_space<vmem>>, vector<16xi32>,
    %add3A_989 = arith.addi %add3A_986, %get3A_988 : vector<16xi32>
    %get3A_990 = arith.constant 3376 : index
    %get3A_991 = tpu.vector_load %arg26[%get3A_990] {strides = array<i32>} : memref<4096xi32, #tpu.memory_space<vmem>>, vector<16xi32>,
    %add3A_992 = arith.addi %add3A_989, %get3A_991 : vector<16xi32>
    %get3A_993 = arith.constant 3632 : index
    %get3A_994 = tpu.vector_load %arg26[%get3A_993] {strides = array<i32>} : memref<4096xi32, #tpu.memory_space<vmem>>, vector<16xi32>,
    %add3A_995 = arith.addi %add3A_992, %get3A_994 : vector<16xi32>
    %get3A_996 = arith.constant 3888 : index
    %get3A_997 = tpu.vector_load %arg26[%get3A_996] {strides = array<i32>} : memref<4096xi32, #tpu.memory_space<vmem>>, vector<16xi32>,
    %add3A_998 = arith.addi %add3A_995, %get3A_997 : vector<16xi32>
    %swap3A_999 = arith.constant 48 : index
    %swap3A_1000 = tpu.vector_load %arg27[%swap3A_999] {strides = array<i32>} : memref<256xi32, #tpu.memory_space<vmem>>, vector<16xi32>,
    tpu.vector_store %arg27[%swap3A_999], %add3A_998 {strides = array<i32>} : memref<256xi32, #tpu.memory_space<vmem>>, vector<16xi32>,
    %get3A_1001 = arith.constant 64 : index
    %get3A_1002 = tpu.vector_load %arg26[%get3A_1001] {strides = array<i32>} : memref<4096xi32, #tpu.memory_space<vmem>>, vector<16xi32>,
    %get3A_1003 = arith.constant 320 : index
    %get3A_1004 = tpu.vector_load %arg26[%get3A_1003] {strides = array<i32>} : memref<4096xi32, #tpu.memory_space<vmem>>, vector<16xi32>,
    %add3A_1005 = arith.addi %get3A_1002, %get3A_1004 : vector<16xi32>
    %get3A_1006 = arith.constant 576 : index
    %get3A_1007 = tpu.vector_load %arg26[%get3A_1006] {strides = array<i32>} : memref<4096xi32, #tpu.memory_space<vmem>>, vector<16xi32>,
    %add3A_1008 = arith.addi %add3A_1005, %get3A_1007 : vector<16xi32>
    %get3A_1009 = arith.constant 832 : index
    %get3A_1010 = tpu.vector_load %arg26[%get3A_1009] {strides = array<i32>} : memref<4096xi32, #tpu.memory_space<vmem>>, vector<16xi32>,
    %add3A_1011 = arith.addi %add3A_1008, %get3A_1010 : vector<16xi32>
    %get3A_1012 = arith.constant 1088 : index
    %get3A_1013 = tpu.vector_load %arg26[%get3A_1012] {strides = array<i32>} : memref<4096xi32, #tpu.memory_space<vmem>>, vector<16xi32>,
    %add3A_1014 = arith.addi %add3A_1011, %get3A_1013 : vector<16xi32>
    %get3A_1015 = arith.constant 1344 : index
    %get3A_1016 = tpu.vector_load %arg26[%get3A_1015] {strides = array<i32>} : memref<4096xi32, #tpu.memory_space<vmem>>, vector<16xi32>,
    %add3A_1017 = arith.addi %add3A_1014, %get3A_1016 : vector<16xi32>
    %get3A_1018 = arith.constant 1600 : index
    %get3A_1019 = tpu.vector_load %arg26[%get3A_1018] {strides = array<i32>} : memref<4096xi32, #tpu.memory_space<vmem>>, vector<16xi32>,
    %add3A_1020 = arith.addi %add3A_1017, %get3A_1019 : vector<16xi32>
    %get3A_1021 = arith.constant 1856 : index
    %get3A_1022 = tpu.vector_load %arg26[%get3A_1021] {strides = array<i32>} : memref<4096xi32, #tpu.memory_space<vmem>>, vector<16xi32>,
    %add3A_1023 = arith.addi %add3A_1020, %get3A_1022 : vector<16xi32>
    %get3A_1024 = arith.constant 2112 : index
    %get3A_1025 = tpu.vector_load %arg26[%get3A_1024] {strides = array<i32>} : memref<4096xi32, #tpu.memory_space<vmem>>, vector<16xi32>,
    %add3A_1026 = arith.addi %add3A_1023, %get3A_1025 : vector<16xi32>
    %get3A_1027 = arith.constant 2368 : index
    %get3A_1028 = tpu.vector_load %arg26[%get3A_1027] {strides = array<i32>} : memref<4096xi32, #tpu.memory_space<vmem>>, vector<16xi32>,
    %add3A_1029 = arith.addi %add3A_1026, %get3A_1028 : vector<16xi32>
    %get3A_1030 = arith.constant 2624 : index
    %get3A_1031 = tpu.vector_load %arg26[%get3A_1030] {strides = array<i32>} : memref<4096xi32, #tpu.memory_space<vmem>>, vector<16xi32>,
    %add3A_1032 = arith.addi %add3A_1029, %get3A_1031 : vector<16xi32>
    %get3A_1033 = arith.constant 2880 : index
    %get3A_1034 = tpu.vector_load %arg26[%get3A_1033] {strides = array<i32>} : memref<4096xi32, #tpu.memory_space<vmem>>, vector<16xi32>,
    %add3A_1035 = arith.addi %add3A_1032, %get3A_1034 : vector<16xi32>
    %get3A_1036 = arith.constant 3136 : index
    %get3A_1037 = tpu.vector_load %arg26[%get3A_1036] {strides = array<i32>} : memref<4096xi32, #tpu.memory_space<vmem>>, vector<16xi32>,
    %add3A_1038 = arith.addi %add3A_1035, %get3A_1037 : vector<16xi32>
    %get3A_1039 = arith.constant 3392 : index
    %get3A_1040 = tpu.vector_load %arg26[%get3A_1039] {strides = array<i32>} : memref<4096xi32, #tpu.memory_space<vmem>>, vector<16xi32>,
    %add3A_1041 = arith.addi %add3A_1038, %get3A_1040 : vector<16xi32>
    %get3A_1042 = arith.constant 3648 : index
    %get3A_1043 = tpu.vector_load %arg26[%get3A_1042] {strides = array<i32>} : memref<4096xi32, #tpu.memory_space<vmem>>, vector<16xi32>,
    %add3A_1044 = arith.addi %add3A_1041, %get3A_1043 : vector<16xi32>
    %get3A_1045 = arith.constant 3904 : index
    %get3A_1046 = tpu.vector_load %arg26[%get3A_1045] {strides = array<i32>} : memref<4096xi32, #tpu.memory_space<vmem>>, vector<16xi32>,
    %add3A_1047 = arith.addi %add3A_1044, %get3A_1046 : vector<16xi32>
    %swap3A_1048 = arith.constant 64 : index
    %swap3A_1049 = tpu.vector_load %arg27[%swap3A_1048] {strides = array<i32>} : memref<256xi32, #tpu.memory_space<vmem>>, vector<16xi32>,
    tpu.vector_store %arg27[%swap3A_1048], %add3A_1047 {strides = array<i32>} : memref<256xi32, #tpu.memory_space<vmem>>, vector<16xi32>,
    %get3A_1050 = arith.constant 80 : index
    %get3A_1051 = tpu.vector_load %arg26[%get3A_1050] {strides = array<i32>} : memref<4096xi32, #tpu.memory_space<vmem>>, vector<16xi32>,
    %get3A_1052 = arith.constant 336 : index
    %get3A_1053 = tpu.vector_load %arg26[%get3A_1052] {strides = array<i32>} : memref<4096xi32, #tpu.memory_space<vmem>>, vector<16xi32>,
    %add3A_1054 = arith.addi %get3A_1051, %get3A_1053 : vector<16xi32>
    %get3A_1055 = arith.constant 592 : index
    %get3A_1056 = tpu.vector_load %arg26[%get3A_1055] {strides = array<i32>} : memref<4096xi32, #tpu.memory_space<vmem>>, vector<16xi32>,
    %add3A_1057 = arith.addi %add3A_1054, %get3A_1056 : vector<16xi32>
    %get3A_1058 = arith.constant 848 : index
    %get3A_1059 = tpu.vector_load %arg26[%get3A_1058] {strides = array<i32>} : memref<4096xi32, #tpu.memory_space<vmem>>, vector<16xi32>,
    %add3A_1060 = arith.addi %add3A_1057, %get3A_1059 : vector<16xi32>
    %get3A_1061 = arith.constant 1104 : index
    %get3A_1062 = tpu.vector_load %arg26[%get3A_1061] {strides = array<i32>} : memref<4096xi32, #tpu.memory_space<vmem>>, vector<16xi32>,
    %add3A_1063 = arith.addi %add3A_1060, %get3A_1062 : vector<16xi32>
    %get3A_1064 = arith.constant 1360 : index
    %get3A_1065 = tpu.vector_load %arg26[%get3A_1064] {strides = array<i32>} : memref<4096xi32, #tpu.memory_space<vmem>>, vector<16xi32>,
    %add3A_1066 = arith.addi %add3A_1063, %get3A_1065 : vector<16xi32>
    %get3A_1067 = arith.constant 1616 : index
    %get3A_1068 = tpu.vector_load %arg26[%get3A_1067] {strides = array<i32>} : memref<4096xi32, #tpu.memory_space<vmem>>, vector<16xi32>,
    %add3A_1069 = arith.addi %add3A_1066, %get3A_1068 : vector<16xi32>
    %get3A_1070 = arith.constant 1872 : index
    %get3A_1071 = tpu.vector_load %arg26[%get3A_1070] {strides = array<i32>} : memref<4096xi32, #tpu.memory_space<vmem>>, vector<16xi32>,
    %add3A_1072 = arith.addi %add3A_1069, %get3A_1071 : vector<16xi32>
    %get3A_1073 = arith.constant 2128 : index
    %get3A_1074 = tpu.vector_load %arg26[%get3A_1073] {strides = array<i32>} : memref<4096xi32, #tpu.memory_space<vmem>>, vector<16xi32>,
    %add3A_1075 = arith.addi %add3A_1072, %get3A_1074 : vector<16xi32>
    %get3A_1076 = arith.constant 2384 : index
    %get3A_1077 = tpu.vector_load %arg26[%get3A_1076] {strides = array<i32>} : memref<4096xi32, #tpu.memory_space<vmem>>, vector<16xi32>,
    %add3A_1078 = arith.addi %add3A_1075, %get3A_1077 : vector<16xi32>
    %get3A_1079 = arith.constant 2640 : index
    %get3A_1080 = tpu.vector_load %arg26[%get3A_1079] {strides = array<i32>} : memref<4096xi32, #tpu.memory_space<vmem>>, vector<16xi32>,
    %add3A_1081 = arith.addi %add3A_1078, %get3A_1080 : vector<16xi32>
    %get3A_1082 = arith.constant 2896 : index
    %get3A_1083 = tpu.vector_load %arg26[%get3A_1082] {strides = array<i32>} : memref<4096xi32, #tpu.memory_space<vmem>>, vector<16xi32>,
    %add3A_1084 = arith.addi %add3A_1081, %get3A_1083 : vector<16xi32>
    %get3A_1085 = arith.constant 3152 : index
    %get3A_1086 = tpu.vector_load %arg26[%get3A_1085] {strides = array<i32>} : memref<4096xi32, #tpu.memory_space<vmem>>, vector<16xi32>,
    %add3A_1087 = arith.addi %add3A_1084, %get3A_1086 : vector<16xi32>
    %get3A_1088 = arith.constant 3408 : index
    %get3A_1089 = tpu.vector_load %arg26[%get3A_1088] {strides = array<i32>} : memref<4096xi32, #tpu.memory_space<vmem>>, vector<16xi32>,
    %add3A_1090 = arith.addi %add3A_1087, %get3A_1089 : vector<16xi32>
    %get3A_1091 = arith.constant 3664 : index
    %get3A_1092 = tpu.vector_load %arg26[%get3A_1091] {strides = array<i32>} : memref<4096xi32, #tpu.memory_space<vmem>>, vector<16xi32>,
    %add3A_1093 = arith.addi %add3A_1090, %get3A_1092 : vector<16xi32>
    %get3A_1094 = arith.constant 3920 : index
    %get3A_1095 = tpu.vector_load %arg26[%get3A_1094] {strides = array<i32>} : memref<4096xi32, #tpu.memory_space<vmem>>, vector<16xi32>,
    %add3A_1096 = arith.addi %add3A_1093, %get3A_1095 : vector<16xi32>
    %swap3A_1097 = arith.constant 80 : index
    %swap3A_1098 = tpu.vector_load %arg27[%swap3A_1097] {strides = array<i32>} : memref<256xi32, #tpu.memory_space<vmem>>, vector<16xi32>,
    tpu.vector_store %arg27[%swap3A_1097], %add3A_1096 {strides = array<i32>} : memref<256xi32, #tpu.memory_space<vmem>>, vector<16xi32>,
    %get3A_1099 = arith.constant 96 : index
    %get3A_1100 = tpu.vector_load %arg26[%get3A_1099] {strides = array<i32>} : memref<4096xi32, #tpu.memory_space<vmem>>, vector<16xi32>,
    %get3A_1101 = arith.constant 352 : index
    %get3A_1102 = tpu.vector_load %arg26[%get3A_1101] {strides = array<i32>} : memref<4096xi32, #tpu.memory_space<vmem>>, vector<16xi32>,
    %add3A_1103 = arith.addi %get3A_1100, %get3A_1102 : vector<16xi32>
    %get3A_1104 = arith.constant 608 : index
    %get3A_1105 = tpu.vector_load %arg26[%get3A_1104] {strides = array<i32>} : memref<4096xi32, #tpu.memory_space<vmem>>, vector<16xi32>,
    %add3A_1106 = arith.addi %add3A_1103, %get3A_1105 : vector<16xi32>
    %get3A_1107 = arith.constant 864 : index
    %get3A_1108 = tpu.vector_load %arg26[%get3A_1107] {strides = array<i32>} : memref<4096xi32, #tpu.memory_space<vmem>>, vector<16xi32>,
    %add3A_1109 = arith.addi %add3A_1106, %get3A_1108 : vector<16xi32>
    %get3A_1110 = arith.constant 1120 : index
    %get3A_1111 = tpu.vector_load %arg26[%get3A_1110] {strides = array<i32>} : memref<4096xi32, #tpu.memory_space<vmem>>, vector<16xi32>,
    %add3A_1112 = arith.addi %add3A_1109, %get3A_1111 : vector<16xi32>
    %get3A_1113 = arith.constant 1376 : index
    %get3A_1114 = tpu.vector_load %arg26[%get3A_1113] {strides = array<i32>} : memref<4096xi32, #tpu.memory_space<vmem>>, vector<16xi32>,
    %add3A_1115 = arith.addi %add3A_1112, %get3A_1114 : vector<16xi32>
    %get3A_1116 = arith.constant 1632 : index
    %get3A_1117 = tpu.vector_load %arg26[%get3A_1116] {strides = array<i32>} : memref<4096xi32, #tpu.memory_space<vmem>>, vector<16xi32>,
    %add3A_1118 = arith.addi %add3A_1115, %get3A_1117 : vector<16xi32>
    %get3A_1119 = arith.constant 1888 : index
    %get3A_1120 = tpu.vector_load %arg26[%get3A_1119] {strides = array<i32>} : memref<4096xi32, #tpu.memory_space<vmem>>, vector<16xi32>,
    %add3A_1121 = arith.addi %add3A_1118, %get3A_1120 : vector<16xi32>
    %get3A_1122 = arith.constant 2144 : index
    %get3A_1123 = tpu.vector_load %arg26[%get3A_1122] {strides = array<i32>} : memref<4096xi32, #tpu.memory_space<vmem>>, vector<16xi32>,
    %add3A_1124 = arith.addi %add3A_1121, %get3A_1123 : vector<16xi32>
    %get3A_1125 = arith.constant 2400 : index
    %get3A_1126 = tpu.vector_load %arg26[%get3A_1125] {strides = array<i32>} : memref<4096xi32, #tpu.memory_space<vmem>>, vector<16xi32>,
    %add3A_1127 = arith.addi %add3A_1124, %get3A_1126 : vector<16xi32>
    %get3A_1128 = arith.constant 2656 : index
    %get3A_1129 = tpu.vector_load %arg26[%get3A_1128] {strides = array<i32>} : memref<4096xi32, #tpu.memory_space<vmem>>, vector<16xi32>,
    %add3A_1130 = arith.addi %add3A_1127, %get3A_1129 : vector<16xi32>
    %get3A_1131 = arith.constant 2912 : index
    %get3A_1132 = tpu.vector_load %arg26[%get3A_1131] {strides = array<i32>} : memref<4096xi32, #tpu.memory_space<vmem>>, vector<16xi32>,
    %add3A_1133 = arith.addi %add3A_1130, %get3A_1132 : vector<16xi32>
    %get3A_1134 = arith.constant 3168 : index
    %get3A_1135 = tpu.vector_load %arg26[%get3A_1134] {strides = array<i32>} : memref<4096xi32, #tpu.memory_space<vmem>>, vector<16xi32>,
    %add3A_1136 = arith.addi %add3A_1133, %get3A_1135 : vector<16xi32>
    %get3A_1137 = arith.constant 3424 : index
    %get3A_1138 = tpu.vector_load %arg26[%get3A_1137] {strides = array<i32>} : memref<4096xi32, #tpu.memory_space<vmem>>, vector<16xi32>,
    %add3A_1139 = arith.addi %add3A_1136, %get3A_1138 : vector<16xi32>
    %get3A_1140 = arith.constant 3680 : index
    %get3A_1141 = tpu.vector_load %arg26[%get3A_1140] {strides = array<i32>} : memref<4096xi32, #tpu.memory_space<vmem>>, vector<16xi32>,
    %add3A_1142 = arith.addi %add3A_1139, %get3A_1141 : vector<16xi32>
    %get3A_1143 = arith.constant 3936 : index
    %get3A_1144 = tpu.vector_load %arg26[%get3A_1143] {strides = array<i32>} : memref<4096xi32, #tpu.memory_space<vmem>>, vector<16xi32>,
    %add3A_1145 = arith.addi %add3A_1142, %get3A_1144 : vector<16xi32>
    %swap3A_1146 = arith.constant 96 : index
    %swap3A_1147 = tpu.vector_load %arg27[%swap3A_1146] {strides = array<i32>} : memref<256xi32, #tpu.memory_space<vmem>>, vector<16xi32>,
    tpu.vector_store %arg27[%swap3A_1146], %add3A_1145 {strides = array<i32>} : memref<256xi32, #tpu.memory_space<vmem>>, vector<16xi32>,
    %get3A_1148 = arith.constant 112 : index
    %get3A_1149 = tpu.vector_load %arg26[%get3A_1148] {strides = array<i32>} : memref<4096xi32, #tpu.memory_space<vmem>>, vector<16xi32>,
    %get3A_1150 = arith.constant 368 : index
    %get3A_1151 = tpu.vector_load %arg26[%get3A_1150] {strides = array<i32>} : memref<4096xi32, #tpu.memory_space<vmem>>, vector<16xi32>,
    %add3A_1152 = arith.addi %get3A_1149, %get3A_1151 : vector<16xi32>
    %get3A_1153 = arith.constant 624 : index
    %get3A_1154 = tpu.vector_load %arg26[%get3A_1153] {strides = array<i32>} : memref<4096xi32, #tpu.memory_space<vmem>>, vector<16xi32>,
    %add3A_1155 = arith.addi %add3A_1152, %get3A_1154 : vector<16xi32>
    %get3A_1156 = arith.constant 880 : index
    %get3A_1157 = tpu.vector_load %arg26[%get3A_1156] {strides = array<i32>} : memref<4096xi32, #tpu.memory_space<vmem>>, vector<16xi32>,
    %add3A_1158 = arith.addi %add3A_1155, %get3A_1157 : vector<16xi32>
    %get3A_1159 = arith.constant 1136 : index
    %get3A_1160 = tpu.vector_load %arg26[%get3A_1159] {strides = array<i32>} : memref<4096xi32, #tpu.memory_space<vmem>>, vector<16xi32>,
    %add3A_1161 = arith.addi %add3A_1158, %get3A_1160 : vector<16xi32>
    %get3A_1162 = arith.constant 1392 : index
    %get3A_1163 = tpu.vector_load %arg26[%get3A_1162] {strides = array<i32>} : memref<4096xi32, #tpu.memory_space<vmem>>, vector<16xi32>,
    %add3A_1164 = arith.addi %add3A_1161, %get3A_1163 : vector<16xi32>
    %get3A_1165 = arith.constant 1648 : index
    %get3A_1166 = tpu.vector_load %arg26[%get3A_1165] {strides = array<i32>} : memref<4096xi32, #tpu.memory_space<vmem>>, vector<16xi32>,
    %add3A_1167 = arith.addi %add3A_1164, %get3A_1166 : vector<16xi32>
    %get3A_1168 = arith.constant 1904 : index
    %get3A_1169 = tpu.vector_load %arg26[%get3A_1168] {strides = array<i32>} : memref<4096xi32, #tpu.memory_space<vmem>>, vector<16xi32>,
    %add3A_1170 = arith.addi %add3A_1167, %get3A_1169 : vector<16xi32>
    %get3A_1171 = arith.constant 2160 : index
    %get3A_1172 = tpu.vector_load %arg26[%get3A_1171] {strides = array<i32>} : memref<4096xi32, #tpu.memory_space<vmem>>, vector<16xi32>,
    %add3A_1173 = arith.addi %add3A_1170, %get3A_1172 : vector<16xi32>
    %get3A_1174 = arith.constant 2416 : index
    %get3A_1175 = tpu.vector_load %arg26[%get3A_1174] {strides = array<i32>} : memref<4096xi32, #tpu.memory_space<vmem>>, vector<16xi32>,
    %add3A_1176 = arith.addi %add3A_1173, %get3A_1175 : vector<16xi32>
    %get3A_1177 = arith.constant 2672 : index
    %get3A_1178 = tpu.vector_load %arg26[%get3A_1177] {strides = array<i32>} : memref<4096xi32, #tpu.memory_space<vmem>>, vector<16xi32>,
    %add3A_1179 = arith.addi %add3A_1176, %get3A_1178 : vector<16xi32>
    %get3A_1180 = arith.constant 2928 : index
    %get3A_1181 = tpu.vector_load %arg26[%get3A_1180] {strides = array<i32>} : memref<4096xi32, #tpu.memory_space<vmem>>, vector<16xi32>,
    %add3A_1182 = arith.addi %add3A_1179, %get3A_1181 : vector<16xi32>
    %get3A_1183 = arith.constant 3184 : index
    %get3A_1184 = tpu.vector_load %arg26[%get3A_1183] {strides = array<i32>} : memref<4096xi32, #tpu.memory_space<vmem>>, vector<16xi32>,
    %add3A_1185 = arith.addi %add3A_1182, %get3A_1184 : vector<16xi32>
    %get3A_1186 = arith.constant 3440 : index
    %get3A_1187 = tpu.vector_load %arg26[%get3A_1186] {strides = array<i32>} : memref<4096xi32, #tpu.memory_space<vmem>>, vector<16xi32>,
    %add3A_1188 = arith.addi %add3A_1185, %get3A_1187 : vector<16xi32>
    %get3A_1189 = arith.constant 3696 : index
    %get3A_1190 = tpu.vector_load %arg26[%get3A_1189] {strides = array<i32>} : memref<4096xi32, #tpu.memory_space<vmem>>, vector<16xi32>,
    %add3A_1191 = arith.addi %add3A_1188, %get3A_1190 : vector<16xi32>
    %get3A_1192 = arith.constant 3952 : index
    %get3A_1193 = tpu.vector_load %arg26[%get3A_1192] {strides = array<i32>} : memref<4096xi32, #tpu.memory_space<vmem>>, vector<16xi32>,
    %add3A_1194 = arith.addi %add3A_1191, %get3A_1193 : vector<16xi32>
    %swap3A_1195 = arith.constant 112 : index
    %swap3A_1196 = tpu.vector_load %arg27[%swap3A_1195] {strides = array<i32>} : memref<256xi32, #tpu.memory_space<vmem>>, vector<16xi32>,
    tpu.vector_store %arg27[%swap3A_1195], %add3A_1194 {strides = array<i32>} : memref<256xi32, #tpu.memory_space<vmem>>, vector<16xi32>,
    %get3A_1197 = arith.constant 128 : index
    %get3A_1198 = tpu.vector_load %arg26[%get3A_1197] {strides = array<i32>} : memref<4096xi32, #tpu.memory_space<vmem>>, vector<16xi32>,
    %get3A_1199 = arith.constant 384 : index
    %get3A_1200 = tpu.vector_load %arg26[%get3A_1199] {strides = array<i32>} : memref<4096xi32, #tpu.memory_space<vmem>>, vector<16xi32>,
    %add3A_1201 = arith.addi %get3A_1198, %get3A_1200 : vector<16xi32>
    %get3A_1202 = arith.constant 640 : index
    %get3A_1203 = tpu.vector_load %arg26[%get3A_1202] {strides = array<i32>} : memref<4096xi32, #tpu.memory_space<vmem>>, vector<16xi32>,
    %add3A_1204 = arith.addi %add3A_1201, %get3A_1203 : vector<16xi32>
    %get3A_1205 = arith.constant 896 : index
    %get3A_1206 = tpu.vector_load %arg26[%get3A_1205] {strides = array<i32>} : memref<4096xi32, #tpu.memory_space<vmem>>, vector<16xi32>,
    %add3A_1207 = arith.addi %add3A_1204, %get3A_1206 : vector<16xi32>
    %get3A_1208 = arith.constant 1152 : index
    %get3A_1209 = tpu.vector_load %arg26[%get3A_1208] {strides = array<i32>} : memref<4096xi32, #tpu.memory_space<vmem>>, vector<16xi32>,
    %add3A_1210 = arith.addi %add3A_1207, %get3A_1209 : vector<16xi32>
    %get3A_1211 = arith.constant 1408 : index
    %get3A_1212 = tpu.vector_load %arg26[%get3A_1211] {strides = array<i32>} : memref<4096xi32, #tpu.memory_space<vmem>>, vector<16xi32>,
    %add3A_1213 = arith.addi %add3A_1210, %get3A_1212 : vector<16xi32>
    %get3A_1214 = arith.constant 1664 : index
    %get3A_1215 = tpu.vector_load %arg26[%get3A_1214] {strides = array<i32>} : memref<4096xi32, #tpu.memory_space<vmem>>, vector<16xi32>,
    %add3A_1216 = arith.addi %add3A_1213, %get3A_1215 : vector<16xi32>
    %get3A_1217 = arith.constant 1920 : index
    %get3A_1218 = tpu.vector_load %arg26[%get3A_1217] {strides = array<i32>} : memref<4096xi32, #tpu.memory_space<vmem>>, vector<16xi32>,
    %add3A_1219 = arith.addi %add3A_1216, %get3A_1218 : vector<16xi32>
    %get3A_1220 = arith.constant 2176 : index
    %get3A_1221 = tpu.vector_load %arg26[%get3A_1220] {strides = array<i32>} : memref<4096xi32, #tpu.memory_space<vmem>>, vector<16xi32>,
    %add3A_1222 = arith.addi %add3A_1219, %get3A_1221 : vector<16xi32>
    %get3A_1223 = arith.constant 2432 : index
    %get3A_1224 = tpu.vector_load %arg26[%get3A_1223] {strides = array<i32>} : memref<4096xi32, #tpu.memory_space<vmem>>, vector<16xi32>,
    %add3A_1225 = arith.addi %add3A_1222, %get3A_1224 : vector<16xi32>
    %get3A_1226 = arith.constant 2688 : index
    %get3A_1227 = tpu.vector_load %arg26[%get3A_1226] {strides = array<i32>} : memref<4096xi32, #tpu.memory_space<vmem>>, vector<16xi32>,
    %add3A_1228 = arith.addi %add3A_1225, %get3A_1227 : vector<16xi32>
    %get3A_1229 = arith.constant 2944 : index
    %get3A_1230 = tpu.vector_load %arg26[%get3A_1229] {strides = array<i32>} : memref<4096xi32, #tpu.memory_space<vmem>>, vector<16xi32>,
    %add3A_1231 = arith.addi %add3A_1228, %get3A_1230 : vector<16xi32>
    %get3A_1232 = arith.constant 3200 : index
    %get3A_1233 = tpu.vector_load %arg26[%get3A_1232] {strides = array<i32>} : memref<4096xi32, #tpu.memory_space<vmem>>, vector<16xi32>,
    %add3A_1234 = arith.addi %add3A_1231, %get3A_1233 : vector<16xi32>
    %get3A_1235 = arith.constant 3456 : index
    %get3A_1236 = tpu.vector_load %arg26[%get3A_1235] {strides = array<i32>} : memref<4096xi32, #tpu.memory_space<vmem>>, vector<16xi32>,
    %add3A_1237 = arith.addi %add3A_1234, %get3A_1236 : vector<16xi32>
    %get3A_1238 = arith.constant 3712 : index
    %get3A_1239 = tpu.vector_load %arg26[%get3A_1238] {strides = array<i32>} : memref<4096xi32, #tpu.memory_space<vmem>>, vector<16xi32>,
    %add3A_1240 = arith.addi %add3A_1237, %get3A_1239 : vector<16xi32>
    %get3A_1241 = arith.constant 3968 : index
    %get3A_1242 = tpu.vector_load %arg26[%get3A_1241] {strides = array<i32>} : memref<4096xi32, #tpu.memory_space<vmem>>, vector<16xi32>,
    %add3A_1243 = arith.addi %add3A_1240, %get3A_1242 : vector<16xi32>
    %swap3A_1244 = arith.constant 128 : index
    %swap3A_1245 = tpu.vector_load %arg27[%swap3A_1244] {strides = array<i32>} : memref<256xi32, #tpu.memory_space<vmem>>, vector<16xi32>,
    tpu.vector_store %arg27[%swap3A_1244], %add3A_1243 {strides = array<i32>} : memref<256xi32, #tpu.memory_space<vmem>>, vector<16xi32>,
    %get3A_1246 = arith.constant 144 : index
    %get3A_1247 = tpu.vector_load %arg26[%get3A_1246] {strides = array<i32>} : memref<4096xi32, #tpu.memory_space<vmem>>, vector<16xi32>,
    %get3A_1248 = arith.constant 400 : index
    %get3A_1249 = tpu.vector_load %arg26[%get3A_1248] {strides = array<i32>} : memref<4096xi32, #tpu.memory_space<vmem>>, vector<16xi32>,
    %add3A_1250 = arith.addi %get3A_1247, %get3A_1249 : vector<16xi32>
    %get3A_1251 = arith.constant 656 : index
    %get3A_1252 = tpu.vector_load %arg26[%get3A_1251] {strides = array<i32>} : memref<4096xi32, #tpu.memory_space<vmem>>, vector<16xi32>,
    %add3A_1253 = arith.addi %add3A_1250, %get3A_1252 : vector<16xi32>
    %get3A_1254 = arith.constant 912 : index
    %get3A_1255 = tpu.vector_load %arg26[%get3A_1254] {strides = array<i32>} : memref<4096xi32, #tpu.memory_space<vmem>>, vector<16xi32>,
    %add3A_1256 = arith.addi %add3A_1253, %get3A_1255 : vector<16xi32>
    %get3A_1257 = arith.constant 1168 : index
    %get3A_1258 = tpu.vector_load %arg26[%get3A_1257] {strides = array<i32>} : memref<4096xi32, #tpu.memory_space<vmem>>, vector<16xi32>,
    %add3A_1259 = arith.addi %add3A_1256, %get3A_1258 : vector<16xi32>
    %get3A_1260 = arith.constant 1424 : index
    %get3A_1261 = tpu.vector_load %arg26[%get3A_1260] {strides = array<i32>} : memref<4096xi32, #tpu.memory_space<vmem>>, vector<16xi32>,
    %add3A_1262 = arith.addi %add3A_1259, %get3A_1261 : vector<16xi32>
    %get3A_1263 = arith.constant 1680 : index
    %get3A_1264 = tpu.vector_load %arg26[%get3A_1263] {strides = array<i32>} : memref<4096xi32, #tpu.memory_space<vmem>>, vector<16xi32>,
    %add3A_1265 = arith.addi %add3A_1262, %get3A_1264 : vector<16xi32>
    %get3A_1266 = arith.constant 1936 : index
    %get3A_1267 = tpu.vector_load %arg26[%get3A_1266] {strides = array<i32>} : memref<4096xi32, #tpu.memory_space<vmem>>, vector<16xi32>,
    %add3A_1268 = arith.addi %add3A_1265, %get3A_1267 : vector<16xi32>
    %get3A_1269 = arith.constant 2192 : index
    %get3A_1270 = tpu.vector_load %arg26[%get3A_1269] {strides = array<i32>} : memref<4096xi32, #tpu.memory_space<vmem>>, vector<16xi32>,
    %add3A_1271 = arith.addi %add3A_1268, %get3A_1270 : vector<16xi32>
    %get3A_1272 = arith.constant 2448 : index
    %get3A_1273 = tpu.vector_load %arg26[%get3A_1272] {strides = array<i32>} : memref<4096xi32, #tpu.memory_space<vmem>>, vector<16xi32>,
    %add3A_1274 = arith.addi %add3A_1271, %get3A_1273 : vector<16xi32>
    %get3A_1275 = arith.constant 2704 : index
    %get3A_1276 = tpu.vector_load %arg26[%get3A_1275] {strides = array<i32>} : memref<4096xi32, #tpu.memory_space<vmem>>, vector<16xi32>,
    %add3A_1277 = arith.addi %add3A_1274, %get3A_1276 : vector<16xi32>
    %get3A_1278 = arith.constant 2960 : index
    %get3A_1279 = tpu.vector_load %arg26[%get3A_1278] {strides = array<i32>} : memref<4096xi32, #tpu.memory_space<vmem>>, vector<16xi32>,
    %add3A_1280 = arith.addi %add3A_1277, %get3A_1279 : vector<16xi32>
    %get3A_1281 = arith.constant 3216 : index
    %get3A_1282 = tpu.vector_load %arg26[%get3A_1281] {strides = array<i32>} : memref<4096xi32, #tpu.memory_space<vmem>>, vector<16xi32>,
    %add3A_1283 = arith.addi %add3A_1280, %get3A_1282 : vector<16xi32>
    %get3A_1284 = arith.constant 3472 : index
    %get3A_1285 = tpu.vector_load %arg26[%get3A_1284] {strides = array<i32>} : memref<4096xi32, #tpu.memory_space<vmem>>, vector<16xi32>,
    %add3A_1286 = arith.addi %add3A_1283, %get3A_1285 : vector<16xi32>
    %get3A_1287 = arith.constant 3728 : index
    %get3A_1288 = tpu.vector_load %arg26[%get3A_1287] {strides = array<i32>} : memref<4096xi32, #tpu.memory_space<vmem>>, vector<16xi32>,
    %add3A_1289 = arith.addi %add3A_1286, %get3A_1288 : vector<16xi32>
    %get3A_1290 = arith.constant 3984 : index
    %get3A_1291 = tpu.vector_load %arg26[%get3A_1290] {strides = array<i32>} : memref<4096xi32, #tpu.memory_space<vmem>>, vector<16xi32>,
    %add3A_1292 = arith.addi %add3A_1289, %get3A_1291 : vector<16xi32>
    %swap3A_1293 = arith.constant 144 : index
    %swap3A_1294 = tpu.vector_load %arg27[%swap3A_1293] {strides = array<i32>} : memref<256xi32, #tpu.memory_space<vmem>>, vector<16xi32>,
    tpu.vector_store %arg27[%swap3A_1293], %add3A_1292 {strides = array<i32>} : memref<256xi32, #tpu.memory_space<vmem>>, vector<16xi32>,
    %get3A_1295 = arith.constant 160 : index
    %get3A_1296 = tpu.vector_load %arg26[%get3A_1295] {strides = array<i32>} : memref<4096xi32, #tpu.memory_space<vmem>>, vector<16xi32>,
    %get3A_1297 = arith.constant 416 : index
    %get3A_1298 = tpu.vector_load %arg26[%get3A_1297] {strides = array<i32>} : memref<4096xi32, #tpu.memory_space<vmem>>, vector<16xi32>,
    %add3A_1299 = arith.addi %get3A_1296, %get3A_1298 : vector<16xi32>
    %get3A_1300 = arith.constant 672 : index
    %get3A_1301 = tpu.vector_load %arg26[%get3A_1300] {strides = array<i32>} : memref<4096xi32, #tpu.memory_space<vmem>>, vector<16xi32>,
    %add3A_1302 = arith.addi %add3A_1299, %get3A_1301 : vector<16xi32>
    %get3A_1303 = arith.constant 928 : index
    %get3A_1304 = tpu.vector_load %arg26[%get3A_1303] {strides = array<i32>} : memref<4096xi32, #tpu.memory_space<vmem>>, vector<16xi32>,
    %add3A_1305 = arith.addi %add3A_1302, %get3A_1304 : vector<16xi32>
    %get3A_1306 = arith.constant 1184 : index
    %get3A_1307 = tpu.vector_load %arg26[%get3A_1306] {strides = array<i32>} : memref<4096xi32, #tpu.memory_space<vmem>>, vector<16xi32>,
    %add3A_1308 = arith.addi %add3A_1305, %get3A_1307 : vector<16xi32>
    %get3A_1309 = arith.constant 1440 : index
    %get3A_1310 = tpu.vector_load %arg26[%get3A_1309] {strides = array<i32>} : memref<4096xi32, #tpu.memory_space<vmem>>, vector<16xi32>,
    %add3A_1311 = arith.addi %add3A_1308, %get3A_1310 : vector<16xi32>
    %get3A_1312 = arith.constant 1696 : index
    %get3A_1313 = tpu.vector_load %arg26[%get3A_1312] {strides = array<i32>} : memref<4096xi32, #tpu.memory_space<vmem>>, vector<16xi32>,
    %add3A_1314 = arith.addi %add3A_1311, %get3A_1313 : vector<16xi32>
    %get3A_1315 = arith.constant 1952 : index
    %get3A_1316 = tpu.vector_load %arg26[%get3A_1315] {strides = array<i32>} : memref<4096xi32, #tpu.memory_space<vmem>>, vector<16xi32>,
    %add3A_1317 = arith.addi %add3A_1314, %get3A_1316 : vector<16xi32>
    %get3A_1318 = arith.constant 2208 : index
    %get3A_1319 = tpu.vector_load %arg26[%get3A_1318] {strides = array<i32>} : memref<4096xi32, #tpu.memory_space<vmem>>, vector<16xi32>,
    %add3A_1320 = arith.addi %add3A_1317, %get3A_1319 : vector<16xi32>
    %get3A_1321 = arith.constant 2464 : index
    %get3A_1322 = tpu.vector_load %arg26[%get3A_1321] {strides = array<i32>} : memref<4096xi32, #tpu.memory_space<vmem>>, vector<16xi32>,
    %add3A_1323 = arith.addi %add3A_1320, %get3A_1322 : vector<16xi32>
    %get3A_1324 = arith.constant 2720 : index
    %get3A_1325 = tpu.vector_load %arg26[%get3A_1324] {strides = array<i32>} : memref<4096xi32, #tpu.memory_space<vmem>>, vector<16xi32>,
    %add3A_1326 = arith.addi %add3A_1323, %get3A_1325 : vector<16xi32>
    %get3A_1327 = arith.constant 2976 : index
    %get3A_1328 = tpu.vector_load %arg26[%get3A_1327] {strides = array<i32>} : memref<4096xi32, #tpu.memory_space<vmem>>, vector<16xi32>,
    %add3A_1329 = arith.addi %add3A_1326, %get3A_1328 : vector<16xi32>
    %get3A_1330 = arith.constant 3232 : index
    %get3A_1331 = tpu.vector_load %arg26[%get3A_1330] {strides = array<i32>} : memref<4096xi32, #tpu.memory_space<vmem>>, vector<16xi32>,
    %add3A_1332 = arith.addi %add3A_1329, %get3A_1331 : vector<16xi32>
    %get3A_1333 = arith.constant 3488 : index
    %get3A_1334 = tpu.vector_load %arg26[%get3A_1333] {strides = array<i32>} : memref<4096xi32, #tpu.memory_space<vmem>>, vector<16xi32>,
    %add3A_1335 = arith.addi %add3A_1332, %get3A_1334 : vector<16xi32>
    %get3A_1336 = arith.constant 3744 : index
    %get3A_1337 = tpu.vector_load %arg26[%get3A_1336] {strides = array<i32>} : memref<4096xi32, #tpu.memory_space<vmem>>, vector<16xi32>,
    %add3A_1338 = arith.addi %add3A_1335, %get3A_1337 : vector<16xi32>
    %get3A_1339 = arith.constant 4000 : index
    %get3A_1340 = tpu.vector_load %arg26[%get3A_1339] {strides = array<i32>} : memref<4096xi32, #tpu.memory_space<vmem>>, vector<16xi32>,
    %add3A_1341 = arith.addi %add3A_1338, %get3A_1340 : vector<16xi32>
    %swap3A_1342 = arith.constant 160 : index
    %swap3A_1343 = tpu.vector_load %arg27[%swap3A_1342] {strides = array<i32>} : memref<256xi32, #tpu.memory_space<vmem>>, vector<16xi32>,
    tpu.vector_store %arg27[%swap3A_1342], %add3A_1341 {strides = array<i32>} : memref<256xi32, #tpu.memory_space<vmem>>, vector<16xi32>,
    %get3A_1344 = arith.constant 176 : index
    %get3A_1345 = tpu.vector_load %arg26[%get3A_1344] {strides = array<i32>} : memref<4096xi32, #tpu.memory_space<vmem>>, vector<16xi32>,
    %get3A_1346 = arith.constant 432 : index
    %get3A_1347 = tpu.vector_load %arg26[%get3A_1346] {strides = array<i32>} : memref<4096xi32, #tpu.memory_space<vmem>>, vector<16xi32>,
    %add3A_1348 = arith.addi %get3A_1345, %get3A_1347 : vector<16xi32>
    %get3A_1349 = arith.constant 688 : index
    %get3A_1350 = tpu.vector_load %arg26[%get3A_1349] {strides = array<i32>} : memref<4096xi32, #tpu.memory_space<vmem>>, vector<16xi32>,
    %add3A_1351 = arith.addi %add3A_1348, %get3A_1350 : vector<16xi32>
    %get3A_1352 = arith.constant 944 : index
    %get3A_1353 = tpu.vector_load %arg26[%get3A_1352] {strides = array<i32>} : memref<4096xi32, #tpu.memory_space<vmem>>, vector<16xi32>,
    %add3A_1354 = arith.addi %add3A_1351, %get3A_1353 : vector<16xi32>
    %get3A_1355 = arith.constant 1200 : index
    %get3A_1356 = tpu.vector_load %arg26[%get3A_1355] {strides = array<i32>} : memref<4096xi32, #tpu.memory_space<vmem>>, vector<16xi32>,
    %add3A_1357 = arith.addi %add3A_1354, %get3A_1356 : vector<16xi32>
    %get3A_1358 = arith.constant 1456 : index
    %get3A_1359 = tpu.vector_load %arg26[%get3A_1358] {strides = array<i32>} : memref<4096xi32, #tpu.memory_space<vmem>>, vector<16xi32>,
    %add3A_1360 = arith.addi %add3A_1357, %get3A_1359 : vector<16xi32>
    %get3A_1361 = arith.constant 1712 : index
    %get3A_1362 = tpu.vector_load %arg26[%get3A_1361] {strides = array<i32>} : memref<4096xi32, #tpu.memory_space<vmem>>, vector<16xi32>,
    %add3A_1363 = arith.addi %add3A_1360, %get3A_1362 : vector<16xi32>
    %get3A_1364 = arith.constant 1968 : index
    %get3A_1365 = tpu.vector_load %arg26[%get3A_1364] {strides = array<i32>} : memref<4096xi32, #tpu.memory_space<vmem>>, vector<16xi32>,
    %add3A_1366 = arith.addi %add3A_1363, %get3A_1365 : vector<16xi32>
    %get3A_1367 = arith.constant 2224 : index
    %get3A_1368 = tpu.vector_load %arg26[%get3A_1367] {strides = array<i32>} : memref<4096xi32, #tpu.memory_space<vmem>>, vector<16xi32>,
    %add3A_1369 = arith.addi %add3A_1366, %get3A_1368 : vector<16xi32>
    %get3A_1370 = arith.constant 2480 : index
    %get3A_1371 = tpu.vector_load %arg26[%get3A_1370] {strides = array<i32>} : memref<4096xi32, #tpu.memory_space<vmem>>, vector<16xi32>,
    %add3A_1372 = arith.addi %add3A_1369, %get3A_1371 : vector<16xi32>
    %get3A_1373 = arith.constant 2736 : index
    %get3A_1374 = tpu.vector_load %arg26[%get3A_1373] {strides = array<i32>} : memref<4096xi32, #tpu.memory_space<vmem>>, vector<16xi32>,
    %add3A_1375 = arith.addi %add3A_1372, %get3A_1374 : vector<16xi32>
    %get3A_1376 = arith.constant 2992 : index
    %get3A_1377 = tpu.vector_load %arg26[%get3A_1376] {strides = array<i32>} : memref<4096xi32, #tpu.memory_space<vmem>>, vector<16xi32>,
    %add3A_1378 = arith.addi %add3A_1375, %get3A_1377 : vector<16xi32>
    %get3A_1379 = arith.constant 3248 : index
    %get3A_1380 = tpu.vector_load %arg26[%get3A_1379] {strides = array<i32>} : memref<4096xi32, #tpu.memory_space<vmem>>, vector<16xi32>,
    %add3A_1381 = arith.addi %add3A_1378, %get3A_1380 : vector<16xi32>
    %get3A_1382 = arith.constant 3504 : index
    %get3A_1383 = tpu.vector_load %arg26[%get3A_1382] {strides = array<i32>} : memref<4096xi32, #tpu.memory_space<vmem>>, vector<16xi32>,
    %add3A_1384 = arith.addi %add3A_1381, %get3A_1383 : vector<16xi32>
    %get3A_1385 = arith.constant 3760 : index
    %get3A_1386 = tpu.vector_load %arg26[%get3A_1385] {strides = array<i32>} : memref<4096xi32, #tpu.memory_space<vmem>>, vector<16xi32>,
    %add3A_1387 = arith.addi %add3A_1384, %get3A_1386 : vector<16xi32>
    %get3A_1388 = arith.constant 4016 : index
    %get3A_1389 = tpu.vector_load %arg26[%get3A_1388] {strides = array<i32>} : memref<4096xi32, #tpu.memory_space<vmem>>, vector<16xi32>,
    %add3A_1390 = arith.addi %add3A_1387, %get3A_1389 : vector<16xi32>
    %swap3A_1391 = arith.constant 176 : index
    %swap3A_1392 = tpu.vector_load %arg27[%swap3A_1391] {strides = array<i32>} : memref<256xi32, #tpu.memory_space<vmem>>, vector<16xi32>,
    tpu.vector_store %arg27[%swap3A_1391], %add3A_1390 {strides = array<i32>} : memref<256xi32, #tpu.memory_space<vmem>>, vector<16xi32>,
    %get3A_1393 = arith.constant 192 : index
    %get3A_1394 = tpu.vector_load %arg26[%get3A_1393] {strides = array<i32>} : memref<4096xi32, #tpu.memory_space<vmem>>, vector<16xi32>,
    %get3A_1395 = arith.constant 448 : index
    %get3A_1396 = tpu.vector_load %arg26[%get3A_1395] {strides = array<i32>} : memref<4096xi32, #tpu.memory_space<vmem>>, vector<16xi32>,
    %add3A_1397 = arith.addi %get3A_1394, %get3A_1396 : vector<16xi32>
    %get3A_1398 = arith.constant 704 : index
    %get3A_1399 = tpu.vector_load %arg26[%get3A_1398] {strides = array<i32>} : memref<4096xi32, #tpu.memory_space<vmem>>, vector<16xi32>,
    %add3A_1400 = arith.addi %add3A_1397, %get3A_1399 : vector<16xi32>
    %get3A_1401 = arith.constant 960 : index
    %get3A_1402 = tpu.vector_load %arg26[%get3A_1401] {strides = array<i32>} : memref<4096xi32, #tpu.memory_space<vmem>>, vector<16xi32>,
    %add3A_1403 = arith.addi %add3A_1400, %get3A_1402 : vector<16xi32>
    %get3A_1404 = arith.constant 1216 : index
    %get3A_1405 = tpu.vector_load %arg26[%get3A_1404] {strides = array<i32>} : memref<4096xi32, #tpu.memory_space<vmem>>, vector<16xi32>,
    %add3A_1406 = arith.addi %add3A_1403, %get3A_1405 : vector<16xi32>
    %get3A_1407 = arith.constant 1472 : index
    %get3A_1408 = tpu.vector_load %arg26[%get3A_1407] {strides = array<i32>} : memref<4096xi32, #tpu.memory_space<vmem>>, vector<16xi32>,
    %add3A_1409 = arith.addi %add3A_1406, %get3A_1408 : vector<16xi32>
    %get3A_1410 = arith.constant 1728 : index
    %get3A_1411 = tpu.vector_load %arg26[%get3A_1410] {strides = array<i32>} : memref<4096xi32, #tpu.memory_space<vmem>>, vector<16xi32>,
    %add3A_1412 = arith.addi %add3A_1409, %get3A_1411 : vector<16xi32>
    %get3A_1413 = arith.constant 1984 : index
    %get3A_1414 = tpu.vector_load %arg26[%get3A_1413] {strides = array<i32>} : memref<4096xi32, #tpu.memory_space<vmem>>, vector<16xi32>,
    %add3A_1415 = arith.addi %add3A_1412, %get3A_1414 : vector<16xi32>
    %get3A_1416 = arith.constant 2240 : index
    %get3A_1417 = tpu.vector_load %arg26[%get3A_1416] {strides = array<i32>} : memref<4096xi32, #tpu.memory_space<vmem>>, vector<16xi32>,
    %add3A_1418 = arith.addi %add3A_1415, %get3A_1417 : vector<16xi32>
    %get3A_1419 = arith.constant 2496 : index
    %get3A_1420 = tpu.vector_load %arg26[%get3A_1419] {strides = array<i32>} : memref<4096xi32, #tpu.memory_space<vmem>>, vector<16xi32>,
    %add3A_1421 = arith.addi %add3A_1418, %get3A_1420 : vector<16xi32>
    %get3A_1422 = arith.constant 2752 : index
    %get3A_1423 = tpu.vector_load %arg26[%get3A_1422] {strides = array<i32>} : memref<4096xi32, #tpu.memory_space<vmem>>, vector<16xi32>,
    %add3A_1424 = arith.addi %add3A_1421, %get3A_1423 : vector<16xi32>
    %get3A_1425 = arith.constant 3008 : index
    %get3A_1426 = tpu.vector_load %arg26[%get3A_1425] {strides = array<i32>} : memref<4096xi32, #tpu.memory_space<vmem>>, vector<16xi32>,
    %add3A_1427 = arith.addi %add3A_1424, %get3A_1426 : vector<16xi32>
    %get3A_1428 = arith.constant 3264 : index
    %get3A_1429 = tpu.vector_load %arg26[%get3A_1428] {strides = array<i32>} : memref<4096xi32, #tpu.memory_space<vmem>>, vector<16xi32>,
    %add3A_1430 = arith.addi %add3A_1427, %get3A_1429 : vector<16xi32>
    %get3A_1431 = arith.constant 3520 : index
    %get3A_1432 = tpu.vector_load %arg26[%get3A_1431] {strides = array<i32>} : memref<4096xi32, #tpu.memory_space<vmem>>, vector<16xi32>,
    %add3A_1433 = arith.addi %add3A_1430, %get3A_1432 : vector<16xi32>
    %get3A_1434 = arith.constant 3776 : index
    %get3A_1435 = tpu.vector_load %arg26[%get3A_1434] {strides = array<i32>} : memref<4096xi32, #tpu.memory_space<vmem>>, vector<16xi32>,
    %add3A_1436 = arith.addi %add3A_1433, %get3A_1435 : vector<16xi32>
    %get3A_1437 = arith.constant 4032 : index
    %get3A_1438 = tpu.vector_load %arg26[%get3A_1437] {strides = array<i32>} : memref<4096xi32, #tpu.memory_space<vmem>>, vector<16xi32>,
    %add3A_1439 = arith.addi %add3A_1436, %get3A_1438 : vector<16xi32>
    %swap3A_1440 = arith.constant 192 : index
    %swap3A_1441 = tpu.vector_load %arg27[%swap3A_1440] {strides = array<i32>} : memref<256xi32, #tpu.memory_space<vmem>>, vector<16xi32>,
    tpu.vector_store %arg27[%swap3A_1440], %add3A_1439 {strides = array<i32>} : memref<256xi32, #tpu.memory_space<vmem>>, vector<16xi32>,
    %get3A_1442 = arith.constant 208 : index
    %get3A_1443 = tpu.vector_load %arg26[%get3A_1442] {strides = array<i32>} : memref<4096xi32, #tpu.memory_space<vmem>>, vector<16xi32>,
    %get3A_1444 = arith.constant 464 : index
    %get3A_1445 = tpu.vector_load %arg26[%get3A_1444] {strides = array<i32>} : memref<4096xi32, #tpu.memory_space<vmem>>, vector<16xi32>,
    %add3A_1446 = arith.addi %get3A_1443, %get3A_1445 : vector<16xi32>
    %get3A_1447 = arith.constant 720 : index
    %get3A_1448 = tpu.vector_load %arg26[%get3A_1447] {strides = array<i32>} : memref<4096xi32, #tpu.memory_space<vmem>>, vector<16xi32>,
    %add3A_1449 = arith.addi %add3A_1446, %get3A_1448 : vector<16xi32>
    %get3A_1450 = arith.constant 976 : index
    %get3A_1451 = tpu.vector_load %arg26[%get3A_1450] {strides = array<i32>} : memref<4096xi32, #tpu.memory_space<vmem>>, vector<16xi32>,
    %add3A_1452 = arith.addi %add3A_1449, %get3A_1451 : vector<16xi32>
    %get3A_1453 = arith.constant 1232 : index
    %get3A_1454 = tpu.vector_load %arg26[%get3A_1453] {strides = array<i32>} : memref<4096xi32, #tpu.memory_space<vmem>>, vector<16xi32>,
    %add3A_1455 = arith.addi %add3A_1452, %get3A_1454 : vector<16xi32>
    %get3A_1456 = arith.constant 1488 : index
    %get3A_1457 = tpu.vector_load %arg26[%get3A_1456] {strides = array<i32>} : memref<4096xi32, #tpu.memory_space<vmem>>, vector<16xi32>,
    %add3A_1458 = arith.addi %add3A_1455, %get3A_1457 : vector<16xi32>
    %get3A_1459 = arith.constant 1744 : index
    %get3A_1460 = tpu.vector_load %arg26[%get3A_1459] {strides = array<i32>} : memref<4096xi32, #tpu.memory_space<vmem>>, vector<16xi32>,
    %add3A_1461 = arith.addi %add3A_1458, %get3A_1460 : vector<16xi32>
    %get3A_1462 = arith.constant 2000 : index
    %get3A_1463 = tpu.vector_load %arg26[%get3A_1462] {strides = array<i32>} : memref<4096xi32, #tpu.memory_space<vmem>>, vector<16xi32>,
    %add3A_1464 = arith.addi %add3A_1461, %get3A_1463 : vector<16xi32>
    %get3A_1465 = arith.constant 2256 : index
    %get3A_1466 = tpu.vector_load %arg26[%get3A_1465] {strides = array<i32>} : memref<4096xi32, #tpu.memory_space<vmem>>, vector<16xi32>,
    %add3A_1467 = arith.addi %add3A_1464, %get3A_1466 : vector<16xi32>
    %get3A_1468 = arith.constant 2512 : index
    %get3A_1469 = tpu.vector_load %arg26[%get3A_1468] {strides = array<i32>} : memref<4096xi32, #tpu.memory_space<vmem>>, vector<16xi32>,
    %add3A_1470 = arith.addi %add3A_1467, %get3A_1469 : vector<16xi32>
    %get3A_1471 = arith.constant 2768 : index
    %get3A_1472 = tpu.vector_load %arg26[%get3A_1471] {strides = array<i32>} : memref<4096xi32, #tpu.memory_space<vmem>>, vector<16xi32>,
    %add3A_1473 = arith.addi %add3A_1470, %get3A_1472 : vector<16xi32>
    %get3A_1474 = arith.constant 3024 : index
    %get3A_1475 = tpu.vector_load %arg26[%get3A_1474] {strides = array<i32>} : memref<4096xi32, #tpu.memory_space<vmem>>, vector<16xi32>,
    %add3A_1476 = arith.addi %add3A_1473, %get3A_1475 : vector<16xi32>
    %get3A_1477 = arith.constant 3280 : index
    %get3A_1478 = tpu.vector_load %arg26[%get3A_1477] {strides = array<i32>} : memref<4096xi32, #tpu.memory_space<vmem>>, vector<16xi32>,
    %add3A_1479 = arith.addi %add3A_1476, %get3A_1478 : vector<16xi32>
    %get3A_1480 = arith.constant 3536 : index
    %get3A_1481 = tpu.vector_load %arg26[%get3A_1480] {strides = array<i32>} : memref<4096xi32, #tpu.memory_space<vmem>>, vector<16xi32>,
    %add3A_1482 = arith.addi %add3A_1479, %get3A_1481 : vector<16xi32>
    %get3A_1483 = arith.constant 3792 : index
    %get3A_1484 = tpu.vector_load %arg26[%get3A_1483] {strides = array<i32>} : memref<4096xi32, #tpu.memory_space<vmem>>, vector<16xi32>,
    %add3A_1485 = arith.addi %add3A_1482, %get3A_1484 : vector<16xi32>
    %get3A_1486 = arith.constant 4048 : index
    %get3A_1487 = tpu.vector_load %arg26[%get3A_1486] {strides = array<i32>} : memref<4096xi32, #tpu.memory_space<vmem>>, vector<16xi32>,
    %add3A_1488 = arith.addi %add3A_1485, %get3A_1487 : vector<16xi32>
    %swap3A_1489 = arith.constant 208 : index
    %swap3A_1490 = tpu.vector_load %arg27[%swap3A_1489] {strides = array<i32>} : memref<256xi32, #tpu.memory_space<vmem>>, vector<16xi32>,
    tpu.vector_store %arg27[%swap3A_1489], %add3A_1488 {strides = array<i32>} : memref<256xi32, #tpu.memory_space<vmem>>, vector<16xi32>,
    %get3A_1491 = arith.constant 224 : index
    %get3A_1492 = tpu.vector_load %arg26[%get3A_1491] {strides = array<i32>} : memref<4096xi32, #tpu.memory_space<vmem>>, vector<16xi32>,
    %get3A_1493 = arith.constant 480 : index
    %get3A_1494 = tpu.vector_load %arg26[%get3A_1493] {strides = array<i32>} : memref<4096xi32, #tpu.memory_space<vmem>>, vector<16xi32>,
    %add3A_1495 = arith.addi %get3A_1492, %get3A_1494 : vector<16xi32>
    %get3A_1496 = arith.constant 736 : index
    %get3A_1497 = tpu.vector_load %arg26[%get3A_1496] {strides = array<i32>} : memref<4096xi32, #tpu.memory_space<vmem>>, vector<16xi32>,
    %add3A_1498 = arith.addi %add3A_1495, %get3A_1497 : vector<16xi32>
    %get3A_1499 = arith.constant 992 : index
    %get3A_1500 = tpu.vector_load %arg26[%get3A_1499] {strides = array<i32>} : memref<4096xi32, #tpu.memory_space<vmem>>, vector<16xi32>,
    %add3A_1501 = arith.addi %add3A_1498, %get3A_1500 : vector<16xi32>
    %get3A_1502 = arith.constant 1248 : index
    %get3A_1503 = tpu.vector_load %arg26[%get3A_1502] {strides = array<i32>} : memref<4096xi32, #tpu.memory_space<vmem>>, vector<16xi32>,
    %add3A_1504 = arith.addi %add3A_1501, %get3A_1503 : vector<16xi32>
    %get3A_1505 = arith.constant 1504 : index
    %get3A_1506 = tpu.vector_load %arg26[%get3A_1505] {strides = array<i32>} : memref<4096xi32, #tpu.memory_space<vmem>>, vector<16xi32>,
    %add3A_1507 = arith.addi %add3A_1504, %get3A_1506 : vector<16xi32>
    %get3A_1508 = arith.constant 1760 : index
    %get3A_1509 = tpu.vector_load %arg26[%get3A_1508] {strides = array<i32>} : memref<4096xi32, #tpu.memory_space<vmem>>, vector<16xi32>,
    %add3A_1510 = arith.addi %add3A_1507, %get3A_1509 : vector<16xi32>
    %get3A_1511 = arith.constant 2016 : index
    %get3A_1512 = tpu.vector_load %arg26[%get3A_1511] {strides = array<i32>} : memref<4096xi32, #tpu.memory_space<vmem>>, vector<16xi32>,
    %add3A_1513 = arith.addi %add3A_1510, %get3A_1512 : vector<16xi32>
    %get3A_1514 = arith.constant 2272 : index
    %get3A_1515 = tpu.vector_load %arg26[%get3A_1514] {strides = array<i32>} : memref<4096xi32, #tpu.memory_space<vmem>>, vector<16xi32>,
    %add3A_1516 = arith.addi %add3A_1513, %get3A_1515 : vector<16xi32>
    %get3A_1517 = arith.constant 2528 : index
    %get3A_1518 = tpu.vector_load %arg26[%get3A_1517] {strides = array<i32>} : memref<4096xi32, #tpu.memory_space<vmem>>, vector<16xi32>,
    %add3A_1519 = arith.addi %add3A_1516, %get3A_1518 : vector<16xi32>
    %get3A_1520 = arith.constant 2784 : index
    %get3A_1521 = tpu.vector_load %arg26[%get3A_1520] {strides = array<i32>} : memref<4096xi32, #tpu.memory_space<vmem>>, vector<16xi32>,
    %add3A_1522 = arith.addi %add3A_1519, %get3A_1521 : vector<16xi32>
    %get3A_1523 = arith.constant 3040 : index
    %get3A_1524 = tpu.vector_load %arg26[%get3A_1523] {strides = array<i32>} : memref<4096xi32, #tpu.memory_space<vmem>>, vector<16xi32>,
    %add3A_1525 = arith.addi %add3A_1522, %get3A_1524 : vector<16xi32>
    %get3A_1526 = arith.constant 3296 : index
    %get3A_1527 = tpu.vector_load %arg26[%get3A_1526] {strides = array<i32>} : memref<4096xi32, #tpu.memory_space<vmem>>, vector<16xi32>,
    %add3A_1528 = arith.addi %add3A_1525, %get3A_1527 : vector<16xi32>
    %get3A_1529 = arith.constant 3552 : index
    %get3A_1530 = tpu.vector_load %arg26[%get3A_1529] {strides = array<i32>} : memref<4096xi32, #tpu.memory_space<vmem>>, vector<16xi32>,
    %add3A_1531 = arith.addi %add3A_1528, %get3A_1530 : vector<16xi32>
    %get3A_1532 = arith.constant 3808 : index
    %get3A_1533 = tpu.vector_load %arg26[%get3A_1532] {strides = array<i32>} : memref<4096xi32, #tpu.memory_space<vmem>>, vector<16xi32>,
    %add3A_1534 = arith.addi %add3A_1531, %get3A_1533 : vector<16xi32>
    %get3A_1535 = arith.constant 4064 : index
    %get3A_1536 = tpu.vector_load %arg26[%get3A_1535] {strides = array<i32>} : memref<4096xi32, #tpu.memory_space<vmem>>, vector<16xi32>,
    %add3A_1537 = arith.addi %add3A_1534, %get3A_1536 : vector<16xi32>
    %swap3A_1538 = arith.constant 224 : index
    %swap3A_1539 = tpu.vector_load %arg27[%swap3A_1538] {strides = array<i32>} : memref<256xi32, #tpu.memory_space<vmem>>, vector<16xi32>,
    tpu.vector_store %arg27[%swap3A_1538], %add3A_1537 {strides = array<i32>} : memref<256xi32, #tpu.memory_space<vmem>>, vector<16xi32>,
    %get3A_1540 = arith.constant 240 : index
    %get3A_1541 = tpu.vector_load %arg26[%get3A_1540] {strides = array<i32>} : memref<4096xi32, #tpu.memory_space<vmem>>, vector<16xi32>,
    %get3A_1542 = arith.constant 496 : index
    %get3A_1543 = tpu.vector_load %arg26[%get3A_1542] {strides = array<i32>} : memref<4096xi32, #tpu.memory_space<vmem>>, vector<16xi32>,
    %add3A_1544 = arith.addi %get3A_1541, %get3A_1543 : vector<16xi32>
    %get3A_1545 = arith.constant 752 : index
    %get3A_1546 = tpu.vector_load %arg26[%get3A_1545] {strides = array<i32>} : memref<4096xi32, #tpu.memory_space<vmem>>, vector<16xi32>,
    %add3A_1547 = arith.addi %add3A_1544, %get3A_1546 : vector<16xi32>
    %get3A_1548 = arith.constant 1008 : index
    %get3A_1549 = tpu.vector_load %arg26[%get3A_1548] {strides = array<i32>} : memref<4096xi32, #tpu.memory_space<vmem>>, vector<16xi32>,
    %add3A_1550 = arith.addi %add3A_1547, %get3A_1549 : vector<16xi32>
    %get3A_1551 = arith.constant 1264 : index
    %get3A_1552 = tpu.vector_load %arg26[%get3A_1551] {strides = array<i32>} : memref<4096xi32, #tpu.memory_space<vmem>>, vector<16xi32>,
    %add3A_1553 = arith.addi %add3A_1550, %get3A_1552 : vector<16xi32>
    %get3A_1554 = arith.constant 1520 : index
    %get3A_1555 = tpu.vector_load %arg26[%get3A_1554] {strides = array<i32>} : memref<4096xi32, #tpu.memory_space<vmem>>, vector<16xi32>,
    %add3A_1556 = arith.addi %add3A_1553, %get3A_1555 : vector<16xi32>
    %get3A_1557 = arith.constant 1776 : index
    %get3A_1558 = tpu.vector_load %arg26[%get3A_1557] {strides = array<i32>} : memref<4096xi32, #tpu.memory_space<vmem>>, vector<16xi32>,
    %add3A_1559 = arith.addi %add3A_1556, %get3A_1558 : vector<16xi32>
    %get3A_1560 = arith.constant 2032 : index
    %get3A_1561 = tpu.vector_load %arg26[%get3A_1560] {strides = array<i32>} : memref<4096xi32, #tpu.memory_space<vmem>>, vector<16xi32>,
    %add3A_1562 = arith.addi %add3A_1559, %get3A_1561 : vector<16xi32>
    %get3A_1563 = arith.constant 2288 : index
    %get3A_1564 = tpu.vector_load %arg26[%get3A_1563] {strides = array<i32>} : memref<4096xi32, #tpu.memory_space<vmem>>, vector<16xi32>,
    %add3A_1565 = arith.addi %add3A_1562, %get3A_1564 : vector<16xi32>
    %get3A_1566 = arith.constant 2544 : index
    %get3A_1567 = tpu.vector_load %arg26[%get3A_1566] {strides = array<i32>} : memref<4096xi32, #tpu.memory_space<vmem>>, vector<16xi32>,
    %add3A_1568 = arith.addi %add3A_1565, %get3A_1567 : vector<16xi32>
    %get3A_1569 = arith.constant 2800 : index
    %get3A_1570 = tpu.vector_load %arg26[%get3A_1569] {strides = array<i32>} : memref<4096xi32, #tpu.memory_space<vmem>>, vector<16xi32>,
    %add3A_1571 = arith.addi %add3A_1568, %get3A_1570 : vector<16xi32>
    %get3A_1572 = arith.constant 3056 : index
    %get3A_1573 = tpu.vector_load %arg26[%get3A_1572] {strides = array<i32>} : memref<4096xi32, #tpu.memory_space<vmem>>, vector<16xi32>,
    %add3A_1574 = arith.addi %add3A_1571, %get3A_1573 : vector<16xi32>
    %get3A_1575 = arith.constant 3312 : index
    %get3A_1576 = tpu.vector_load %arg26[%get3A_1575] {strides = array<i32>} : memref<4096xi32, #tpu.memory_space<vmem>>, vector<16xi32>,
    %add3A_1577 = arith.addi %add3A_1574, %get3A_1576 : vector<16xi32>
    %get3A_1578 = arith.constant 3568 : index
    %get3A_1579 = tpu.vector_load %arg26[%get3A_1578] {strides = array<i32>} : memref<4096xi32, #tpu.memory_space<vmem>>, vector<16xi32>,
    %add3A_1580 = arith.addi %add3A_1577, %get3A_1579 : vector<16xi32>
    %get3A_1581 = arith.constant 3824 : index
    %get3A_1582 = tpu.vector_load %arg26[%get3A_1581] {strides = array<i32>} : memref<4096xi32, #tpu.memory_space<vmem>>, vector<16xi32>,
    %add3A_1583 = arith.addi %add3A_1580, %get3A_1582 : vector<16xi32>
    %get3A_1584 = arith.constant 4080 : index
    %get3A_1585 = tpu.vector_load %arg26[%get3A_1584] {strides = array<i32>} : memref<4096xi32, #tpu.memory_space<vmem>>, vector<16xi32>,
    %add3A_1586 = arith.addi %add3A_1583, %get3A_1585 : vector<16xi32>
    %swap3A_1587 = arith.constant 240 : index
    %swap3A_1588 = tpu.vector_load %arg27[%swap3A_1587] {strides = array<i32>} : memref<256xi32, #tpu.memory_space<vmem>>, vector<16xi32>,
    tpu.vector_store %arg27[%swap3A_1587], %add3A_1586 {strides = array<i32>} : memref<256xi32, #tpu.memory_space<vmem>>, vector<16xi32>,
    "tpu.region"() ({
      %run_scoped3A = tpu.sem_alloc : memref<!tpu.dma_semaphore, #tpu.memory_space<semaphore_mem>>
      %dma_start3A = arith.constant 0 : i32
      %dma_start3A_1595 = tpu.memref_slice %arg12[%add3A, %dma_start3A] : memref<32x256xi32, #tpu.memory_space<hbm>> -> memref<1x256xi32, #tpu.memory_space<hbm>>
      %dma_start3A_1596 = tpu.memref_squeeze %dma_start3A_1595 : memref<1x256xi32, #tpu.memory_space<hbm>> -> memref<256xi32, #tpu.memory_space<hbm>>
      %dma_start3A_1597 = arith.constant 0 : i32
      %dma_start3A_1598 = tpu.memref_slice %arg12[%add3A, %dma_start3A_1597] : memref<32x256xi32, #tpu.memory_space<hbm>> -> memref<1x256xi32, #tpu.memory_space<hbm>>
      %dma_start3A_1599 = tpu.memref_squeeze %dma_start3A_1598 : memref<1x256xi32, #tpu.memory_space<hbm>> -> memref<256xi32, #tpu.memory_space<hbm>>
      tpu.enqueue_dma source(%arg27 : memref<256xi32, #tpu.memory_space<vmem>>) target(%dma_start3A_1599 : memref<256xi32, #tpu.memory_space<hbm>>) target_semaphore(%run_scoped3A : memref<!tpu.dma_semaphore, #tpu.memory_space<semaphore_mem>>)
      %dma_wait3A = arith.constant 0 : i32
      %dma_wait3A_1600 = tpu.memref_slice %arg12[%add3A, %dma_wait3A] : memref<32x256xi32, #tpu.memory_space<hbm>> -> memref<1x256xi32, #tpu.memory_space<hbm>>
      %dma_wait3A_1601 = tpu.memref_squeeze %dma_wait3A_1600 : memref<1x256xi32, #tpu.memory_space<hbm>> -> memref<256xi32, #tpu.memory_space<hbm>>
      %dma_wait3A_1602 = arith.constant 0 : i32
      %dma_wait3A_1603 = tpu.memref_slice %arg12[%add3A, %dma_wait3A_1602] : memref<32x256xi32, #tpu.memory_space<hbm>> -> memref<1x256xi32, #tpu.memory_space<hbm>>
      %dma_wait3A_1604 = tpu.memref_squeeze %dma_wait3A_1603 : memref<1x256xi32, #tpu.memory_space<hbm>> -> memref<256xi32, #tpu.memory_space<hbm>>
      tpu.wait_dma2 semaphore(%run_scoped3A : memref<!tpu.dma_semaphore, #tpu.memory_space<semaphore_mem>>) src(%arg27 : memref<256xi32, #tpu.memory_space<vmem>>) dst(%dma_wait3A_1604 : memref<256xi32, #tpu.memory_space<hbm>>)
      tpu.yield
    }) : () -> ()
    %barrier3A_1589 = arith.constant 0 : index
    tpu.barrier barrier_id(%barrier3A_1589)
    %eq3A_1590 = arith.constant 0 : i32
    %eq3A_1591 = arith.cmpi eq, %arg1, %eq3A_1590 : i32
    %convert_element_type3A_1592 = arith.extui %eq3A_1591 : i1 to i32
    %cond3A_1593 = arith.constant 0 : i32
    %cond3A_1594 = arith.cmpi ne, %convert_element_type3A_1592, %cond3A_1593 : i32
    scf.if %cond3A_1594 {
      "tpu.region"() ({
        %run_scoped3A = tpu.sem_alloc : memref<!tpu.dma_semaphore, #tpu.memory_space<semaphore_mem>>
        %dma_start3A = arith.constant 0 : i32
        %dma_start3A_1595 = arith.constant 0 : i32
        %dma_start3A_1596 = tpu.memref_slice %arg9[%arg0, %dma_start3A, %dma_start3A_1595] : memref<2x256x16xf32, #tpu.memory_space<hbm>> -> memref<1x256x16xf32, #tpu.memory_space<hbm>>
        %dma_start3A_1597 = tpu.memref_squeeze %dma_start3A_1596 : memref<1x256x16xf32, #tpu.memory_space<hbm>> -> memref<256x16xf32, #tpu.memory_space<hbm>>
        tpu.enqueue_dma source(%arg14 : memref<256x16xf32, #tpu.memory_space<vmem_shared>>) target(%dma_start3A_1597 : memref<256x16xf32, #tpu.memory_space<hbm>>) target_semaphore(%run_scoped3A : memref<!tpu.dma_semaphore, #tpu.memory_space<semaphore_mem>>)
        %dma_wait3A = arith.constant 0 : i32
        %dma_wait3A_1598 = arith.constant 0 : i32
        %dma_wait3A_1599 = tpu.memref_slice %arg9[%arg0, %dma_wait3A, %dma_wait3A_1598] : memref<2x256x16xf32, #tpu.memory_space<hbm>> -> memref<1x256x16xf32, #tpu.memory_space<hbm>>
        %dma_wait3A_1600 = tpu.memref_squeeze %dma_wait3A_1599 : memref<1x256x16xf32, #tpu.memory_space<hbm>> -> memref<256x16xf32, #tpu.memory_space<hbm>>
        tpu.wait_dma2 semaphore(%run_scoped3A : memref<!tpu.dma_semaphore, #tpu.memory_space<semaphore_mem>>) src(%arg14 : memref<256x16xf32, #tpu.memory_space<vmem_shared>>) dst(%dma_wait3A_1600 : memref<256x16xf32, #tpu.memory_space<hbm>>)
        tpu.yield
      }) : () -> ()
      "tpu.region"() ({
        %run_scoped3A = tpu.sem_alloc : memref<!tpu.dma_semaphore, #tpu.memory_space<semaphore_mem>>
        %dma_start3A = arith.constant 0 : i32
        %dma_start3A_1595 = arith.constant 0 : i32
        %dma_start3A_1596 = tpu.memref_slice %arg10[%arg0, %dma_start3A, %dma_start3A_1595] : memref<2x256x128xf32, #tpu.memory_space<hbm>> -> memref<1x256x128xf32, #tpu.memory_space<hbm>>
        %dma_start3A_1597 = tpu.memref_squeeze %dma_start3A_1596 : memref<1x256x128xf32, #tpu.memory_space<hbm>> -> memref<256x128xf32, #tpu.memory_space<hbm>>
        tpu.enqueue_dma source(%arg15 : memref<256x128xf32, #tpu.memory_space<vmem_shared>>) target(%dma_start3A_1597 : memref<256x128xf32, #tpu.memory_space<hbm>>) target_semaphore(%run_scoped3A : memref<!tpu.dma_semaphore, #tpu.memory_space<semaphore_mem>>)
        %dma_wait3A = arith.constant 0 : i32
        %dma_wait3A_1598 = arith.constant 0 : i32
        %dma_wait3A_1599 = tpu.memref_slice %arg10[%arg0, %dma_wait3A, %dma_wait3A_1598] : memref<2x256x128xf32, #tpu.memory_space<hbm>> -> memref<1x256x128xf32, #tpu.memory_space<hbm>>
        %dma_wait3A_1600 = tpu.memref_squeeze %dma_wait3A_1599 : memref<1x256x128xf32, #tpu.memory_space<hbm>> -> memref<256x128xf32, #tpu.memory_space<hbm>>
        tpu.wait_dma2 semaphore(%run_scoped3A : memref<!tpu.dma_semaphore, #tpu.memory_space<semaphore_mem>>) src(%arg15 : memref<256x128xf32, #tpu.memory_space<vmem_shared>>) dst(%dma_wait3A_1600 : memref<256x128xf32, #tpu.memory_space<hbm>>)
        tpu.yield
      }) : () -> ()
    } else {
    }
    return
  }
}

module attributes {stable_mosaic.version = 14 : i64} {
  func.func @_tc_body(%arg0: memref<256x64xf32, #tpu.memory_space<vmem>>, %arg1: memref<2x256x16xf32, #tpu.memory_space<vmem>>, %arg2: memref<2x256x128xf32, #tpu.memory_space<vmem>>, %arg3: memref<32x256xi32, #tpu.memory_space<vmem>>, %arg4: memref<32x256xi32, #tpu.memory_space<vmem>>, %arg5: memref<64x256xf32, #tpu.memory_space<vmem>>, %arg6: memref<16x256xf32, #tpu.memory_space<vmem>>, %arg7: memref<128x256xf32, #tpu.memory_space<vmem>>, %arg8: memref<1x256xf32, #tpu.memory_space<vmem>>, %arg9: memref<256x64xf32, #tpu.memory_space<vmem>>, %arg10: memref<1x64xf32, #tpu.memory_space<vmem>>, %arg11: memref<1x64xf32, #tpu.memory_space<vmem>>, %arg12: memref<1x64xf32, #tpu.memory_space<vmem>>, %arg13: memref<256x64xf32, #tpu.memory_space<vmem>>) attributes {dimension_semantics = [], scalar_prefetch = 0 : i64, scratch_operands = 0 : i64, tpu.core_type = #tpu.core_type<tc>} {
    %get3A = arith.constant 0 : index
    %get3A_0 = arith.constant 0 : index
    %get3A_1 = arith.constant 0 : index
    %get3A_2 = vector.load %arg1[%get3A, %get3A_0, %get3A_1] : memref<2x256x16xf32, #tpu.memory_space<vmem>>, vector<1x256x16xf32>
    %get3A_3 = vector.shape_cast %get3A_2 : vector<1x256x16xf32> to vector<256x16xf32>
    %get3A_4 = arith.constant 1 : index
    %get3A_5 = arith.constant 0 : index
    %get3A_6 = arith.constant 0 : index
    %get3A_7 = vector.load %arg1[%get3A_4, %get3A_5, %get3A_6] : memref<2x256x16xf32, #tpu.memory_space<vmem>>, vector<1x256x16xf32>
    %get3A_8 = vector.shape_cast %get3A_7 : vector<1x256x16xf32> to vector<256x16xf32>
    %add3A = arith.addf %get3A_3, %get3A_8 : vector<256x16xf32>
    %get3A_9 = arith.constant 0 : index
    %get3A_10 = arith.constant 0 : index
    %get3A_11 = arith.constant 0 : index
    %get3A_12 = vector.load %arg2[%get3A_9, %get3A_10, %get3A_11] : memref<2x256x128xf32, #tpu.memory_space<vmem>>, vector<1x256x128xf32>
    %get3A_13 = vector.shape_cast %get3A_12 : vector<1x256x128xf32> to vector<256x128xf32>
    %get3A_14 = arith.constant 1 : index
    %get3A_15 = arith.constant 0 : index
    %get3A_16 = arith.constant 0 : index
    %get3A_17 = vector.load %arg2[%get3A_14, %get3A_15, %get3A_16] : memref<2x256x128xf32, #tpu.memory_space<vmem>>, vector<1x256x128xf32>
    %get3A_18 = vector.shape_cast %get3A_17 : vector<1x256x128xf32> to vector<256x128xf32>
    %add3A_19 = arith.addf %get3A_13, %get3A_18 : vector<256x128xf32>
    %get3A_20 = arith.constant 0 : index
    %get3A_21 = arith.constant 0 : index
    %get3A_22 = vector.load %arg3[%get3A_20, %get3A_21] : memref<32x256xi32, #tpu.memory_space<vmem>>, vector<32x256xi32>
    %reduce_sum3A = arith.constant dense<0> : vector<256xi32>
    %reduce_sum3A_23 = vector.multi_reduction <add>, %get3A_22, %reduce_sum3A [0] : vector<32x256xi32> to vector<256xi32>
    %convert_element_type3A = arith.sitofp %reduce_sum3A_23 : vector<256xi32> to vector<256xf32>
    %get3A_24 = arith.constant 0 : index
    %get3A_25 = arith.constant 0 : index
    %get3A_26 = vector.load %arg4[%get3A_24, %get3A_25] : memref<32x256xi32, #tpu.memory_space<vmem>>, vector<32x256xi32>
    %reduce_sum3A_27 = arith.constant dense<0> : vector<256xi32>
    %reduce_sum3A_28 = vector.multi_reduction <add>, %get3A_26, %reduce_sum3A_27 [0] : vector<32x256xi32> to vector<256xi32>
    %convert_element_type3A_29 = arith.sitofp %reduce_sum3A_28 : vector<256xi32> to vector<256xf32>
    %max3A = arith.constant 1.000000e+00 : f32
    %max3A_30 = vector.broadcast %max3A : f32 to vector<256xf32>
    %max3A_31 = arith.maximumf %convert_element_type3A, %max3A_30 : vector<256xf32>
    %broadcast_in_dim3A = vector.shape_cast %max3A_31 : vector<256xf32> to vector<256x1xf32>
    %div3A = vector.broadcast %broadcast_in_dim3A : vector<256x1xf32> to vector<256x16xf32>
    %div3A_32 = arith.divf %add3A, %div3A : vector<256x16xf32>
    %max3A_33 = arith.constant 1.000000e+00 : f32
    %max3A_34 = vector.broadcast %max3A_33 : f32 to vector<256xf32>
    %max3A_35 = arith.maximumf %convert_element_type3A_29, %max3A_34 : vector<256xf32>
    %broadcast_in_dim3A_36 = vector.shape_cast %max3A_35 : vector<256xf32> to vector<256x1xf32>
    %div3A_37 = vector.broadcast %broadcast_in_dim3A_36 : vector<256x1xf32> to vector<256x128xf32>
    %div3A_38 = arith.divf %add3A_19, %div3A_37 : vector<256x128xf32>
    %get3A_39 = arith.constant 0 : index
    %get3A_40 = arith.constant 0 : index
    %get3A_41 = vector.load %arg0[%get3A_39, %get3A_40] : memref<256x64xf32, #tpu.memory_space<vmem>>, vector<256x64xf32>
    %get3A_42 = arith.constant 0 : index
    %get3A_43 = arith.constant 0 : index
    %get3A_44 = vector.load %arg5[%get3A_42, %get3A_43] : memref<64x256xf32, #tpu.memory_space<vmem>>, vector<64x256xf32>
    %dot_general3A = arith.constant dense<0.000000e+00> : vector<256x256xf32>
    %dot_general3A_45 = tpu.matmul %get3A_41, %get3A_44, %dot_general3A {dimension_numbers = #tpu.dot_dimension_numbers<[1], [0], [0], [1], [0, 0, 1, 1], [], []>, transpose_lhs_hint = false} : vector<256x64xf32>, vector<64x256xf32>, vector<256x256xf32> -> vector<256x256xf32>
    %get3A_46 = arith.constant 0 : index
    %get3A_47 = arith.constant 0 : index
    %get3A_48 = vector.load %arg6[%get3A_46, %get3A_47] : memref<16x256xf32, #tpu.memory_space<vmem>>, vector<16x256xf32>
    %dot_general3A_49 = arith.constant dense<0.000000e+00> : vector<256x256xf32>
    %dot_general3A_50 = tpu.matmul %div3A_32, %get3A_48, %dot_general3A_49 {dimension_numbers = #tpu.dot_dimension_numbers<[1], [0], [0], [1], [0, 0, 1, 1], [], []>, transpose_lhs_hint = false} : vector<256x16xf32>, vector<16x256xf32>, vector<256x256xf32> -> vector<256x256xf32>
    %add3A_51 = arith.addf %dot_general3A_45, %dot_general3A_50 : vector<256x256xf32>
    %get3A_52 = arith.constant 0 : index
    %get3A_53 = arith.constant 0 : index
    %get3A_54 = vector.load %arg7[%get3A_52, %get3A_53] : memref<128x256xf32, #tpu.memory_space<vmem>>, vector<128x256xf32>
    %dot_general3A_55 = arith.constant dense<0.000000e+00> : vector<256x256xf32>
    %dot_general3A_56 = tpu.matmul %div3A_38, %get3A_54, %dot_general3A_55 {dimension_numbers = #tpu.dot_dimension_numbers<[1], [0], [0], [1], [0, 0, 1, 1], [], []>, transpose_lhs_hint = false} : vector<256x128xf32>, vector<128x256xf32>, vector<256x256xf32> -> vector<256x256xf32>
    %add3A_57 = arith.addf %add3A_51, %dot_general3A_56 : vector<256x256xf32>
    %get3A_58 = arith.constant 0 : index
    %get3A_59 = arith.constant 0 : index
    %get3A_60 = vector.load %arg8[%get3A_58, %get3A_59] : memref<1x256xf32, #tpu.memory_space<vmem>>, vector<1x256xf32>
    %add3A_61 = vector.broadcast %get3A_60 : vector<1x256xf32> to vector<256x256xf32>
    %add3A_62 = arith.addf %add3A_57, %add3A_61 : vector<256x256xf32>
    %max3A_63 = arith.constant 0.000000e+00 : f32
    %max3A_64 = vector.broadcast %max3A_63 : f32 to vector<256x256xf32>
    %max3A_65 = arith.maximumf %add3A_62, %max3A_64 : vector<256x256xf32>
    %get3A_66 = arith.constant 0 : index
    %get3A_67 = arith.constant 0 : index
    %get3A_68 = vector.load %arg9[%get3A_66, %get3A_67] : memref<256x64xf32, #tpu.memory_space<vmem>>, vector<256x64xf32>
    %dot_general3A_69 = arith.constant dense<0.000000e+00> : vector<256x64xf32>
    %dot_general3A_70 = tpu.matmul %max3A_65, %get3A_68, %dot_general3A_69 {dimension_numbers = #tpu.dot_dimension_numbers<[1], [0], [0], [1], [0, 0, 1, 1], [], []>, transpose_lhs_hint = false} : vector<256x256xf32>, vector<256x64xf32>, vector<256x64xf32> -> vector<256x64xf32>
    %get3A_71 = arith.constant 0 : index
    %get3A_72 = arith.constant 0 : index
    %get3A_73 = vector.load %arg10[%get3A_71, %get3A_72] : memref<1x64xf32, #tpu.memory_space<vmem>>, vector<1x64xf32>
    %add3A_74 = vector.broadcast %get3A_73 : vector<1x64xf32> to vector<256x64xf32>
    %add3A_75 = arith.addf %dot_general3A_70, %add3A_74 : vector<256x64xf32>
    %add3A_76 = arith.addf %add3A_75, %get3A_41 : vector<256x64xf32>
    %reduce_sum3A_77 = arith.constant dense<0.000000e+00> : vector<256xf32>
    %reduce_sum3A_78 = vector.multi_reduction <add>, %add3A_76, %reduce_sum3A_77 [1] : vector<256x64xf32> to vector<256xf32>
    %broadcast_in_dim3A_79 = vector.shape_cast %reduce_sum3A_78 : vector<256xf32> to vector<256x1xf32>
    %div3A_80 = arith.constant 6.400000e+01 : f32
    %div3A_81 = vector.broadcast %div3A_80 : f32 to vector<256x1xf32>
    %div3A_82 = arith.divf %broadcast_in_dim3A_79, %div3A_81 : vector<256x1xf32>
    %sub3A = vector.broadcast %div3A_82 : vector<256x1xf32> to vector<256x64xf32>
    %sub3A_83 = arith.subf %add3A_76, %sub3A : vector<256x64xf32>
    %integer_pow3A = arith.mulf %sub3A_83, %sub3A_83 : vector<256x64xf32>
    %reduce_sum3A_84 = arith.constant dense<0.000000e+00> : vector<256xf32>
    %reduce_sum3A_85 = vector.multi_reduction <add>, %integer_pow3A, %reduce_sum3A_84 [1] : vector<256x64xf32> to vector<256xf32>
    %broadcast_in_dim3A_86 = vector.shape_cast %reduce_sum3A_85 : vector<256xf32> to vector<256x1xf32>
    %div3A_87 = arith.constant 6.400000e+01 : f32
    %div3A_88 = vector.broadcast %div3A_87 : f32 to vector<256x1xf32>
    %div3A_89 = arith.divf %broadcast_in_dim3A_86, %div3A_88 : vector<256x1xf32>
    %sub3A_90 = vector.broadcast %div3A_82 : vector<256x1xf32> to vector<256x64xf32>
    %sub3A_91 = arith.subf %add3A_76, %sub3A_90 : vector<256x64xf32>
    %add3A_92 = arith.constant 9.99999974E-6 : f32
    %add3A_93 = vector.broadcast %add3A_92 : f32 to vector<256x1xf32>
    %add3A_94 = arith.addf %div3A_89, %add3A_93 : vector<256x1xf32>
    %rsqrt3A = math.rsqrt %add3A_94 : vector<256x1xf32>
    %mul3A = vector.broadcast %rsqrt3A : vector<256x1xf32> to vector<256x64xf32>
    %mul3A_95 = arith.mulf %sub3A_91, %mul3A : vector<256x64xf32>
    %get3A_96 = arith.constant 0 : index
    %get3A_97 = arith.constant 0 : index
    %get3A_98 = vector.load %arg11[%get3A_96, %get3A_97] : memref<1x64xf32, #tpu.memory_space<vmem>>, vector<1x64xf32>
    %mul3A_99 = vector.broadcast %get3A_98 : vector<1x64xf32> to vector<256x64xf32>
    %mul3A_100 = arith.mulf %mul3A_95, %mul3A_99 : vector<256x64xf32>
    %get3A_101 = arith.constant 0 : index
    %get3A_102 = arith.constant 0 : index
    %get3A_103 = vector.load %arg12[%get3A_101, %get3A_102] : memref<1x64xf32, #tpu.memory_space<vmem>>, vector<1x64xf32>
    %add3A_104 = vector.broadcast %get3A_103 : vector<1x64xf32> to vector<256x64xf32>
    %add3A_105 = arith.addf %mul3A_100, %add3A_104 : vector<256x64xf32>
    %swap3A = arith.constant 0 : index
    %swap3A_106 = arith.constant 0 : index
    %swap3A_107 = vector.load %arg13[%swap3A, %swap3A_106] : memref<256x64xf32, #tpu.memory_space<vmem>>, vector<256x64xf32>
    tpu.vector_store %arg13[%swap3A, %swap3A_106], %add3A_105 {strides = array<i32>} : memref<256x64xf32, #tpu.memory_space<vmem>>, vector<256x64xf32>,
    return
  }
}

</mosaic_0001>

<sc_bundles>
// kernel: kernel.4.cloned.1.call-start
scs
__scs_entry_jumppad:
0x0: {  	(pc) =	sbr.rel $0x88, $3  }
0x1: {  	(tag) =	ssettag $0x0;
	lr =	simm.s32 $0x1  }
0x2: {  	[smem:$0x3F96] =	sst lr;
	_ =	strace $0xD0000000  }
0x3: {  	_ = 	snop  }
0x4: {  	_ = 	snop  }
0x5: {  	_ = 	snop  }
0x6: {  	_ = 	snop  }
0x7: {  	_ = 	snop  }
__scs_overlays_trampoline_lowered:
0x8: {  	[smem:$0x3FA5] =	sst s0  }
0x9: {  	[smem:$0x3FA6] =	sst s1  }
0xa: {  	[smem:$0x3FA7] =	sst s2  }
0xb: {  	[smem:$0x3FA8] =	sst s3  }
0xc: {  	[smem:$0x3FA9] =	sst s4  }
0xd: {  	[smem:$0x3FAA] =	sst s5  }
0xe: {  	[smem:$0x3FAB] =	sst s6  }
0xf: {  	[smem:$0x3FAC] =	sst s7  }
0x10: {  	[smem:$0x3FAD] =	sst s8  }
0x11: {  	[smem:$0x3FAE] =	sst s9;
	s0 =	simm.s32 @!p0 $0x0  }
0x12: {  	s1 =	sld [smem:$0x3F94];
	s0 =	simm.s32 @p0 $0x1  }
0x13: {  	[smem:$0x3FAF] =	sst s0;
	s0 =	simm.s32 @!p1 $0x0  }
0x14: {  	s2 =	sld [smem:$0x3F93];
	s0 =	simm.s32 @p1 $0x1  }
0x15: {  	[smem:$0x3FB0] =	sst s0;
	s0 =	simm.s32 @!p2 $0x0  }
0x16: {  	s3 =	sld [smem:$0x3FDB];
	s0 =	simm.s32 @p2 $0x1  }
0x17: {  	s4 =	simm.s32 $0x1BF5;
	[smem:$0x3FB2] =	sst s0  }
0x18: {  	s0 =	sld [smem:$0x3F95];
	_ =	swait.ge [sflag:s4], $0x0  }
0x19: {  	s7 =	sld [smem:$0x3F96]  }
0x1a: {  	s8 =	sadd.s32 $0xFFFFE003, lr  }
0x1b: {  	s9 =	sadd.s32 $0xFFFFFEF7, lr;
	s5 =	simm.s32 $0xFFFFFFFF;
	p2 =	slt.u32 s8, $0xFFFFF086  }
0x1c: {  	p1 =	slt.u32 s9, $0xF7A;
	s5 =	simm.s32 @!p2 $0x0  }
0x1d: {  	s5 =	simm.s32 @p1 $0x1;
	p0 =	seq.s32 s7, s2  }
0x1e: {  	s7 =	smul.u32 @!p0 $0xF7A, s2;
	p2 =	seq.s32 @!p0 s5, $0x0  }
0x1f: {  	s9 =	smul.u32 $0xF7A, s1;
	s8 =	simm.s32 @!p0 $0x1BF5;
	p2 =	por !p2, p0  }
0x20: {  	[sflag:s8] =	ssyncset.s32 @!p0 $0xFFFFF086;
	s6 =	sadd.s32 @!p0 s3, s7;
	s7 =	simm.s32 @!p0 $0x108  }
0x21: {  	s3 =	sadd.s32 s3, s9;
	s6 =	sadd.s32 @!p0 $0x88, s6;
	s7 =	simm.s32 @p2 $0x1082  }
0x22: {  	[simem:s7], [sflag:s8] =	dma.local @!p0 [hbm:s6], $0xF7A  }
0x23: {  	s9 =	sor.u32 $0xD0000000, s2;
	s6 =	simm.s32 $0x108;
	_ =	swait.ge @!p0 [sflag:s8], $0x0  }
0x24: {  	s3 =	sadd.s32 $0x88, s3;
	s6 =	simm.s32 @!p1 $0x1082;
	[sflag:s4] =	ssyncset.s32 $0xFFFFF086  }
0x25: {  	[simem:s6], [sflag:s4] =	dma.local [hbm:s3], $0xF7A  }
0x26: {  	[smem:$0x3F96] =	sst s1;
	(tag) =	ssettag s2;
	_ =	strace s9  }
0x27: {  	s1 =	sld [smem:$0x3FA6]  }
0x28: {  	s2 =	sld [smem:$0x3FA7]  }
0x29: {  	s4 =	sld [smem:$0x3FA9]  }
0x2a: {  	p0 =	seq.s32 s5, $0x0;
	s5 =	sld [smem:$0x3FAA]  }
0x2b: {  	s6 =	sld [smem:$0x3FAB]  }
0x2c: {  	s7 =	sld [smem:$0x3FAC]  }
0x2d: {  	s3 =	simm.s32 $0x108;
	s8 =	sld [smem:$0x3FAD]  }
0x2e: {  	s3 =	simm.s32 @!p0 $0x1082;
	s9 =	sld [smem:$0x3FAE]  }
0x2f: {  	lr =	sadd.s32 s0, s3;
	s0 =	sld [smem:$0x3FA5]  }
0x30: {  	s3 =	sld [smem:$0x3FA8]  }
0x31: {  	[smem:$0x3FB1] =	sst s10  }
0x32: {  	s10 =	sld [smem:$0x3FAF];
	_ =	sdelay $0x3  }
0x33: {  	p0 =	seq.s32 s10, $0x1;
	s10 =	sld [smem:$0x3FB1];
	_ =	sdelay $0x3  }
0x34: {  	[smem:$0x3FB1] =	sst s10  }
0x35: {  	s10 =	sld [smem:$0x3FB0];
	_ =	sdelay $0x3  }
0x36: {  	p1 =	seq.s32 s10, $0x1;
	s10 =	sld [smem:$0x3FB1];
	_ =	sdelay $0x3  }
0x37: {  	[smem:$0x3FB1] =	sst s10  }
0x38: {  	s10 =	sld [smem:$0x3FB2]  }
0x39: {  	_ = 	snop;
	(pc) =	sbr.ind lr, $3  }
0x3a: {  	_ = 	snop  }
0x3b: {  	_ = 	snop  }
0x3c: {  	p2 =	seq.s32 s10, $0x1;
	s10 =	sld [smem:$0x3FB1]  }
0x3d: {  	_ =	shalt  }
0x3e: {  	_ =	shalt  }
0x3f: {  	_ =	shalt  }
0x40: {  	_ =	shalt  }
0x41: {  	_ =	shalt  }
0x42: {  	_ =	shalt  }
0x43: {  	_ =	shalt  }
0x44: {  	_ =	shalt  }
0x45: {  	_ =	shalt  }
0x46: {  	_ =	shalt  }
0x47: {  	_ =	shalt  }
0x48: {  	_ =	shalt  }
0x49: {  	_ =	shalt  }
0x4a: {  	_ =	shalt  }
0x4b: {  	_ =	shalt  }
0x4c: {  	_ =	shalt  }
0x4d: {  	_ =	shalt  }
0x4e: {  	_ =	shalt  }
0x4f: {  	_ =	shalt  }
0x50: {  	_ =	shalt  }
0x51: {  	_ =	shalt  }
0x52: {  	_ =	shalt  }
0x53: {  	_ =	shalt  }
0x54: {  	_ =	shalt  }
0x55: {  	_ =	shalt  }
0x56: {  	_ =	shalt  }
0x57: {  	_ =	shalt  }
0x58: {  	_ =	shalt  }
0x59: {  	_ =	shalt  }
0x5a: {  	_ =	shalt  }
0x5b: {  	_ =	shalt  }
0x5c: {  	_ =	shalt  }
0x5d: {  	_ =	shalt  }
0x5e: {  	_ =	shalt  }
0x5f: {  	_ =	shalt  }
0x60: {  	_ =	shalt  }
0x61: {  	_ =	shalt  }
0x62: {  	_ =	shalt  }
0x63: {  	_ =	shalt  }
0x64: {  	_ =	shalt  }
0x65: {  	_ =	shalt  }
0x66: {  	_ =	shalt  }
0x67: {  	_ =	shalt  }
0x68: {  	_ =	shalt  }
0x69: {  	_ =	shalt  }
0x6a: {  	_ =	shalt  }
0x6b: {  	_ =	shalt  }
0x6c: {  	_ =	shalt  }
0x6d: {  	_ =	shalt  }
0x6e: {  	_ =	shalt  }
0x6f: {  	_ =	shalt  }
0x70: {  	_ =	shalt  }
0x71: {  	_ =	shalt  }
0x72: {  	_ =	shalt  }
0x73: {  	_ =	shalt  }
0x74: {  	_ =	shalt  }
0x75: {  	_ =	shalt  }
0x76: {  	_ =	shalt  }
0x77: {  	_ =	shalt  }
0x78: {  	_ =	shalt  }
0x79: {  	_ =	shalt  }
0x7a: {  	_ =	shalt  }
0x7b: {  	_ =	shalt  }
0x7c: {  	_ =	shalt  }
0x7d: {  	_ =	shalt  }
0x7e: {  	_ =	shalt  }
0x7f: {  	_ =	shalt  }
0x80: {  	_ =	shalt  }
0x81: {  	_ =	shalt  }
0x82: {  	_ =	shalt  }
0x83: {  	_ =	shalt  }
0x84: {  	_ =	shalt  }
0x85: {  	_ =	shalt  }
0x86: {  	_ =	shalt  }
0x87: {  	_ =	shalt  }
.Lfunc_end0:
.L_simem_size_0:
called_computation_lowered:
.L_overlay_start_0:
0x88: {  	s2 =	sld [smem:$0x3FD9]  }
0x89: {  	s3 =	sld [smem:$0x3FFE];
	_ =	sdelay $0x1  }
0x8a: {  	s1 =	srdreg.scid  }
0x8b: {  	s0 =	sand.u32 $0x1, s1  }
0x8c: {  	s17 =	sshll.u32 s0, $0xA;
	s2 =	sadd.s32 s3, s2  }
0x8d: {  	s2 =	sadd.s32 s2, s17  }
0x8e: {  	[smem:$0x3FBD] =	sst s2  }
0x8f: {  	_ = 	snop  }
0x90: {  	s2 =	sld [smem:$0x3FC9]  }
0x91: {  	s18 =	sld [smem:$0x3FC7]  }
0x92: {  	s4 =	sld [smem:$0x3FC5]  }
0x93: {  	s5 =	sld [smem:$0x3FD0];
	(tm) =	ssettm $0x1  }
0x94: {  	s6 =	sld [smem:$0x3FFB];
	_ =	sdelay $0x3  }
0x95: {  	_ =	strace s6  }
0x96: {  	s6 =	sld [smem:$0x3FFC];
	_ =	sdelay $0x3  }
0x97: {  	_ =	strace s6  }
0x98: {  	s6 =	sld [smem:$0x3FFD];
	_ =	sdelay $0x3  }
0x99: {  	_ =	strace s6  }
0x9a: {  	_ =	strace $0x8FFFFFFF  }
0x9b: {  	s19 =	sld [smem:$0x3FDB];
	_ =	sdelay $0x1  }
0x9c: {  	s7 =	simm.s32 $_scs_section_size  }
0x9d: {  	s8 =	simm.s32 $_size__tile_overlayer_lowered;
	s9 =	simm.s32 $_tile_overlayer_lowered  }
0x9e: {  	s22 =	simm.s32 $0x1BFF;
	s21 =	sshll.u32 s9, $0x1;
	s6 =	sadd.s32 s7, s19  }
0x9f: {  	s10 =	simm.s32 $0x0;
	s20 =	sshll.u32 s8, $0x1;
	s8 =	sadd.s32 s21, s6  }
0xa0: {  	[timem:s10], [sflag:s22] =	dma.local [hbm:s8], s20  }
0xa1: {  	_ =	swait.ge [sflag:s22], s20  }
0xa2: {  	s7 =	ssub.s32 $0x0, s20;
	[sflag:s22] =	ssyncset.done $0x0  }
0xa3: {  	[sflag:s22] =	ssyncadd.s32 s7;
	_ =	sdelay $0x1  }
0xa4: {  	s23 =	simm.s32 $0x1B8B  }
0xa5: {  	_ =	swait.ge [sflag:s23], $0x1  }
0xa6: {  	[sflag:s23] =	ssyncset.done $0x0  }
0xa7: {  	s25 =	simm.s32 $0x1B8E;
	s24 =	sld [smem:$0x3FFE];
	[sflag:s23] =	ssyncadd.s32 $0xFFFFFFFF  }
0xa8: {  	s26 =	simm.s32 $execute0_lowered;
	[smem:$0x3FD2] =	sst s25  }
0xa9: {  	s8 =	sshll.u32 s26, $0x1;
	_ =	strace $0x80000046;
	[dreg:$0x1] =	wrdreg $0xFFFFFFFF  }
0xaa: {  	s28 =	simm.s32 $_size_execute0_lowered;
	s6 =	sadd.s32 s6, s8;
	[dreg:$0x0] =	wrdreg $0x0  }
0xab: {  	s8 =	sshll.u32 s28, $0x1;
	[dreg:$0x2] =	wrdreg s6  }
0xac: {  	[dreg:$0x3] =	wrdreg s8  }
0xad: {  	[dreg:$0x4] =	wrdreg $0xC0  }
0xae: {  	_ =	task [dreg:s10], $0x5FFFF  }
0xaf: {  	[dreg:$0x1] =	wrdreg $0xFFFFFFFF  }
0xb0: {  	[dreg:$0x0] =	wrdreg $0x60  }
0xb1: {  	[dreg:$0x2] =	wrdreg s24  }
0xb2: {  	[dreg:$0x3] =	wrdreg s18  }
0xb3: {  	[dreg:$0x4] =	wrdreg s2  }
0xb4: {  	[dreg:$0x5] =	wrdreg s4  }
0xb5: {  	[dreg:$0x6] =	wrdreg s5  }
0xb6: {  	[dreg:$0x7] =	wrdreg $0x18700  }
0xb7: {  	[dreg:$0x8] =	wrdreg $0x19700  }
0xb8: {  	[dreg:$0x9] =	wrdreg $0x0  }
0xb9: {  	[dreg:$0xa] =	wrdreg $0x9  }
0xba: {  	_ =	task.clear_ibuf [dreg:s10], $0xBFFFF;
	_ =	strace $0x90000046  }
0xbb: {  	s29 =	simm.s32 $0x9;
	_ =	strace $0x80000048  }
0xbc: {  	_ =	swait.ge [sflag:s29], $0x1  }
0xbd: {  	[sflag:s29] =	ssyncadd.s32 $0xFFFFFFFF  }
0xbe: {  	_ =	strace $0x90000048  }
0xbf: {  	_ =	sfence  }
0xc0: {  	s30 =	sld [smem:$0x0];
	_ =	sdelay $0x2  }
0xc1: {  	s31 =	sshll.u32 s1, $0xD;
	s1 =	sshrl.u32 s1, $0x2  }
0xc2: {  	s3 =	sand.u32 $0x4000, s31;
	s1 =	sadd.s32 s1, s30  }
0xc3: {  	s0 =	sor.u32 s3, s0;
	s1 =	sshll.u32 s1, $0x11  }
0xc4: {  	s0 =	sor.u32 s1, s0  }
0xc5: {  	s0 =	sadd.s32 $0x8F2B, s0  }
0xc6: {  	[sflag:s0] =	ssyncadd.remote.s32 $0x1  }
0xc7: {  	_ =	sfence.sel $0xFFFF  }
0xc8: {  	[dreg:$0x0] =	wrdreg $0xFFFFFFFF;
	(pc) =	sbr.abs _section_cstart, $3  }
0xc9: {  	[dreg:$0x1] =	wrdreg $0xFFFFFFFF  }
0xca: {  	_ =	task.clear_ibuf [dreg:s10], $0x2FFFF;
	_ =	strace $0x9FFFFFFF  }
0xcb: {  	(tm) =	ssettm $0x7FFFFFFF  }
tec
execute0_lowered:
.L_overlay_start_1:
0x0: {  	(tag) =	ssettag $0x1  }
0x1: {  	s0 =	rddreg [dreg:$0x0]  }
0x2: {  	s1 =	rddreg [dreg:$0x2]  }
0x3: {  	s12 =	rddreg [dreg:$0x3]  }
0x4: {  	s2 =	rddreg [dreg:$0x4]  }
0x5: {  	s11 =	rddreg [dreg:$0x5]  }
0x6: {  	s13 =	rddreg [dreg:$0x6]  }
0x7: {  	s14 =	rddreg [dreg:$0x7];
	s3 =	simm.s32 $0x0;
	s10 =	srdreg.scid  }
0x8: {  	s4 =	stileid.u32;
	[smem:$0x7FF] =	sst s3;
	s5 =	sadd.s32 $0x1A00, s0  }
0x9: {  	s3 =	sand.u32 $0x1, s10;
	s15 =	sshll.u32 s4, $0x1;
	s6 =	sadd.s32 $0x32C00, s0  }
0xa: {  	s16 =	sadd.s32 $0x32A00, s0;
	s17 =	sshll.u32 s4, $0x6;
	s10 =	sshll.u32 s4, $0xB  }
0xb: {  	s21 =	smul.u32 $0x32, s4;
	_ =	strace $0x80000047;
	[dreg:$0x15] =	wrdreg s5  }
0xc: {  	s24 =	smul.u32 $0x1900, s4;
	p0 =	sne.s32 s4, $0x0;
	[dreg:$0x16] =	wrdreg s6  }
0xd: {  	[dreg:$0x17] =	wrdreg s16;
	s15 =	sor.u32 s3, s15;
	s16 =	sadd.s32 $0x32800, s0  }
0xe: {  	s7 =	sshll.u32 s3, $0xC;
	s8 =	sand.u32 $0x300, s17;
	s19 =	ssub.s32 $0x2, s3  }
0xf: {  	s20 =	sadd.s32 s10, s11;
	s10 =	sadd.s32 s10, s13;
	s22 =	smul.u32 $0x19, s3  }
0x10: {  	s3 =	smul.u32 $0xC80, s3;
	s18 =	sshll.u32 s15, $0x4;
	[dreg:$0x18] =	wrdreg s15  }
0x11: {  	s7 =	sadd.s32 s7, s0;
	s30 =	sshrl.u32 s20, $0x3;
	[dreg:$0x19] =	wrdreg s16  }
0x12: {  	s9 =	sshrl.u32 s19, $0x1;
	s31 =	sshrl.u32 s10, $0x3;
	[smem:$0x7FB] =	sst s30  }
0x13: {  	s28 =	sadd.s32 s21, s12;
	s23 =	sadd.s32 $0x32E00, s7;
	[smem:$0x7FC] =	sst s31  }
0x14: {  	s6 =	sand.u32 $0x70, s18;
	s25 =	sadd.s32 $0x34E00, s7;
	[dreg:$0x1c] =	wrdreg s23  }
0x15: {  	s29 =	sadd.s32 s22, s28;
	s6 =	sor.u32 s8, s6;
	[dreg:$0x1d] =	wrdreg s25  }
0x16: {  	[dreg:$0x1f] =	wrdreg s29;
	s0 =	sadd.s32 s6, s0;
	s2 =	sadd.s32 s2, s6  }
0x17: {  	s8 =	ssub.s32 s19, s9;
	[dreg:$0x1a] =	wrdreg s2;
	s0 =	sadd.s32 $0x36E00, s0  }
0x18: {  	v1 =	vlaneseq.u32;
	s26 =	smax.u32 s8, $0x1;
	[dreg:$0x1b] =	wrdreg s0;
	s0 =	sadd.s32 s24, s1  }
0x19: {  	v0 =	vmul.u32 $0x100, v1;
	s21 =	simm.s32 $0x4570;
	[dreg:$0x1e] =	wrdreg s26;
	s0 =	sadd.s32 s3, s0  }
0x1a: {  	v40 =	vmul.u32 $0x80, v1;
	s7 =	simm.s32 $0x9;
	s3 =	sor.u32 $0x1C09, s17;
	[smem:$0x7F9] =	sst s0  }
0x1b: {  	[tilespmem:$0x1FFE0] =	vst v0;
	s9 =	simm.s32 $0x100;
	s0 =	sshrl.u32 @!p0 s14, $0x3;
	[smem:$0x7FD] =	sst s3  }
0x1c: {  	[tilespmem:$0x1FFF0] =	vst v40;
	s8 =	simm.s32 $0x1AA70;
	s2 =	simm.s32 $0x0;
	[smem:$0x7FA] =	sst s0  }
.LBB2_1:
0x1d: {  	[smem:$0x7F8] =	sst s2  }
0x1e: {  	s2 =	sld [smem:$0x7FA];
	_ =	sdelay $0x1  }
0x1f: {  	s0 =	simm.s32 @!p0 $0x1C09;
	s1 =	rddreg [dreg:$0x3]  }
0x20: {  	[spmem:s2], [sflag:s0] =	dma.local @!p0 [hbm:s1], $0x30E0  }
0x21: {  	s0 =	simm.s32 @!p0 $0x9  }
0x22: {  	_ =	swait.ge @!p0 [sflag:s0], $0x30E0  }
0x23: {  	s28 =	sld [smem:$0x7FB]  }
0x24: {  	[sflag:s0] =	ssyncset.done @!p0 $0x0  }
0x25: {  	s26 =	rddreg [dreg:$0x16];
	[sflag:s0] =	ssyncadd.s32 @!p0 $0xFFFFCF20  }
0x26: {  	[spmem:s28], [sflag:s3] =	dma.local [hbm:s26], $0x100  }
0x27: {  	_ =	swait.ge [sflag:s7], $0x100  }
0x28: {  	s30 =	sld [smem:$0x7FC]  }
0x29: {  	[sflag:s7] =	ssyncset.done $0x0  }
0x2a: {  	s29 =	rddreg [dreg:$0x17];
	[sflag:s7] =	ssyncadd.s32 $0xFFFFFF00  }
0x2b: {  	[spmem:s30], [sflag:s3] =	dma.local [hbm:s29], $0x100  }
0x2c: {  	_ =	swait.ge [sflag:s7], $0x100  }
0x2d: {  	[sflag:s7] =	ssyncset.done $0x0  }
0x2e: {  	s31 =	simm.s32 $0x0;
	[sflag:s7] =	ssyncadd.s32 $0xFFFFFF00  }
0x2f: {  	[tilespmem:s8], [sflag:$0x9] =	stream.linear.gather [hbm4b:s16+s31], $0x1000, $0x38;
	[tilespmem:$0x1BB70] =	vst v63  }
.Ltmp0:
0x30: {  	_ =	swait.ge [sflag:s7], $0x1000;
	(pc) =	sbr.rel .LBB2_2-.Ltmp0, $4  }
0x31: {  	[sflag:s7] =	ssyncset.done $0x0  }
0x32: {  	[sflag:s7] =	ssyncadd.s32 $0xFFFFF000  }
0x33: {  	[bflag:$0x0] =	sbarrier.arrive $0xFFFF  }
0x34: {  	s1 =	simm.s32 $0x0  }
.LBB2_8:
0x35: {  	s0 =	simm.s32 $0x7  }
0x36: {  	_ =	swait.ge [sflag:s0], $0x1000  }
0x37: {  	s1 =	sld [smem:$0x7F7];
	_ =	sdelay $0x2  }
0x38: {  	s1 =	sadd.s32 $0x1, s1  }
0x39: {  	p1 =	sne.s32 s1, $0x62  }
.Ltmp1:
0x3a: {  	_ = 	snop;
	(pc) =	sbr.rel @!p1 .LBB2_9-.Ltmp1, $3  }
0x3b: {  	_ =	sdelay $0x1  }
0x3c: {  	[sflag:s0] =	ssyncset.done $0x0  }
0x3d: {  	s15 =	rddreg [dreg:$0x18];
	[sflag:s0] =	ssyncadd.s32 $0xFFFFF000  }
.LBB2_2:
0x3e: {  	[smem:$0x7F7] =	sst s1  }
0x3f: {  	s0 =	sshll.u32 s1, $0x6;
	s5 =	rddreg [dreg:$0x15]  }
0x40: {  	s3 =	simm.s32 $0x0;
	s6 =	simm.s32 $0x2170;
	s0 =	sor.u32 s15, s0  }
0x41: {  	s4 =	rddreg [dreg:$0x1];
	s19 =	simm.s32 $0x800;
	s17 =	sshll.u32 s0, $0x5  }
0x42: {  	s20 =	simm.s32 $0xC35000;
	s2 =	sshll.u32 s0, $0x8;
	s1 =	sadd.s32 s5, s17  }
0x43: {  	[tilespmem:s6], [sflag:$0x1] =	stream.linear.gather [hbm4b:s1+s3], $0x100, $0x38;
	[tilespmem:$0x1BB70] =	vst v63  }
0x44: {  	s7 =	simm.s32 $0x2570;
	s22 =	simm.s32 $0x1;
	s18 =	sadd.s32 s4, s2  }
0x45: {  	[tilespmem:s7], [sflag:$0x3] =	stream.strided.gather [hbm4b:s18+s19], $0x1000, s20, s19, $0x38;
	[tilespmem:$0x1BB70] =	vst v63  }
0x46: {  	_ =	swait.ge [sflag:s22], $0x100  }
0x47: {  	[sflag:s22] =	ssyncset.done $0x0  }
0x48: {  	s0 =	sor.u32 $0x20, s0;
	[sflag:s22] =	ssyncadd.s32 $0xFFFFFF00  }
0x49: {  	s23 =	simm.s32 $0x2370;
	p1 =	sgt.u32 s0, $0x1869;
	s1 =	rddreg [dreg:$0x7]  }
0x4a: {  	[tilespmem:s23], [sflag:$0x5] =	stream.indirect.gather [spmem:s1], $0x1, s6, s9, $0xb8;
	[tilespmem:$0x1BB70] =	vst v63  }
0x4b: {  	s1 =	sshll.u32 @!p1 s0, $0x8;
	s0 =	sshll.u32 @!p1 s0, $0x5  }
0x4c: {  	s2 =	simm.s32 @!p1 $0x0;
	s3 =	simm.s32 @!p1 $0x2270;
	s0 =	sadd.s32 @!p1 s5, s0  }
0x4d: {  	[tilespmem:s3], [sflag:$0x2] =	stream.linear.gather @!p1 [hbm4b:s0+s2], $0x100, $0x38;
	[tilespmem:$0x1BB70] =	vst v63  }
0x4e: {  	s8 =	simm.s32 $0x0;
	s24 =	simm.s32 $0x3;
	s0 =	sadd.s32 @!p1 s4, s1  }
0x4f: {  	s1 =	simm.s32 @!p1 $0x800;
	s2 =	simm.s32 @!p1 $0xC35000;
	s3 =	simm.s32 @!p1 $0x3570  }
0x50: {  	[tilespmem:s3], [sflag:$0x4] =	stream.strided.gather @!p1 [hbm4b:s0+s1], $0x1000, s2, s1, $0x38;
	[tilespmem:$0x1BB70] =	vst v63  }
0x51: {  	s25 =	simm.s32 $0x30;
	s15 =	sand.u32 $0x400, s8;
	_ =	swait.ge [sflag:s24], $0x1000  }
0x52: {  	v3 =	vmov s25;
	s26 =	sadd.s32 $0x2570, s15;
	s4 =	sand.u32 $0x70, s25;
	[sflag:s24] =	ssyncset.done $0x0  }
0x53: {  	v3 =	vshll.u32 v3, $0x7;
	s10 =	sadd.s32 s4, s26;
	[sflag:s24] =	ssyncadd.s32 $0xFFFFF000  }
0x54: {  	s31 =	simm.s32 $0x10;
	v7 =	vor.u32 v40, v3;
	v6 =	vld [tilespmem:s10+$0x0]  }
0x55: {  	s29 =	simm.s32 $0x0;
	v4 =	vmov s31;
	s5 =	sand.u32 $0x50, s31  }
0x56: {  	v4 =	vshll.u32 v4, $0x7;
	v3 =	vmov s29;
	s6 =	sand.u32 $0x40, s29;
	s12 =	sadd.s32 s5, s26  }
0x57: {  	v4 =	vor.u32 v40, v4;
	v3 =	vshll.u32 v3, $0x7;
	s11 =	sadd.s32 s6, s26;
	v8 =	vld [tilespmem:s12+$0x0]  }
0x58: {  	v5 =	vor.u32 v40, v3;
	v3 =	vld [tilespmem:s11+$0x0]  }
0x59: {  	s7 =	simm.s32 $0x20;
	[tilespmem:v7+s21+$0x0] =	vst.idx.msk $0xffff, v6  }
0x5a: {  	v10 =	vor.u32 $0x1, v7;
	s2 =	sand.u32 $0x60, s7;
	v6 =	vmov s7;
	v9 =	vld [tilespmem:s10+$0x80]  }
0x5b: {  	s9 =	sadd.s32 s2, s26;
	v6 =	vshll.u32 v6, $0x7  }
0x5c: {  	v11 =	vld [tilespmem:s9+$0x0];
	[tilespmem:v4+s21+$0x0] =	vst.idx.msk $0xffff, v8;
	v6 =	vor.u32 v40, v6  }
0x5d: {  	[tilespmem:v5+s21+$0x0] =	vst.idx.msk $0xffff, v3;
	v8 =	vor.u32 $0x1, v4;
	v13 =	vld [tilespmem:s12+$0x80]  }
0x5e: {  	v3 =	vor.u32 $0x1, v5;
	v12 =	vld [tilespmem:s11+$0x80]  }
0x5f: {  	[tilespmem:v10+s21+$0x0] =	vst.idx.msk $0xffff, v9  }
0x60: {  	v10 =	vor.u32 $0x2, v7;
	v9 =	vld [tilespmem:s10+$0x100]  }
0x61: {  	[tilespmem:v6+s21+$0x0] =	vst.idx.msk $0xffff, v11  }
0x62: {  	[tilespmem:v8+s21+$0x0] =	vst.idx.msk $0xffff, v13;
	v11 =	vor.u32 $0x1, v6;
	v14 =	vld [tilespmem:s9+$0x80]  }
0x63: {  	[tilespmem:v3+s21+$0x0] =	vst.idx.msk $0xffff, v12;
	v8 =	vor.u32 $0x2, v4;
	v13 =	vld [tilespmem:s12+$0x100]  }
0x64: {  	v3 =	vor.u32 $0x2, v5;
	v12 =	vld [tilespmem:s11+$0x100]  }
0x65: {  	[tilespmem:v10+s21+$0x0] =	vst.idx.msk $0xffff, v9  }
0x66: {  	v10 =	vor.u32 $0x3, v7;
	v9 =	vld [tilespmem:s10+$0x180]  }
0x67: {  	s13 =	sand.u32 $0x7, s8;
	[tilespmem:v11+s21+$0x0] =	vst.idx.msk $0xffff, v14  }
0x68: {  	[tilespmem:v8+s21+$0x0] =	vst.idx.msk $0xffff, v13;
	v11 =	vor.u32 $0x2, v6;
	s10 =	sshll.u32 s13, $0x4;
	v14 =	vld [tilespmem:s9+$0x100]  }
0x69: {  	[tilespmem:v3+s21+$0x0] =	vst.idx.msk $0xffff, v12;
	v8 =	vor.u32 $0x3, v4;
	v13 =	vld [tilespmem:s12+$0x180];
	s10 =	sadd.s32 $0x0, s10  }
0x6a: {  	v3 =	vor.u32 $0x3, v5;
	v12 =	vld [tilespmem:s11+$0x180];
	s13 =	sadd.s32 $0x30, s10  }
0x6b: {  	p2 =	por $0x0, $0x0;
	s11 =	simm.s32 $0x1;
	s14 =	sor.u32 $0x200, s13;
	[tilespmem:v10+s21+$0x0] =	vst.idx.msk $0xffff, v9  }
0x6c: {  	s11 =	simm.s32 @!p2 $0x0;
	v10 =	vor.u32 $0x4, v7;
	v9 =	vld [tilespmem:s14+$0x2570]  }
0x6d: {  	s11 =	sshll.u32 s11, $0x6;
	s17 =	sadd.s32 $0x10, s10;
	[tilespmem:v11+s21+$0x0] =	vst.idx.msk $0xffff, v14  }
0x6e: {  	s11 =	sadd.s32 $0x0, s11;
	s10 =	sor.u32 $0x200, s17;
	[tilespmem:v8+s21+$0x0] =	vst.idx.msk $0xffff, v13;
	v11 =	vor.u32 $0x3, v6;
	v14 =	vld [tilespmem:s9+$0x180]  }
0x6f: {  	s8 =	sand.u32 $0x3, s8;
	s16 =	sor.u32 $0x200, s11;
	[tilespmem:v3+s21+$0x0] =	vst.idx.msk $0xffff, v12;
	v8 =	vor.u32 $0x4, v4;
	v13 =	vld [tilespmem:s10+$0x2570]  }
0x70: {  	s8 =	sshll.u32 s8, $0x5;
	v3 =	vor.u32 $0x4, v5;
	v12 =	vld [tilespmem:s16+$0x2570]  }
0x71: {  	s8 =	sadd.s32 $0x0, s8;
	s18 =	sor.u32 $0x280, s25;
	[tilespmem:v10+s21+$0x0] =	vst.idx.msk $0xffff, v9  }
0x72: {  	s8 =	sadd.s32 $0x20, s8;
	v10 =	vor.u32 $0x5, v7;
	v9 =	vld [tilespmem:s18+$0x2570]  }
0x73: {  	s19 =	sor.u32 $0x200, s8;
	[tilespmem:v11+s21+$0x0] =	vst.idx.msk $0xffff, v14  }
0x74: {  	s22 =	sor.u32 $0x280, s31;
	[tilespmem:v8+s21+$0x0] =	vst.idx.msk $0xffff, v13;
	v11 =	vor.u32 $0x4, v6;
	v14 =	vld [tilespmem:s19+$0x2570]  }
0x75: {  	s20 =	sor.u32 $0x280, s29;
	[tilespmem:v3+s21+$0x0] =	vst.idx.msk $0xffff, v12;
	v8 =	vor.u32 $0x5, v4;
	v13 =	vld [tilespmem:s22+$0x2570]  }
0x76: {  	v3 =	vor.u32 $0x5, v5;
	v12 =	vld [tilespmem:s20+$0x2570]  }
0x77: {  	s23 =	sor.u32 $0x300, s13;
	[tilespmem:v10+s21+$0x0] =	vst.idx.msk $0xffff, v9  }
0x78: {  	v10 =	vor.u32 $0x6, v7;
	v9 =	vld [tilespmem:s23+$0x2570]  }
0x79: {  	s24 =	sor.u32 $0x280, s7;
	[tilespmem:v11+s21+$0x0] =	vst.idx.msk $0xffff, v14  }
0x7a: {  	s9 =	sor.u32 $0x300, s17;
	[tilespmem:v8+s21+$0x0] =	vst.idx.msk $0xffff, v13;
	v11 =	vor.u32 $0x5, v6;
	v14 =	vld [tilespmem:s24+$0x2570]  }
0x7b: {  	s11 =	sor.u32 $0x300, s11;
	[tilespmem:v3+s21+$0x0] =	vst.idx.msk $0xffff, v12;
	v8 =	vor.u32 $0x6, v4;
	v13 =	vld [tilespmem:s9+$0x2570]  }
0x7c: {  	v3 =	vor.u32 $0x6, v5;
	v12 =	vld [tilespmem:s11+$0x2570]  }
0x7d: {  	s0 =	sor.u32 $0x380, s25;
	[tilespmem:v10+s21+$0x0] =	vst.idx.msk $0xffff, v9  }
0x7e: {  	v10 =	vor.u32 $0x7, v7;
	v9 =	vld [tilespmem:s0+$0x2570]  }
0x7f: {  	s25 =	sor.u32 $0x300, s8;
	[tilespmem:v11+s21+$0x0] =	vst.idx.msk $0xffff, v14  }
0x80: {  	s26 =	sor.u32 $0x380, s31;
	[tilespmem:v8+s21+$0x0] =	vst.idx.msk $0xffff, v13;
	v11 =	vor.u32 $0x6, v6;
	v14 =	vld [tilespmem:s25+$0x2570]  }
0x81: {  	s1 =	sor.u32 $0x380, s29;
	[tilespmem:v3+s21+$0x0] =	vst.idx.msk $0xffff, v12;
	v8 =	vor.u32 $0x7, v4;
	v13 =	vld [tilespmem:s26+$0x2570]  }
0x82: {  	s29 =	sadd.s32 $0x2D70, s15;
	v3 =	vor.u32 $0x7, v5;
	v12 =	vld [tilespmem:s1+$0x2570]  }
0x83: {  	s31 =	sadd.s32 s4, s29;
	[tilespmem:v10+s21+$0x0] =	vst.idx.msk $0xffff, v9  }
0x84: {  	v10 =	vor.u32 $0x8, v7;
	v9 =	vld [tilespmem:s31+$0x0]  }
0x85: {  	s3 =	sor.u32 $0x380, s7;
	[tilespmem:v11+s21+$0x0] =	vst.idx.msk $0xffff, v14  }
0x86: {  	s8 =	sadd.s32 s5, s29;
	[tilespmem:v8+s21+$0x0] =	vst.idx.msk $0xffff, v13;
	v11 =	vor.u32 $0x7, v6;
	v14 =	vld [tilespmem:s3+$0x2570]  }
0x87: {  	s7 =	sadd.s32 s6, s29;
	[tilespmem:v3+s21+$0x0] =	vst.idx.msk $0xffff, v12;
	v8 =	vor.u32 $0x8, v4;
	v13 =	vld [tilespmem:s8+$0x0]  }
0x88: {  	s9 =	sadd.s32 $0x2DF0, s15;
	v3 =	vor.u32 $0x8, v5;
	v12 =	vld [tilespmem:s7+$0x0]  }
0x89: {  	s10 =	sadd.s32 s4, s9;
	[tilespmem:v10+s21+$0x0] =	vst.idx.msk $0xffff, v9  }
0x8a: {  	v10 =	vor.u32 $0x9, v7;
	v9 =	vld [tilespmem:s10+$0x0]  }
0x8b: {  	s11 =	sadd.s32 s2, s29;
	[tilespmem:v11+s21+$0x0] =	vst.idx.msk $0xffff, v14  }
0x8c: {  	s13 =	sadd.s32 s5, s9;
	[tilespmem:v8+s21+$0x0] =	vst.idx.msk $0xffff, v13;
	v11 =	vor.u32 $0x8, v6;
	v14 =	vld [tilespmem:s11+$0x0]  }
0x8d: {  	s12 =	sadd.s32 s6, s9;
	[tilespmem:v3+s21+$0x0] =	vst.idx.msk $0xffff, v12;
	v8 =	vor.u32 $0x9, v4;
	v13 =	vld [tilespmem:s13+$0x0]  }
0x8e: {  	s7 =	sadd.s32 $0x2E70, s15;
	v3 =	vor.u32 $0x9, v5;
	v12 =	vld [tilespmem:s12+$0x0]  }
0x8f: {  	s14 =	sadd.s32 s4, s7;
	[tilespmem:v10+s21+$0x0] =	vst.idx.msk $0xffff, v9  }
0x90: {  	v10 =	vor.u32 $0xA, v7;
	v9 =	vld [tilespmem:s14+$0x0]  }
0x91: {  	s16 =	sadd.s32 s2, s9;
	s26 =	simm.s32 $0x200;
	[tilespmem:v11+s21+$0x0] =	vst.idx.msk $0xffff, v14  }
0x92: {  	s28 =	simm.s32 $0x70;
	s19 =	sadd.s32 s5, s7;
	s11 =	sand.u32 $0x400, s26;
	[tilespmem:v8+s21+$0x0] =	vst.idx.msk $0xffff, v13;
	v11 =	vor.u32 $0x9, v6;
	v14 =	vld [tilespmem:s16+$0x0]  }
0x93: {  	v15 =	vmov s28;
	s20 =	sand.u32 $0x70, s28;
	s17 =	sadd.s32 s6, s7;
	s18 =	sadd.s32 $0x2570, s11;
	[tilespmem:v3+s21+$0x0] =	vst.idx.msk $0xffff, v12;
	v13 =	vor.u32 $0xA, v4;
	v17 =	vld [tilespmem:s19+$0x0]  }
0x94: {  	s22 =	simm.s32 $0x40;
	s1 =	sadd.s32 $0x2EF0, s15;
	s0 =	sadd.s32 s20, s18;
	v12 =	vor.u32 $0xA, v5;
	v3 =	vshll.u32 v15, $0x7;
	v15 =	vld [tilespmem:s17+$0x0]  }
0x95: {  	v16 =	vmov s22;
	s24 =	sadd.s32 s4, s1;
	v8 =	vld [tilespmem:s0+$0x0];
	v3 =	vor.u32 v40, v3;
	s17 =	sand.u32 $0x40, s22;
	[tilespmem:v10+s21+$0x0] =	vst.idx.msk $0xffff, v9  }
0x96: {  	v18 =	vor.u32 $0xB, v7;
	s23 =	simm.s32 $0x50;
	s29 =	sadd.s32 s17, s18;
	v10 =	vshll.u32 v16, $0x7;
	v16 =	vld [tilespmem:s24+$0x0]  }
0x97: {  	s25 =	simm.s32 $0x60;
	s22 =	sand.u32 $0x50, s23;
	s14 =	sadd.s32 s2, s7;
	v9 =	vmov s23;
	[tilespmem:v11+s21+$0x0] =	vst.idx.msk $0xffff, v14;
	v22 =	vor.u32 v40, v10;
	v10 =	vld [tilespmem:s29+$0x0]  }
0x98: {  	s13 =	sand.u32 $0x60, s25;
	s10 =	sadd.s32 s22, s18;
	[tilespmem:v13+s21+$0x0] =	vst.idx.msk $0xffff, v17;
	v13 =	vor.u32 $0xA, v6;
	v9 =	vshll.u32 v9, $0x7;
	v11 =	vmov s25;
	v14 =	vld [tilespmem:s14+$0x0]  }
0x99: {  	s31 =	sadd.s32 s13, s18;
	[tilespmem:v12+s21+$0x0] =	vst.idx.msk $0xffff, v15;
	v11 =	vshll.u32 v11, $0x7;
	v23 =	vor.u32 v40, v9;
	v9 =	vld [tilespmem:s10+$0x0]  }
0x9a: {  	s7 =	sadd.s32 $0x2F70, s15;
	[tilespmem:v3+s21+$0x0] =	vst.idx.msk $0xffff, v8;
	v31 =	vor.u32 v40, v11;
	v11 =	vld [tilespmem:s31+$0x0]  }
0x9b: {  	s16 =	sadd.s32 s4, s7;
	v12 =	vor.u32 $0x1, v3;
	v8 =	vld [tilespmem:s0+$0x80];
	[tilespmem:v18+s21+$0x0] =	vst.idx.msk $0xffff, v16  }
0x9c: {  	s18 =	sadd.s32 s6, s1;
	v15 =	vor.u32 $0xC, v7;
	[tilespmem:v22+s21+$0x0] =	vst.idx.msk $0xffff, v10;
	v10 =	vld [tilespmem:s16+$0x0]  }
0x9d: {  	[tilespmem:v13+s21+$0x0] =	vst.idx.msk $0xffff, v14;
	v13 =	vor.u32 $0xB, v5;
	v14 =	vld [tilespmem:s18+$0x0]  }
0x9e: {  	v16 =	vor.u32 $0x1, v22;
	v17 =	vld [tilespmem:s29+$0x80];
	[tilespmem:v23+s21+$0x0] =	vst.idx.msk $0xffff, v9  }
0x9f: {  	v9 =	vor.u32 $0x1, v23;
	v18 =	vld [tilespmem:s10+$0x80];
	[tilespmem:v31+s21+$0x0] =	vst.idx.msk $0xffff, v11  }
0xa0: {  	[tilespmem:v12+s21+$0x0] =	vst.idx.msk $0xffff, v8;
	v11 =	vor.u32 $0x1, v31;
	v19 =	vld [tilespmem:s31+$0x80]  }
0xa1: {  	s3 =	sadd.s32 $0x2FF0, s15;
	s23 =	sadd.s32 s5, s1;
	v12 =	vor.u32 $0x2, v3;
	v8 =	vld [tilespmem:s0+$0x100];
	[tilespmem:v15+s21+$0x0] =	vst.idx.msk $0xffff, v10  }
0xa2: {  	s19 =	sadd.s32 s4, s3;
	[tilespmem:v13+s21+$0x0] =	vst.idx.msk $0xffff, v14;
	v13 =	vor.u32 $0xB, v4;
	v14 =	vld [tilespmem:s23+$0x0]  }
0xa3: {  	[tilespmem:v16+s21+$0x0] =	vst.idx.msk $0xffff, v17;
	v15 =	vor.u32 $0xD, v7;
	v10 =	vld [tilespmem:s19+$0x0]  }
0xa4: {  	v16 =	vor.u32 $0x2, v22;
	v17 =	vld [tilespmem:s29+$0x100];
	[tilespmem:v9+s21+$0x0] =	vst.idx.msk $0xffff, v18  }
0xa5: {  	v9 =	vor.u32 $0x2, v23;
	v18 =	vld [tilespmem:s10+$0x100];
	[tilespmem:v11+s21+$0x0] =	vst.idx.msk $0xffff, v19  }
0xa6: {  	[tilespmem:v12+s21+$0x0] =	vst.idx.msk $0xffff, v8;
	v11 =	vor.u32 $0x2, v31;
	v19 =	vld [tilespmem:s31+$0x100]  }
0xa7: {  	s30 =	simm.s32 $0x4;
	s18 =	sadd.s32 s2, s1;
	v12 =	vor.u32 $0x3, v3;
	v8 =	vld [tilespmem:s0+$0x180];
	s0 =	sor.u32 $0x3070, s15;
	[tilespmem:v13+s21+$0x0] =	vst.idx.msk $0xffff, v14  }
0xa8: {  	s14 =	sand.u32 $0x7, s30;
	s24 =	sadd.s32 s4, s0;
	v13 =	vor.u32 $0xB, v6;
	v14 =	vld [tilespmem:s18+$0x0];
	[tilespmem:v15+s21+$0x0] =	vst.idx.msk $0xffff, v10  }
0xa9: {  	s14 =	sshll.u32 s14, $0x4;
	[tilespmem:v16+s21+$0x0] =	vst.idx.msk $0xffff, v17;
	v15 =	vor.u32 $0xE, v7;
	v10 =	vld [tilespmem:s24+$0x0]  }
0xaa: {  	p2 =	por !p2, !p2;
	s25 =	sadd.s32 $0x200, s14;
	v16 =	vor.u32 $0x3, v22;
	v17 =	vld [tilespmem:s29+$0x180];
	[tilespmem:v9+s21+$0x0] =	vst.idx.msk $0xffff, v18  }
0xab: {  	s14 =	simm.s32 $0x2;
	s8 =	sadd.s32 $0x30, s25;
	s16 =	simm.s32 $0x1;
	v9 =	vor.u32 $0x3, v23;
	v18 =	vld [tilespmem:s10+$0x180];
	[tilespmem:v11+s21+$0x0] =	vst.idx.msk $0xffff, v19  }
0xac: {  	s1 =	sor.u32 $0x30F0, s15;
	s16 =	simm.s32 @!p2 $0x0;
	[tilespmem:v12+s21+$0x0] =	vst.idx.msk $0xffff, v8;
	v11 =	vor.u32 $0x3, v31;
	v19 =	vld [tilespmem:s31+$0x180];
	s31 =	sor.u32 $0x200, s8  }
0xad: {  	s16 =	sshll.u32 s16, $0x6;
	v12 =	vor.u32 $0x4, v3;
	s29 =	sand.u32 $0x3, s14;
	s24 =	sadd.s32 s6, s7;
	v8 =	vld [tilespmem:s31+$0x2570];
	[tilespmem:v13+s21+$0x0] =	vst.idx.msk $0xffff, v14  }
0xae: {  	s4 =	sadd.s32 s4, s1;
	s15 =	sshll.u32 s29, $0x5;
	s10 =	sadd.s32 $0x200, s16;
	v13 =	vor.u32 $0xC, v5;
	v14 =	vld [tilespmem:s24+$0x0];
	[tilespmem:v15+s21+$0x0] =	vst.idx.msk $0xffff, v10  }
0xaf: {  	s12 =	sadd.s32 $0x10, s25;
	v7 =	vor.u32 $0xF, v7;
	s9 =	sadd.s32 $0x200, s15;
	s16 =	sor.u32 $0x200, s10;
	[tilespmem:v16+s21+$0x0] =	vst.idx.msk $0xffff, v17;
	v10 =	vld [tilespmem:s4+$0x0]  }
0xb0: {  	s18 =	sor.u32 $0x200, s12;
	s9 =	sadd.s32 $0x20, s9;
	v15 =	vor.u32 $0x4, v22;
	v16 =	vld [tilespmem:s16+$0x2570];
	[tilespmem:v9+s21+$0x0] =	vst.idx.msk $0xffff, v18  }
0xb1: {  	s19 =	sor.u32 $0x200, s9;
	v9 =	vor.u32 $0x4, v23;
	s4 =	simm.s32 $0x270;
	v17 =	vld [tilespmem:s18+$0x2570];
	[tilespmem:v11+s21+$0x0] =	vst.idx.msk $0xffff, v19  }
0xb2: {  	v11 =	vor.u32 $0x4, v31;
	s23 =	sor.u32 $0x280, s4;
	v18 =	vld [tilespmem:s19+$0x2570];
	[tilespmem:v12+s21+$0x0] =	vst.idx.msk $0xffff, v8  }
0xb3: {  	s25 =	sadd.s32 s5, s7;
	s7 =	sadd.s32 s2, s7;
	v12 =	vor.u32 $0x5, v3;
	[tilespmem:v13+s21+$0x0] =	vst.idx.msk $0xffff, v14;
	v8 =	vld [tilespmem:s23+$0x2570]  }
0xb4: {  	s18 =	simm.s32 $0x240;
	v13 =	vor.u32 $0xC, v6;
	v14 =	vld [tilespmem:s7+$0x0];
	[tilespmem:v7+s21+$0x0] =	vst.idx.msk $0xffff, v10  }
0xb5: {  	s16 =	simm.s32 $0x250;
	s19 =	sor.u32 $0x280, s18;
	v7 =	vor.u32 $0xC, v4;
	[tilespmem:v15+s21+$0x0] =	vst.idx.msk $0xffff, v16;
	v10 =	vld [tilespmem:s25+$0x0]  }
0xb6: {  	s29 =	sor.u32 $0x280, s16;
	v15 =	vor.u32 $0x5, v22;
	v16 =	vld [tilespmem:s19+$0x2570];
	s19 =	simm.s32 $0x260;
	[tilespmem:v9+s21+$0x0] =	vst.idx.msk $0xffff, v17  }
0xb7: {  	v9 =	vor.u32 $0x5, v23;
	v17 =	vld [tilespmem:s29+$0x2570];
	s31 =	sor.u32 $0x280, s19;
	[tilespmem:v11+s21+$0x0] =	vst.idx.msk $0xffff, v18  }
0xb8: {  	s8 =	sor.u32 $0x300, s8;
	v18 =	vor.u32 $0x5, v31;
	v11 =	vld [tilespmem:s31+$0x2570];
	[tilespmem:v12+s21+$0x0] =	vst.idx.msk $0xffff, v8  }
0xb9: {  	s23 =	sadd.s32 s6, s3;
	[tilespmem:v13+s21+$0x0] =	vst.idx.msk $0xffff, v14;
	v12 =	vor.u32 $0x6, v3;
	v8 =	vld [tilespmem:s8+$0x2570]  }
0xba: {  	s8 =	sadd.s32 s5, s3;
	[tilespmem:v7+s21+$0x0] =	vst.idx.msk $0xffff, v10;
	v7 =	vld [tilespmem:s23+$0x0];
	v10 =	vor.u32 $0xD, v5  }
0xbb: {  	s24 =	sor.u32 $0x300, s10;
	v14 =	vor.u32 $0xD, v4;
	[tilespmem:v15+s21+$0x0] =	vst.idx.msk $0xffff, v16;
	v13 =	vld [tilespmem:s8+$0x0]  }
0xbc: {  	s25 =	sor.u32 $0x300, s12;
	v16 =	vor.u32 $0x6, v22;
	v15 =	vld [tilespmem:s24+$0x2570];
	[tilespmem:v9+s21+$0x0] =	vst.idx.msk $0xffff, v17  }
0xbd: {  	s29 =	sor.u32 $0x300, s9;
	v17 =	vor.u32 $0x6, v23;
	v9 =	vld [tilespmem:s25+$0x2570];
	[tilespmem:v18+s21+$0x0] =	vst.idx.msk $0xffff, v11  }
0xbe: {  	s31 =	sor.u32 $0x380, s4;
	v11 =	vor.u32 $0x6, v31;
	v18 =	vld [tilespmem:s29+$0x2570];
	[tilespmem:v12+s21+$0x0] =	vst.idx.msk $0xffff, v8  }
0xbf: {  	s3 =	sadd.s32 s2, s3;
	v12 =	vor.u32 $0x7, v3;
	v8 =	vld [tilespmem:s31+$0x2570];
	[tilespmem:v10+s21+$0x0] =	vst.idx.msk $0xffff, v7  }
0xc0: {  	v19 =	vor.u32 $0xD, v6;
	s9 =	sor.u32 $0x380, s18;
	s18 =	sadd.s32 s6, s0;
	v10 =	vld [tilespmem:s3+$0x0];
	[tilespmem:v14+s21+$0x0] =	vst.idx.msk $0xffff, v13  }
0xc1: {  	v27 =	vor.u32 $0xE, v5;
	v37 =	vld [tilespmem:s18+$0x0];
	[tilespmem:v16+s21+$0x0] =	vst.idx.msk $0xffff, v15  }
0xc2: {  	s12 =	sor.u32 $0x380, s19;
	s19 =	sadd.s32 s5, s0;
	v16 =	vor.u32 $0x7, v22;
	v15 =	vld [tilespmem:s9+$0x2570];
	[tilespmem:v17+s21+$0x0] =	vst.idx.msk $0xffff, v9  }
0xc3: {  	v28 =	vor.u32 $0xE, v4;
	v41 =	vor.u32 $0xF, v4;
	v43 =	vor.u32 $0xE, v6;
	s10 =	sor.u32 $0x380, s16;
	v38 =	vld [tilespmem:s19+$0x0];
	[tilespmem:v11+s21+$0x0] =	vst.idx.msk $0xffff, v18  }
0xc4: {  	v42 =	vor.u32 $0xF, v6;
	v36 =	vor.u32 $0x8, v22;
	v9 =	vor.u32 $0x7, v23;
	v32 =	vld [tilespmem:s10+$0x2570];
	[tilespmem:v12+s21+$0x0] =	vst.idx.msk $0xffff, v8  }
0xc5: {  	v25 =	vor.u32 $0x9, v22;
	v21 =	vor.u32 $0xA, v22;
	s15 =	sadd.s32 $0x2D70, s11;
	v11 =	vor.u32 $0x7, v31;
	v34 =	vld [tilespmem:s12+$0x2570];
	[tilespmem:v19+s21+$0x0] =	vst.idx.msk $0xffff, v10  }
0xc6: {  	v30 =	vor.u32 $0x8, v23;
	v26 =	vor.u32 $0x9, v23;
	v20 =	vor.u32 $0xA, v23;
	s16 =	sadd.s32 s20, s15;
	[tilespmem:v27+s21+$0x0] =	vst.idx.msk $0xffff, v37  }
0xc7: {  	v29 =	vor.u32 $0x8, v31;
	v24 =	vor.u32 $0x9, v31;
	s23 =	sadd.s32 s17, s15;
	v12 =	vor.u32 $0x8, v3;
	v8 =	vld [tilespmem:s16+$0x0];
	[tilespmem:v16+s21+$0x0] =	vst.idx.msk $0xffff, v15  }
0xc8: {  	s0 =	sadd.s32 s2, s0;
	v7 =	vor.u32 $0xF, v5;
	v13 =	vor.u32 $0xC, v22;
	v14 =	vor.u32 $0xC, v31;
	[tilespmem:v28+s21+$0x0] =	vst.idx.msk $0xffff, v38;
	v39 =	vld [tilespmem:s23+$0x0]  }
0xc9: {  	s24 =	sadd.s32 s22, s15;
	v17 =	vor.u32 $0xB, v22;
	v18 =	vor.u32 $0xB, v23;
	v19 =	vor.u32 $0xA, v31;
	[tilespmem:v9+s21+$0x0] =	vst.idx.msk $0xffff, v32;
	v32 =	vld [tilespmem:s0+$0x0]  }
0xca: {  	s25 =	sadd.s32 $0x2DF0, s11;
	s3 =	sadd.s32 s13, s15;
	v10 =	vor.u32 $0xD, v22;
	v27 =	vor.u32 $0xF, v22;
	v28 =	vor.u32 $0xE, v31;
	v33 =	vld [tilespmem:s24+$0x0];
	[tilespmem:v11+s21+$0x0] =	vst.idx.msk $0xffff, v34  }
0xcb: {  	p2 =	por !p2, !p2;
	s29 =	sadd.s32 s20, s25;
	s31 =	sadd.s32 s6, s1;
	v16 =	vor.u32 $0xB, v31;
	v15 =	vor.u32 $0xC, v23;
	v9 =	vor.u32 $0xE, v23;
	v34 =	vld [tilespmem:s3+$0x0]  }
0xcc: {  	s15 =	sadd.s32 s5, s1;
	s6 =	sadd.s32 s2, s1;
	s5 =	simm.s32 $0x4;
	v11 =	vor.u32 $0xD, v31;
	[tilespmem:v12+s21+$0x0] =	vst.idx.msk $0xffff, v8;
	v8 =	vor.u32 $0xE, v22;
	v22 =	vor.u32 $0xF, v31;
	v31 =	vld [tilespmem:s31+$0x0]  }
0xcd: {  	s2 =	sadd.s32 s17, s25;
	s1 =	sadd.s32 s22, s25;
	s0 =	sadd.s32 s13, s25;
	v12 =	vor.u32 $0xD, v23;
	v23 =	vor.u32 $0xF, v23;
	v35 =	vld [tilespmem:s29+$0x0];
	[tilespmem:v36+s21+$0x0] =	vst.idx.msk $0xffff, v39;
	v36 =	vor.u32 $0x9, v3  }
.LBB2_3:
0xce: {  	[tilespmem:$0x1FFD0] =	vst v8;
	v0 =	vmov v28  }
0xcf: {  	[tilespmem:$0x1FFB0] =	vst v0  }
0xd0: {  	[tilespmem:v30+s21+$0x0] =	vst.idx.msk $0xffff, v33  }
0xd1: {  	v37 =	vld [tilespmem:s2+$0x0];
	[tilespmem:v29+s21+$0x0] =	vst.idx.msk $0xffff, v34  }
0xd2: {  	s18 =	sadd.s32 $0x2E70, s11;
	[tilespmem:v36+s21+$0x0] =	vst.idx.msk $0xffff, v35;
	v30 =	vld [tilespmem:s1+$0x0]  }
0xd3: {  	s3 =	simm.s32 $0x1;
	s26 =	sadd.s32 $0x200, s26;
	s23 =	sadd.s32 s20, s18;
	v0 =	vmov v27;
	[tilespmem:v7+s21+$0x0] =	vst.idx.msk $0xffff, v31;
	v29 =	vld [tilespmem:s0+$0x0]  }
0xd4: {  	s14 =	sadd.s32 $0x2, s14;
	v60 =	vor.u32 $0xA, v3;
	s28 =	sadd.s32 $0x40, s28;
	s24 =	sand.u32 $0x400, s26;
	[tilespmem:$0x1FFC0] =	vst v0;
	v59 =	vld [tilespmem:s23+$0x0]  }
0xd5: {  	[dreg:$0xe] =	wrdreg s24;
	s10 =	sadd.s32 $0x2570, s24;
	s24 =	simm.s32 $0x4570;
	[tilespmem:v43+s21+$0x0] =	vst.idx.msk $0xffff, v32;
	v28 =	vld [tilespmem:s15+$0x0]  }
0xd6: {  	s3 =	simm.s32 @!p2 $0x0;
	s19 =	sadd.s32 s17, s18;
	v27 =	vmov s28;
	s21 =	sand.u32 $0x70, s28;
	[tilespmem:v25+s24+$0x0] =	vst.idx.msk $0xffff, v37;
	v25 =	vld [tilespmem:s6+$0x0]  }
0xd7: {  	s25 =	sadd.s32 $0xFFFFFFD0, s28;
	s29 =	sadd.s32 $0xFFFFFFE0, s28;
	v27 =	vshll.u32 v27, $0x7;
	s8 =	sadd.s32 s21, s10;
	v31 =	vld [tilespmem:s19+$0x0];
	[tilespmem:v26+s24+$0x0] =	vst.idx.msk $0xffff, v30  }
0xd8: {  	s9 =	sadd.s32 s22, s18;
	s31 =	sadd.s32 $0xFFFFFFF0, s28;
	v38 =	vor.u32 v40, v27;
	s19 =	sadd.s32 $0x2EF0, s11;
	v61 =	vld [tilespmem:s8+$0x0];
	v26 =	vmov s25;
	v30 =	vmov s29;
	[tilespmem:v24+s24+$0x0] =	vst.idx.msk $0xffff, v29  }
0xd9: {  	s16 =	sshll.u32 s3, $0x6;
	s3 =	sand.u32 $0x40, s25;
	s0 =	sadd.s32 s20, s19;
	v29 =	vmov s31;
	[tilespmem:v60+s24+$0x0] =	vst.idx.msk $0xffff, v59;
	v24 =	vshll.u32 v26, $0x7;
	v26 =	vshll.u32 v30, $0x7;
	v30 =	vld [tilespmem:s9+$0x0]  }
0xda: {  	v62 =	vor.u32 $0xB, v3;
	s12 =	sadd.s32 s13, s18;
	s18 =	sadd.s32 s3, s10;
	s25 =	sand.u32 $0x50, s29;
	[tilespmem:v41+s24+$0x0] =	vst.idx.msk $0xffff, v28;
	v27 =	vor.u32 v40, v24;
	v24 =	vshll.u32 v29, $0x7;
	v29 =	vld [tilespmem:s0+$0x0]  }
0xdb: {  	s7 =	sand.u32 $0x3, s14;
	s1 =	sand.u32 $0x60, s31;
	v0 =	vmov v23;
	v23 =	vld [tilespmem:s18+$0x0];
	s15 =	sadd.s32 s25, s10;
	[tilespmem:v42+s24+$0x0] =	vst.idx.msk $0xffff, v25  }
0xdc: {  	s7 =	sshll.u32 s7, $0x5;
	s2 =	sadd.s32 s16, s26;
	s6 =	sadd.s32 s1, s10;
	[tilespmem:v21+s24+$0x0] =	vst.idx.msk $0xffff, v31;
	v54 =	vor.u32 v40, v26;
	v55 =	vor.u32 v40, v24;
	v24 =	vld [tilespmem:s15+$0x0]  }
0xdd: {  	s7 =	sadd.s32 s26, s7;
	s23 =	sor.u32 $0x300, s2;
	v21 =	vld [tilespmem:s6+$0x0];
	[tilespmem:v38+s24+$0x0] =	vst.idx.msk $0xffff, v61  }
0xde: {  	v8 =	vmov v22;
	[dreg:$0xa] =	wrdreg s23;
	s23 =	sadd.s32 $0x2F70, s11;
	s29 =	sadd.s32 $0x20, s7;
	v25 =	vor.u32 $0x1, v38;
	v22 =	vld [tilespmem:s8+$0x80];
	[tilespmem:v20+s24+$0x0] =	vst.idx.msk $0xffff, v30  }
0xdf: {  	s7 =	sor.u32 $0x200, s29;
	s31 =	sor.u32 $0x300, s29;
	s29 =	sadd.s32 s20, s23;
	v20 =	vld [tilespmem:s12+$0x0];
	[tilespmem:v62+s24+$0x0] =	vst.idx.msk $0xffff, v29  }
0xe0: {  	v47 =	vor.u32 $0xC, v3;
	v7 =	vor.u32 $0x3, v38;
	[tilespmem:v27+s24+$0x0] =	vst.idx.msk $0xffff, v23;
	v23 =	vld [tilespmem:s29+$0x0]  }
0xe1: {  	v59 =	vor.u32 $0x2, v38;
	v28 =	vor.u32 $0x1, v27;
	v56 =	vor.u32 $0x2, v27;
	v48 =	vld [tilespmem:s18+$0x80];
	[tilespmem:v54+s24+$0x0] =	vst.idx.msk $0xffff, v24  }
0xe2: {  	v39 =	vor.u32 $0x1, v54;
	v57 =	vor.u32 $0x2, v54;
	v51 =	vor.u32 $0x3, v54;
	[tilespmem:v55+s24+$0x0] =	vst.idx.msk $0xffff, v21;
	v52 =	vld [tilespmem:s15+$0x80]  }
0xe3: {  	s10 =	sor.u32 $0x200, s2;
	s2 =	sadd.s32 s22, s23;
	v45 =	vor.u32 $0x4, v54;
	v41 =	vor.u32 $0x5, v54;
	v40 =	vor.u32 $0x1, v55;
	[tilespmem:v25+s24+$0x0] =	vst.idx.msk $0xffff, v22;
	v53 =	vld [tilespmem:s6+$0x80]  }
0xe4: {  	s16 =	sadd.s32 s17, s19;
	[dreg:$0x12] =	wrdreg s2;
	s2 =	sadd.s32 $0x2FF0, s11;
	v35 =	vor.u32 $0x6, v54;
	v32 =	vor.u32 $0x7, v54;
	v26 =	vor.u32 $0x9, v54;
	v22 =	vld [tilespmem:s8+$0x100];
	[tilespmem:v19+s24+$0x0] =	vst.idx.msk $0xffff, v20  }
0xe5: {  	v2 =	vor.u32 $0xB, v54;
	v5 =	vor.u32 $0xC, v54;
	v58 =	vor.u32 $0x2, v55;
	v60 =	vld [tilespmem:s16+$0x0];
	s29 =	sadd.s32 s20, s2;
	[tilespmem:v47+s24+$0x0] =	vst.idx.msk $0xffff, v23  }
0xe6: {  	v49 =	vor.u32 $0x3, v55;
	v44 =	vor.u32 $0x4, v55;
	v62 =	vor.u32 $0xD, v3;
	[tilespmem:v28+s24+$0x0] =	vst.idx.msk $0xffff, v48;
	v61 =	vld [tilespmem:s29+$0x0]  }
0xe7: {  	v43 =	vor.u32 $0x5, v55;
	v37 =	vor.u32 $0x6, v55;
	v34 =	vor.u32 $0x7, v55;
	v63 =	vld [tilespmem:s18+$0x100];
	[tilespmem:v39+s24+$0x0] =	vst.idx.msk $0xffff, v52  }
0xe8: {  	s30 =	sadd.s32 $0x4, s30;
	v1 =	vor.u32 $0xB, v55;
	v30 =	vor.u32 $0x8, v54;
	v29 =	vor.u32 $0x8, v55;
	[tilespmem:v40+s24+$0x0] =	vst.idx.msk $0xffff, v53;
	v4 =	vld [tilespmem:s15+$0x100]  }
0xe9: {  	s9 =	sadd.s32 s22, s19;
	[dreg:$0xc] =	wrdreg s31;
	s31 =	sadd.s32 s13, s23;
	v24 =	vor.u32 $0x9, v55;
	v20 =	vor.u32 $0xA, v54;
	v19 =	vor.u32 $0xA, v55;
	[tilespmem:v59+s24+$0x0] =	vst.idx.msk $0xffff, v22;
	v6 =	vld [tilespmem:s6+$0x100]  }
0xea: {  	s0 =	smov.u32 s14;
	s14 =	smov.u32 s30;
	v23 =	vor.u32 $0xB, v27;
	v48 =	vor.u32 $0xD, v54;
	v47 =	vor.u32 $0xD, v55;
	[tilespmem:v17+s24+$0x0] =	vst.idx.msk $0xffff, v60;
	s29 =	sor.u32 $0x3070, s11;
	v59 =	vld [tilespmem:s8+$0x180]  }
0xeb: {  	[dreg:$0x10] =	wrdreg s31;
	s31 =	sand.u32 $0x7, s30;
	v28 =	vor.u32 $0xE, v55;
	v39 =	vor.u32 $0xE, v54;
	v17 =	vmovc v23;
	v23 =	vor.u32 $0xF, v54;
	v54 =	vld [tilespmem:s9+$0x0];
	s30 =	sadd.s32 s20, s29;
	[tilespmem:v62+s24+$0x0] =	vst.idx.msk $0xffff, v61  }
0xec: {  	s31 =	sshll.u32 s31, $0x4;
	v53 =	vor.u32 $0xC, v55;
	v22 =	vor.u32 $0xF, v55;
	s8 =	sadd.s32 s17, s29;
	[tilespmem:v56+s24+$0x0] =	vst.idx.msk $0xffff, v63;
	v56 =	vor.u32 $0xE, v3;
	v55 =	vld [tilespmem:s30+$0x0]  }
0xed: {  	v50 =	vor.u32 $0x3, v27;
	s12 =	sadd.s32 s22, s29;
	s9 =	sadd.s32 s13, s29;
	s29 =	sadd.s32 s26, s31;
	v60 =	vld [tilespmem:s18+$0x180];
	[tilespmem:v57+s24+$0x0] =	vst.idx.msk $0xffff, v4  }
0xee: {  	s31 =	sadd.s32 $0x10, s29;
	s29 =	sadd.s32 $0x30, s29;
	[tilespmem:v58+s24+$0x0] =	vst.idx.msk $0xffff, v6;
	v4 =	vld [tilespmem:s15+$0x180]  }
0xef: {  	[tilespmem:v7+s24+$0x0] =	vst.idx.msk $0xffff, v59;
	v6 =	vld [tilespmem:s6+$0x180];
	s15 =	sor.u32 $0x200, s29  }
0xf0: {  	s19 =	sadd.s32 s13, s19;
	v63 =	vor.u32 $0x4, v38;
	s6 =	sor.u32 $0x30F0, s11;
	[tilespmem:v18+s24+$0x0] =	vst.idx.msk $0xffff, v54;
	v7 =	vld [tilespmem:s15+$0x2570]  }
0xf1: {  	[dreg:$0x14] =	wrdreg s10;
	s10 =	sadd.s32 s17, s23;
	v18 =	vmov v2;
	v2 =	vld [tilespmem:s19+$0x0];
	s20 =	sadd.s32 s20, s6;
	[tilespmem:v56+s24+$0x0] =	vst.idx.msk $0xffff, v55  }
0xf2: {  	s23 =	sadd.s32 s22, s2;
	s15 =	sadd.s32 s22, s6;
	s22 =	rddreg [dreg:$0x14];
	[tilespmem:v50+s24+$0x0] =	vst.idx.msk $0xffff, v60;
	v59 =	vld [tilespmem:s20+$0x0]  }
0xf3: {  	s4 =	sadd.s32 $0x240, s4;
	v46 =	vor.u32 $0x4, v27;
	s16 =	sadd.s32 s17, s2;
	s30 =	sor.u32 $0x200, s31;
	v61 =	vld [tilespmem:s22+$0x2570];
	[tilespmem:v51+s24+$0x0] =	vst.idx.msk $0xffff, v4  }
0xf4: {  	s2 =	sadd.s32 s13, s2;
	s18 =	sor.u32 $0x300, s31;
	s31 =	rddreg [dreg:$0xe];
	[tilespmem:v49+s24+$0x0] =	vst.idx.msk $0xffff, v6;
	v4 =	vld [tilespmem:s30+$0x2570]  }
0xf5: {  	s11 =	smov.u32 s31;
	s31 =	sadd.s32 s17, s6;
	s6 =	sadd.s32 s13, s6;
	v60 =	vor.u32 $0xF, v3;
	v6 =	vld [tilespmem:s7+$0x2570];
	[tilespmem:v63+s24+$0x0] =	vst.idx.msk $0xffff, v7  }
0xf6: {  	v3 =	vmov v38;
	s22 =	smov.u32 s25;
	s25 =	sor.u32 $0x280, s4;
	s30 =	smov.u32 s14;
	[tilespmem:v16+s24+$0x0] =	vst.idx.msk $0xffff, v2;
	v16 =	vmov v1;
	v1 =	vld [tilespmem:s10+$0x0]  }
0xf7: {  	[tilespmem:$0x1FFA0] =	vst v0;
	v62 =	vor.u32 $0x5, v3;
	s14 =	smov.u32 s0;
	s0 =	sadd.s32 $0xFFFFFFD0, s4;
	v7 =	vld [tilespmem:s25+$0x2570];
	s25 =	rddreg [dreg:$0x12]  }
0xf8: {  	s13 =	smov.u32 s1;
	s1 =	sadd.s32 $0xFFFFFFE0, s4;
	s19 =	sor.u32 $0x280, s0;
	v2 =	vld [tilespmem:s25+$0x0];
	[tilespmem:v46+s24+$0x0] =	vst.idx.msk $0xffff, v61  }
0xf9: {  	s20 =	smov.u32 s21;
	s21 =	sor.u32 $0x280, s1;
	v38 =	vld [tilespmem:s19+$0x2570];
	[tilespmem:v45+s24+$0x0] =	vst.idx.msk $0xffff, v4  }
0xfa: {  	v42 =	vor.u32 $0x5, v27;
	s17 =	smov.u32 s3;
	s3 =	sadd.s32 $0xFFFFFFF0, s4;
	[tilespmem:v60+s24+$0x0] =	vst.idx.msk $0xffff, v59;
	v4 =	vld [tilespmem:s21+$0x2570];
	s21 =	simm.s32 $0x4570  }
0xfb: {  	s7 =	sor.u32 $0x280, s3;
	[tilespmem:v44+s21+$0x0] =	vst.idx.msk $0xffff, v6  }
0xfc: {  	s24 =	sor.u32 $0x300, s29;
	[tilespmem:v62+s21+$0x0] =	vst.idx.msk $0xffff, v7;
	v6 =	vld [tilespmem:s7+$0x2570]  }
0xfd: {  	v0 =	vor.u32 $0xC, v27;
	s25 =	rddreg [dreg:$0x10];
	[tilespmem:v13+s21+$0x0] =	vst.idx.msk $0xffff, v1;
	v7 =	vld [tilespmem:s24+$0x2570]  }
0xfe: {  	v40 =	vor.u32 $0xE, v27;
	v63 =	vor.u32 $0x6, v3;
	v13 =	vmov v0;
	[tilespmem:v15+s21+$0x0] =	vst.idx.msk $0xffff, v2;
	v0 =	vld [tilespmem:s25+$0x0]  }
0xff: {  	[tilespmem:v42+s21+$0x0] =	vst.idx.msk $0xffff, v38;
	v42 =	vmov v8;
	v8 =	vmov v40;
	v40 =	vld [tilespmem:$0x1FFF0]  }
0x100: {  	v1 =	vld [tilespmem:s16+$0x0];
	[tilespmem:v41+s21+$0x0] =	vst.idx.msk $0xffff, v4  }
0x101: {  	s29 =	rddreg [dreg:$0xa];
	v4 =	vld [tilespmem:s18+$0x2570]  }
0x102: {  	v36 =	vor.u32 $0x6, v27;
	s7 =	rddreg [dreg:$0xc];
	v2 =	vld [tilespmem:s29+$0x2570];
	[tilespmem:v43+s21+$0x0] =	vst.idx.msk $0xffff, v6  }
0x103: {  	v15 =	vmov v5;
	s16 =	sor.u32 $0x380, s4;
	[tilespmem:v63+s21+$0x0] =	vst.idx.msk $0xffff, v7;
	v5 =	vld [tilespmem:s7+$0x2570]  }
0x104: {  	v7 =	vor.u32 $0x7, v3;
	v6 =	vld [tilespmem:s16+$0x2570];
	[tilespmem:v14+s21+$0x0] =	vst.idx.msk $0xffff, v0  }
0x105: {  	v0 =	vld [tilespmem:s23+$0x0];
	[tilespmem:v10+s21+$0x0] =	vst.idx.msk $0xffff, v1  }
0x106: {  	s1 =	sor.u32 $0x380, s1;
	v1 =	vld [tilespmem:s2+$0x0];
	[tilespmem:v35+s21+$0x0] =	vst.idx.msk $0xffff, v4  }
0x107: {  	[tilespmem:v36+s21+$0x0] =	vst.idx.msk $0xffff, v2;
	v4 =	vld [tilespmem:s1+$0x2570]  }
0x108: {  	s0 =	sor.u32 $0x380, s0;
	v41 =	vld [tilespmem:$0x1FFA0];
	[tilespmem:v37+s21+$0x0] =	vst.idx.msk $0xffff, v5  }
0x109: {  	s10 =	sor.u32 $0x380, s3;
	v2 =	vld [tilespmem:s0+$0x2570];
	[tilespmem:v7+s21+$0x0] =	vst.idx.msk $0xffff, v6  }
0x10a: {  	v33 =	vor.u32 $0x7, v27;
	[tilespmem:v12+s21+$0x0] =	vst.idx.msk $0xffff, v0;
	v5 =	vld [tilespmem:s10+$0x2570]  }
0x10b: {  	s18 =	sadd.s32 $0x2D70, s11;
	[tilespmem:v11+s21+$0x0] =	vst.idx.msk $0xffff, v1;
	v1 =	vld [tilespmem:s12+$0x0]  }
0x10c: {  	s24 =	sadd.s32 s20, s18;
	[tilespmem:v32+s21+$0x0] =	vst.idx.msk $0xffff, v4;
	v4 =	vld [tilespmem:$0x1FFD0]  }
0x10d: {  	v7 =	vor.u32 $0x8, v3;
	v6 =	vld [tilespmem:s24+$0x0]  }
0x10e: {  	v43 =	vld [tilespmem:$0x1FFB0]  }
0x10f: {  	s19 =	sadd.s32 s17, s18;
	v0 =	vld [tilespmem:s8+$0x0];
	[tilespmem:v33+s21+$0x0] =	vst.idx.msk $0xffff, v2  }
0x110: {  	s5 =	sadd.s32 $0x4, s5;
	v31 =	vor.u32 $0x8, v27;
	s23 =	sadd.s32 s22, s18;
	v2 =	vld [tilespmem:s19+$0x0]  }
0x111: {  	p3 =	slt.u32 s5, $0xC;
	v33 =	vld [tilespmem:s23+$0x0];
	[tilespmem:v34+s21+$0x0] =	vst.idx.msk $0xffff, v5  }
.Ltmp2:
0x112: {  	s25 =	sadd.s32 $0x2DF0, s11;
	s0 =	sadd.s32 s13, s18;
	[tilespmem:v7+s21+$0x0] =	vst.idx.msk $0xffff, v6;
	v7 =	vld [tilespmem:$0x1FFC0];
	(pc) =	sbr.rel @p3 .LBB2_3-.Ltmp2, $4  }
0x113: {  	s29 =	sadd.s32 s20, s25;
	v34 =	vld [tilespmem:s0+$0x0]  }
0x114: {  	v25 =	vor.u32 $0x9, v27;
	v35 =	vld [tilespmem:s29+$0x0];
	[tilespmem:v4+s21+$0x0] =	vst.idx.msk $0xffff, v0  }
0x115: {  	p2 =	por !p2, !p2;
	v21 =	vor.u32 $0xA, v27;
	v52 =	vor.u32 $0xD, v27;
	v27 =	vor.u32 $0xF, v27;
	v14 =	vmovc v53;
	v32 =	vld [tilespmem:s9+$0x0];
	[tilespmem:v31+s21+$0x0] =	vst.idx.msk $0xffff, v2  }
0x116: {  	v10 =	vmovc v52;
	s2 =	sadd.s32 s17, s25;
	v36 =	vor.u32 $0x9, v3;
	s1 =	sadd.s32 s22, s25;
	v12 =	vmovc v48;
	v11 =	vmov v47;
	s0 =	sadd.s32 s13, s25;
	[tilespmem:v9+s21+$0x0] =	vst.idx.msk $0xffff, v1;
	v9 =	vmov v39;
	v31 =	vld [tilespmem:s31+$0x0]  }
0x117: {  	_ =	sdelay $0x3  }
0x118: {  	v0 =	vld [tilespmem:s2+$0x0];
	[tilespmem:v30+s21+$0x0] =	vst.idx.msk $0xffff, v33  }
0x119: {  	v1 =	vld [tilespmem:s1+$0x0];
	[tilespmem:v29+s21+$0x0] =	vst.idx.msk $0xffff, v34  }
0x11a: {  	v2 =	vld [tilespmem:s0+$0x0]  }
0x11b: {  	s25 =	sadd.s32 $0x2E70, s11  }
0x11c: {  	s26 =	sadd.s32 s20, s25;
	[tilespmem:v36+s21+$0x0] =	vst.idx.msk $0xffff, v35  }
0x11d: {  	v5 =	vor.u32 $0xA, v3;
	s28 =	sadd.s32 s17, s25;
	v4 =	vld [tilespmem:s26+$0x0];
	[tilespmem:v25+s21+$0x0] =	vst.idx.msk $0xffff, v0  }
0x11e: {  	s29 =	sadd.s32 s22, s25;
	v0 =	vld [tilespmem:s28+$0x0];
	[tilespmem:v26+s21+$0x0] =	vst.idx.msk $0xffff, v1  }
0x11f: {  	s0 =	sadd.s32 s13, s25;
	[tilespmem:v24+s21+$0x0] =	vst.idx.msk $0xffff, v2;
	v1 =	vld [tilespmem:s29+$0x0]  }
0x120: {  	v2 =	vld [tilespmem:s0+$0x0]  }
0x121: {  	s30 =	sadd.s32 $0x2EF0, s11  }
0x122: {  	s31 =	sadd.s32 s20, s30;
	[tilespmem:v5+s21+$0x0] =	vst.idx.msk $0xffff, v4  }
0x123: {  	v55 =	vor.u32 $0xB, v3;
	s2 =	sadd.s32 s17, s30;
	v4 =	vld [tilespmem:s31+$0x0];
	[tilespmem:v21+s21+$0x0] =	vst.idx.msk $0xffff, v0  }
0x124: {  	s3 =	sadd.s32 s22, s30;
	[tilespmem:v20+s21+$0x0] =	vst.idx.msk $0xffff, v1;
	v0 =	vld [tilespmem:s2+$0x0]  }
0x125: {  	s0 =	sadd.s32 s13, s30;
	[tilespmem:v19+s21+$0x0] =	vst.idx.msk $0xffff, v2;
	v1 =	vld [tilespmem:s3+$0x0]  }
0x126: {  	v2 =	vld [tilespmem:s0+$0x0]  }
0x127: {  	s4 =	sadd.s32 $0x2F70, s11  }
0x128: {  	s5 =	sadd.s32 s20, s4;
	[tilespmem:v55+s21+$0x0] =	vst.idx.msk $0xffff, v4  }
0x129: {  	v56 =	vor.u32 $0xC, v3;
	s7 =	sadd.s32 s17, s4;
	v4 =	vld [tilespmem:s5+$0x0];
	[tilespmem:v17+s21+$0x0] =	vst.idx.msk $0xffff, v0  }
0x12a: {  	s8 =	sadd.s32 s22, s4;
	[tilespmem:v18+s21+$0x0] =	vst.idx.msk $0xffff, v1;
	v0 =	vld [tilespmem:s7+$0x0]  }
0x12b: {  	s0 =	sadd.s32 s13, s4;
	[tilespmem:v16+s21+$0x0] =	vst.idx.msk $0xffff, v2;
	v1 =	vld [tilespmem:s8+$0x0]  }
0x12c: {  	v2 =	vld [tilespmem:s0+$0x0]  }
0x12d: {  	s9 =	sadd.s32 $0x2FF0, s11  }
0x12e: {  	s10 =	sadd.s32 s20, s9;
	[tilespmem:v56+s21+$0x0] =	vst.idx.msk $0xffff, v4  }
0x12f: {  	v57 =	vor.u32 $0xD, v3;
	s12 =	sadd.s32 s17, s9;
	v4 =	vld [tilespmem:s10+$0x0];
	[tilespmem:v13+s21+$0x0] =	vst.idx.msk $0xffff, v0  }
0x130: {  	s14 =	sadd.s32 s22, s9;
	[tilespmem:v15+s21+$0x0] =	vst.idx.msk $0xffff, v1;
	v0 =	vld [tilespmem:s12+$0x0]  }
0x131: {  	s0 =	sadd.s32 s13, s9;
	[tilespmem:v14+s21+$0x0] =	vst.idx.msk $0xffff, v2;
	v1 =	vld [tilespmem:s14+$0x0]  }
0x132: {  	v2 =	vld [tilespmem:s0+$0x0]  }
0x133: {  	s16 =	sor.u32 $0x3070, s11  }
0x134: {  	s18 =	sadd.s32 s20, s16;
	[tilespmem:v57+s21+$0x0] =	vst.idx.msk $0xffff, v4  }
0x135: {  	v58 =	vor.u32 $0xE, v3;
	s19 =	sadd.s32 s17, s16;
	v4 =	vld [tilespmem:s18+$0x0];
	[tilespmem:v10+s21+$0x0] =	vst.idx.msk $0xffff, v0  }
0x136: {  	s23 =	sadd.s32 s22, s16;
	[tilespmem:v12+s21+$0x0] =	vst.idx.msk $0xffff, v1;
	v0 =	vld [tilespmem:s19+$0x0]  }
0x137: {  	s0 =	sadd.s32 s13, s16;
	[tilespmem:v11+s21+$0x0] =	vst.idx.msk $0xffff, v2;
	v1 =	vld [tilespmem:s23+$0x0]  }
0x138: {  	[tilespmem:v43+s21+$0x0] =	vst.idx.msk $0xffff, v32;
	v2 =	vld [tilespmem:s0+$0x0]  }
0x139: {  	v6 =	vld [tilespmem:s15+$0x0];
	s24 =	sor.u32 $0x30F0, s11;
	[tilespmem:v7+s21+$0x0] =	vst.idx.msk $0xffff, v31  }
0x13a: {  	s25 =	sadd.s32 s20, s24;
	v59 =	vld [tilespmem:s6+$0x0];
	[tilespmem:v58+s21+$0x0] =	vst.idx.msk $0xffff, v4  }
0x13b: {  	v60 =	vor.u32 $0xF, v3;
	s26 =	sadd.s32 s17, s24;
	v4 =	vld [tilespmem:s25+$0x0];
	[tilespmem:v8+s21+$0x0] =	vst.idx.msk $0xffff, v0  }
0x13c: {  	s28 =	sadd.s32 s22, s24;
	[tilespmem:v9+s21+$0x0] =	vst.idx.msk $0xffff, v1;
	v0 =	vld [tilespmem:s26+$0x0]  }
0x13d: {  	s0 =	sadd.s32 s13, s24;
	[tilespmem:v28+s21+$0x0] =	vst.idx.msk $0xffff, v2;
	v1 =	vld [tilespmem:s28+$0x0]  }
0x13e: {  	[tilespmem:v41+s21+$0x0] =	vst.idx.msk $0xffff, v6;
	v2 =	vld [tilespmem:s0+$0x0]  }
0x13f: {  	[tilespmem:v42+s21+$0x0] =	vst.idx.msk $0xffff, v59  }
0x140: {  	[tilespmem:v60+s21+$0x0] =	vst.idx.msk $0xffff, v4  }
0x141: {  	[tilespmem:v27+s21+$0x0] =	vst.idx.msk $0xffff, v0  }
0x142: {  	[tilespmem:v23+s21+$0x0] =	vst.idx.msk $0xffff, v1  }
0x143: {  	s29 =	simm.s32 $0x5;
	[tilespmem:v22+s21+$0x0] =	vst.idx.msk $0xffff, v2  }
0x144: {  	_ =	swait.ge [sflag:s29], $0x100  }
0x145: {  	[sflag:s29] =	ssyncset.done $0x0  }
0x146: {  	[sflag:s29] =	ssyncadd.s32 $0xFFFFFF00  }
0x147: {  	s30 =	simm.s32 $0x2370;
	s9 =	simm.s32 $0x100;
	s0 =	rddreg [dreg:$0x5]  }
0x148: {  	v62 =	vld [tilespmem:$0x1FFE0];
	[spmem:s0] =	stream.indirect.scatter.add.f32 [tilespmem:s21], [sflag:$0x7], $0x10, s30, s9, $0xb8  }
0x149: {  	v61 =	vld [tilespmem:$0x2370];
	_ =	sdelay $0x4  }
0x14a: {  	v0 =	vadd.s32 v62, v61;
	_ =	sdelay $0x3  }
0x14b: {  	v63 =	vimm.s32 $0x1;
	s31 =	simm.s32 $0x1AA70  }
0x14c: {  	[tilespmem:v0+s31+$0x0] =	vst.idx.add.s32.msk $0xffff, v63  }
0x14d: {  	v0 =	vld [tilespmem:$0x2380];
	_ =	sdelay $0x4  }
0x14e: {  	v0 =	vadd.s32 v62, v0;
	_ =	sdelay $0x4  }
0x14f: {  	[tilespmem:v0+s31+$0x0] =	vst.idx.add.s32.msk $0xffff, v63  }
0x150: {  	v0 =	vld [tilespmem:$0x2390];
	_ =	sdelay $0x4  }
0x151: {  	v0 =	vadd.s32 v62, v0;
	_ =	sdelay $0x4  }
0x152: {  	[tilespmem:v0+s31+$0x0] =	vst.idx.add.s32.msk $0xffff, v63  }
0x153: {  	v0 =	vld [tilespmem:$0x23A0];
	_ =	sdelay $0x4  }
0x154: {  	v0 =	vadd.s32 v62, v0;
	_ =	sdelay $0x4  }
0x155: {  	[tilespmem:v0+s31+$0x0] =	vst.idx.add.s32.msk $0xffff, v63  }
0x156: {  	v0 =	vld [tilespmem:$0x23B0];
	_ =	sdelay $0x4  }
0x157: {  	v0 =	vadd.s32 v62, v0;
	_ =	sdelay $0x4  }
0x158: {  	[tilespmem:v0+s31+$0x0] =	vst.idx.add.s32.msk $0xffff, v63  }
0x159: {  	v0 =	vld [tilespmem:$0x23C0];
	_ =	sdelay $0x4  }
0x15a: {  	v0 =	vadd.s32 v62, v0;
	_ =	sdelay $0x4  }
0x15b: {  	[tilespmem:v0+s31+$0x0] =	vst.idx.add.s32.msk $0xffff, v63  }
0x15c: {  	v0 =	vld [tilespmem:$0x23D0];
	_ =	sdelay $0x4  }
0x15d: {  	v0 =	vadd.s32 v62, v0;
	_ =	sdelay $0x4  }
0x15e: {  	[tilespmem:v0+s31+$0x0] =	vst.idx.add.s32.msk $0xffff, v63  }
0x15f: {  	v0 =	vld [tilespmem:$0x23E0];
	_ =	sdelay $0x4  }
0x160: {  	v0 =	vadd.s32 v62, v0;
	_ =	sdelay $0x4  }
0x161: {  	[tilespmem:v0+s31+$0x0] =	vst.idx.add.s32.msk $0xffff, v63  }
0x162: {  	v0 =	vld [tilespmem:$0x23F0];
	_ =	sdelay $0x4  }
0x163: {  	v0 =	vadd.s32 v62, v0;
	_ =	sdelay $0x4  }
0x164: {  	[tilespmem:v0+s31+$0x0] =	vst.idx.add.s32.msk $0xffff, v63  }
0x165: {  	v0 =	vld [tilespmem:$0x2400];
	_ =	sdelay $0x4  }
0x166: {  	v0 =	vadd.s32 v62, v0;
	_ =	sdelay $0x4  }
0x167: {  	[tilespmem:v0+s31+$0x0] =	vst.idx.add.s32.msk $0xffff, v63  }
0x168: {  	v0 =	vld [tilespmem:$0x2410];
	_ =	sdelay $0x4  }
0x169: {  	v0 =	vadd.s32 v62, v0;
	_ =	sdelay $0x4  }
0x16a: {  	[tilespmem:v0+s31+$0x0] =	vst.idx.add.s32.msk $0xffff, v63  }
0x16b: {  	v0 =	vld [tilespmem:$0x2420];
	_ =	sdelay $0x4  }
0x16c: {  	v0 =	vadd.s32 v62, v0;
	_ =	sdelay $0x4  }
0x16d: {  	[tilespmem:v0+s31+$0x0] =	vst.idx.add.s32.msk $0xffff, v63  }
0x16e: {  	v0 =	vld [tilespmem:$0x2430];
	_ =	sdelay $0x4  }
0x16f: {  	v0 =	vadd.s32 v62, v0;
	_ =	sdelay $0x4  }
0x170: {  	[tilespmem:v0+s31+$0x0] =	vst.idx.add.s32.msk $0xffff, v63  }
0x171: {  	v0 =	vld [tilespmem:$0x2440];
	_ =	sdelay $0x4  }
0x172: {  	v0 =	vadd.s32 v62, v0;
	_ =	sdelay $0x4  }
0x173: {  	[tilespmem:v0+s31+$0x0] =	vst.idx.add.s32.msk $0xffff, v63  }
0x174: {  	v0 =	vld [tilespmem:$0x2450];
	_ =	sdelay $0x4  }
0x175: {  	v0 =	vadd.s32 v62, v0;
	_ =	sdelay $0x4  }
0x176: {  	[tilespmem:v0+s31+$0x0] =	vst.idx.add.s32.msk $0xffff, v63  }
0x177: {  	v0 =	vld [tilespmem:$0x2460];
	_ =	sdelay $0x4  }
0x178: {  	v0 =	vadd.s32 v62, v0  }
.Ltmp3:
0x179: {  	_ = 	snop;
	(pc) =	sbr.rel @p1 .LBB2_8-.Ltmp3, $2  }
0x17a: {  	_ =	sdelay $0x2  }
0x17b: {  	s8 =	simm.s32 $0x1AA70;
	[tilespmem:v0+s31+$0x0] =	vst.idx.add.s32.msk $0xffff, v63  }
0x17c: {  	s0 =	simm.s32 $0x2  }
0x17d: {  	_ =	swait.ge [sflag:s0], $0x100  }
0x17e: {  	s1 =	simm.s32 $0x2270;
	[sflag:s0] =	ssyncset.done $0x0  }
0x17f: {  	s2 =	simm.s32 $0x2470;
	s8 =	simm.s32 $0x0;
	[sflag:s0] =	ssyncadd.s32 $0xFFFFFF00  }
0x180: {  	s25 =	simm.s32 $0x4;
	s26 =	simm.s32 $0x30;
	s0 =	rddreg [dreg:$0x7]  }
0x181: {  	[tilespmem:s2], [sflag:$0x6] =	stream.indirect.gather [spmem:s0], $0x1, s1, s9, $0xb8;
	[tilespmem:$0x1BB70] =	vst v63  }
0x182: {  	s31 =	simm.s32 $0x0;
	s15 =	sand.u32 $0x400, s8;
	v0 =	vmov s26;
	_ =	swait.ge [sflag:s25], $0x1000  }
0x183: {  	s4 =	sand.u32 $0x70, s26;
	s29 =	sadd.s32 $0x3570, s15;
	v0 =	vshll.u32 v0, $0x7;
	[sflag:s25] =	ssyncset.done $0x0  }
0x184: {  	s6 =	sand.u32 $0x40, s31;
	s10 =	sadd.s32 s4, s29;
	v7 =	vor.u32 v40, v0;
	v0 =	vmov s31;
	[sflag:s25] =	ssyncadd.s32 $0xFFFFF000  }
0x185: {  	s3 =	simm.s32 $0x10;
	s11 =	sadd.s32 s6, s29;
	v0 =	vshll.u32 v0, $0x7;
	v1 =	vld [tilespmem:s10+$0x0]  }
0x186: {  	v2 =	vmov s3;
	s5 =	sand.u32 $0x50, s3;
	v5 =	vor.u32 v40, v0;
	v0 =	vld [tilespmem:s11+$0x0]  }
0x187: {  	v2 =	vshll.u32 v2, $0x7;
	s12 =	sadd.s32 s5, s29  }
0x188: {  	v4 =	vor.u32 v40, v2;
	v2 =	vld [tilespmem:s12+$0x0]  }
0x189: {  	s21 =	simm.s32 $0xC570  }
0x18a: {  	s7 =	simm.s32 $0x20;
	[tilespmem:v7+s21+$0x0] =	vst.idx.msk $0xffff, v1  }
0x18b: {  	v8 =	vor.u32 $0x1, v7;
	s2 =	sand.u32 $0x60, s7;
	v1 =	vmov s7;
	[tilespmem:v5+s21+$0x0] =	vst.idx.msk $0xffff, v0;
	v3 =	vld [tilespmem:s10+$0x80]  }
0x18c: {  	s9 =	sadd.s32 s2, s29;
	v0 =	vor.u32 $0x1, v5;
	v1 =	vshll.u32 v1, $0x7;
	v9 =	vld [tilespmem:s11+$0x80]  }
0x18d: {  	[tilespmem:v4+s21+$0x0] =	vst.idx.msk $0xffff, v2;
	v6 =	vor.u32 v40, v1;
	v1 =	vld [tilespmem:s9+$0x0]  }
0x18e: {  	v2 =	vor.u32 $0x1, v4;
	v10 =	vld [tilespmem:s12+$0x80];
	_ =	sdelay $0x1  }
0x18f: {  	[tilespmem:v8+s21+$0x0] =	vst.idx.msk $0xffff, v3  }
0x190: {  	v8 =	vor.u32 $0x2, v7;
	[tilespmem:v0+s21+$0x0] =	vst.idx.msk $0xffff, v9;
	v3 =	vld [tilespmem:s10+$0x100]  }
0x191: {  	v0 =	vor.u32 $0x2, v5;
	[tilespmem:v6+s21+$0x0] =	vst.idx.msk $0xffff, v1;
	v9 =	vld [tilespmem:s11+$0x100]  }
0x192: {  	[tilespmem:v2+s21+$0x0] =	vst.idx.msk $0xffff, v10;
	v1 =	vor.u32 $0x1, v6;
	v11 =	vld [tilespmem:s9+$0x80]  }
0x193: {  	v2 =	vor.u32 $0x2, v4;
	v10 =	vld [tilespmem:s12+$0x100];
	_ =	sdelay $0x1  }
0x194: {  	[tilespmem:v8+s21+$0x0] =	vst.idx.msk $0xffff, v3  }
0x195: {  	v8 =	vor.u32 $0x3, v7;
	[tilespmem:v0+s21+$0x0] =	vst.idx.msk $0xffff, v9;
	v3 =	vld [tilespmem:s10+$0x180]  }
0x196: {  	s13 =	sand.u32 $0x7, s8;
	v0 =	vor.u32 $0x3, v5;
	[tilespmem:v1+s21+$0x0] =	vst.idx.msk $0xffff, v11;
	v9 =	vld [tilespmem:s11+$0x180]  }
0x197: {  	p1 =	por $0x0, $0x0;
	[tilespmem:v2+s21+$0x0] =	vst.idx.msk $0xffff, v10;
	v1 =	vor.u32 $0x2, v6;
	s10 =	sshll.u32 s13, $0x4;
	s11 =	simm.s32 $0x1;
	v11 =	vld [tilespmem:s9+$0x100]  }
0x198: {  	v2 =	vor.u32 $0x3, v4;
	v10 =	vld [tilespmem:s12+$0x180];
	s10 =	sadd.s32 $0x0, s10;
	s11 =	simm.s32 @!p1 $0x0  }
0x199: {  	s13 =	sadd.s32 $0x30, s10;
	s11 =	sshll.u32 s11, $0x6  }
0x19a: {  	s14 =	sor.u32 $0x200, s13;
	s11 =	sadd.s32 $0x0, s11;
	[tilespmem:v8+s21+$0x0] =	vst.idx.msk $0xffff, v3  }
0x19b: {  	s16 =	sor.u32 $0x200, s11;
	v8 =	vor.u32 $0x4, v7;
	[tilespmem:v0+s21+$0x0] =	vst.idx.msk $0xffff, v9;
	v3 =	vld [tilespmem:s14+$0x3570]  }
0x19c: {  	s17 =	sadd.s32 $0x10, s10;
	v0 =	vor.u32 $0x4, v5;
	[tilespmem:v1+s21+$0x0] =	vst.idx.msk $0xffff, v11;
	v9 =	vld [tilespmem:s16+$0x3570]  }
0x19d: {  	s10 =	sor.u32 $0x200, s17;
	[tilespmem:v2+s21+$0x0] =	vst.idx.msk $0xffff, v10;
	v1 =	vor.u32 $0x3, v6;
	v11 =	vld [tilespmem:s9+$0x180]  }
0x19e: {  	s8 =	sand.u32 $0x3, s8;
	v2 =	vor.u32 $0x4, v4;
	v10 =	vld [tilespmem:s10+$0x3570]  }
0x19f: {  	s8 =	sshll.u32 s8, $0x5  }
0x1a0: {  	s18 =	sor.u32 $0x280, s26;
	s8 =	sadd.s32 $0x0, s8;
	[tilespmem:v8+s21+$0x0] =	vst.idx.msk $0xffff, v3  }
0x1a1: {  	s20 =	sor.u32 $0x280, s31;
	s8 =	sadd.s32 $0x20, s8;
	v8 =	vor.u32 $0x5, v7;
	[tilespmem:v0+s21+$0x0] =	vst.idx.msk $0xffff, v9;
	v3 =	vld [tilespmem:s18+$0x3570]  }
0x1a2: {  	s19 =	sor.u32 $0x200, s8;
	v0 =	vor.u32 $0x5, v5;
	[tilespmem:v1+s21+$0x0] =	vst.idx.msk $0xffff, v11;
	v9 =	vld [tilespmem:s20+$0x3570]  }
0x1a3: {  	s22 =	sor.u32 $0x280, s3;
	[tilespmem:v2+s21+$0x0] =	vst.idx.msk $0xffff, v10;
	v1 =	vor.u32 $0x4, v6;
	v11 =	vld [tilespmem:s19+$0x3570]  }
0x1a4: {  	v2 =	vor.u32 $0x5, v4;
	v10 =	vld [tilespmem:s22+$0x3570];
	_ =	sdelay $0x1  }
0x1a5: {  	s23 =	sor.u32 $0x300, s13;
	[tilespmem:v8+s21+$0x0] =	vst.idx.msk $0xffff, v3  }
0x1a6: {  	s11 =	sor.u32 $0x300, s11;
	v8 =	vor.u32 $0x6, v7;
	[tilespmem:v0+s21+$0x0] =	vst.idx.msk $0xffff, v9;
	v3 =	vld [tilespmem:s23+$0x3570]  }
0x1a7: {  	s24 =	sor.u32 $0x280, s7;
	v0 =	vor.u32 $0x6, v5;
	[tilespmem:v1+s21+$0x0] =	vst.idx.msk $0xffff, v11;
	v9 =	vld [tilespmem:s11+$0x3570]  }
0x1a8: {  	s9 =	sor.u32 $0x300, s17;
	[tilespmem:v2+s21+$0x0] =	vst.idx.msk $0xffff, v10;
	v1 =	vor.u32 $0x5, v6;
	v11 =	vld [tilespmem:s24+$0x3570]  }
0x1a9: {  	v2 =	vor.u32 $0x6, v4;
	v10 =	vld [tilespmem:s9+$0x3570];
	_ =	sdelay $0x1  }
0x1aa: {  	s0 =	sor.u32 $0x380, s26;
	[tilespmem:v8+s21+$0x0] =	vst.idx.msk $0xffff, v3  }
0x1ab: {  	s1 =	sor.u32 $0x380, s31;
	v8 =	vor.u32 $0x7, v7;
	[tilespmem:v0+s21+$0x0] =	vst.idx.msk $0xffff, v9;
	v3 =	vld [tilespmem:s0+$0x3570]  }
0x1ac: {  	s25 =	sor.u32 $0x300, s8;
	v0 =	vor.u32 $0x7, v5;
	[tilespmem:v1+s21+$0x0] =	vst.idx.msk $0xffff, v11;
	v9 =	vld [tilespmem:s1+$0x3570]  }
0x1ad: {  	s26 =	sor.u32 $0x380, s3;
	[tilespmem:v2+s21+$0x0] =	vst.idx.msk $0xffff, v10;
	v1 =	vor.u32 $0x6, v6;
	v11 =	vld [tilespmem:s25+$0x3570]  }
0x1ae: {  	v2 =	vor.u32 $0x7, v4;
	v10 =	vld [tilespmem:s26+$0x3570]  }
0x1af: {  	s29 =	sadd.s32 $0x3D70, s15  }
0x1b0: {  	s31 =	sadd.s32 s4, s29;
	[tilespmem:v8+s21+$0x0] =	vst.idx.msk $0xffff, v3  }
0x1b1: {  	s3 =	sor.u32 $0x380, s7;
	s7 =	sadd.s32 s6, s29;
	v8 =	vor.u32 $0x8, v7;
	[tilespmem:v0+s21+$0x0] =	vst.idx.msk $0xffff, v9;
	v3 =	vld [tilespmem:s31+$0x0]  }
0x1b2: {  	v0 =	vor.u32 $0x8, v5;
	[tilespmem:v1+s21+$0x0] =	vst.idx.msk $0xffff, v11;
	v9 =	vld [tilespmem:s7+$0x0]  }
0x1b3: {  	s8 =	sadd.s32 s5, s29;
	[tilespmem:v2+s21+$0x0] =	vst.idx.msk $0xffff, v10;
	v1 =	vor.u32 $0x7, v6;
	v11 =	vld [tilespmem:s3+$0x3570]  }
0x1b4: {  	v2 =	vor.u32 $0x8, v4;
	v10 =	vld [tilespmem:s8+$0x0]  }
0x1b5: {  	s9 =	sadd.s32 $0x3DF0, s15  }
0x1b6: {  	s10 =	sadd.s32 s4, s9;
	[tilespmem:v8+s21+$0x0] =	vst.idx.msk $0xffff, v3  }
0x1b7: {  	s12 =	sadd.s32 s6, s9;
	v8 =	vor.u32 $0x9, v7;
	[tilespmem:v0+s21+$0x0] =	vst.idx.msk $0xffff, v9;
	v3 =	vld [tilespmem:s10+$0x0]  }
0x1b8: {  	s11 =	sadd.s32 s2, s29;
	v0 =	vor.u32 $0x9, v5;
	[tilespmem:v1+s21+$0x0] =	vst.idx.msk $0xffff, v11;
	v9 =	vld [tilespmem:s12+$0x0]  }
0x1b9: {  	s13 =	sadd.s32 s5, s9;
	[tilespmem:v2+s21+$0x0] =	vst.idx.msk $0xffff, v10;
	v1 =	vor.u32 $0x8, v6;
	v11 =	vld [tilespmem:s11+$0x0]  }
0x1ba: {  	v2 =	vor.u32 $0x9, v4;
	v10 =	vld [tilespmem:s13+$0x0]  }
0x1bb: {  	s7 =	sadd.s32 $0x3E70, s15  }
0x1bc: {  	s14 =	sadd.s32 s4, s7;
	[tilespmem:v8+s21+$0x0] =	vst.idx.msk $0xffff, v3  }
0x1bd: {  	v12 =	vor.u32 $0xA, v7;
	s17 =	sadd.s32 s6, s7;
	[tilespmem:v0+s21+$0x0] =	vst.idx.msk $0xffff, v9;
	v8 =	vld [tilespmem:s14+$0x0]  }
0x1be: {  	s16 =	sadd.s32 s2, s9;
	s26 =	simm.s32 $0x200;
	v0 =	vor.u32 $0xA, v5;
	[tilespmem:v1+s21+$0x0] =	vst.idx.msk $0xffff, v11;
	v9 =	vld [tilespmem:s17+$0x0]  }
0x1bf: {  	s28 =	simm.s32 $0x70;
	s19 =	sadd.s32 s5, s7;
	s11 =	sand.u32 $0x400, s26;
	[tilespmem:v2+s21+$0x0] =	vst.idx.msk $0xffff, v10;
	v1 =	vor.u32 $0x9, v6;
	v11 =	vld [tilespmem:s16+$0x0]  }
0x1c0: {  	s20 =	sand.u32 $0x70, s28;
	s18 =	sadd.s32 $0x3570, s11;
	v3 =	vmov s28;
	v10 =	vor.u32 $0xA, v4;
	v14 =	vld [tilespmem:s19+$0x0]  }
0x1c1: {  	s22 =	simm.s32 $0x40;
	s1 =	sadd.s32 $0x3EF0, s15;
	s0 =	sadd.s32 s20, s18;
	v3 =	vshll.u32 v3, $0x7  }
0x1c2: {  	v13 =	vmov s22;
	s24 =	sadd.s32 s4, s1;
	v2 =	vld [tilespmem:s0+$0x0];
	s17 =	sand.u32 $0x40, s22;
	v3 =	vor.u32 v40, v3;
	[tilespmem:v12+s21+$0x0] =	vst.idx.msk $0xffff, v8  }
0x1c3: {  	v15 =	vor.u32 $0xB, v7;
	s23 =	simm.s32 $0x50;
	s29 =	sadd.s32 s17, s18;
	v12 =	vshll.u32 v13, $0x7;
	[tilespmem:v0+s21+$0x0] =	vst.idx.msk $0xffff, v9;
	v13 =	vld [tilespmem:s24+$0x0]  }
0x1c4: {  	s25 =	simm.s32 $0x60;
	s22 =	sand.u32 $0x50, s23;
	s14 =	sadd.s32 s2, s7;
	v8 =	vmov s23;
	[tilespmem:v1+s21+$0x0] =	vst.idx.msk $0xffff, v11;
	v22 =	vor.u32 v40, v12;
	v11 =	vld [tilespmem:s29+$0x0]  }
0x1c5: {  	s13 =	sand.u32 $0x60, s25;
	s10 =	sadd.s32 s22, s18;
	[tilespmem:v10+s21+$0x0] =	vst.idx.msk $0xffff, v14;
	v9 =	vor.u32 $0xA, v6;
	v1 =	vshll.u32 v8, $0x7;
	v8 =	vmov s25;
	v10 =	vld [tilespmem:s14+$0x0]  }
0x1c6: {  	s31 =	sadd.s32 s13, s18;
	v8 =	vshll.u32 v8, $0x7;
	v23 =	vor.u32 v40, v1;
	v1 =	vld [tilespmem:s10+$0x0]  }
0x1c7: {  	s7 =	sadd.s32 $0x3F70, s15;
	v0 =	vld [tilespmem:s31+$0x0];
	[tilespmem:v3+s21+$0x0] =	vst.idx.msk $0xffff, v2;
	v31 =	vor.u32 v40, v8  }
0x1c8: {  	s16 =	sadd.s32 s4, s7;
	v2 =	vld [tilespmem:s0+$0x80];
	v8 =	vor.u32 $0x1, v3;
	[tilespmem:v15+s21+$0x0] =	vst.idx.msk $0xffff, v13  }
0x1c9: {  	s18 =	sadd.s32 s6, s1;
	v12 =	vor.u32 $0xC, v7;
	[tilespmem:v22+s21+$0x0] =	vst.idx.msk $0xffff, v11;
	v11 =	vld [tilespmem:s16+$0x0]  }
0x1ca: {  	[tilespmem:v9+s21+$0x0] =	vst.idx.msk $0xffff, v10;
	v9 =	vor.u32 $0xB, v5;
	v10 =	vld [tilespmem:s18+$0x0]  }
0x1cb: {  	v13 =	vor.u32 $0x1, v22;
	v14 =	vld [tilespmem:s29+$0x80];
	[tilespmem:v23+s21+$0x0] =	vst.idx.msk $0xffff, v1  }
0x1cc: {  	v1 =	vor.u32 $0x1, v23;
	v15 =	vld [tilespmem:s10+$0x80];
	[tilespmem:v31+s21+$0x0] =	vst.idx.msk $0xffff, v0  }
0x1cd: {  	v0 =	vor.u32 $0x1, v31;
	[tilespmem:v8+s21+$0x0] =	vst.idx.msk $0xffff, v2;
	v16 =	vld [tilespmem:s31+$0x80]  }
0x1ce: {  	s3 =	sadd.s32 $0x3FF0, s15;
	s23 =	sadd.s32 s5, s1;
	v8 =	vor.u32 $0x2, v3;
	v2 =	vld [tilespmem:s0+$0x100];
	[tilespmem:v12+s21+$0x0] =	vst.idx.msk $0xffff, v11  }
0x1cf: {  	s19 =	sadd.s32 s4, s3;
	[tilespmem:v9+s21+$0x0] =	vst.idx.msk $0xffff, v10;
	v9 =	vor.u32 $0xB, v4;
	v10 =	vld [tilespmem:s23+$0x0]  }
0x1d0: {  	[tilespmem:v13+s21+$0x0] =	vst.idx.msk $0xffff, v14;
	v12 =	vor.u32 $0xD, v7;
	v11 =	vld [tilespmem:s19+$0x0]  }
0x1d1: {  	v13 =	vor.u32 $0x2, v22;
	v14 =	vld [tilespmem:s29+$0x100];
	[tilespmem:v1+s21+$0x0] =	vst.idx.msk $0xffff, v15  }
0x1d2: {  	v1 =	vor.u32 $0x2, v23;
	v15 =	vld [tilespmem:s10+$0x100];
	[tilespmem:v0+s21+$0x0] =	vst.idx.msk $0xffff, v16  }
0x1d3: {  	v0 =	vor.u32 $0x2, v31;
	[tilespmem:v8+s21+$0x0] =	vst.idx.msk $0xffff, v2;
	v16 =	vld [tilespmem:s31+$0x100]  }
0x1d4: {  	s30 =	simm.s32 $0x4;
	s18 =	sadd.s32 s2, s1;
	v8 =	vor.u32 $0x3, v3;
	v2 =	vld [tilespmem:s0+$0x180];
	s0 =	sor.u32 $0x4070, s15;
	[tilespmem:v9+s21+$0x0] =	vst.idx.msk $0xffff, v10  }
0x1d5: {  	s14 =	sand.u32 $0x7, s30;
	s24 =	sadd.s32 s4, s0;
	v9 =	vor.u32 $0xB, v6;
	v10 =	vld [tilespmem:s18+$0x0];
	[tilespmem:v12+s21+$0x0] =	vst.idx.msk $0xffff, v11  }
0x1d6: {  	s14 =	sshll.u32 s14, $0x4;
	[tilespmem:v13+s21+$0x0] =	vst.idx.msk $0xffff, v14;
	v12 =	vor.u32 $0xE, v7;
	v11 =	vld [tilespmem:s24+$0x0]  }
0x1d7: {  	p1 =	por !p1, !p1;
	s25 =	sadd.s32 $0x200, s14;
	v13 =	vor.u32 $0x3, v22;
	v14 =	vld [tilespmem:s29+$0x180];
	[tilespmem:v1+s21+$0x0] =	vst.idx.msk $0xffff, v15  }
0x1d8: {  	s14 =	simm.s32 $0x2;
	s8 =	sadd.s32 $0x30, s25;
	s16 =	simm.s32 $0x1;
	v1 =	vor.u32 $0x3, v23;
	v15 =	vld [tilespmem:s10+$0x180];
	[tilespmem:v0+s21+$0x0] =	vst.idx.msk $0xffff, v16  }
0x1d9: {  	s1 =	sor.u32 $0x40F0, s15;
	s16 =	simm.s32 @!p1 $0x0;
	v0 =	vor.u32 $0x3, v31;
	[tilespmem:v8+s21+$0x0] =	vst.idx.msk $0xffff, v2;
	v16 =	vld [tilespmem:s31+$0x180];
	s31 =	sor.u32 $0x200, s8  }
0x1da: {  	s16 =	sshll.u32 s16, $0x6;
	s29 =	sand.u32 $0x3, s14;
	s24 =	sadd.s32 s6, s7;
	v8 =	vor.u32 $0x4, v3;
	v2 =	vld [tilespmem:s31+$0x3570];
	[tilespmem:v9+s21+$0x0] =	vst.idx.msk $0xffff, v10  }
0x1db: {  	s4 =	sadd.s32 s4, s1;
	s15 =	sshll.u32 s29, $0x5;
	s10 =	sadd.s32 $0x200, s16;
	v9 =	vor.u32 $0xC, v5;
	v10 =	vld [tilespmem:s24+$0x0];
	[tilespmem:v12+s21+$0x0] =	vst.idx.msk $0xffff, v11  }
0x1dc: {  	s12 =	sadd.s32 $0x10, s25;
	v7 =	vor.u32 $0xF, v7;
	s9 =	sadd.s32 $0x200, s15;
	s16 =	sor.u32 $0x200, s10;
	[tilespmem:v13+s21+$0x0] =	vst.idx.msk $0xffff, v14;
	v11 =	vld [tilespmem:s4+$0x0]  }
0x1dd: {  	s18 =	sor.u32 $0x200, s12;
	s9 =	sadd.s32 $0x20, s9;
	v12 =	vor.u32 $0x4, v22;
	v13 =	vld [tilespmem:s16+$0x3570];
	[tilespmem:v1+s21+$0x0] =	vst.idx.msk $0xffff, v15  }
0x1de: {  	s19 =	sor.u32 $0x200, s9;
	v1 =	vor.u32 $0x4, v23;
	s4 =	simm.s32 $0x270;
	v14 =	vld [tilespmem:s18+$0x3570];
	[tilespmem:v0+s21+$0x0] =	vst.idx.msk $0xffff, v16  }
0x1df: {  	v0 =	vor.u32 $0x4, v31;
	s23 =	sor.u32 $0x280, s4;
	v15 =	vld [tilespmem:s19+$0x3570];
	[tilespmem:v8+s21+$0x0] =	vst.idx.msk $0xffff, v2  }
0x1e0: {  	s25 =	sadd.s32 s5, s7;
	s7 =	sadd.s32 s2, s7;
	v8 =	vor.u32 $0x5, v3;
	[tilespmem:v9+s21+$0x0] =	vst.idx.msk $0xffff, v10;
	v2 =	vld [tilespmem:s23+$0x3570]  }
0x1e1: {  	s18 =	simm.s32 $0x240;
	v9 =	vor.u32 $0xC, v6;
	v10 =	vld [tilespmem:s7+$0x0];
	[tilespmem:v7+s21+$0x0] =	vst.idx.msk $0xffff, v11  }
0x1e2: {  	s16 =	simm.s32 $0x250;
	s19 =	sor.u32 $0x280, s18;
	v7 =	vor.u32 $0xC, v4;
	[tilespmem:v12+s21+$0x0] =	vst.idx.msk $0xffff, v13;
	v11 =	vld [tilespmem:s25+$0x0]  }
0x1e3: {  	s29 =	sor.u32 $0x280, s16;
	v12 =	vor.u32 $0x5, v22;
	v13 =	vld [tilespmem:s19+$0x3570];
	s19 =	simm.s32 $0x260;
	[tilespmem:v1+s21+$0x0] =	vst.idx.msk $0xffff, v14  }
0x1e4: {  	v1 =	vor.u32 $0x5, v23;
	v14 =	vld [tilespmem:s29+$0x3570];
	s31 =	sor.u32 $0x280, s19;
	[tilespmem:v0+s21+$0x0] =	vst.idx.msk $0xffff, v15  }
0x1e5: {  	s8 =	sor.u32 $0x300, s8;
	v15 =	vor.u32 $0x5, v31;
	v0 =	vld [tilespmem:s31+$0x3570];
	[tilespmem:v8+s21+$0x0] =	vst.idx.msk $0xffff, v2  }
0x1e6: {  	s23 =	sadd.s32 s6, s3;
	[tilespmem:v9+s21+$0x0] =	vst.idx.msk $0xffff, v10;
	v8 =	vor.u32 $0x6, v3;
	v2 =	vld [tilespmem:s8+$0x3570]  }
0x1e7: {  	s8 =	sadd.s32 s5, s3;
	[tilespmem:v7+s21+$0x0] =	vst.idx.msk $0xffff, v11;
	v7 =	vld [tilespmem:s23+$0x0];
	v11 =	vor.u32 $0xD, v5  }
0x1e8: {  	s24 =	sor.u32 $0x300, s10;
	v10 =	vor.u32 $0xD, v4;
	[tilespmem:v12+s21+$0x0] =	vst.idx.msk $0xffff, v13;
	v9 =	vld [tilespmem:s8+$0x0]  }
0x1e9: {  	s25 =	sor.u32 $0x300, s12;
	v13 =	vor.u32 $0x6, v22;
	v12 =	vld [tilespmem:s24+$0x3570];
	[tilespmem:v1+s21+$0x0] =	vst.idx.msk $0xffff, v14  }
0x1ea: {  	s29 =	sor.u32 $0x300, s9;
	v14 =	vor.u32 $0x6, v23;
	v1 =	vld [tilespmem:s25+$0x3570];
	[tilespmem:v15+s21+$0x0] =	vst.idx.msk $0xffff, v0  }
0x1eb: {  	s31 =	sor.u32 $0x380, s4;
	v0 =	vor.u32 $0x6, v31;
	v15 =	vld [tilespmem:s29+$0x3570];
	[tilespmem:v8+s21+$0x0] =	vst.idx.msk $0xffff, v2  }
0x1ec: {  	s3 =	sadd.s32 s2, s3;
	v8 =	vor.u32 $0x7, v3;
	v2 =	vld [tilespmem:s31+$0x3570];
	[tilespmem:v11+s21+$0x0] =	vst.idx.msk $0xffff, v7  }
0x1ed: {  	v16 =	vor.u32 $0xD, v6;
	s9 =	sor.u32 $0x380, s18;
	s18 =	sadd.s32 s6, s0;
	v11 =	vld [tilespmem:s3+$0x0];
	[tilespmem:v10+s21+$0x0] =	vst.idx.msk $0xffff, v9  }
0x1ee: {  	v27 =	vor.u32 $0xE, v5;
	v9 =	vld [tilespmem:s18+$0x0];
	[tilespmem:v13+s21+$0x0] =	vst.idx.msk $0xffff, v12  }
0x1ef: {  	s12 =	sor.u32 $0x380, s19;
	s19 =	sadd.s32 s5, s0;
	v13 =	vor.u32 $0x7, v22;
	v12 =	vld [tilespmem:s9+$0x3570];
	[tilespmem:v14+s21+$0x0] =	vst.idx.msk $0xffff, v1  }
0x1f0: {  	v37 =	vor.u32 $0xF, v4;
	v38 =	vor.u32 $0xE, v6;
	s10 =	sor.u32 $0x380, s16;
	v32 =	vld [tilespmem:s19+$0x0];
	v1 =	vor.u32 $0xE, v4;
	[tilespmem:v0+s21+$0x0] =	vst.idx.msk $0xffff, v15  }
0x1f1: {  	v39 =	vor.u32 $0xF, v6;
	v28 =	vor.u32 $0x8, v3;
	v14 =	vor.u32 $0x7, v23;
	v18 =	vld [tilespmem:s10+$0x3570];
	[tilespmem:v8+s21+$0x0] =	vst.idx.msk $0xffff, v2  }
0x1f2: {  	v25 =	vor.u32 $0x9, v22;
	v21 =	vor.u32 $0xA, v22;
	s15 =	sadd.s32 $0x3D70, s11;
	v0 =	vor.u32 $0x7, v31;
	v15 =	vld [tilespmem:s12+$0x3570];
	[tilespmem:v16+s21+$0x0] =	vst.idx.msk $0xffff, v11  }
0x1f3: {  	v17 =	vor.u32 $0xB, v22;
	v30 =	vor.u32 $0x8, v23;
	v26 =	vor.u32 $0x9, v23;
	s16 =	sadd.s32 s20, s15;
	[tilespmem:v27+s21+$0x0] =	vst.idx.msk $0xffff, v9  }
0x1f4: {  	v20 =	vor.u32 $0xA, v23;
	v29 =	vor.u32 $0x8, v31;
	v24 =	vor.u32 $0x9, v31;
	s23 =	sadd.s32 s17, s15;
	v8 =	vld [tilespmem:s16+$0x0];
	[tilespmem:v13+s21+$0x0] =	vst.idx.msk $0xffff, v12  }
0x1f5: {  	v19 =	vor.u32 $0xA, v31;
	s0 =	sadd.s32 s2, s0;
	v7 =	vor.u32 $0xF, v5;
	v2 =	vor.u32 $0x8, v22;
	[tilespmem:v1+s21+$0x0] =	vst.idx.msk $0xffff, v32;
	v36 =	vld [tilespmem:s23+$0x0]  }
0x1f6: {  	s24 =	sadd.s32 s22, s15;
	v10 =	vor.u32 $0xD, v22;
	v16 =	vor.u32 $0xB, v31;
	v11 =	vor.u32 $0xD, v31;
	v32 =	vld [tilespmem:s0+$0x0];
	[tilespmem:v14+s21+$0x0] =	vst.idx.msk $0xffff, v18  }
0x1f7: {  	s25 =	sadd.s32 $0x3DF0, s11;
	s3 =	sadd.s32 s13, s15;
	v9 =	vor.u32 $0xE, v23;
	v27 =	vor.u32 $0xF, v22;
	v13 =	vor.u32 $0xC, v22;
	v33 =	vld [tilespmem:s24+$0x0];
	[tilespmem:v0+s21+$0x0] =	vst.idx.msk $0xffff, v15  }
0x1f8: {  	p1 =	por !p1, !p1;
	s29 =	sadd.s32 s20, s25;
	s31 =	sadd.s32 s6, s1;
	v12 =	vor.u32 $0xD, v23;
	v18 =	vor.u32 $0xB, v23;
	v14 =	vor.u32 $0xC, v31;
	v34 =	vld [tilespmem:s3+$0x0]  }
0x1f9: {  	s15 =	sadd.s32 s5, s1;
	s6 =	sadd.s32 s2, s1;
	s5 =	simm.s32 $0x4;
	[tilespmem:v28+s21+$0x0] =	vst.idx.msk $0xffff, v8;
	v8 =	vor.u32 $0xE, v22;
	v28 =	vor.u32 $0xE, v31;
	v22 =	vor.u32 $0xF, v31;
	v31 =	vld [tilespmem:s31+$0x0]  }
0x1fa: {  	s2 =	sadd.s32 s17, s25;
	s1 =	sadd.s32 s22, s25;
	s0 =	sadd.s32 s13, s25;
	v15 =	vor.u32 $0xC, v23;
	v23 =	vor.u32 $0xF, v23;
	v35 =	vld [tilespmem:s29+$0x0];
	[tilespmem:v2+s21+$0x0] =	vst.idx.msk $0xffff, v36;
	v36 =	vor.u32 $0x9, v3  }
.LBB2_6:
0x1fb: {  	v4 =	vmov v28  }
0x1fc: {  	v5 =	vmov v23;
	[tilespmem:$0x1FF60] =	vst v4  }
0x1fd: {  	[tilespmem:$0x1FF70] =	vst v5  }
0x1fe: {  	[tilespmem:v30+s21+$0x0] =	vst.idx.msk $0xffff, v33  }
0x1ff: {  	v0 =	vld [tilespmem:s2+$0x0];
	[tilespmem:v29+s21+$0x0] =	vst.idx.msk $0xffff, v34  }
0x200: {  	[tilespmem:v36+s21+$0x0] =	vst.idx.msk $0xffff, v35  }
0x201: {  	s3 =	simm.s32 $0x1;
	s14 =	sadd.s32 $0x2, s14;
	s18 =	sadd.s32 $0x3E70, s11;
	v4 =	vmov v27;
	[tilespmem:v7+s21+$0x0] =	vst.idx.msk $0xffff, v31;
	v1 =	vld [tilespmem:s1+$0x0]  }
0x202: {  	s26 =	sadd.s32 $0x200, s26;
	s28 =	sadd.s32 $0x40, s28;
	s23 =	sadd.s32 s20, s18;
	[tilespmem:$0x1FF80] =	vst v4;
	v2 =	vld [tilespmem:s0+$0x0]  }
0x203: {  	[dreg:$0x9] =	wrdreg s14;
	s16 =	sand.u32 $0x3, s14;
	s14 =	simm.s32 $0xC570;
	v30 =	vor.u32 $0xA, v3;
	v29 =	vld [tilespmem:s23+$0x0];
	[tilespmem:v38+s21+$0x0] =	vst.idx.msk $0xffff, v32  }
0x204: {  	s12 =	sadd.s32 $0x3EF0, s11;
	s3 =	simm.s32 @!p1 $0x0;
	s24 =	sand.u32 $0x400, s26;
	v28 =	vld [tilespmem:s15+$0x0];
	[tilespmem:v25+s14+$0x0] =	vst.idx.msk $0xffff, v0;
	v4 =	vmov v22  }
0x205: {  	s19 =	sadd.s32 s17, s18;
	s10 =	sadd.s32 $0x3570, s24;
	v27 =	vmov s28;
	s21 =	sand.u32 $0x70, s28;
	v0 =	vld [tilespmem:s6+$0x0];
	[tilespmem:$0x1FF90] =	vst v4  }
0x206: {  	s25 =	sadd.s32 $0xFFFFFFD0, s28;
	s29 =	sadd.s32 $0xFFFFFFE0, s28;
	v25 =	vshll.u32 v27, $0x7;
	s2 =	sadd.s32 s21, s10;
	v31 =	vld [tilespmem:s19+$0x0];
	[tilespmem:v26+s14+$0x0] =	vst.idx.msk $0xffff, v1  }
0x207: {  	s8 =	sadd.s32 s22, s18;
	s31 =	sadd.s32 $0xFFFFFFF0, s28;
	s7 =	sshll.u32 s3, $0x6;
	v38 =	vor.u32 v40, v25;
	v60 =	vld [tilespmem:s2+$0x0];
	v1 =	vmov s25;
	v26 =	vmov s29;
	[tilespmem:v24+s14+$0x0] =	vst.idx.msk $0xffff, v2  }
0x208: {  	s9 =	sshll.u32 s16, $0x5;
	s3 =	sand.u32 $0x40, s25;
	s0 =	sadd.s32 s20, s12;
	v24 =	vmov s31;
	[tilespmem:v30+s14+$0x0] =	vst.idx.msk $0xffff, v29;
	v1 =	vshll.u32 v1, $0x7;
	v2 =	vshll.u32 v26, $0x7;
	v25 =	vld [tilespmem:s8+$0x0]  }
0x209: {  	s16 =	sadd.s32 s13, s18;
	s18 =	sadd.s32 s3, s10;
	s25 =	sand.u32 $0x50, s29;
	v26 =	vor.u32 $0xB, v3;
	[tilespmem:v37+s14+$0x0] =	vst.idx.msk $0xffff, v28;
	v27 =	vor.u32 v40, v1;
	v1 =	vshll.u32 v24, $0x7;
	v24 =	vld [tilespmem:s0+$0x0]  }
0x20a: {  	s9 =	sadd.s32 s26, s9;
	s1 =	sand.u32 $0x60, s31;
	v23 =	vld [tilespmem:s18+$0x0];
	s15 =	sadd.s32 s25, s10;
	[tilespmem:v39+s14+$0x0] =	vst.idx.msk $0xffff, v0  }
0x20b: {  	s9 =	sadd.s32 $0x20, s9;
	s6 =	sadd.s32 s1, s10;
	[tilespmem:v21+s14+$0x0] =	vst.idx.msk $0xffff, v31;
	v2 =	vor.u32 v40, v2;
	v29 =	vld [tilespmem:s15+$0x0]  }
0x20c: {  	[dreg:$0xf] =	wrdreg s24;
	s24 =	sor.u32 $0x300, s9;
	v21 =	vld [tilespmem:s6+$0x0];
	[tilespmem:v38+s14+$0x0] =	vst.idx.msk $0xffff, v60;
	v1 =	vor.u32 v40, v1  }
0x20d: {  	[dreg:$0xd] =	wrdreg s24;
	s24 =	sadd.s32 $0x3F70, s11;
	v47 =	vor.u32 $0x1, v38;
	v22 =	vld [tilespmem:s2+$0x80];
	[tilespmem:v20+s14+$0x0] =	vst.idx.msk $0xffff, v25  }
0x20e: {  	s31 =	sadd.s32 s20, s24;
	v20 =	vld [tilespmem:s16+$0x0];
	[tilespmem:v26+s14+$0x0] =	vst.idx.msk $0xffff, v24  }
0x20f: {  	v48 =	vor.u32 $0xC, v3;
	v57 =	vor.u32 $0x2, v38;
	[tilespmem:v27+s14+$0x0] =	vst.idx.msk $0xffff, v23;
	v23 =	vld [tilespmem:s31+$0x0]  }
0x210: {  	v7 =	vor.u32 $0x3, v38;
	v60 =	vor.u32 $0xD, v3;
	v28 =	vor.u32 $0x1, v27;
	[tilespmem:v2+s14+$0x0] =	vst.idx.msk $0xffff, v29;
	v52 =	vld [tilespmem:s18+$0x80]  }
0x211: {  	v0 =	vor.u32 $0x2, v27;
	v39 =	vor.u32 $0x1, v2;
	v54 =	vor.u32 $0x2, v2;
	v53 =	vld [tilespmem:s15+$0x80];
	[tilespmem:v1+s14+$0x0] =	vst.idx.msk $0xffff, v21  }
0x212: {  	s23 =	sadd.s32 s17, s12;
	s29 =	sadd.s32 s22, s24;
	v51 =	vor.u32 $0x3, v2;
	v45 =	vor.u32 $0x4, v2;
	v40 =	vor.u32 $0x1, v1;
	[tilespmem:v47+s14+$0x0] =	vst.idx.msk $0xffff, v22;
	v56 =	vld [tilespmem:s6+$0x80]  }
0x213: {  	s10 =	sadd.s32 s17, s24;
	v41 =	vor.u32 $0x5, v2;
	v35 =	vor.u32 $0x6, v2;
	v32 =	vor.u32 $0x7, v2;
	s16 =	sadd.s32 s13, s24;
	s24 =	sadd.s32 $0x3FF0, s11;
	v22 =	vld [tilespmem:s2+$0x100];
	[tilespmem:v19+s14+$0x0] =	vst.idx.msk $0xffff, v20  }
0x214: {  	[dreg:$0x13] =	wrdreg s29;
	v30 =	vor.u32 $0x8, v2;
	v62 =	vor.u32 $0xB, v2;
	v6 =	vor.u32 $0xC, v2;
	s29 =	sadd.s32 s20, s24;
	v58 =	vld [tilespmem:s23+$0x0];
	[tilespmem:v48+s14+$0x0] =	vst.idx.msk $0xffff, v23  }
0x215: {  	s7 =	sadd.s32 s7, s26;
	v55 =	vor.u32 $0x2, v1;
	v49 =	vor.u32 $0x3, v1;
	v44 =	vor.u32 $0x4, v1;
	[tilespmem:v28+s14+$0x0] =	vst.idx.msk $0xffff, v52;
	v59 =	vld [tilespmem:s29+$0x0]  }
0x216: {  	s19 =	sor.u32 $0x300, s7;
	v43 =	vor.u32 $0x5, v1;
	v37 =	vor.u32 $0x6, v1;
	v34 =	vor.u32 $0x7, v1;
	[tilespmem:v39+s14+$0x0] =	vst.idx.msk $0xffff, v53;
	v61 =	vld [tilespmem:s18+$0x100]  }
0x217: {  	[dreg:$0xb] =	wrdreg s19;
	v63 =	vor.u32 $0xB, v1;
	v29 =	vor.u32 $0x8, v1;
	v26 =	vor.u32 $0x9, v2;
	v5 =	vld [tilespmem:s15+$0x100];
	[tilespmem:v40+s14+$0x0] =	vst.idx.msk $0xffff, v56  }
0x218: {  	s19 =	sadd.s32 s13, s12;
	s8 =	sor.u32 $0x200, s7;
	s7 =	sor.u32 $0x200, s9;
	v24 =	vor.u32 $0x9, v1;
	v47 =	vor.u32 $0xD, v1;
	v20 =	vor.u32 $0xA, v2;
	[tilespmem:v57+s14+$0x0] =	vst.idx.msk $0xffff, v22;
	v56 =	vld [tilespmem:s6+$0x100]  }
0x219: {  	s9 =	sadd.s32 s22, s12;
	s12 =	sor.u32 $0x4070, s11;
	s0 =	sadd.s32 $0x4, s30;
	v19 =	vor.u32 $0xA, v1;
	v23 =	vor.u32 $0xB, v27;
	v53 =	vor.u32 $0xC, v1;
	[tilespmem:v17+s14+$0x0] =	vst.idx.msk $0xffff, v58;
	v57 =	vld [tilespmem:s2+$0x180]  }
0x21a: {  	s30 =	sadd.s32 s20, s12;
	s31 =	sand.u32 $0x7, s0;
	v48 =	vor.u32 $0xD, v2;
	v39 =	vor.u32 $0xE, v2;
	v17 =	vmovc v23;
	v23 =	vor.u32 $0xF, v2;
	v2 =	vld [tilespmem:s9+$0x0];
	[tilespmem:v60+s14+$0x0] =	vst.idx.msk $0xffff, v59  }
0x21b: {  	s31 =	sshll.u32 s31, $0x4;
	v28 =	vor.u32 $0xE, v1;
	v22 =	vor.u32 $0xF, v1;
	s29 =	sadd.s32 s22, s12;
	v1 =	vor.u32 $0xE, v3;
	[tilespmem:v0+s14+$0x0] =	vst.idx.msk $0xffff, v61;
	v0 =	vld [tilespmem:s30+$0x0]  }
0x21c: {  	v50 =	vor.u32 $0x3, v27;
	s9 =	sadd.s32 s13, s12;
	s2 =	sadd.s32 s17, s12;
	s12 =	sadd.s32 s26, s31;
	[tilespmem:v54+s14+$0x0] =	vst.idx.msk $0xffff, v5;
	v58 =	vld [tilespmem:s18+$0x180]  }
0x21d: {  	s31 =	sadd.s32 $0x10, s12;
	s12 =	sadd.s32 $0x30, s12;
	v5 =	vld [tilespmem:s15+$0x180];
	[tilespmem:v55+s14+$0x0] =	vst.idx.msk $0xffff, v56  }
0x21e: {  	[tilespmem:v7+s14+$0x0] =	vst.idx.msk $0xffff, v57;
	s15 =	sor.u32 $0x200, s12;
	v61 =	vld [tilespmem:s6+$0x180]  }
0x21f: {  	s4 =	sadd.s32 $0x240, s4;
	[dreg:$0x11] =	wrdreg s16;
	v59 =	vor.u32 $0x4, v38;
	[tilespmem:v18+s14+$0x0] =	vst.idx.msk $0xffff, v2;
	v7 =	vld [tilespmem:s15+$0x3570];
	s6 =	sor.u32 $0x40F0, s11  }
0x220: {  	s23 =	sadd.s32 s22, s24;
	v2 =	vld [tilespmem:s19+$0x0];
	s15 =	sadd.s32 s22, s6;
	s22 =	sadd.s32 s20, s6;
	[tilespmem:v1+s14+$0x0] =	vst.idx.msk $0xffff, v0  }
0x221: {  	s30 =	sor.u32 $0x200, s31;
	s18 =	sor.u32 $0x300, s31;
	s31 =	rddreg [dreg:$0xf];
	[tilespmem:v50+s14+$0x0] =	vst.idx.msk $0xffff, v58;
	v1 =	vor.u32 $0xF, v3;
	v0 =	vld [tilespmem:s22+$0x0]  }
0x222: {  	v46 =	vor.u32 $0x4, v27;
	s16 =	sadd.s32 s17, s24;
	s24 =	sadd.s32 s13, s24;
	s11 =	smov.u32 s31;
	[tilespmem:v51+s14+$0x0] =	vst.idx.msk $0xffff, v5;
	v60 =	vld [tilespmem:s8+$0x3570]  }
0x223: {  	s31 =	sadd.s32 s17, s6;
	s6 =	sadd.s32 s13, s6;
	s20 =	smov.u32 s21;
	v5 =	vld [tilespmem:s30+$0x3570];
	[tilespmem:v49+s14+$0x0] =	vst.idx.msk $0xffff, v61  }
0x224: {  	s21 =	sadd.s32 $0xFFFFFFE0, s4;
	v3 =	vmov v38;
	s22 =	smov.u32 s25;
	[tilespmem:v59+s14+$0x0] =	vst.idx.msk $0xffff, v7;
	s25 =	sor.u32 $0x280, s4;
	v49 =	vld [tilespmem:s7+$0x3570]  }
0x225: {  	s13 =	smov.u32 s1;
	s1 =	sadd.s32 $0xFFFFFFD0, s4;
	s19 =	sor.u32 $0x280, s21;
	v61 =	vor.u32 $0x5, v3;
	v7 =	vld [tilespmem:s25+$0x3570];
	[tilespmem:v16+s14+$0x0] =	vst.idx.msk $0xffff, v2  }
0x226: {  	s30 =	smov.u32 s0;
	s8 =	sor.u32 $0x280, s1;
	v2 =	vld [tilespmem:s10+$0x0];
	s25 =	rddreg [dreg:$0x13];
	[tilespmem:v1+s14+$0x0] =	vst.idx.msk $0xffff, v0  }
0x227: {  	s0 =	sor.u32 $0x380, s1;
	s1 =	sor.u32 $0x380, s21;
	s21 =	simm.s32 $0xC570;
	[tilespmem:v46+s14+$0x0] =	vst.idx.msk $0xffff, v60;
	v0 =	vld [tilespmem:s25+$0x0]  }
0x228: {  	v42 =	vor.u32 $0x5, v27;
	[tilespmem:v45+s21+$0x0] =	vst.idx.msk $0xffff, v5;
	v1 =	vld [tilespmem:s8+$0x3570]  }
0x229: {  	s17 =	smov.u32 s3;
	s3 =	sadd.s32 $0xFFFFFFF0, s4;
	v5 =	vld [tilespmem:s19+$0x3570];
	[tilespmem:v44+s21+$0x0] =	vst.idx.msk $0xffff, v49  }
0x22a: {  	v38 =	vld [tilespmem:$0x1FF60];
	s7 =	sor.u32 $0x280, s3;
	[tilespmem:v61+s21+$0x0] =	vst.idx.msk $0xffff, v7  }
0x22b: {  	v18 =	vmov v62;
	s10 =	sor.u32 $0x380, s3;
	s3 =	sor.u32 $0x300, s12;
	[tilespmem:v13+s21+$0x0] =	vst.idx.msk $0xffff, v2;
	v62 =	vld [tilespmem:s7+$0x3570]  }
0x22c: {  	v16 =	vmov v63;
	v63 =	vor.u32 $0x6, v3;
	v7 =	vld [tilespmem:s3+$0x3570];
	s7 =	rddreg [dreg:$0x11];
	[tilespmem:v15+s21+$0x0] =	vst.idx.msk $0xffff, v0  }
0x22d: {  	v0 =	vld [tilespmem:s7+$0x0];
	[tilespmem:v42+s21+$0x0] =	vst.idx.msk $0xffff, v1  }
0x22e: {  	v4 =	vor.u32 $0xC, v27;
	[tilespmem:v41+s21+$0x0] =	vst.idx.msk $0xffff, v5;
	v1 =	vld [tilespmem:s16+$0x0]  }
0x22f: {  	v13 =	vmov v4;
	s8 =	rddreg [dreg:$0xb];
	v4 =	vld [tilespmem:s18+$0x3570]  }
0x230: {  	v36 =	vor.u32 $0x6, v27;
	s12 =	rddreg [dreg:$0xd];
	v2 =	vld [tilespmem:s8+$0x3570];
	[tilespmem:v43+s21+$0x0] =	vst.idx.msk $0xffff, v62  }
0x231: {  	[tilespmem:v63+s21+$0x0] =	vst.idx.msk $0xffff, v7;
	s16 =	sor.u32 $0x380, s4;
	v5 =	vld [tilespmem:s12+$0x3570]  }
0x232: {  	v15 =	vmov v6;
	v7 =	vor.u32 $0x7, v3;
	v6 =	vld [tilespmem:s16+$0x3570];
	[tilespmem:v14+s21+$0x0] =	vst.idx.msk $0xffff, v0  }
0x233: {  	v0 =	vld [tilespmem:s23+$0x0];
	[tilespmem:v10+s21+$0x0] =	vst.idx.msk $0xffff, v1  }
0x234: {  	v1 =	vld [tilespmem:s24+$0x0];
	[tilespmem:v35+s21+$0x0] =	vst.idx.msk $0xffff, v4  }
0x235: {  	[tilespmem:v36+s21+$0x0] =	vst.idx.msk $0xffff, v2;
	v4 =	vld [tilespmem:s1+$0x3570]  }
0x236: {  	s18 =	sadd.s32 $0x3D70, s11;
	[tilespmem:v37+s21+$0x0] =	vst.idx.msk $0xffff, v5;
	v37 =	vld [tilespmem:$0x1FF70]  }
0x237: {  	v33 =	vor.u32 $0x7, v27;
	s24 =	sadd.s32 s20, s18;
	[tilespmem:v7+s21+$0x0] =	vst.idx.msk $0xffff, v6;
	v2 =	vld [tilespmem:s0+$0x3570]  }
0x238: {  	v7 =	vor.u32 $0x8, v3;
	v6 =	vld [tilespmem:s24+$0x0]  }
0x239: {  	v5 =	vld [tilespmem:s10+$0x3570];
	[tilespmem:v12+s21+$0x0] =	vst.idx.msk $0xffff, v0  }
0x23a: {  	v0 =	vld [tilespmem:s2+$0x0];
	[tilespmem:v11+s21+$0x0] =	vst.idx.msk $0xffff, v1  }
0x23b: {  	s23 =	sadd.s32 s22, s18;
	v1 =	vld [tilespmem:s29+$0x0];
	[tilespmem:v32+s21+$0x0] =	vst.idx.msk $0xffff, v4  }
0x23c: {  	[tilespmem:v33+s21+$0x0] =	vst.idx.msk $0xffff, v2;
	v33 =	vld [tilespmem:s23+$0x0]  }
0x23d: {  	s19 =	sadd.s32 s17, s18;
	[tilespmem:v7+s21+$0x0] =	vst.idx.msk $0xffff, v6;
	v7 =	vld [tilespmem:$0x1FF80]  }
0x23e: {  	s5 =	sadd.s32 $0x4, s5;
	v31 =	vor.u32 $0x8, v27;
	s25 =	sadd.s32 $0x3DF0, s11;
	s0 =	sadd.s32 s13, s18;
	[tilespmem:v34+s21+$0x0] =	vst.idx.msk $0xffff, v5;
	v2 =	vld [tilespmem:s19+$0x0]  }
0x23f: {  	p2 =	slt.u32 s5, $0xC;
	s29 =	sadd.s32 s20, s25;
	v34 =	vld [tilespmem:s0+$0x0]  }
.Ltmp4:
0x240: {  	v40 =	vor.u32 $0xE, v27;
	v35 =	vld [tilespmem:s29+$0x0];
	(pc) =	sbr.rel @p2 .LBB2_6-.Ltmp4, $4  }
0x241: {  	[tilespmem:v8+s21+$0x0] =	vst.idx.msk $0xffff, v0;
	v8 =	vmov v40;
	v40 =	vld [tilespmem:$0x1FFF0]  }
0x242: {  	v25 =	vor.u32 $0x9, v27;
	v32 =	vld [tilespmem:s9+$0x0];
	[tilespmem:v9+s21+$0x0] =	vst.idx.msk $0xffff, v1  }
0x243: {  	p1 =	por !p1, !p1;
	v21 =	vor.u32 $0xA, v27;
	v52 =	vor.u32 $0xD, v27;
	v27 =	vor.u32 $0xF, v27;
	s14 =	rddreg [dreg:$0x9];
	v9 =	vmovc v39;
	v39 =	vld [tilespmem:$0x1FF90];
	[tilespmem:v31+s21+$0x0] =	vst.idx.msk $0xffff, v2  }
0x244: {  	v14 =	vmovc v53;
	v10 =	vmovc v52;
	s1 =	sadd.s32 s22, s25;
	v36 =	vor.u32 $0x9, v3;
	v12 =	vmov v48;
	s2 =	sadd.s32 s17, s25;
	v11 =	vmov v47;
	s0 =	sadd.s32 s13, s25;
	v31 =	vld [tilespmem:s31+$0x0]  }
0x245: {  	_ =	sdelay $0x3  }
0x246: {  	v0 =	vld [tilespmem:s2+$0x0];
	[tilespmem:v30+s21+$0x0] =	vst.idx.msk $0xffff, v33  }
0x247: {  	[tilespmem:v29+s21+$0x0] =	vst.idx.msk $0xffff, v34;
	v1 =	vld [tilespmem:s1+$0x0]  }
0x248: {  	v2 =	vld [tilespmem:s0+$0x0]  }
0x249: {  	s23 =	sadd.s32 $0x3E70, s11  }
0x24a: {  	[tilespmem:v36+s21+$0x0] =	vst.idx.msk $0xffff, v35;
	s24 =	sadd.s32 s20, s23  }
0x24b: {  	v5 =	vor.u32 $0xA, v3;
	s25 =	sadd.s32 s17, s23;
	v4 =	vld [tilespmem:s24+$0x0];
	[tilespmem:v25+s21+$0x0] =	vst.idx.msk $0xffff, v0  }
0x24c: {  	s26 =	sadd.s32 s22, s23;
	v0 =	vld [tilespmem:s25+$0x0];
	[tilespmem:v26+s21+$0x0] =	vst.idx.msk $0xffff, v1  }
0x24d: {  	s0 =	sadd.s32 s13, s23;
	[tilespmem:v24+s21+$0x0] =	vst.idx.msk $0xffff, v2;
	v1 =	vld [tilespmem:s26+$0x0]  }
0x24e: {  	v2 =	vld [tilespmem:s0+$0x0]  }
0x24f: {  	s28 =	sadd.s32 $0x3EF0, s11  }
0x250: {  	s29 =	sadd.s32 s20, s28;
	[tilespmem:v5+s21+$0x0] =	vst.idx.msk $0xffff, v4  }
0x251: {  	v55 =	vor.u32 $0xB, v3;
	s30 =	sadd.s32 s17, s28;
	v4 =	vld [tilespmem:s29+$0x0];
	[tilespmem:v21+s21+$0x0] =	vst.idx.msk $0xffff, v0  }
0x252: {  	s31 =	sadd.s32 s22, s28;
	[tilespmem:v20+s21+$0x0] =	vst.idx.msk $0xffff, v1;
	v0 =	vld [tilespmem:s30+$0x0]  }
0x253: {  	s0 =	sadd.s32 s13, s28;
	[tilespmem:v19+s21+$0x0] =	vst.idx.msk $0xffff, v2;
	v1 =	vld [tilespmem:s31+$0x0]  }
0x254: {  	v2 =	vld [tilespmem:s0+$0x0]  }
0x255: {  	s3 =	sadd.s32 $0x3F70, s11  }
0x256: {  	s4 =	sadd.s32 s20, s3;
	[tilespmem:v55+s21+$0x0] =	vst.idx.msk $0xffff, v4  }
0x257: {  	v56 =	vor.u32 $0xC, v3;
	s5 =	sadd.s32 s17, s3;
	v4 =	vld [tilespmem:s4+$0x0];
	[tilespmem:v17+s21+$0x0] =	vst.idx.msk $0xffff, v0  }
0x258: {  	s7 =	sadd.s32 s22, s3;
	[tilespmem:v18+s21+$0x0] =	vst.idx.msk $0xffff, v1;
	v0 =	vld [tilespmem:s5+$0x0]  }
0x259: {  	s0 =	sadd.s32 s13, s3;
	[tilespmem:v16+s21+$0x0] =	vst.idx.msk $0xffff, v2;
	v1 =	vld [tilespmem:s7+$0x0]  }
0x25a: {  	v2 =	vld [tilespmem:s0+$0x0]  }
0x25b: {  	s8 =	sadd.s32 $0x3FF0, s11  }
0x25c: {  	s9 =	sadd.s32 s20, s8;
	[tilespmem:v56+s21+$0x0] =	vst.idx.msk $0xffff, v4  }
0x25d: {  	v57 =	vor.u32 $0xD, v3;
	s10 =	sadd.s32 s17, s8;
	v4 =	vld [tilespmem:s9+$0x0];
	[tilespmem:v13+s21+$0x0] =	vst.idx.msk $0xffff, v0  }
0x25e: {  	s12 =	sadd.s32 s22, s8;
	[tilespmem:v15+s21+$0x0] =	vst.idx.msk $0xffff, v1;
	v0 =	vld [tilespmem:s10+$0x0]  }
0x25f: {  	s0 =	sadd.s32 s13, s8;
	[tilespmem:v14+s21+$0x0] =	vst.idx.msk $0xffff, v2;
	v1 =	vld [tilespmem:s12+$0x0]  }
0x260: {  	v2 =	vld [tilespmem:s0+$0x0]  }
0x261: {  	s14 =	sor.u32 $0x4070, s11  }
0x262: {  	s16 =	sadd.s32 s20, s14;
	[tilespmem:v57+s21+$0x0] =	vst.idx.msk $0xffff, v4  }
0x263: {  	v58 =	vor.u32 $0xE, v3;
	s18 =	sadd.s32 s17, s14;
	v4 =	vld [tilespmem:s16+$0x0];
	[tilespmem:v10+s21+$0x0] =	vst.idx.msk $0xffff, v0  }
0x264: {  	s19 =	sadd.s32 s22, s14;
	[tilespmem:v12+s21+$0x0] =	vst.idx.msk $0xffff, v1;
	v0 =	vld [tilespmem:s18+$0x0]  }
0x265: {  	s0 =	sadd.s32 s13, s14;
	[tilespmem:v11+s21+$0x0] =	vst.idx.msk $0xffff, v2;
	v1 =	vld [tilespmem:s19+$0x0]  }
0x266: {  	[tilespmem:v38+s21+$0x0] =	vst.idx.msk $0xffff, v32;
	v2 =	vld [tilespmem:s0+$0x0]  }
0x267: {  	v6 =	vld [tilespmem:s15+$0x0];
	s23 =	sor.u32 $0x40F0, s11;
	[tilespmem:v7+s21+$0x0] =	vst.idx.msk $0xffff, v31  }
0x268: {  	s24 =	sadd.s32 s20, s23;
	v59 =	vld [tilespmem:s6+$0x0];
	[tilespmem:v58+s21+$0x0] =	vst.idx.msk $0xffff, v4  }
0x269: {  	v60 =	vor.u32 $0xF, v3;
	s25 =	sadd.s32 s17, s23;
	v4 =	vld [tilespmem:s24+$0x0];
	[tilespmem:v8+s21+$0x0] =	vst.idx.msk $0xffff, v0  }
0x26a: {  	s26 =	sadd.s32 s22, s23;
	[tilespmem:v9+s21+$0x0] =	vst.idx.msk $0xffff, v1;
	v0 =	vld [tilespmem:s25+$0x0]  }
0x26b: {  	s0 =	sadd.s32 s13, s23;
	[tilespmem:v28+s21+$0x0] =	vst.idx.msk $0xffff, v2;
	v1 =	vld [tilespmem:s26+$0x0]  }
0x26c: {  	[tilespmem:v37+s21+$0x0] =	vst.idx.msk $0xffff, v6;
	v2 =	vld [tilespmem:s0+$0x0]  }
0x26d: {  	[tilespmem:v39+s21+$0x0] =	vst.idx.msk $0xffff, v59  }
0x26e: {  	[tilespmem:v60+s21+$0x0] =	vst.idx.msk $0xffff, v4  }
0x26f: {  	[tilespmem:v27+s21+$0x0] =	vst.idx.msk $0xffff, v0  }
0x270: {  	[tilespmem:v23+s21+$0x0] =	vst.idx.msk $0xffff, v1  }
0x271: {  	s28 =	simm.s32 $0x6;
	[tilespmem:v22+s21+$0x0] =	vst.idx.msk $0xffff, v2  }
0x272: {  	_ =	swait.ge [sflag:s28], $0x100  }
0x273: {  	[sflag:s28] =	ssyncset.done $0x0  }
0x274: {  	[sflag:s28] =	ssyncadd.s32 $0xFFFFFF00  }
0x275: {  	s29 =	simm.s32 $0x2470;
	s9 =	simm.s32 $0x100;
	s0 =	rddreg [dreg:$0x5]  }
0x276: {  	v62 =	vld [tilespmem:$0x1FFE0];
	[spmem:s0] =	stream.indirect.scatter.add.f32 [tilespmem:s21], [sflag:$0x8], $0x10, s29, s9, $0xb8  }
0x277: {  	v61 =	vld [tilespmem:$0x2470];
	_ =	sdelay $0x4  }
0x278: {  	v0 =	vadd.s32 v62, v61;
	_ =	sdelay $0x3  }
0x279: {  	v63 =	vimm.s32 $0x1;
	s30 =	simm.s32 $0x1AA70  }
0x27a: {  	[tilespmem:v0+s30+$0x0] =	vst.idx.add.s32.msk $0xffff, v63  }
0x27b: {  	v0 =	vld [tilespmem:$0x2480];
	_ =	sdelay $0x4  }
0x27c: {  	v0 =	vadd.s32 v62, v0;
	_ =	sdelay $0x4  }
0x27d: {  	[tilespmem:v0+s30+$0x0] =	vst.idx.add.s32.msk $0xffff, v63  }
0x27e: {  	v0 =	vld [tilespmem:$0x2490];
	_ =	sdelay $0x4  }
0x27f: {  	v0 =	vadd.s32 v62, v0;
	_ =	sdelay $0x4  }
0x280: {  	[tilespmem:v0+s30+$0x0] =	vst.idx.add.s32.msk $0xffff, v63  }
0x281: {  	v0 =	vld [tilespmem:$0x24A0];
	_ =	sdelay $0x4  }
0x282: {  	v0 =	vadd.s32 v62, v0;
	_ =	sdelay $0x4  }
0x283: {  	[tilespmem:v0+s30+$0x0] =	vst.idx.add.s32.msk $0xffff, v63  }
0x284: {  	v0 =	vld [tilespmem:$0x24B0];
	_ =	sdelay $0x4  }
0x285: {  	v0 =	vadd.s32 v62, v0;
	_ =	sdelay $0x4  }
0x286: {  	[tilespmem:v0+s30+$0x0] =	vst.idx.add.s32.msk $0xffff, v63  }
0x287: {  	v0 =	vld [tilespmem:$0x24C0];
	_ =	sdelay $0x4  }
0x288: {  	v0 =	vadd.s32 v62, v0;
	_ =	sdelay $0x4  }
0x289: {  	[tilespmem:v0+s30+$0x0] =	vst.idx.add.s32.msk $0xffff, v63  }
0x28a: {  	v0 =	vld [tilespmem:$0x24D0];
	_ =	sdelay $0x4  }
0x28b: {  	v0 =	vadd.s32 v62, v0;
	_ =	sdelay $0x4  }
0x28c: {  	[tilespmem:v0+s30+$0x0] =	vst.idx.add.s32.msk $0xffff, v63  }
0x28d: {  	v0 =	vld [tilespmem:$0x24E0];
	_ =	sdelay $0x4  }
0x28e: {  	v0 =	vadd.s32 v62, v0;
	_ =	sdelay $0x4  }
0x28f: {  	[tilespmem:v0+s30+$0x0] =	vst.idx.add.s32.msk $0xffff, v63  }
0x290: {  	v0 =	vld [tilespmem:$0x24F0];
	_ =	sdelay $0x4  }
0x291: {  	v0 =	vadd.s32 v62, v0;
	_ =	sdelay $0x4  }
0x292: {  	[tilespmem:v0+s30+$0x0] =	vst.idx.add.s32.msk $0xffff, v63  }
0x293: {  	v0 =	vld [tilespmem:$0x2500];
	_ =	sdelay $0x4  }
0x294: {  	v0 =	vadd.s32 v62, v0;
	_ =	sdelay $0x4  }
0x295: {  	[tilespmem:v0+s30+$0x0] =	vst.idx.add.s32.msk $0xffff, v63  }
0x296: {  	v0 =	vld [tilespmem:$0x2510];
	_ =	sdelay $0x4  }
0x297: {  	v0 =	vadd.s32 v62, v0;
	_ =	sdelay $0x4  }
0x298: {  	[tilespmem:v0+s30+$0x0] =	vst.idx.add.s32.msk $0xffff, v63  }
0x299: {  	v0 =	vld [tilespmem:$0x2520];
	_ =	sdelay $0x4  }
0x29a: {  	v0 =	vadd.s32 v62, v0;
	_ =	sdelay $0x4  }
0x29b: {  	[tilespmem:v0+s30+$0x0] =	vst.idx.add.s32.msk $0xffff, v63  }
0x29c: {  	v0 =	vld [tilespmem:$0x2530];
	_ =	sdelay $0x4  }
0x29d: {  	v0 =	vadd.s32 v62, v0;
	_ =	sdelay $0x4  }
0x29e: {  	[tilespmem:v0+s30+$0x0] =	vst.idx.add.s32.msk $0xffff, v63  }
0x29f: {  	v0 =	vld [tilespmem:$0x2540];
	_ =	sdelay $0x4  }
0x2a0: {  	v0 =	vadd.s32 v62, v0;
	_ =	sdelay $0x4  }
0x2a1: {  	[tilespmem:v0+s30+$0x0] =	vst.idx.add.s32.msk $0xffff, v63  }
0x2a2: {  	v0 =	vld [tilespmem:$0x2550];
	_ =	sdelay $0x4  }
0x2a3: {  	v0 =	vadd.s32 v62, v0;
	_ =	sdelay $0x4  }
0x2a4: {  	[tilespmem:v0+s30+$0x0] =	vst.idx.add.s32.msk $0xffff, v63  }
0x2a5: {  	v0 =	vld [tilespmem:$0x2560];
	_ =	sdelay $0x4  }
0x2a6: {  	v0 =	vadd.s32 v62, v0;
	_ =	sdelay $0x3  }
.Ltmp5:
0x2a7: {  	_ = 	snop;
	(pc) =	sbr.rel .LBB2_8-.Ltmp5, $4  }
0x2a8: {  	s31 =	simm.s32 $0x8;
	[tilespmem:v0+s30+$0x0] =	vst.idx.add.s32.msk $0xffff, v63  }
0x2a9: {  	_ =	swait.ge [sflag:s31], $0x1000  }
0x2aa: {  	[sflag:s31] =	ssyncset.done $0x0  }
0x2ab: {  	s8 =	simm.s32 $0x1AA70;
	s21 =	simm.s32 $0x4570;
	[sflag:s31] =	ssyncadd.s32 $0xFFFFF000  }
.LBB2_9:
0x2ac: {  	v15 =	vld [tilespmem:$0x1AA70]  }
0x2ad: {  	v12 =	vld [tilespmem:$0x1AB70]  }
0x2ae: {  	v16 =	vld [tilespmem:$0x1AC70]  }
0x2af: {  	v18 =	vld [tilespmem:$0x1AD70]  }
0x2b0: {  	v20 =	vld [tilespmem:$0x1AE70]  }
0x2b1: {  	v21 =	vld [tilespmem:$0x1AF70]  }
0x2b2: {  	v24 =	vld [tilespmem:$0x1B070]  }
0x2b3: {  	v62 =	vld [tilespmem:$0x1B170]  }
0x2b4: {  	v27 =	vld [tilespmem:$0x1B270]  }
0x2b5: {  	v30 =	vld [tilespmem:$0x1B370]  }
0x2b6: {  	v31 =	vld [tilespmem:$0x1B470]  }
0x2b7: {  	v33 =	vld [tilespmem:$0x1B570]  }
0x2b8: {  	v39 =	vld [tilespmem:$0x1B670]  }
0x2b9: {  	v43 =	vld [tilespmem:$0x1B770]  }
0x2ba: {  	v47 =	vld [tilespmem:$0x1B870]  }
0x2bb: {  	v51 =	vld [tilespmem:$0x1B970]  }
0x2bc: {  	v0 =	vld [tilespmem:$0x1AF80]  }
0x2bd: {  	v23 =	vld [tilespmem:$0x1B080]  }
0x2be: {  	v25 =	vld [tilespmem:$0x1B180]  }
0x2bf: {  	v26 =	vld [tilespmem:$0x1B280]  }
0x2c0: {  	v28 =	vld [tilespmem:$0x1B380]  }
0x2c1: {  	v29 =	vld [tilespmem:$0x1B480];
	[tilespmem:$0x1F760] =	vst v0  }
0x2c2: {  	v32 =	vld [tilespmem:$0x1B580];
	[tilespmem:$0x1F770] =	vst v23  }
0x2c3: {  	v35 =	vld [tilespmem:$0x1B680];
	[tilespmem:$0x1F780] =	vst v25  }
0x2c4: {  	v36 =	vld [tilespmem:$0x1B780];
	[tilespmem:$0x1F790] =	vst v26  }
0x2c5: {  	v40 =	vld [tilespmem:$0x1AA80];
	[tilespmem:$0x1F7A0] =	vst v28  }
0x2c6: {  	v34 =	vld [tilespmem:$0x1AB80];
	[tilespmem:$0x1F7B0] =	vst v29  }
0x2c7: {  	v44 =	vld [tilespmem:$0x1AC80];
	[tilespmem:$0x1F7D0] =	vst v32  }
0x2c8: {  	v52 =	vld [tilespmem:$0x1AD80];
	[tilespmem:$0x1F7F0] =	vst v35  }
0x2c9: {  	v58 =	vld [tilespmem:$0x1AE80];
	[tilespmem:$0x1F810] =	vst v36  }
0x2ca: {  	v0 =	vld [tilespmem:$0x1B880]  }
0x2cb: {  	v37 =	vld [tilespmem:$0x1B980]  }
0x2cc: {  	v13 =	vld [tilespmem:$0x1AA90]  }
0x2cd: {  	v9 =	vld [tilespmem:$0x1AB90]  }
0x2ce: {  	v14 =	vld [tilespmem:$0x1AC90]  }
0x2cf: {  	v22 =	vld [tilespmem:$0x1AD90]  }
0x2d0: {  	v26 =	vld [tilespmem:$0x1AE90]  }
0x2d1: {  	v32 =	vld [tilespmem:$0x1AF90]  }
0x2d2: {  	v45 =	vld [tilespmem:$0x1B090]  }
0x2d3: {  	v53 =	vld [tilespmem:$0x1B190]  }
0x2d4: {  	v59 =	vld [tilespmem:$0x1B290]  }
0x2d5: {  	v38 =	vld [tilespmem:$0x1B390]  }
0x2d6: {  	v41 =	vld [tilespmem:$0x1B490]  }
0x2d7: {  	v42 =	vld [tilespmem:$0x1B590]  }
0x2d8: {  	v46 =	vld [tilespmem:$0x1B690]  }
0x2d9: {  	v48 =	vld [tilespmem:$0x1B790]  }
0x2da: {  	v49 =	vld [tilespmem:$0x1B890]  }
0x2db: {  	v50 =	vld [tilespmem:$0x1B990]  }
0x2dc: {  	v4 =	vld [tilespmem:$0x1AAA0]  }
0x2dd: {  	v3 =	vld [tilespmem:$0x1ABA0]  }
0x2de: {  	v5 =	vld [tilespmem:$0x1ACA0]  }
0x2df: {  	v6 =	vld [tilespmem:$0x1ADA0]  }
0x2e0: {  	v7 =	vld [tilespmem:$0x1AEA0]  }
0x2e1: {  	v10 =	vld [tilespmem:$0x1AFA0]  }
0x2e2: {  	v19 =	vld [tilespmem:$0x1B0A0]  }
0x2e3: {  	v25 =	vld [tilespmem:$0x1B1A0]  }
0x2e4: {  	v28 =	vld [tilespmem:$0x1B2A0]  }
0x2e5: {  	v35 =	vld [tilespmem:$0x1B3A0]  }
0x2e6: {  	v57 =	vld [tilespmem:$0x1B5A0]  }
0x2e7: {  	v54 =	vld [tilespmem:$0x1B6A0]  }
0x2e8: {  	v55 =	vld [tilespmem:$0x1B7A0]  }
0x2e9: {  	v56 =	vld [tilespmem:$0x1B8A0]  }
0x2ea: {  	v60 =	vld [tilespmem:$0x1B9A0]  }
0x2eb: {  	v61 =	vld [tilespmem:$0x1AAB0]  }
0x2ec: {  	v63 =	vld [tilespmem:$0x1ABB0]  }
0x2ed: {  	[tilespmem:$0x1F830] =	vst v0;
	v0 =	vld [tilespmem:$0x1B000]  }
0x2ee: {  	v8 =	vld [tilespmem:$0x1ACB0]  }
0x2ef: {  	v11 =	vld [tilespmem:$0x1ADB0]  }
0x2f0: {  	v17 =	vld [tilespmem:$0x1AEB0]  }
0x2f1: {  	v23 =	vld [tilespmem:$0x1AFB0]  }
0x2f2: {  	[tilespmem:$0x1FBD0] =	vst v0;
	v0 =	vld [tilespmem:$0x1B100]  }
0x2f3: {  	v29 =	vld [tilespmem:$0x1B0B0]  }
0x2f4: {  	v36 =	vld [tilespmem:$0x1B1B0]  }
0x2f5: {  	v1 =	vld [tilespmem:$0x1B610]  }
0x2f6: {  	v15 =	vadd.s32 v15, v12;
	v12 =	vld [tilespmem:$0x1AB20]  }
0x2f7: {  	[tilespmem:$0x1FC00] =	vst v0;
	v0 =	vld [tilespmem:$0x1B200]  }
0x2f8: {  	v2 =	vld [tilespmem:$0x1B320]  }
0x2f9: {  	[tilespmem:$0x1F840] =	vst v48;
	v48 =	vld [tilespmem:$0x1B4A0]  }
0x2fa: {  	[tilespmem:$0x1F860] =	vst v37;
	v37 =	vld [tilespmem:$0x1B2B0]  }
0x2fb: {  	[tilespmem:$0x1F7C0] =	vst v38;
	v38 =	vld [tilespmem:$0x1B3B0]  }
0x2fc: {  	[tilespmem:$0x1FC30] =	vst v0;
	v0 =	vld [tilespmem:$0x1B300]  }
0x2fd: {  	[tilespmem:$0x1F7E0] =	vst v41;
	v41 =	vld [tilespmem:$0x1B4B0]  }
0x2fe: {  	[tilespmem:$0x1F800] =	vst v42;
	v42 =	vld [tilespmem:$0x1B5B0]  }
0x2ff: {  	[tilespmem:$0x1F820] =	vst v46;
	v46 =	vld [tilespmem:$0x1B6B0]  }
0x300: {  	[tilespmem:$0x1F870] =	vst v49;
	v49 =	vld [tilespmem:$0x1B7B0]  }
0x301: {  	[tilespmem:$0x1FC60] =	vst v0;
	v0 =	vld [tilespmem:$0x1B400]  }
0x302: {  	[tilespmem:$0x1F890] =	vst v50;
	v50 =	vld [tilespmem:$0x1B8B0]  }
0x303: {  	[tilespmem:$0x1F850] =	vst v54;
	v54 =	vld [tilespmem:$0x1B9B0]  }
0x304: {  	[tilespmem:$0x1F940] =	vst v36;
	v36 =	vld [tilespmem:$0x1ABC0]  }
0x305: {  	[tilespmem:$0x1F8D0] =	vst v60;
	v60 =	vld [tilespmem:$0x1AEC0]  }
0x306: {  	[tilespmem:$0x1FC90] =	vst v0;
	v0 =	vld [tilespmem:$0x1B500]  }
0x307: {  	[tilespmem:$0x1F880] =	vst v55;
	v55 =	vld [tilespmem:$0x1AFC0]  }
0x308: {  	[tilespmem:$0x1F8A0] =	vst v56;
	v56 =	vld [tilespmem:$0x1B0C0]  }
0x309: {  	[tilespmem:$0x1F8B0] =	vst v61;
	v61 =	vld [tilespmem:$0x1B1C0]  }
0x30a: {  	[tilespmem:$0x1F8C0] =	vst v63;
	v63 =	vld [tilespmem:$0x1B2C0]  }
0x30b: {  	[tilespmem:$0x1FCC0] =	vst v0;
	v0 =	vld [tilespmem:$0x1B600]  }
0x30c: {  	[tilespmem:$0x1F8E0] =	vst v8;
	v8 =	vld [tilespmem:$0x1B3C0]  }
0x30d: {  	[tilespmem:$0x1F8F0] =	vst v11;
	v11 =	vld [tilespmem:$0x1B4C0]  }
0x30e: {  	[tilespmem:$0x1F900] =	vst v17;
	v17 =	vld [tilespmem:$0x1B5C0]  }
0x30f: {  	[tilespmem:$0x1F910] =	vst v23;
	v23 =	vld [tilespmem:$0x1B6C0]  }
0x310: {  	[tilespmem:$0x1FCF0] =	vst v0;
	v0 =	vld [tilespmem:$0x1B700]  }
0x311: {  	[tilespmem:$0x1F920] =	vst v29;
	v29 =	vld [tilespmem:$0x1B7C0]  }
0x312: {  	[tilespmem:$0x1FDC0] =	vst v12;
	v12 =	vld [tilespmem:$0x1AC30]  }
0x313: {  	[tilespmem:$0x1F9A0] =	vst v41;
	v41 =	vld [tilespmem:$0x1AAC0]  }
0x314: {  	[tilespmem:$0x1F9F0] =	vst v46;
	v46 =	vld [tilespmem:$0x1ACC0]  }
0x315: {  	[tilespmem:$0x1FD20] =	vst v0;
	v0 =	vld [tilespmem:$0x1B800]  }
0x316: {  	[tilespmem:$0x1FA80] =	vst v54;
	v54 =	vld [tilespmem:$0x1ADC0]  }
0x317: {  	[tilespmem:$0x1F960] =	vst v37;
	v37 =	vld [tilespmem:$0x1B8C0]  }
0x318: {  	[tilespmem:$0x1F980] =	vst v38;
	v38 =	vld [tilespmem:$0x1B9C0]  }
0x319: {  	[tilespmem:$0x1F9D0] =	vst v11;
	v11 =	vld [tilespmem:$0x1AAD0]  }
0x31a: {  	[tilespmem:$0x1FD50] =	vst v0;
	v0 =	vld [tilespmem:$0x1B900]  }
0x31b: {  	[tilespmem:$0x1F9B0] =	vst v8;
	v8 =	vld [tilespmem:$0x1ABD0]  }
0x31c: {  	[tilespmem:$0x1FA00] =	vst v17;
	v17 =	vld [tilespmem:$0x1ACD0]  }
0x31d: {  	[tilespmem:$0x1FA30] =	vst v23;
	v23 =	vld [tilespmem:$0x1ADD0]  }
0x31e: {  	[tilespmem:$0x1FA60] =	vst v29;
	v29 =	vld [tilespmem:$0x1AED0]  }
0x31f: {  	[tilespmem:$0x1FD70] =	vst v0;
	v0 =	vld [tilespmem:$0x1BA00]  }
0x320: {  	[tilespmem:$0x1FA20] =	vst v49;
	v49 =	vld [tilespmem:$0x1B0D0]  }
0x321: {  	[tilespmem:$0x1F930] =	vst v55;
	v55 =	vld [tilespmem:$0x1B1D0]  }
0x322: {  	[tilespmem:$0x1F970] =	vst v61;
	v61 =	vld [tilespmem:$0x1B2D0]  }
0x323: {  	[tilespmem:$0x1F9C0] =	vst v42;
	v42 =	vld [tilespmem:$0x1B3D0]  }
0x324: {  	[tilespmem:$0x1FDA0] =	vst v0;
	v0 =	vld [tilespmem:$0x1AB10]  }
0x325: {  	[tilespmem:$0x1FA50] =	vst v50;
	v50 =	vld [tilespmem:$0x1B4D0]  }
0x326: {  	[tilespmem:$0x1F950] =	vst v56;
	v56 =	vld [tilespmem:$0x1B5D0]  }
0x327: {  	[tilespmem:$0x1F990] =	vst v63;
	v63 =	vld [tilespmem:$0x1B6D0]  }
0x328: {  	[tilespmem:$0x1FA90] =	vst v37;
	v37 =	vld [tilespmem:$0x1AFD0]  }
0x329: {  	[tilespmem:$0x1FD80] =	vst v0;
	v0 =	vld [tilespmem:$0x1AC10]  }
0x32a: {  	[tilespmem:$0x1FAB0] =	vst v38;
	v38 =	vld [tilespmem:$0x1B7D0]  }
0x32b: {  	[tilespmem:$0x1F9E0] =	vst v42;
	v42 =	vld [tilespmem:$0x1B8D0]  }
0x32c: {  	[tilespmem:$0x1FA10] =	vst v50;
	v50 =	vld [tilespmem:$0x1B9D0]  }
0x32d: {  	[tilespmem:$0x1FA40] =	vst v56;
	v56 =	vld [tilespmem:$0x1AAE0]  }
0x32e: {  	[tilespmem:$0x1FD90] =	vst v0;
	v0 =	vld [tilespmem:$0x1AD10]  }
0x32f: {  	[tilespmem:$0x1FA70] =	vst v63;
	v63 =	vld [tilespmem:$0x1ABE0]  }
0x330: {  	[tilespmem:$0x1FAA0] =	vst v38;
	v38 =	vld [tilespmem:$0x1ACE0]  }
0x331: {  	[tilespmem:$0x1FAC0] =	vst v42;
	v42 =	vld [tilespmem:$0x1ADE0]  }
0x332: {  	[tilespmem:$0x1FAF0] =	vst v50;
	v50 =	vld [tilespmem:$0x1AEE0]  }
0x333: {  	[tilespmem:$0x1FDB0] =	vst v0;
	v0 =	vld [tilespmem:$0x1AE10]  }
0x334: {  	[tilespmem:$0x1FAD0] =	vst v56;
	v56 =	vld [tilespmem:$0x1AFE0]  }
0x335: {  	[tilespmem:$0x1FAE0] =	vst v63;
	v63 =	vld [tilespmem:$0x1B0E0]  }
0x336: {  	[tilespmem:$0x1FB00] =	vst v38;
	v38 =	vld [tilespmem:$0x1B1E0]  }
0x337: {  	[tilespmem:$0x1FB30] =	vst v42;
	v42 =	vld [tilespmem:$0x1B2E0]  }
0x338: {  	[tilespmem:$0x1FDD0] =	vst v0;
	v0 =	vld [tilespmem:$0x1AF10]  }
0x339: {  	[tilespmem:$0x1FB50] =	vst v50;
	v50 =	vld [tilespmem:$0x1B3E0]  }
0x33a: {  	[tilespmem:$0x1FB70] =	vst v56;
	v56 =	vld [tilespmem:$0x1B4E0]  }
0x33b: {  	[tilespmem:$0x1FB90] =	vst v63;
	v63 =	vld [tilespmem:$0x1B5E0]  }
0x33c: {  	[tilespmem:$0x1FBB0] =	vst v38;
	v38 =	vld [tilespmem:$0x1B6E0]  }
0x33d: {  	[tilespmem:$0x1FDF0] =	vst v0;
	v0 =	vld [tilespmem:$0x1B010]  }
0x33e: {  	[tilespmem:$0x1FBE0] =	vst v42;
	v42 =	vld [tilespmem:$0x1B7E0]  }
0x33f: {  	[tilespmem:$0x1FC10] =	vst v50;
	v50 =	vld [tilespmem:$0x1B8E0]  }
0x340: {  	[tilespmem:$0x1FC40] =	vst v56;
	v56 =	vld [tilespmem:$0x1B9E0]  }
0x341: {  	[tilespmem:$0x1FC70] =	vst v63;
	v63 =	vld [tilespmem:$0x1AAF0]  }
0x342: {  	[tilespmem:$0x1FE10] =	vst v0;
	v0 =	vld [tilespmem:$0x1B110]  }
0x343: {  	[tilespmem:$0x1FCA0] =	vst v38;
	v38 =	vld [tilespmem:$0x1ABF0]  }
0x344: {  	[tilespmem:$0x1FCD0] =	vst v42;
	v42 =	vld [tilespmem:$0x1ACF0]  }
0x345: {  	[tilespmem:$0x1FD00] =	vst v50;
	v50 =	vld [tilespmem:$0x1ADF0]  }
0x346: {  	[tilespmem:$0x1FD30] =	vst v56;
	v56 =	vld [tilespmem:$0x1AEF0]  }
0x347: {  	[tilespmem:$0x1FE30] =	vst v0;
	v0 =	vld [tilespmem:$0x1B210]  }
0x348: {  	[tilespmem:$0x1FB10] =	vst v63;
	v63 =	vld [tilespmem:$0x1AFF0]  }
0x349: {  	[tilespmem:$0x1FB20] =	vst v38;
	v38 =	vld [tilespmem:$0x1B0F0]  }
0x34a: {  	[tilespmem:$0x1FB40] =	vst v42;
	v42 =	vld [tilespmem:$0x1B1F0]  }
0x34b: {  	[tilespmem:$0x1FB60] =	vst v50;
	v50 =	vld [tilespmem:$0x1B2F0]  }
0x34c: {  	[tilespmem:$0x1FE50] =	vst v0;
	v0 =	vld [tilespmem:$0x1B310]  }
0x34d: {  	[tilespmem:$0x1FB80] =	vst v56;
	v56 =	vld [tilespmem:$0x1B3F0]  }
0x34e: {  	[tilespmem:$0x1FBA0] =	vst v63;
	v63 =	vld [tilespmem:$0x1B4F0]  }
0x34f: {  	[tilespmem:$0x1FBC0] =	vst v38;
	v38 =	vld [tilespmem:$0x1B5F0]  }
0x350: {  	[tilespmem:$0x1FBF0] =	vst v42;
	v42 =	vld [tilespmem:$0x1B6F0]  }
0x351: {  	[tilespmem:$0x1FE70] =	vst v0;
	v0 =	vld [tilespmem:$0x1B410]  }
0x352: {  	[tilespmem:$0x1FC20] =	vst v50;
	v50 =	vld [tilespmem:$0x1B7F0]  }
0x353: {  	[tilespmem:$0x1FC50] =	vst v56;
	v56 =	vld [tilespmem:$0x1B8F0]  }
0x354: {  	[tilespmem:$0x1FC80] =	vst v63;
	v63 =	vld [tilespmem:$0x1B9F0]  }
0x355: {  	[tilespmem:$0x1FCE0] =	vst v42;
	v42 =	vld [tilespmem:$0x1AB00]  }
0x356: {  	[tilespmem:$0x1FE90] =	vst v0;
	v0 =	vld [tilespmem:$0x1B510]  }
0x357: {  	[tilespmem:$0x1FCB0] =	vst v38;
	v38 =	vld [tilespmem:$0x1AC00]  }
0x358: {  	[tilespmem:$0x1FD10] =	vst v50;
	v50 =	vld [tilespmem:$0x1AD00]  }
0x359: {  	[tilespmem:$0x1FD40] =	vst v56;
	v56 =	vld [tilespmem:$0x1AE00]  }
0x35a: {  	[tilespmem:$0x1FD60] =	vst v63;
	v63 =	vld [tilespmem:$0x1AF00]  }
0x35b: {  	[tilespmem:$0x1FEB0] =	vst v0;
	v0 =	vadd.s32 v16, v15;
	v16 =	vld [tilespmem:$0x1B710]  }
0x35c: {  	v15 =	vld [tilespmem:$0x1AD20]  }
0x35d: {  	v0 =	vadd.s32 v18, v0;
	v18 =	vld [tilespmem:$0x1B810]  }
0x35e: {  	v0 =	vadd.s32 v20, v0;
	v20 =	vld [tilespmem:$0x1B910]  }
0x35f: {  	v0 =	vadd.s32 v21, v0;
	v21 =	vld [tilespmem:$0x1BA10]  }
0x360: {  	v0 =	vadd.s32 v24, v0;
	v24 =	vld [tilespmem:$0x1B220]  }
0x361: {  	v0 =	vadd.s32 v62, v0;
	v62 =	vld [tilespmem:$0x1AC20]  }
0x362: {  	[tilespmem:$0x1FEF0] =	vst v16;
	v16 =	vld [tilespmem:$0x1AE20]  }
0x363: {  	[tilespmem:$0x1FDE0] =	vst v15;
	v15 =	vld [tilespmem:$0x1F800]  }
0x364: {  	[tilespmem:$0x1FF00] =	vst v18;
	v18 =	vld [tilespmem:$0x1AF20]  }
0x365: {  	v0 =	vadd.s32 v27, v0;
	v27 =	vadd.s32 v40, v34;
	v40 =	vld [tilespmem:$0x1F760]  }
0x366: {  	[tilespmem:$0x1FF20] =	vst v20;
	v20 =	vld [tilespmem:$0x1B020]  }
0x367: {  	v34 =	vadd.s32 v4, v3;
	v0 =	vadd.s32 v30, v0;
	v30 =	vadd.s32 v44, v27;
	v44 =	vld [tilespmem:$0x1F770]  }
0x368: {  	[tilespmem:$0x1FEA0] =	vst v2;
	v2 =	vadd.s32 v5, v34;
	v5 =	vld [tilespmem:$0x1B820]  }
0x369: {  	v27 =	vld [tilespmem:$0x1F8A0]  }
0x36a: {  	v34 =	vld [tilespmem:$0x1F8F0]  }
0x36b: {  	[tilespmem:$0x1FF30] =	vst v21;
	v21 =	vld [tilespmem:$0x1B120]  }
0x36c: {  	v0 =	vadd.s32 v31, v0;
	v31 =	vadd.s32 v13, v9;
	v9 =	vld [tilespmem:$0x1BA20]  }
0x36d: {  	v2 =	vadd.s32 v6, v2;
	v6 =	vld [tilespmem:$0x1F7C0]  }
0x36e: {  	v13 =	vld [tilespmem:$0x1F7E0]  }
0x36f: {  	v0 =	vadd.s32 v33, v0;
	v33 =	vld [tilespmem:$0x1B420]  }
0x370: {  	v2 =	vadd.s32 v7, v2;
	v7 =	vld [tilespmem:$0x1AB30]  }
0x371: {  	[tilespmem:$0x1FED0] =	vst v1;
	v1 =	vadd.s32 v14, v31;
	v14 =	vld [tilespmem:$0x1F7F0]  }
0x372: {  	[tilespmem:$0x1FE80] =	vst v24;
	v24 =	vld [tilespmem:$0x1F870]  }
0x373: {  	v31 =	vld [tilespmem:$0x1F8D0]  }
0x374: {  	v0 =	vadd.s32 v39, v0;
	v39 =	vld [tilespmem:$0x1B520]  }
0x375: {  	v2 =	vadd.s32 v10, v2;
	v10 =	vld [tilespmem:$0x1F7D0]  }
0x376: {  	[tilespmem:$0x1FE00] =	vst v16;
	v16 =	vld [tilespmem:$0x1F810]  }
0x377: {  	v1 =	vadd.s32 v22, v1;
	v22 =	vld [tilespmem:$0x1F860]  }
0x378: {  	v0 =	vadd.s32 v43, v0;
	v43 =	vld [tilespmem:$0x1B720]  }
0x379: {  	[tilespmem:$0x1FE20] =	vst v18;
	v18 =	vld [tilespmem:$0x1F820]  }
0x37a: {  	v2 =	vadd.s32 v19, v2;
	v19 =	vld [tilespmem:$0x1F830]  }
0x37b: {  	v1 =	vadd.s32 v26, v1;
	v26 =	vld [tilespmem:$0x1F890]  }
0x37c: {  	v0 =	vadd.s32 v47, v0;
	v47 =	vld [tilespmem:$0x1F780]  }
0x37d: {  	[tilespmem:$0x1FE40] =	vst v20;
	v20 =	vld [tilespmem:$0x1F840]  }
0x37e: {  	v2 =	vadd.s32 v25, v2;
	v25 =	vld [tilespmem:$0x1F880]  }
0x37f: {  	v1 =	vadd.s32 v32, v1;
	v32 =	vld [tilespmem:$0x1F8E0]  }
0x380: {  	v0 =	vadd.s32 v51, v0;
	v51 =	vld [tilespmem:$0x1B920]  }
0x381: {  	[tilespmem:$0x1FE60] =	vst v21;
	v21 =	vld [tilespmem:$0x1F850]  }
0x382: {  	v2 =	vadd.s32 v28, v2;
	v28 =	vld [tilespmem:$0x1F8B0]  }
0x383: {  	v1 =	vadd.s32 v45, v1;
	v45 =	vld [tilespmem:$0x1F960]  }
0x384: {  	[tilespmem:$0x1FF50] =	vst v0;
	v0 =	vadd.s32 v52, v30;
	v52 =	vld [tilespmem:$0x1F790]  }
0x385: {  	v1 =	vadd.s32 v53, v1;
	v53 =	vld [tilespmem:$0x1F7A0]  }
0x386: {  	v30 =	vld [tilespmem:$0x1F8C0]  }
0x387: {  	[tilespmem:$0x1FEC0] =	vst v33;
	v33 =	vadd.s32 v41, v36;
	v36 =	vld [tilespmem:$0x1F900]  }
0x388: {  	v41 =	vld [tilespmem:$0x1F930]  }
0x389: {  	v7 =	vadd.s32 v7, v12;
	v12 =	vld [tilespmem:$0x1B250]  }
0x38a: {  	v0 =	vadd.s32 v58, v0;
	v58 =	vld [tilespmem:$0x1B620]  }
0x38b: {  	v1 =	vadd.s32 v59, v1;
	v59 =	vld [tilespmem:$0x1F7B0]  }
0x38c: {  	v2 =	vadd.s32 v35, v2;
	[tilespmem:$0x1FEE0] =	vst v39;
	v39 =	vld [tilespmem:$0x1F910]  }
0x38d: {  	v2 =	vadd.s32 v48, v2;
	v48 =	vld [tilespmem:$0x1F990]  }
0x38e: {  	v0 =	vadd.s32 v40, v0;
	v40 =	vld [tilespmem:$0x1F920]  }
0x38f: {  	[tilespmem:$0x1FF10] =	vst v43;
	v43 =	vld [tilespmem:$0x1F940]  }
0x390: {  	v1 =	vadd.s32 v6, v1;
	v2 =	vadd.s32 v57, v2;
	v57 =	vld [tilespmem:$0x1FA00]  }
0x391: {  	v1 =	vadd.s32 v13, v1;
	v13 =	vld [tilespmem:$0x1AD30]  }
0x392: {  	v0 =	vadd.s32 v44, v0;
	v44 =	vld [tilespmem:$0x1F950]  }
0x393: {  	v1 =	vadd.s32 v15, v1;
	v15 =	vld [tilespmem:$0x1AF30]  }
0x394: {  	v2 =	vadd.s32 v21, v2;
	v21 =	vld [tilespmem:$0x1B430]  }
0x395: {  	v0 =	vadd.s32 v47, v0;
	v47 =	vld [tilespmem:$0x1F980]  }
0x396: {  	[tilespmem:$0x1FF40] =	vst v51;
	v51 =	vld [tilespmem:$0x1F9B0]  }
0x397: {  	v1 =	vadd.s32 v18, v1;
	v18 =	vld [tilespmem:$0x1B130]  }
0x398: {  	v0 =	vadd.s32 v52, v0;
	v52 =	vld [tilespmem:$0x1F9C0]  }
0x399: {  	v0 =	vadd.s32 v53, v0;
	v1 =	vadd.s32 v20, v1;
	v20 =	vld [tilespmem:$0x1B330]  }
0x39a: {  	v53 =	vld [tilespmem:$0x1F9D0];
	v0 =	vadd.s32 v59, v0  }
0x39b: {  	v59 =	vld [tilespmem:$0x1FA10];
	v0 =	vadd.s32 v10, v0  }
0x39c: {  	v7 =	vadd.s32 v13, v7;
	v13 =	vld [tilespmem:$0x1B350];
	v0 =	vadd.s32 v14, v0  }
0x39d: {  	v14 =	vld [tilespmem:$0x1AE30];
	v0 =	vadd.s32 v16, v0  }
0x39e: {  	v16 =	vld [tilespmem:$0x1B030];
	v0 =	vadd.s32 v19, v0  }
0x39f: {  	v35 =	vadd.s32 v11, v8;
	v19 =	vld [tilespmem:$0x1B230];
	v6 =	vadd.s32 v22, v0  }
0x3a0: {  	v0 =	vadd.s32 v24, v1;
	v1 =	vadd.s32 v25, v2;
	v2 =	vadd.s32 v17, v35;
	v17 =	vld [tilespmem:$0x1B530]  }
0x3a1: {  	v22 =	vld [tilespmem:$0x1B630]  }
0x3a2: {  	v24 =	vld [tilespmem:$0x1B830]  }
0x3a3: {  	v25 =	vld [tilespmem:$0x1B930]  }
0x3a4: {  	v35 =	vld [tilespmem:$0x1FAB0]  }
0x3a5: {  	v2 =	vadd.s32 v23, v2;
	v23 =	vld [tilespmem:$0x1B730]  }
0x3a6: {  	v4 =	vadd.s32 v26, v0;
	v26 =	vld [tilespmem:$0x1BA30]  }
0x3a7: {  	v0 =	vadd.s32 v27, v1;
	v27 =	vld [tilespmem:$0x1FA40]  }
0x3a8: {  	v1 =	vadd.s32 v28, v30;
	v28 =	vld [tilespmem:$0x1FA50]  }
0x3a9: {  	v30 =	vld [tilespmem:$0x1FA70]  }
0x3aa: {  	v3 =	vadd.s32 v31, v0;
	v0 =	vadd.s32 v32, v1;
	v1 =	vadd.s32 v46, v33;
	v46 =	vld [tilespmem:$0x1F970]  }
0x3ab: {  	v2 =	vadd.s32 v29, v2;
	v29 =	vld [tilespmem:$0x1FA60]  }
0x3ac: {  	v31 =	vld [tilespmem:$0x1FA80]  }
0x3ad: {  	v32 =	vld [tilespmem:$0x1FA90]  }
0x3ae: {  	v33 =	vld [tilespmem:$0x1FAA0]  }
0x3af: {  	v7 =	vadd.s32 v14, v7;
	v14 =	vld [tilespmem:$0x1B450]  }
0x3b0: {  	v0 =	vadd.s32 v34, v0;
	v34 =	vld [tilespmem:$0x1AB40]  }
0x3b1: {  	v1 =	vadd.s32 v54, v1;
	v54 =	vld [tilespmem:$0x1F9E0]  }
0x3b2: {  	v2 =	vadd.s32 v37, v2;
	v37 =	vld [tilespmem:$0x1FAD0]  }
0x3b3: {  	v7 =	vadd.s32 v15, v7;
	v15 =	vld [tilespmem:$0x1B550]  }
0x3b4: {  	v2 =	vadd.s32 v49, v2;
	v49 =	vld [tilespmem:$0x1F9A0]  }
0x3b5: {  	v1 =	vadd.s32 v60, v1;
	v60 =	vld [tilespmem:$0x1FA20]  }
0x3b6: {  	v0 =	vadd.s32 v36, v0;
	v36 =	vld [tilespmem:$0x1FAC0]  }
0x3b7: {  	v7 =	vadd.s32 v16, v7;
	v16 =	vld [tilespmem:$0x1B650]  }
0x3b8: {  	v2 =	vadd.s32 v55, v2;
	v55 =	vld [tilespmem:$0x1F9F0]  }
0x3b9: {  	v1 =	vadd.s32 v41, v1;
	v41 =	vld [tilespmem:$0x1AF40]  }
0x3ba: {  	v0 =	vadd.s32 v39, v0;
	v39 =	vld [tilespmem:$0x1B040]  }
0x3bb: {  	v7 =	vadd.s32 v18, v7;
	v18 =	vld [tilespmem:$0x1B750]  }
0x3bc: {  	v0 =	vadd.s32 v40, v0;
	v40 =	vld [tilespmem:$0x1AC40]  }
0x3bd: {  	v2 =	vadd.s32 v61, v2;
	v61 =	vld [tilespmem:$0x1FA30]  }
0x3be: {  	v1 =	vadd.s32 v44, v1;
	v44 =	vld [tilespmem:$0x1AE40]  }
0x3bf: {  	v7 =	vadd.s32 v19, v7;
	v19 =	vld [tilespmem:$0x1B850]  }
0x3c0: {  	v0 =	vadd.s32 v43, v0;
	v43 =	vld [tilespmem:$0x1AD40]  }
0x3c1: {  	v1 =	vadd.s32 v46, v1;
	v46 =	vld [tilespmem:$0x1FAF0]  }
0x3c2: {  	v7 =	vadd.s32 v20, v7;
	v20 =	vld [tilespmem:$0x1B950]  }
0x3c3: {  	v0 =	vadd.s32 v45, v0;
	v45 =	vld [tilespmem:$0x1FAE0]  }
0x3c4: {  	v1 =	vadd.s32 v48, v1;
	v48 =	vld [tilespmem:$0x1FB10]  }
0x3c5: {  	v2 =	vadd.s32 v54, v2;
	v54 =	vld [tilespmem:$0x1FB50]  }
0x3c6: {  	v7 =	vadd.s32 v21, v7;
	v21 =	vld [tilespmem:$0x1BA50]  }
0x3c7: {  	v0 =	vadd.s32 v47, v0;
	v47 =	vld [tilespmem:$0x1FB00]  }
0x3c8: {  	v1 =	vadd.s32 v51, v1;
	v51 =	vld [tilespmem:$0x1FB30]  }
0x3c9: {  	v2 =	vadd.s32 v59, v2;
	v59 =	vld [tilespmem:$0x1FB80]  }
0x3ca: {  	v7 =	vadd.s32 v17, v7;
	v17 =	vld [tilespmem:$0x1AB60]  }
0x3cb: {  	v0 =	vadd.s32 v49, v0;
	v49 =	vld [tilespmem:$0x1FB20]  }
0x3cc: {  	v1 =	vadd.s32 v53, v1;
	v53 =	vadd.s32 v42, v38;
	v38 =	vld [tilespmem:$0x1FBD0]  }
0x3cd: {  	v42 =	vld [tilespmem:$0x1FBE0]  }
0x3ce: {  	v2 =	vadd.s32 v27, v2;
	v27 =	vld [tilespmem:$0x1B840]  }
0x3cf: {  	v0 =	vadd.s32 v52, v0;
	v52 =	vld [tilespmem:$0x1FB40]  }
0x3d0: {  	v1 =	vadd.s32 v57, v1;
	v57 =	vld [tilespmem:$0x1FB70]  }
0x3d1: {  	v2 =	vadd.s32 v30, v2;
	v30 =	vld [tilespmem:$0x1FBC0]  }
0x3d2: {  	v0 =	vadd.s32 v55, v0;
	v55 =	vld [tilespmem:$0x1FB60]  }
0x3d3: {  	v1 =	vadd.s32 v61, v1;
	v61 =	vld [tilespmem:$0x1FBA0]  }
0x3d4: {  	v0 =	vadd.s32 v60, v0;
	v60 =	vld [tilespmem:$0x1FB90]  }
0x3d5: {  	v1 =	vadd.s32 v29, v1;
	v29 =	vld [tilespmem:$0x1BA40]  }
0x3d6: {  	v0 =	vadd.s32 v28, v0;
	v28 =	vld [tilespmem:$0x1B940]  }
0x3d7: {  	v11 =	vadd.s32 v31, v0;
	v0 =	vadd.s32 v32, v1;
	v1 =	vadd.s32 v33, v2;
	v33 =	vld [tilespmem:$0x1B440]  }
0x3d8: {  	v32 =	vld [tilespmem:$0x1B540]  }
0x3d9: {  	v31 =	vld [tilespmem:$0x1B640]  }
0x3da: {  	v2 =	vadd.s32 v50, v53;
	v50 =	vld [tilespmem:$0x1FC40]  }
0x3db: {  	v53 =	vld [tilespmem:$0x1FC70]  }
0x3dc: {  	v10 =	vadd.s32 v35, v0;
	v0 =	vadd.s32 v36, v1;
	v1 =	vadd.s32 v37, v45;
	v37 =	vld [tilespmem:$0x1B140]  }
0x3dd: {  	v36 =	vld [tilespmem:$0x1B240]  }
0x3de: {  	v35 =	vld [tilespmem:$0x1B340]  }
0x3df: {  	v45 =	vld [tilespmem:$0x1FBF0]  }
0x3e0: {  	v2 =	vadd.s32 v56, v2;
	v56 =	vld [tilespmem:$0x1FCA0]  }
0x3e1: {  	v2 =	vadd.s32 v63, v2;
	v63 =	vld [tilespmem:$0x1FBB0]  }
0x3e2: {  	v8 =	vadd.s32 v46, v0;
	v46 =	vld [tilespmem:$0x1FC00]  }
0x3e3: {  	v0 =	vadd.s32 v47, v1;
	v47 =	vld [tilespmem:$0x1FC10]  }
0x3e4: {  	v1 =	vadd.s32 v48, v49;
	v48 =	vld [tilespmem:$0x1FC20]  }
0x3e5: {  	v49 =	vld [tilespmem:$0x1FC30]  }
0x3e6: {  	v0 =	vadd.s32 v51, v0;
	v51 =	vld [tilespmem:$0x1FC50]  }
0x3e7: {  	v1 =	vadd.s32 v52, v1;
	v52 =	vld [tilespmem:$0x1FC60]  }
0x3e8: {  	v2 =	vadd.s32 v38, v2;
	v38 =	vld [tilespmem:$0x1AB50]  }
0x3e9: {  	v0 =	vadd.s32 v54, v0;
	v54 =	vld [tilespmem:$0x1FC80]  }
0x3ea: {  	v1 =	vadd.s32 v55, v1;
	v55 =	vld [tilespmem:$0x1FC90]  }
0x3eb: {  	v0 =	vadd.s32 v57, v0;
	v57 =	vld [tilespmem:$0x1FCB0]  }
0x3ec: {  	v1 =	vadd.s32 v59, v1;
	v59 =	vld [tilespmem:$0x1FCC0]  }
0x3ed: {  	v0 =	vadd.s32 v60, v0;
	v60 =	vld [tilespmem:$0x1FCD0]  }
0x3ee: {  	v1 =	vadd.s32 v61, v1;
	v61 =	vld [tilespmem:$0x1FCE0]  }
0x3ef: {  	v1 =	vadd.s32 v30, v1;
	v30 =	vld [tilespmem:$0x1B740]  }
0x3f0: {  	v0 =	vadd.s32 v63, v0;
	v63 =	vld [tilespmem:$0x1FCF0]  }
0x3f1: {  	v2 =	vadd.s32 v46, v2;
	v46 =	vld [tilespmem:$0x1AE50]  }
0x3f2: {  	v0 =	vadd.s32 v42, v0;
	v42 =	vld [tilespmem:$0x1AC50]  }
0x3f3: {  	v1 =	vadd.s32 v45, v1;
	v45 =	vld [tilespmem:$0x1AD50]  }
0x3f4: {  	v2 =	vadd.s32 v49, v2;
	v49 =	vld [tilespmem:$0x1FD10]  }
0x3f5: {  	v1 =	vadd.s32 v48, v1;
	v48 =	vld [tilespmem:$0x1FD00]  }
0x3f6: {  	v2 =	vadd.s32 v52, v2;
	v52 =	vld [tilespmem:$0x1FD40]  }
0x3f7: {  	v0 =	vadd.s32 v47, v0;
	v47 =	vld [tilespmem:$0x1AF50]  }
0x3f8: {  	v0 =	vadd.s32 v50, v0;
	v50 =	vld [tilespmem:$0x1FD20]  }
0x3f9: {  	v1 =	vadd.s32 v51, v1;
	v51 =	vld [tilespmem:$0x1FD30]  }
0x3fa: {  	v2 =	vadd.s32 v55, v2;
	v55 =	vld [tilespmem:$0x1FD70]  }
0x3fb: {  	v0 =	vadd.s32 v53, v0;
	v53 =	vld [tilespmem:$0x1FD50]  }
0x3fc: {  	v1 =	vadd.s32 v54, v1;
	v54 =	vld [tilespmem:$0x1FD60]  }
0x3fd: {  	v2 =	vadd.s32 v59, v2;
	v59 =	vld [tilespmem:$0x1FDA0]  }
0x3fe: {  	v0 =	vadd.s32 v56, v0;
	v56 =	vld [tilespmem:$0x1FD80]  }
0x3ff: {  	v1 =	vadd.s32 v57, v1;
	v57 =	vld [tilespmem:$0x1FD90]  }
0x400: {  	v2 =	vadd.s32 v63, v2;
	v63 =	vld [tilespmem:$0x1FDE0]  }
0x401: {  	v0 =	vadd.s32 v60, v0;
	v60 =	vld [tilespmem:$0x1FDB0]  }
0x402: {  	v1 =	vadd.s32 v61, v1;
	v61 =	vld [tilespmem:$0x1FDC0]  }
0x403: {  	v0 =	vadd.s32 v48, v0;
	v1 =	vadd.s32 v49, v1;
	v49 =	vld [tilespmem:$0x1B050]  }
0x404: {  	v2 =	vadd.s32 v50, v2;
	v0 =	vadd.s32 v51, v0;
	v51 =	vld [tilespmem:$0x1B150]  }
0x405: {  	v1 =	vadd.s32 v52, v1;
	v2 =	vadd.s32 v53, v2;
	v53 =	vld [tilespmem:$0x1AD60]  }
0x406: {  	v1 =	vadd.s32 v54, v1;
	v54 =	vld [tilespmem:$0x1FF30]  }
0x407: {  	v48 =	vadd.s32 v56, v57;
	v56 =	vld [tilespmem:$0x1FDF0]  }
0x408: {  	v57 =	vld [tilespmem:$0x1FE00]  }
0x409: {  	v2 =	vadd.s32 v55, v2;
	v55 =	vld [tilespmem:$0x1FF40]  }
0x40a: {  	v50 =	vadd.s32 v61, v62;
	v62 =	vld [tilespmem:$0x1FDD0]  }
0x40b: {  	v2 =	vadd.s32 v59, v2;
	v59 =	vld [tilespmem:$0x1FE10]  }
0x40c: {  	v48 =	vadd.s32 v60, v48;
	v60 =	vld [tilespmem:$0x1FE20]  }
0x40d: {  	v61 =	vld [tilespmem:$0x1FE30]  }
0x40e: {  	v50 =	vadd.s32 v63, v50;
	v63 =	vld [tilespmem:$0x1FE50]  }
0x40f: {  	v50 =	vadd.s32 v57, v50;
	v57 =	vld [tilespmem:$0x1FE70]  }
0x410: {  	v48 =	vadd.s32 v62, v48;
	v62 =	vld [tilespmem:$0x1FE40]  }
0x411: {  	v50 =	vadd.s32 v60, v50;
	v60 =	vld [tilespmem:$0x1FE90]  }
0x412: {  	v48 =	vadd.s32 v56, v48;
	v56 =	vld [tilespmem:$0x1FE60]  }
0x413: {  	v48 =	vadd.s32 v59, v48;
	v59 =	vld [tilespmem:$0x1FE80]  }
0x414: {  	v48 =	vadd.s32 v61, v48;
	v61 =	vld [tilespmem:$0x1FEA0]  }
0x415: {  	v48 =	vadd.s32 v63, v48;
	v63 =	vld [tilespmem:$0x1FEC0]  }
0x416: {  	v50 =	vadd.s32 v62, v50;
	v62 =	vld [tilespmem:$0x1FEB0]  }
0x417: {  	v48 =	vadd.s32 v57, v48;
	v57 =	vld [tilespmem:$0x1FEE0];
	v50 =	vadd.s32 v56, v50  }
0x418: {  	v56 =	vld [tilespmem:$0x1FED0];
	v50 =	vadd.s32 v59, v50  }
0x419: {  	v7 =	vadd.s32 v22, v7;
	v50 =	vadd.s32 v61, v50;
	v61 =	vld [tilespmem:$0x1FF10]  }
0x41a: {  	v7 =	vadd.s32 v23, v7;
	v59 =	vld [tilespmem:$0x1FEF0]  }
0x41b: {  	v7 =	vadd.s32 v24, v7;
	v48 =	vadd.s32 v60, v48;
	v60 =	vld [tilespmem:$0x1FF00];
	v50 =	vadd.s32 v63, v50  }
0x41c: {  	v7 =	vadd.s32 v25, v7;
	v63 =	vld [tilespmem:$0x1FF20];
	v50 =	vadd.s32 v57, v50  }
0x41d: {  	v7 =	vadd.s32 v26, v7;
	v48 =	vadd.s32 v62, v48;
	v62 =	vld [tilespmem:$0x1AC60];
	v50 =	vadd.s32 v58, v50  }
0x41e: {  	v57 =	vadd.s32 v34, v40;
	v48 =	vadd.s32 v56, v48;
	v56 =	vld [tilespmem:$0x1AE60];
	v50 =	vadd.s32 v61, v50  }
0x41f: {  	v58 =	vld [tilespmem:$0x1AF60];
	v48 =	vadd.s32 v59, v48;
	v59 =	vadd.s32 v38, v42;
	v5 =	vadd.s32 v5, v50  }
0x420: {  	v38 =	vld [tilespmem:$0x1B260];
	v48 =	vadd.s32 v60, v48;
	v26 =	vadd.s32 v45, v59;
	v5 =	vadd.s32 v55, v5  }
0x421: {  	v60 =	vld [tilespmem:$0x1B060];
	v48 =	vadd.s32 v63, v48;
	v5 =	vadd.s32 v9, v5;
	v9 =	vadd.s32 v43, v57  }
0x422: {  	[tilespmem:$0x1BA80] =	vst v6;
	v26 =	vadd.s32 v46, v26;
	v17 =	vadd.s32 v17, v62;
	v62 =	vld [tilespmem:$0x1B160];
	v9 =	vadd.s32 v44, v9  }
0x423: {  	[tilespmem:$0x1BA90] =	vst v4;
	v61 =	vld [tilespmem:$0x1FF50];
	v48 =	vadd.s32 v54, v48;
	v17 =	vadd.s32 v53, v17;
	v63 =	vadd.s32 v41, v9  }
0x424: {  	[tilespmem:$0x1BAA0] =	vst v3;
	v43 =	vld [tilespmem:$0x1B360];
	v42 =	vadd.s32 v56, v17;
	v41 =	vadd.s32 v47, v26;
	v40 =	vadd.s32 v39, v63  }
0x425: {  	[tilespmem:$0x1BB30] =	vst v7;
	v46 =	vadd.s32 v58, v42;
	v47 =	vld [tilespmem:$0x1B460];
	v45 =	vadd.s32 v49, v41;
	v44 =	vadd.s32 v37, v40  }
0x426: {  	[tilespmem:$0x1BAB0] =	vst v11;
	v6 =	vadd.s32 v60, v46;
	v49 =	vld [tilespmem:$0x1B560];
	v4 =	vadd.s32 v51, v45;
	v3 =	vadd.s32 v36, v44  }
0x427: {  	[tilespmem:$0x1BAC0] =	vst v10;
	v50 =	vld [tilespmem:$0x1B660];
	v6 =	vadd.s32 v62, v6;
	v4 =	vadd.s32 v12, v4;
	v3 =	vadd.s32 v35, v3  }
0x428: {  	[tilespmem:$0x1BAD0] =	vst v8;
	v51 =	vld [tilespmem:$0x1B760];
	v6 =	vadd.s32 v38, v6;
	v4 =	vadd.s32 v13, v4;
	v3 =	vadd.s32 v33, v3  }
0x429: {  	[tilespmem:$0x1BAE0] =	vst v0;
	v55 =	vld [tilespmem:$0x1B860];
	v54 =	vadd.s32 v43, v6;
	v53 =	vadd.s32 v14, v4;
	v52 =	vadd.s32 v32, v3  }
0x42a: {  	[tilespmem:$0x1BAF0] =	vst v1;
	v58 =	vld [tilespmem:$0x1B960];
	v57 =	vadd.s32 v47, v54;
	v56 =	vadd.s32 v15, v53;
	v0 =	vadd.s32 v31, v52  }
0x42b: {  	[tilespmem:$0x1BB00] =	vst v2;
	v60 =	vld [tilespmem:$0x1BA60];
	v59 =	vadd.s32 v49, v57;
	v1 =	vadd.s32 v16, v56;
	v0 =	vadd.s32 v30, v0  }
0x42c: {  	[tilespmem:$0x1BB10] =	vst v48;
	v2 =	vadd.s32 v50, v59;
	v1 =	vadd.s32 v18, v1;
	v0 =	vadd.s32 v27, v0  }
0x42d: {  	[tilespmem:$0x1BB20] =	vst v5;
	v2 =	vadd.s32 v51, v2;
	v1 =	vadd.s32 v19, v1;
	v0 =	vadd.s32 v28, v0  }
0x42e: {  	[tilespmem:$0x1BA70] =	vst v61;
	v2 =	vadd.s32 v55, v2;
	v1 =	vadd.s32 v20, v1;
	v0 =	vadd.s32 v29, v0  }
0x42f: {  	v62 =	vadd.s32 v58, v2;
	v61 =	vadd.s32 v21, v1;
	[tilespmem:$0x1BB40] =	vst v0  }
0x430: {  	s10 =	simm.s32 $0x80;
	s11 =	simm.s32 $0x400;
	v63 =	vadd.s32 v60, v62;
	[tilespmem:$0x1BB50] =	vst v61  }
0x431: {  	s12 =	simm.s32 $0x1BA70;
	s7 =	simm.s32 $0x9;
	s0 =	rddreg [dreg:$0x1a];
	[tilespmem:$0x1BB60] =	vst v63  }
0x432: {  	[hbm4b:s0+s10] =	stream.strided.scatter [tilespmem:s12], [sflag:$0x9], $0x100, s11, s10, $0x38;
	[tilespmem:$0x1BB70] =	vst v63  }
0x433: {  	_ =	swait.ge [sflag:s7], $0x100  }
0x434: {  	[sflag:s7] =	ssyncset.done $0x0  }
0x435: {  	s0 =	simm.s32 $0x0;
	s16 =	rddreg [dreg:$0x19];
	[sflag:s7] =	ssyncadd.s32 $0xFFFFFF00  }
0x436: {  	[tilespmem:s8], [sflag:$0x9] =	stream.linear.gather [hbm4b:s16+s0], $0x1000, $0x38;
	[tilespmem:$0x1BB70] =	vst v63  }
0x437: {  	_ =	swait.ge [sflag:s7], $0x1000  }
0x438: {  	[sflag:s7] =	ssyncset.done $0x0;
	s1 =	sld [smem:$0x7F9]  }
0x439: {  	s2 =	rddreg [dreg:$0x1f];
	[sflag:s7] =	ssyncadd.s32 $0xFFFFF000  }
0x43a: {  	s6 =	rddreg [dreg:$0x6]  }
.LBB2_10:
0x43b: {  	s3 =	sadd.s32 s0, s15  }
0x43c: {  	p1 =	sgt.u32 s3, $0x1F3  }
0x43d: {  	s3 =	simm.s32 @!p1 $0x0;
	s4 =	simm.s32 @!p1 $0x1A970  }
0x43e: {  	[tilespmem:s4], [sflag:$0x1] =	stream.linear.gather @!p1 [hbm4b:s2+s3], $0xC8, $0x38;
	[tilespmem:$0x1BB70] =	vst v63  }
0x43f: {  	s5 =	simm.s32 @!p1 $0x14570  }
0x440: {  	[tilespmem:s5], [sflag:$0x3] =	stream.linear.gather @!p1 [hbm4b:s1+s3], $0x6400, $0x38;
	[tilespmem:$0x1BB70] =	vst v63  }
0x441: {  	s3 =	simm.s32 @!p1 $0x1  }
0x442: {  	_ =	swait.ge @!p1 [sflag:s3], $0xC8  }
0x443: {  	[sflag:s3] =	ssyncset.done @!p1 $0x0  }
0x444: {  	[sflag:s3] =	ssyncadd.s32 @!p1 $0xFFFFFF38;
	s3 =	simm.s32 @!p1 $0x3  }
0x445: {  	_ =	swait.ge @!p1 [sflag:s3], $0x6400  }
0x446: {  	[sflag:s3] =	ssyncset.done @!p1 $0x0  }
0x447: {  	[sflag:s3] =	ssyncadd.s32 @!p1 $0xFFFF9C00;
	s3 =	simm.s32 @!p1 $0xC8  }
0x448: {  	[spmem:s6] =	stream.indirect.scatter.add.f32 @!p1 [tilespmem:s5], [sflag:$0x7], $0x80, s4, s3, $0xb8;
	[tilespmem:$0x1BB70] =	vst v63  }
0x449: {  	v0 =	vld @!p1 [tilespmem:$0x1A970];
	_ =	sdelay $0x1  }
0x44a: {  	v1 =	vlaneseq.u32 @!p1  }
0x44b: {  	v1 =	vmul.u32 @!p1 $0x100, v1;
	_ =	sdelay $0x1  }
0x44c: {  	v0 =	vadd.s32 @!p1 v1, v0;
	_ =	sdelay $0x3  }
0x44d: {  	v2 =	vimm.s32 @!p1 $0x1;
	s3 =	simm.s32 @!p1 $0x1AA70  }
0x44e: {  	[tilespmem:v0+s3+$0x0] =	vst.idx.add.s32.msk @!p1 $0xffff, v2  }
0x44f: {  	v0 =	vld @!p1 [tilespmem:$0x1A980];
	_ =	sdelay $0x4  }
0x450: {  	v0 =	vadd.s32 @!p1 v1, v0;
	_ =	sdelay $0x4  }
0x451: {  	[tilespmem:v0+s3+$0x0] =	vst.idx.add.s32.msk @!p1 $0xffff, v2  }
0x452: {  	v0 =	vld @!p1 [tilespmem:$0x1A990];
	_ =	sdelay $0x4  }
0x453: {  	v0 =	vadd.s32 @!p1 v1, v0;
	_ =	sdelay $0x4  }
0x454: {  	[tilespmem:v0+s3+$0x0] =	vst.idx.add.s32.msk @!p1 $0xffff, v2  }
0x455: {  	v0 =	vld @!p1 [tilespmem:$0x1A9A0];
	_ =	sdelay $0x4  }
0x456: {  	v0 =	vadd.s32 @!p1 v1, v0;
	_ =	sdelay $0x4  }
0x457: {  	[tilespmem:v0+s3+$0x0] =	vst.idx.add.s32.msk @!p1 $0xffff, v2  }
0x458: {  	v0 =	vld @!p1 [tilespmem:$0x1A9B0];
	_ =	sdelay $0x4  }
0x459: {  	v0 =	vadd.s32 @!p1 v1, v0;
	_ =	sdelay $0x4  }
0x45a: {  	[tilespmem:v0+s3+$0x0] =	vst.idx.add.s32.msk @!p1 $0xffff, v2  }
0x45b: {  	v0 =	vld @!p1 [tilespmem:$0x1A9C0];
	_ =	sdelay $0x4  }
0x45c: {  	v0 =	vadd.s32 @!p1 v1, v0;
	_ =	sdelay $0x4  }
0x45d: {  	[tilespmem:v0+s3+$0x0] =	vst.idx.add.s32.msk @!p1 $0xffff, v2  }
0x45e: {  	v0 =	vld @!p1 [tilespmem:$0x1A9D0];
	_ =	sdelay $0x4  }
0x45f: {  	v0 =	vadd.s32 @!p1 v1, v0;
	_ =	sdelay $0x4  }
0x460: {  	[tilespmem:v0+s3+$0x0] =	vst.idx.add.s32.msk @!p1 $0xffff, v2  }
0x461: {  	v0 =	vld @!p1 [tilespmem:$0x1A9E0];
	_ =	sdelay $0x4  }
0x462: {  	v0 =	vadd.s32 @!p1 v1, v0;
	_ =	sdelay $0x4  }
0x463: {  	[tilespmem:v0+s3+$0x0] =	vst.idx.add.s32.msk @!p1 $0xffff, v2  }
0x464: {  	v0 =	vld @!p1 [tilespmem:$0x1A9F0];
	_ =	sdelay $0x4  }
0x465: {  	v0 =	vadd.s32 @!p1 v1, v0;
	_ =	sdelay $0x4  }
0x466: {  	[tilespmem:v0+s3+$0x0] =	vst.idx.add.s32.msk @!p1 $0xffff, v2  }
0x467: {  	v0 =	vld @!p1 [tilespmem:$0x1AA00];
	_ =	sdelay $0x4  }
0x468: {  	v0 =	vadd.s32 @!p1 v1, v0;
	_ =	sdelay $0x4  }
0x469: {  	[tilespmem:v0+s3+$0x0] =	vst.idx.add.s32.msk @!p1 $0xffff, v2  }
0x46a: {  	v0 =	vld @!p1 [tilespmem:$0x1AA10];
	_ =	sdelay $0x4  }
0x46b: {  	v0 =	vadd.s32 @!p1 v1, v0;
	_ =	sdelay $0x4  }
0x46c: {  	[tilespmem:v0+s3+$0x0] =	vst.idx.add.s32.msk @!p1 $0xffff, v2  }
0x46d: {  	v0 =	vld @!p1 [tilespmem:$0x1AA20];
	_ =	sdelay $0x4  }
0x46e: {  	v0 =	vadd.s32 @!p1 v1, v0;
	_ =	sdelay $0x1  }
0x46f: {  	s0 =	sadd.s32 $0x20, s0  }
0x470: {  	p2 =	sne.s32 s0, $0x200  }
.Ltmp6:
0x471: {  	_ = 	snop;
	(pc) =	sbr.rel @p2 .LBB2_10-.Ltmp6, $4  }
0x472: {  	[tilespmem:v0+s3+$0x0] =	vst.idx.add.s32.msk @!p1 $0xffff, v2;
	s3 =	simm.s32 @!p1 $0x7  }
0x473: {  	_ =	swait.ge @!p1 [sflag:s3], $0x6400  }
0x474: {  	[sflag:s3] =	ssyncset.done @!p1 $0x0  }
0x475: {  	s2 =	sadd.s32 $0x320, s2;
	s1 =	sadd.s32 $0x19000, s1;
	[sflag:s3] =	ssyncadd.s32 @!p1 $0xFFFF9C00  }
0x476: {  	v15 =	vld [tilespmem:$0x1AA70]  }
0x477: {  	v12 =	vld [tilespmem:$0x1AB70]  }
0x478: {  	v16 =	vld [tilespmem:$0x1AC70]  }
0x479: {  	v18 =	vld [tilespmem:$0x1AD70]  }
0x47a: {  	v20 =	vld [tilespmem:$0x1AE70]  }
0x47b: {  	v21 =	vld [tilespmem:$0x1AF70]  }
0x47c: {  	v24 =	vld [tilespmem:$0x1B070]  }
0x47d: {  	v62 =	vld [tilespmem:$0x1B170]  }
0x47e: {  	v27 =	vld [tilespmem:$0x1B270]  }
0x47f: {  	v30 =	vld [tilespmem:$0x1B370]  }
0x480: {  	v31 =	vld [tilespmem:$0x1B470]  }
0x481: {  	v33 =	vld [tilespmem:$0x1B570]  }
0x482: {  	v39 =	vld [tilespmem:$0x1B670]  }
0x483: {  	v43 =	vld [tilespmem:$0x1B770]  }
0x484: {  	v47 =	vld [tilespmem:$0x1B870]  }
0x485: {  	v51 =	vld [tilespmem:$0x1B970]  }
0x486: {  	v0 =	vld [tilespmem:$0x1AF80]  }
0x487: {  	v22 =	vld [tilespmem:$0x1B080]  }
0x488: {  	v23 =	vld [tilespmem:$0x1B180]  }
0x489: {  	v25 =	vld [tilespmem:$0x1B280]  }
0x48a: {  	v26 =	vld [tilespmem:$0x1B380]  }
0x48b: {  	v28 =	vld [tilespmem:$0x1B480];
	[tilespmem:$0x1EF60] =	vst v0  }
0x48c: {  	v29 =	vld [tilespmem:$0x1B580];
	[tilespmem:$0x1EF70] =	vst v22  }
0x48d: {  	v32 =	vld [tilespmem:$0x1B680];
	[tilespmem:$0x1EF80] =	vst v23  }
0x48e: {  	v35 =	vld [tilespmem:$0x1B780];
	[tilespmem:$0x1EF90] =	vst v25  }
0x48f: {  	v36 =	vld [tilespmem:$0x1B880];
	[tilespmem:$0x1EFA0] =	vst v26  }
0x490: {  	v37 =	vld [tilespmem:$0x1B980];
	[tilespmem:$0x1EFB0] =	vst v28  }
0x491: {  	v40 =	vld [tilespmem:$0x1AA80];
	[tilespmem:$0x1EFD0] =	vst v29  }
0x492: {  	v34 =	vld [tilespmem:$0x1AB80];
	[tilespmem:$0x1EFF0] =	vst v32  }
0x493: {  	v44 =	vld [tilespmem:$0x1AC80];
	[tilespmem:$0x1F010] =	vst v35  }
0x494: {  	v52 =	vld [tilespmem:$0x1AD80];
	[tilespmem:$0x1F030] =	vst v36  }
0x495: {  	v58 =	vld [tilespmem:$0x1AE80];
	[tilespmem:$0x1F060] =	vst v37  }
0x496: {  	v13 =	vld [tilespmem:$0x1AA90]  }
0x497: {  	v9 =	vld [tilespmem:$0x1AB90]  }
0x498: {  	v14 =	vld [tilespmem:$0x1AC90]  }
0x499: {  	v22 =	vld [tilespmem:$0x1AD90]  }
0x49a: {  	v26 =	vld [tilespmem:$0x1AE90]  }
0x49b: {  	v32 =	vld [tilespmem:$0x1AF90]  }
0x49c: {  	v45 =	vld [tilespmem:$0x1B090]  }
0x49d: {  	v53 =	vld [tilespmem:$0x1B190]  }
0x49e: {  	v59 =	vld [tilespmem:$0x1B290]  }
0x49f: {  	v38 =	vld [tilespmem:$0x1B390]  }
0x4a0: {  	v41 =	vld [tilespmem:$0x1B490]  }
0x4a1: {  	v42 =	vld [tilespmem:$0x1B590]  }
0x4a2: {  	v46 =	vld [tilespmem:$0x1B690]  }
0x4a3: {  	v48 =	vld [tilespmem:$0x1B790]  }
0x4a4: {  	v49 =	vld [tilespmem:$0x1B890]  }
0x4a5: {  	v50 =	vld [tilespmem:$0x1B990]  }
0x4a6: {  	v4 =	vld [tilespmem:$0x1AAA0]  }
0x4a7: {  	v3 =	vld [tilespmem:$0x1ABA0]  }
0x4a8: {  	v5 =	vld [tilespmem:$0x1ACA0]  }
0x4a9: {  	v6 =	vld [tilespmem:$0x1ADA0]  }
0x4aa: {  	v7 =	vld [tilespmem:$0x1AEA0]  }
0x4ab: {  	v10 =	vld [tilespmem:$0x1AFA0]  }
0x4ac: {  	v19 =	vld [tilespmem:$0x1B0A0]  }
0x4ad: {  	v25 =	vld [tilespmem:$0x1B1A0]  }
0x4ae: {  	v28 =	vld [tilespmem:$0x1B2A0]  }
0x4af: {  	v35 =	vld [tilespmem:$0x1B3A0]  }
0x4b0: {  	v57 =	vld [tilespmem:$0x1B5A0]  }
0x4b1: {  	v54 =	vld [tilespmem:$0x1B6A0]  }
0x4b2: {  	v55 =	vld [tilespmem:$0x1B7A0]  }
0x4b3: {  	v56 =	vld [tilespmem:$0x1B8A0]  }
0x4b4: {  	v60 =	vld [tilespmem:$0x1B9A0]  }
0x4b5: {  	v61 =	vld [tilespmem:$0x1AAB0]  }
0x4b6: {  	v63 =	vld [tilespmem:$0x1ABB0]  }
0x4b7: {  	v0 =	vld [tilespmem:$0x1B000]  }
0x4b8: {  	v8 =	vld [tilespmem:$0x1ACB0]  }
0x4b9: {  	v11 =	vld [tilespmem:$0x1ADB0]  }
0x4ba: {  	v17 =	vld [tilespmem:$0x1AEB0]  }
0x4bb: {  	v23 =	vld [tilespmem:$0x1AFB0]  }
0x4bc: {  	[tilespmem:$0x1F3D0] =	vst v0;
	v0 =	vld [tilespmem:$0x1B100]  }
0x4bd: {  	v29 =	vld [tilespmem:$0x1B0B0]  }
0x4be: {  	v36 =	vld [tilespmem:$0x1B1B0]  }
0x4bf: {  	v37 =	vld [tilespmem:$0x1B2B0]  }
0x4c0: {  	v1 =	vld [tilespmem:$0x1B610]  }
0x4c1: {  	[tilespmem:$0x1F400] =	vst v0;
	v0 =	vld [tilespmem:$0x1B200]  }
0x4c2: {  	v15 =	vadd.s32 v15, v12;
	v12 =	vld [tilespmem:$0x1AB20]  }
0x4c3: {  	v2 =	vld [tilespmem:$0x1B320]  }
0x4c4: {  	[tilespmem:$0x1F040] =	vst v48;
	v48 =	vld [tilespmem:$0x1B4A0]  }
0x4c5: {  	[tilespmem:$0x1EFC0] =	vst v38;
	v38 =	vld [tilespmem:$0x1B3B0]  }
0x4c6: {  	[tilespmem:$0x1F430] =	vst v0;
	v0 =	vld [tilespmem:$0x1B300]  }
0x4c7: {  	[tilespmem:$0x1EFE0] =	vst v41;
	v41 =	vld [tilespmem:$0x1B4B0]  }
0x4c8: {  	[tilespmem:$0x1F000] =	vst v42;
	v42 =	vld [tilespmem:$0x1B5B0]  }
0x4c9: {  	[tilespmem:$0x1F020] =	vst v46;
	v46 =	vld [tilespmem:$0x1B6B0]  }
0x4ca: {  	[tilespmem:$0x1F070] =	vst v49;
	v49 =	vld [tilespmem:$0x1B7B0]  }
0x4cb: {  	[tilespmem:$0x1F460] =	vst v0;
	v0 =	vld [tilespmem:$0x1B400]  }
0x4cc: {  	[tilespmem:$0x1F090] =	vst v50;
	v50 =	vld [tilespmem:$0x1B8B0]  }
0x4cd: {  	[tilespmem:$0x1F050] =	vst v54;
	v54 =	vld [tilespmem:$0x1B9B0]  }
0x4ce: {  	[tilespmem:$0x1F140] =	vst v36;
	v36 =	vld [tilespmem:$0x1ABC0]  }
0x4cf: {  	[tilespmem:$0x1F0D0] =	vst v60;
	v60 =	vld [tilespmem:$0x1AEC0]  }
0x4d0: {  	[tilespmem:$0x1F490] =	vst v0;
	v0 =	vld [tilespmem:$0x1B500]  }
0x4d1: {  	[tilespmem:$0x1F080] =	vst v55;
	v55 =	vld [tilespmem:$0x1AFC0]  }
0x4d2: {  	[tilespmem:$0x1F0A0] =	vst v56;
	v56 =	vld [tilespmem:$0x1B0C0]  }
0x4d3: {  	[tilespmem:$0x1F0B0] =	vst v61;
	v61 =	vld [tilespmem:$0x1B1C0]  }
0x4d4: {  	[tilespmem:$0x1F0C0] =	vst v63;
	v63 =	vld [tilespmem:$0x1B2C0]  }
0x4d5: {  	[tilespmem:$0x1F4C0] =	vst v0;
	v0 =	vld [tilespmem:$0x1B600]  }
0x4d6: {  	[tilespmem:$0x1F0E0] =	vst v8;
	v8 =	vld [tilespmem:$0x1B3C0]  }
0x4d7: {  	[tilespmem:$0x1F0F0] =	vst v11;
	v11 =	vld [tilespmem:$0x1B4C0]  }
0x4d8: {  	[tilespmem:$0x1F100] =	vst v17;
	v17 =	vld [tilespmem:$0x1B5C0]  }
0x4d9: {  	[tilespmem:$0x1F110] =	vst v23;
	v23 =	vld [tilespmem:$0x1B6C0]  }
0x4da: {  	[tilespmem:$0x1F4F0] =	vst v0;
	v0 =	vld [tilespmem:$0x1B700]  }
0x4db: {  	[tilespmem:$0x1F120] =	vst v29;
	v29 =	vld [tilespmem:$0x1B7C0]  }
0x4dc: {  	[tilespmem:$0x1F160] =	vst v37;
	v37 =	vld [tilespmem:$0x1B8C0]  }
0x4dd: {  	[tilespmem:$0x1F5C0] =	vst v12;
	v12 =	vld [tilespmem:$0x1AC30]  }
0x4de: {  	[tilespmem:$0x1F1A0] =	vst v41;
	v41 =	vld [tilespmem:$0x1AAC0]  }
0x4df: {  	[tilespmem:$0x1F520] =	vst v0;
	v0 =	vld [tilespmem:$0x1B800]  }
0x4e0: {  	[tilespmem:$0x1F1F0] =	vst v46;
	v46 =	vld [tilespmem:$0x1ACC0]  }
0x4e1: {  	[tilespmem:$0x1F280] =	vst v54;
	v54 =	vld [tilespmem:$0x1ADC0]  }
0x4e2: {  	[tilespmem:$0x1F180] =	vst v38;
	v38 =	vld [tilespmem:$0x1B9C0]  }
0x4e3: {  	[tilespmem:$0x1F1D0] =	vst v11;
	v11 =	vld [tilespmem:$0x1AAD0]  }
0x4e4: {  	[tilespmem:$0x1F550] =	vst v0;
	v0 =	vld [tilespmem:$0x1B900]  }
0x4e5: {  	[tilespmem:$0x1F1B0] =	vst v8;
	v8 =	vld [tilespmem:$0x1ABD0]  }
0x4e6: {  	[tilespmem:$0x1F200] =	vst v17;
	v17 =	vld [tilespmem:$0x1ACD0]  }
0x4e7: {  	[tilespmem:$0x1F230] =	vst v23;
	v23 =	vld [tilespmem:$0x1ADD0]  }
0x4e8: {  	[tilespmem:$0x1F260] =	vst v29;
	v29 =	vld [tilespmem:$0x1AED0]  }
0x4e9: {  	[tilespmem:$0x1F570] =	vst v0;
	v0 =	vld [tilespmem:$0x1BA00]  }
0x4ea: {  	[tilespmem:$0x1F290] =	vst v37;
	v37 =	vld [tilespmem:$0x1AFD0]  }
0x4eb: {  	[tilespmem:$0x1F220] =	vst v49;
	v49 =	vld [tilespmem:$0x1B0D0]  }
0x4ec: {  	[tilespmem:$0x1F130] =	vst v55;
	v55 =	vld [tilespmem:$0x1B1D0]  }
0x4ed: {  	[tilespmem:$0x1F170] =	vst v61;
	v61 =	vld [tilespmem:$0x1B2D0]  }
0x4ee: {  	[tilespmem:$0x1F5A0] =	vst v0;
	v0 =	vld [tilespmem:$0x1AB10]  }
0x4ef: {  	[tilespmem:$0x1F1C0] =	vst v42;
	v42 =	vld [tilespmem:$0x1B3D0]  }
0x4f0: {  	[tilespmem:$0x1F250] =	vst v50;
	v50 =	vld [tilespmem:$0x1B4D0]  }
0x4f1: {  	[tilespmem:$0x1F150] =	vst v56;
	v56 =	vld [tilespmem:$0x1B5D0]  }
0x4f2: {  	[tilespmem:$0x1F190] =	vst v63;
	v63 =	vld [tilespmem:$0x1B6D0]  }
0x4f3: {  	[tilespmem:$0x1F580] =	vst v0;
	v0 =	vld [tilespmem:$0x1AC10]  }
0x4f4: {  	[tilespmem:$0x1F2B0] =	vst v38;
	v38 =	vld [tilespmem:$0x1B7D0]  }
0x4f5: {  	[tilespmem:$0x1F1E0] =	vst v42;
	v42 =	vld [tilespmem:$0x1B8D0]  }
0x4f6: {  	[tilespmem:$0x1F210] =	vst v50;
	v50 =	vld [tilespmem:$0x1B9D0]  }
0x4f7: {  	[tilespmem:$0x1F240] =	vst v56;
	v56 =	vld [tilespmem:$0x1AAE0]  }
0x4f8: {  	[tilespmem:$0x1F590] =	vst v0;
	v0 =	vld [tilespmem:$0x1AD10]  }
0x4f9: {  	[tilespmem:$0x1F270] =	vst v63;
	v63 =	vld [tilespmem:$0x1ABE0]  }
0x4fa: {  	[tilespmem:$0x1F2A0] =	vst v38;
	v38 =	vld [tilespmem:$0x1ACE0]  }
0x4fb: {  	[tilespmem:$0x1F2C0] =	vst v42;
	v42 =	vld [tilespmem:$0x1ADE0]  }
0x4fc: {  	[tilespmem:$0x1F2F0] =	vst v50;
	v50 =	vld [tilespmem:$0x1AEE0]  }
0x4fd: {  	[tilespmem:$0x1F5B0] =	vst v0;
	v0 =	vld [tilespmem:$0x1AE10]  }
0x4fe: {  	[tilespmem:$0x1F2D0] =	vst v56;
	v56 =	vld [tilespmem:$0x1AFE0]  }
0x4ff: {  	[tilespmem:$0x1F2E0] =	vst v63;
	v63 =	vld [tilespmem:$0x1B0E0]  }
0x500: {  	[tilespmem:$0x1F300] =	vst v38;
	v38 =	vld [tilespmem:$0x1B1E0]  }
0x501: {  	[tilespmem:$0x1F330] =	vst v42;
	v42 =	vld [tilespmem:$0x1B2E0]  }
0x502: {  	[tilespmem:$0x1F5D0] =	vst v0;
	v0 =	vld [tilespmem:$0x1AF10]  }
0x503: {  	[tilespmem:$0x1F350] =	vst v50;
	v50 =	vld [tilespmem:$0x1B3E0]  }
0x504: {  	[tilespmem:$0x1F370] =	vst v56;
	v56 =	vld [tilespmem:$0x1B4E0]  }
0x505: {  	[tilespmem:$0x1F390] =	vst v63;
	v63 =	vld [tilespmem:$0x1B5E0]  }
0x506: {  	[tilespmem:$0x1F3B0] =	vst v38;
	v38 =	vld [tilespmem:$0x1B6E0]  }
0x507: {  	[tilespmem:$0x1F5F0] =	vst v0;
	v0 =	vld [tilespmem:$0x1B010]  }
0x508: {  	[tilespmem:$0x1F3E0] =	vst v42;
	v42 =	vld [tilespmem:$0x1B7E0]  }
0x509: {  	[tilespmem:$0x1F410] =	vst v50;
	v50 =	vld [tilespmem:$0x1B8E0]  }
0x50a: {  	[tilespmem:$0x1F440] =	vst v56;
	v56 =	vld [tilespmem:$0x1B9E0]  }
0x50b: {  	[tilespmem:$0x1F470] =	vst v63;
	v63 =	vld [tilespmem:$0x1AAF0]  }
0x50c: {  	[tilespmem:$0x1F610] =	vst v0;
	v0 =	vld [tilespmem:$0x1B110]  }
0x50d: {  	[tilespmem:$0x1F4A0] =	vst v38;
	v38 =	vld [tilespmem:$0x1ABF0]  }
0x50e: {  	[tilespmem:$0x1F4D0] =	vst v42;
	v42 =	vld [tilespmem:$0x1ACF0]  }
0x50f: {  	[tilespmem:$0x1F500] =	vst v50;
	v50 =	vld [tilespmem:$0x1ADF0]  }
0x510: {  	[tilespmem:$0x1F530] =	vst v56;
	v56 =	vld [tilespmem:$0x1AEF0]  }
0x511: {  	[tilespmem:$0x1F630] =	vst v0;
	v0 =	vld [tilespmem:$0x1B210]  }
0x512: {  	[tilespmem:$0x1F310] =	vst v63;
	v63 =	vld [tilespmem:$0x1AFF0]  }
0x513: {  	[tilespmem:$0x1F320] =	vst v38;
	v38 =	vld [tilespmem:$0x1B0F0]  }
0x514: {  	[tilespmem:$0x1F340] =	vst v42;
	v42 =	vld [tilespmem:$0x1B1F0]  }
0x515: {  	[tilespmem:$0x1F360] =	vst v50;
	v50 =	vld [tilespmem:$0x1B2F0]  }
0x516: {  	[tilespmem:$0x1F650] =	vst v0;
	v0 =	vld [tilespmem:$0x1B310]  }
0x517: {  	[tilespmem:$0x1F380] =	vst v56;
	v56 =	vld [tilespmem:$0x1B3F0]  }
0x518: {  	[tilespmem:$0x1F3A0] =	vst v63;
	v63 =	vld [tilespmem:$0x1B4F0]  }
0x519: {  	[tilespmem:$0x1F3C0] =	vst v38;
	v38 =	vld [tilespmem:$0x1B5F0]  }
0x51a: {  	[tilespmem:$0x1F3F0] =	vst v42;
	v42 =	vld [tilespmem:$0x1B6F0]  }
0x51b: {  	[tilespmem:$0x1F670] =	vst v0;
	v0 =	vld [tilespmem:$0x1B410]  }
0x51c: {  	[tilespmem:$0x1F420] =	vst v50;
	v50 =	vld [tilespmem:$0x1B7F0]  }
0x51d: {  	[tilespmem:$0x1F450] =	vst v56;
	v56 =	vld [tilespmem:$0x1B8F0]  }
0x51e: {  	[tilespmem:$0x1F480] =	vst v63;
	v63 =	vld [tilespmem:$0x1B9F0]  }
0x51f: {  	[tilespmem:$0x1F4E0] =	vst v42;
	v42 =	vld [tilespmem:$0x1AB00]  }
0x520: {  	[tilespmem:$0x1F690] =	vst v0;
	v0 =	vld [tilespmem:$0x1B510]  }
0x521: {  	[tilespmem:$0x1F4B0] =	vst v38;
	v38 =	vld [tilespmem:$0x1AC00]  }
0x522: {  	[tilespmem:$0x1F510] =	vst v50;
	v50 =	vld [tilespmem:$0x1AD00]  }
0x523: {  	[tilespmem:$0x1F540] =	vst v56;
	v56 =	vld [tilespmem:$0x1AE00]  }
0x524: {  	[tilespmem:$0x1F560] =	vst v63;
	v63 =	vld [tilespmem:$0x1AF00]  }
0x525: {  	[tilespmem:$0x1F6B0] =	vst v0;
	v0 =	vadd.s32 v16, v15;
	v16 =	vld [tilespmem:$0x1B710]  }
0x526: {  	v15 =	vld [tilespmem:$0x1AD20]  }
0x527: {  	v0 =	vadd.s32 v18, v0;
	v18 =	vld [tilespmem:$0x1B810]  }
0x528: {  	v0 =	vadd.s32 v20, v0;
	v20 =	vld [tilespmem:$0x1B910]  }
0x529: {  	v0 =	vadd.s32 v21, v0;
	v21 =	vld [tilespmem:$0x1BA10]  }
0x52a: {  	v0 =	vadd.s32 v24, v0;
	v24 =	vld [tilespmem:$0x1B220]  }
0x52b: {  	v0 =	vadd.s32 v62, v0;
	v62 =	vld [tilespmem:$0x1AC20]  }
0x52c: {  	[tilespmem:$0x1F6F0] =	vst v16;
	v16 =	vld [tilespmem:$0x1AE20]  }
0x52d: {  	[tilespmem:$0x1F5E0] =	vst v15;
	v15 =	vld [tilespmem:$0x1F000]  }
0x52e: {  	[tilespmem:$0x1F700] =	vst v18;
	v18 =	vld [tilespmem:$0x1AF20]  }
0x52f: {  	v0 =	vadd.s32 v27, v0;
	v27 =	vadd.s32 v40, v34;
	v40 =	vld [tilespmem:$0x1EF60]  }
0x530: {  	[tilespmem:$0x1F720] =	vst v20;
	v20 =	vld [tilespmem:$0x1B020]  }
0x531: {  	v34 =	vadd.s32 v4, v3;
	v0 =	vadd.s32 v30, v0;
	v30 =	vadd.s32 v44, v27;
	v44 =	vld [tilespmem:$0x1EF70]  }
0x532: {  	[tilespmem:$0x1F6A0] =	vst v2;
	v2 =	vadd.s32 v5, v34;
	v5 =	vld [tilespmem:$0x1B820]  }
0x533: {  	v27 =	vld [tilespmem:$0x1F0A0]  }
0x534: {  	v34 =	vld [tilespmem:$0x1F0F0]  }
0x535: {  	[tilespmem:$0x1F730] =	vst v21;
	v21 =	vld [tilespmem:$0x1B120]  }
0x536: {  	v0 =	vadd.s32 v31, v0;
	v31 =	vadd.s32 v13, v9;
	v9 =	vld [tilespmem:$0x1BA20]  }
0x537: {  	v2 =	vadd.s32 v6, v2;
	v6 =	vld [tilespmem:$0x1EFC0]  }
0x538: {  	v13 =	vld [tilespmem:$0x1EFE0]  }
0x539: {  	v0 =	vadd.s32 v33, v0;
	v33 =	vld [tilespmem:$0x1B420]  }
0x53a: {  	v2 =	vadd.s32 v7, v2;
	v7 =	vld [tilespmem:$0x1AB30]  }
0x53b: {  	[tilespmem:$0x1F6D0] =	vst v1;
	v1 =	vadd.s32 v14, v31;
	v14 =	vld [tilespmem:$0x1EFF0]  }
0x53c: {  	[tilespmem:$0x1F680] =	vst v24;
	v24 =	vld [tilespmem:$0x1F070]  }
0x53d: {  	v31 =	vld [tilespmem:$0x1F0D0]  }
0x53e: {  	v0 =	vadd.s32 v39, v0;
	v39 =	vld [tilespmem:$0x1B520]  }
0x53f: {  	v2 =	vadd.s32 v10, v2;
	v10 =	vld [tilespmem:$0x1EFD0]  }
0x540: {  	[tilespmem:$0x1F600] =	vst v16;
	v16 =	vld [tilespmem:$0x1F010]  }
0x541: {  	v1 =	vadd.s32 v22, v1;
	v22 =	vld [tilespmem:$0x1F060]  }
0x542: {  	v0 =	vadd.s32 v43, v0;
	v43 =	vld [tilespmem:$0x1B720]  }
0x543: {  	[tilespmem:$0x1F620] =	vst v18;
	v18 =	vld [tilespmem:$0x1F020]  }
0x544: {  	v2 =	vadd.s32 v19, v2;
	v19 =	vld [tilespmem:$0x1F030]  }
0x545: {  	v1 =	vadd.s32 v26, v1;
	v26 =	vld [tilespmem:$0x1F090]  }
0x546: {  	v0 =	vadd.s32 v47, v0;
	v47 =	vld [tilespmem:$0x1EF80]  }
0x547: {  	[tilespmem:$0x1F640] =	vst v20;
	v20 =	vld [tilespmem:$0x1F040]  }
0x548: {  	v2 =	vadd.s32 v25, v2;
	v25 =	vld [tilespmem:$0x1F080]  }
0x549: {  	v1 =	vadd.s32 v32, v1;
	v32 =	vld [tilespmem:$0x1F0E0]  }
0x54a: {  	v0 =	vadd.s32 v51, v0;
	v51 =	vld [tilespmem:$0x1B920]  }
0x54b: {  	[tilespmem:$0x1F660] =	vst v21;
	v21 =	vld [tilespmem:$0x1F050]  }
0x54c: {  	v2 =	vadd.s32 v28, v2;
	v28 =	vld [tilespmem:$0x1F0B0]  }
0x54d: {  	v1 =	vadd.s32 v45, v1;
	v45 =	vld [tilespmem:$0x1F160]  }
0x54e: {  	[tilespmem:$0x1F750] =	vst v0;
	v0 =	vadd.s32 v52, v30;
	v52 =	vld [tilespmem:$0x1EF90]  }
0x54f: {  	v1 =	vadd.s32 v53, v1;
	v53 =	vld [tilespmem:$0x1EFA0]  }
0x550: {  	v30 =	vld [tilespmem:$0x1F0C0]  }
0x551: {  	[tilespmem:$0x1F6C0] =	vst v33;
	v33 =	vadd.s32 v41, v36;
	v36 =	vld [tilespmem:$0x1F100]  }
0x552: {  	v41 =	vld [tilespmem:$0x1F130]  }
0x553: {  	v7 =	vadd.s32 v7, v12;
	v12 =	vld [tilespmem:$0x1B250]  }
0x554: {  	v0 =	vadd.s32 v58, v0;
	v58 =	vld [tilespmem:$0x1B620]  }
0x555: {  	v1 =	vadd.s32 v59, v1;
	v59 =	vld [tilespmem:$0x1EFB0]  }
0x556: {  	v2 =	vadd.s32 v35, v2;
	[tilespmem:$0x1F6E0] =	vst v39;
	v39 =	vld [tilespmem:$0x1F110]  }
0x557: {  	v2 =	vadd.s32 v48, v2;
	v48 =	vld [tilespmem:$0x1F190]  }
0x558: {  	v0 =	vadd.s32 v40, v0;
	v40 =	vld [tilespmem:$0x1F120]  }
0x559: {  	[tilespmem:$0x1F710] =	vst v43;
	v43 =	vld [tilespmem:$0x1F140]  }
0x55a: {  	v1 =	vadd.s32 v6, v1;
	v2 =	vadd.s32 v57, v2;
	v57 =	vld [tilespmem:$0x1F200]  }
0x55b: {  	v1 =	vadd.s32 v13, v1;
	v13 =	vld [tilespmem:$0x1AD30]  }
0x55c: {  	v0 =	vadd.s32 v44, v0;
	v44 =	vld [tilespmem:$0x1F150]  }
0x55d: {  	v1 =	vadd.s32 v15, v1;
	v15 =	vld [tilespmem:$0x1AF30]  }
0x55e: {  	v2 =	vadd.s32 v21, v2;
	v21 =	vld [tilespmem:$0x1B430]  }
0x55f: {  	v0 =	vadd.s32 v47, v0;
	v47 =	vld [tilespmem:$0x1F180]  }
0x560: {  	[tilespmem:$0x1F740] =	vst v51;
	v51 =	vld [tilespmem:$0x1F1B0]  }
0x561: {  	v1 =	vadd.s32 v18, v1;
	v18 =	vld [tilespmem:$0x1B130]  }
0x562: {  	v0 =	vadd.s32 v52, v0;
	v52 =	vld [tilespmem:$0x1F1C0]  }
0x563: {  	v0 =	vadd.s32 v53, v0;
	v1 =	vadd.s32 v20, v1;
	v20 =	vld [tilespmem:$0x1B330]  }
0x564: {  	v53 =	vld [tilespmem:$0x1F1D0];
	v0 =	vadd.s32 v59, v0  }
0x565: {  	v59 =	vld [tilespmem:$0x1F210];
	v0 =	vadd.s32 v10, v0  }
0x566: {  	v7 =	vadd.s32 v13, v7;
	v13 =	vld [tilespmem:$0x1B350];
	v0 =	vadd.s32 v14, v0  }
0x567: {  	v14 =	vld [tilespmem:$0x1AE30];
	v0 =	vadd.s32 v16, v0  }
0x568: {  	v16 =	vld [tilespmem:$0x1B030];
	v0 =	vadd.s32 v19, v0  }
0x569: {  	v35 =	vadd.s32 v11, v8;
	v19 =	vld [tilespmem:$0x1B230];
	v6 =	vadd.s32 v22, v0  }
0x56a: {  	v0 =	vadd.s32 v24, v1;
	v1 =	vadd.s32 v25, v2;
	v2 =	vadd.s32 v17, v35;
	v17 =	vld [tilespmem:$0x1B530]  }
0x56b: {  	v22 =	vld [tilespmem:$0x1B630]  }
0x56c: {  	v24 =	vld [tilespmem:$0x1B830]  }
0x56d: {  	v25 =	vld [tilespmem:$0x1B930]  }
0x56e: {  	v35 =	vld [tilespmem:$0x1F2B0]  }
0x56f: {  	v2 =	vadd.s32 v23, v2;
	v23 =	vld [tilespmem:$0x1B730]  }
0x570: {  	v4 =	vadd.s32 v26, v0;
	v26 =	vld [tilespmem:$0x1BA30]  }
0x571: {  	v0 =	vadd.s32 v27, v1;
	v27 =	vld [tilespmem:$0x1F240]  }
0x572: {  	v1 =	vadd.s32 v28, v30;
	v28 =	vld [tilespmem:$0x1F250]  }
0x573: {  	v30 =	vld [tilespmem:$0x1F270]  }
0x574: {  	v3 =	vadd.s32 v31, v0;
	v0 =	vadd.s32 v32, v1;
	v1 =	vadd.s32 v46, v33;
	v46 =	vld [tilespmem:$0x1F170]  }
0x575: {  	v2 =	vadd.s32 v29, v2;
	v29 =	vld [tilespmem:$0x1F260]  }
0x576: {  	v31 =	vld [tilespmem:$0x1F280]  }
0x577: {  	v32 =	vld [tilespmem:$0x1F290]  }
0x578: {  	v33 =	vld [tilespmem:$0x1F2A0]  }
0x579: {  	v7 =	vadd.s32 v14, v7;
	v14 =	vld [tilespmem:$0x1B450]  }
0x57a: {  	v0 =	vadd.s32 v34, v0;
	v34 =	vld [tilespmem:$0x1AB40]  }
0x57b: {  	v1 =	vadd.s32 v54, v1;
	v54 =	vld [tilespmem:$0x1F1E0]  }
0x57c: {  	v2 =	vadd.s32 v37, v2;
	v37 =	vld [tilespmem:$0x1F2D0]  }
0x57d: {  	v7 =	vadd.s32 v15, v7;
	v15 =	vld [tilespmem:$0x1B550]  }
0x57e: {  	v2 =	vadd.s32 v49, v2;
	v49 =	vld [tilespmem:$0x1F1A0]  }
0x57f: {  	v1 =	vadd.s32 v60, v1;
	v60 =	vld [tilespmem:$0x1F220]  }
0x580: {  	v0 =	vadd.s32 v36, v0;
	v36 =	vld [tilespmem:$0x1F2C0]  }
0x581: {  	v7 =	vadd.s32 v16, v7;
	v16 =	vld [tilespmem:$0x1B650]  }
0x582: {  	v2 =	vadd.s32 v55, v2;
	v55 =	vld [tilespmem:$0x1F1F0]  }
0x583: {  	v1 =	vadd.s32 v41, v1;
	v41 =	vld [tilespmem:$0x1AF40]  }
0x584: {  	v0 =	vadd.s32 v39, v0;
	v39 =	vld [tilespmem:$0x1B040]  }
0x585: {  	v7 =	vadd.s32 v18, v7;
	v18 =	vld [tilespmem:$0x1B750]  }
0x586: {  	v0 =	vadd.s32 v40, v0;
	v40 =	vld [tilespmem:$0x1AC40]  }
0x587: {  	v2 =	vadd.s32 v61, v2;
	v61 =	vld [tilespmem:$0x1F230]  }
0x588: {  	v1 =	vadd.s32 v44, v1;
	v44 =	vld [tilespmem:$0x1AE40]  }
0x589: {  	v7 =	vadd.s32 v19, v7;
	v19 =	vld [tilespmem:$0x1B850]  }
0x58a: {  	v0 =	vadd.s32 v43, v0;
	v43 =	vld [tilespmem:$0x1AD40]  }
0x58b: {  	v1 =	vadd.s32 v46, v1;
	v46 =	vld [tilespmem:$0x1F2F0]  }
0x58c: {  	v7 =	vadd.s32 v20, v7;
	v20 =	vld [tilespmem:$0x1B950]  }
0x58d: {  	v0 =	vadd.s32 v45, v0;
	v45 =	vld [tilespmem:$0x1F2E0]  }
0x58e: {  	v1 =	vadd.s32 v48, v1;
	v48 =	vld [tilespmem:$0x1F310]  }
0x58f: {  	v2 =	vadd.s32 v54, v2;
	v54 =	vld [tilespmem:$0x1F350]  }
0x590: {  	v7 =	vadd.s32 v21, v7;
	v21 =	vld [tilespmem:$0x1BA50]  }
0x591: {  	v0 =	vadd.s32 v47, v0;
	v47 =	vld [tilespmem:$0x1F300]  }
0x592: {  	v1 =	vadd.s32 v51, v1;
	v51 =	vld [tilespmem:$0x1F330]  }
0x593: {  	v2 =	vadd.s32 v59, v2;
	v59 =	vld [tilespmem:$0x1F380]  }
0x594: {  	v7 =	vadd.s32 v17, v7;
	v17 =	vld [tilespmem:$0x1AB60]  }
0x595: {  	v0 =	vadd.s32 v49, v0;
	v49 =	vld [tilespmem:$0x1F320]  }
0x596: {  	v1 =	vadd.s32 v53, v1;
	v53 =	vadd.s32 v42, v38;
	v38 =	vld [tilespmem:$0x1F3D0]  }
0x597: {  	v42 =	vld [tilespmem:$0x1F3E0]  }
0x598: {  	v2 =	vadd.s32 v27, v2;
	v27 =	vld [tilespmem:$0x1B840]  }
0x599: {  	v0 =	vadd.s32 v52, v0;
	v52 =	vld [tilespmem:$0x1F340]  }
0x59a: {  	v1 =	vadd.s32 v57, v1;
	v57 =	vld [tilespmem:$0x1F370]  }
0x59b: {  	v2 =	vadd.s32 v30, v2;
	v30 =	vld [tilespmem:$0x1F3C0]  }
0x59c: {  	v0 =	vadd.s32 v55, v0;
	v55 =	vld [tilespmem:$0x1F360]  }
0x59d: {  	v1 =	vadd.s32 v61, v1;
	v61 =	vld [tilespmem:$0x1F3A0]  }
0x59e: {  	v0 =	vadd.s32 v60, v0;
	v60 =	vld [tilespmem:$0x1F390]  }
0x59f: {  	v1 =	vadd.s32 v29, v1;
	v29 =	vld [tilespmem:$0x1BA40]  }
0x5a0: {  	v0 =	vadd.s32 v28, v0;
	v28 =	vld [tilespmem:$0x1B940]  }
0x5a1: {  	v11 =	vadd.s32 v31, v0;
	v0 =	vadd.s32 v32, v1;
	v1 =	vadd.s32 v33, v2;
	v33 =	vld [tilespmem:$0x1B440]  }
0x5a2: {  	v32 =	vld [tilespmem:$0x1B540]  }
0x5a3: {  	v31 =	vld [tilespmem:$0x1B640]  }
0x5a4: {  	v2 =	vadd.s32 v50, v53;
	v50 =	vld [tilespmem:$0x1F440]  }
0x5a5: {  	v53 =	vld [tilespmem:$0x1F470]  }
0x5a6: {  	v10 =	vadd.s32 v35, v0;
	v0 =	vadd.s32 v36, v1;
	v1 =	vadd.s32 v37, v45;
	v37 =	vld [tilespmem:$0x1B140]  }
0x5a7: {  	v36 =	vld [tilespmem:$0x1B240]  }
0x5a8: {  	v35 =	vld [tilespmem:$0x1B340]  }
0x5a9: {  	v45 =	vld [tilespmem:$0x1F3F0]  }
0x5aa: {  	v2 =	vadd.s32 v56, v2;
	v56 =	vld [tilespmem:$0x1F4A0]  }
0x5ab: {  	v2 =	vadd.s32 v63, v2;
	v63 =	vld [tilespmem:$0x1F3B0]  }
0x5ac: {  	v8 =	vadd.s32 v46, v0;
	v46 =	vld [tilespmem:$0x1F400]  }
0x5ad: {  	v0 =	vadd.s32 v47, v1;
	v47 =	vld [tilespmem:$0x1F410]  }
0x5ae: {  	v1 =	vadd.s32 v48, v49;
	v48 =	vld [tilespmem:$0x1F420]  }
0x5af: {  	v49 =	vld [tilespmem:$0x1F430]  }
0x5b0: {  	v0 =	vadd.s32 v51, v0;
	v51 =	vld [tilespmem:$0x1F450]  }
0x5b1: {  	v1 =	vadd.s32 v52, v1;
	v52 =	vld [tilespmem:$0x1F460]  }
0x5b2: {  	v2 =	vadd.s32 v38, v2;
	v38 =	vld [tilespmem:$0x1AB50]  }
0x5b3: {  	v0 =	vadd.s32 v54, v0;
	v54 =	vld [tilespmem:$0x1F480]  }
0x5b4: {  	v1 =	vadd.s32 v55, v1;
	v55 =	vld [tilespmem:$0x1F490]  }
0x5b5: {  	v0 =	vadd.s32 v57, v0;
	v57 =	vld [tilespmem:$0x1F4B0]  }
0x5b6: {  	v1 =	vadd.s32 v59, v1;
	v59 =	vld [tilespmem:$0x1F4C0]  }
0x5b7: {  	v0 =	vadd.s32 v60, v0;
	v60 =	vld [tilespmem:$0x1F4D0]  }
0x5b8: {  	v1 =	vadd.s32 v61, v1;
	v61 =	vld [tilespmem:$0x1F4E0]  }
0x5b9: {  	v1 =	vadd.s32 v30, v1;
	v30 =	vld [tilespmem:$0x1B740]  }
0x5ba: {  	v0 =	vadd.s32 v63, v0;
	v63 =	vld [tilespmem:$0x1F4F0]  }
0x5bb: {  	v2 =	vadd.s32 v46, v2;
	v46 =	vld [tilespmem:$0x1AE50]  }
0x5bc: {  	v0 =	vadd.s32 v42, v0;
	v42 =	vld [tilespmem:$0x1AC50]  }
0x5bd: {  	v1 =	vadd.s32 v45, v1;
	v45 =	vld [tilespmem:$0x1AD50]  }
0x5be: {  	v2 =	vadd.s32 v49, v2;
	v49 =	vld [tilespmem:$0x1F510]  }
0x5bf: {  	v1 =	vadd.s32 v48, v1;
	v48 =	vld [tilespmem:$0x1F500]  }
0x5c0: {  	v2 =	vadd.s32 v52, v2;
	v52 =	vld [tilespmem:$0x1F540]  }
0x5c1: {  	v0 =	vadd.s32 v47, v0;
	v47 =	vld [tilespmem:$0x1AF50]  }
0x5c2: {  	v0 =	vadd.s32 v50, v0;
	v50 =	vld [tilespmem:$0x1F520]  }
0x5c3: {  	v1 =	vadd.s32 v51, v1;
	v51 =	vld [tilespmem:$0x1F530]  }
0x5c4: {  	v2 =	vadd.s32 v55, v2;
	v55 =	vld [tilespmem:$0x1F570]  }
0x5c5: {  	v0 =	vadd.s32 v53, v0;
	v53 =	vld [tilespmem:$0x1F550]  }
0x5c6: {  	v1 =	vadd.s32 v54, v1;
	v54 =	vld [tilespmem:$0x1F560]  }
0x5c7: {  	v2 =	vadd.s32 v59, v2;
	v59 =	vld [tilespmem:$0x1F5A0]  }
0x5c8: {  	v0 =	vadd.s32 v56, v0;
	v56 =	vld [tilespmem:$0x1F580]  }
0x5c9: {  	v1 =	vadd.s32 v57, v1;
	v57 =	vld [tilespmem:$0x1F590]  }
0x5ca: {  	v2 =	vadd.s32 v63, v2;
	v63 =	vld [tilespmem:$0x1F5E0]  }
0x5cb: {  	v0 =	vadd.s32 v60, v0;
	v60 =	vld [tilespmem:$0x1F5B0]  }
0x5cc: {  	v1 =	vadd.s32 v61, v1;
	v61 =	vld [tilespmem:$0x1F5C0]  }
0x5cd: {  	v0 =	vadd.s32 v48, v0;
	v1 =	vadd.s32 v49, v1;
	v49 =	vld [tilespmem:$0x1B050]  }
0x5ce: {  	v2 =	vadd.s32 v50, v2;
	v0 =	vadd.s32 v51, v0;
	v51 =	vld [tilespmem:$0x1B150]  }
0x5cf: {  	v1 =	vadd.s32 v52, v1;
	v2 =	vadd.s32 v53, v2;
	v53 =	vld [tilespmem:$0x1AD60]  }
0x5d0: {  	v1 =	vadd.s32 v54, v1;
	v54 =	vld [tilespmem:$0x1F730]  }
0x5d1: {  	v48 =	vadd.s32 v56, v57;
	v56 =	vld [tilespmem:$0x1F5F0]  }
0x5d2: {  	v57 =	vld [tilespmem:$0x1F600]  }
0x5d3: {  	v2 =	vadd.s32 v55, v2;
	v55 =	vld [tilespmem:$0x1F740]  }
0x5d4: {  	v50 =	vadd.s32 v61, v62;
	v62 =	vld [tilespmem:$0x1F5D0]  }
0x5d5: {  	v2 =	vadd.s32 v59, v2;
	v59 =	vld [tilespmem:$0x1F610]  }
0x5d6: {  	v48 =	vadd.s32 v60, v48;
	v60 =	vld [tilespmem:$0x1F620]  }
0x5d7: {  	v61 =	vld [tilespmem:$0x1F630]  }
0x5d8: {  	v50 =	vadd.s32 v63, v50;
	v63 =	vld [tilespmem:$0x1F650]  }
0x5d9: {  	v50 =	vadd.s32 v57, v50;
	v57 =	vld [tilespmem:$0x1F670]  }
0x5da: {  	v48 =	vadd.s32 v62, v48;
	v62 =	vld [tilespmem:$0x1F640]  }
0x5db: {  	v50 =	vadd.s32 v60, v50;
	v60 =	vld [tilespmem:$0x1F690]  }
0x5dc: {  	v48 =	vadd.s32 v56, v48;
	v56 =	vld [tilespmem:$0x1F660]  }
0x5dd: {  	v48 =	vadd.s32 v59, v48;
	v59 =	vld [tilespmem:$0x1F680]  }
0x5de: {  	v48 =	vadd.s32 v61, v48;
	v61 =	vld [tilespmem:$0x1F6A0]  }
0x5df: {  	v48 =	vadd.s32 v63, v48;
	v63 =	vld [tilespmem:$0x1F6C0]  }
0x5e0: {  	v50 =	vadd.s32 v62, v50;
	v62 =	vld [tilespmem:$0x1F6B0]  }
0x5e1: {  	v48 =	vadd.s32 v57, v48;
	v57 =	vld [tilespmem:$0x1F6E0];
	v50 =	vadd.s32 v56, v50  }
0x5e2: {  	v56 =	vld [tilespmem:$0x1F6D0];
	v50 =	vadd.s32 v59, v50  }
0x5e3: {  	v7 =	vadd.s32 v22, v7;
	v50 =	vadd.s32 v61, v50;
	v61 =	vld [tilespmem:$0x1F710]  }
0x5e4: {  	v7 =	vadd.s32 v23, v7;
	v59 =	vld [tilespmem:$0x1F6F0]  }
0x5e5: {  	v7 =	vadd.s32 v24, v7;
	v48 =	vadd.s32 v60, v48;
	v60 =	vld [tilespmem:$0x1F700];
	v50 =	vadd.s32 v63, v50  }
0x5e6: {  	v7 =	vadd.s32 v25, v7;
	v63 =	vld [tilespmem:$0x1F720];
	v50 =	vadd.s32 v57, v50  }
0x5e7: {  	v7 =	vadd.s32 v26, v7;
	v48 =	vadd.s32 v62, v48;
	v62 =	vld [tilespmem:$0x1AC60];
	v50 =	vadd.s32 v58, v50  }
0x5e8: {  	v57 =	vadd.s32 v34, v40;
	v48 =	vadd.s32 v56, v48;
	v56 =	vld [tilespmem:$0x1AE60];
	v50 =	vadd.s32 v61, v50  }
0x5e9: {  	v58 =	vld [tilespmem:$0x1AF60];
	v48 =	vadd.s32 v59, v48;
	v59 =	vadd.s32 v38, v42;
	v5 =	vadd.s32 v5, v50  }
0x5ea: {  	v38 =	vld [tilespmem:$0x1B260];
	v48 =	vadd.s32 v60, v48;
	v26 =	vadd.s32 v45, v59;
	v5 =	vadd.s32 v55, v5  }
0x5eb: {  	v60 =	vld [tilespmem:$0x1B060];
	v48 =	vadd.s32 v63, v48;
	v5 =	vadd.s32 v9, v5;
	v9 =	vadd.s32 v43, v57  }
0x5ec: {  	[tilespmem:$0x1BA80] =	vst v6;
	v26 =	vadd.s32 v46, v26;
	v17 =	vadd.s32 v17, v62;
	v62 =	vld [tilespmem:$0x1B160];
	v9 =	vadd.s32 v44, v9  }
0x5ed: {  	[tilespmem:$0x1BA90] =	vst v4;
	v61 =	vld [tilespmem:$0x1F750];
	v48 =	vadd.s32 v54, v48;
	v17 =	vadd.s32 v53, v17;
	v63 =	vadd.s32 v41, v9  }
0x5ee: {  	[tilespmem:$0x1BAA0] =	vst v3;
	v43 =	vld [tilespmem:$0x1B360];
	v42 =	vadd.s32 v56, v17;
	v41 =	vadd.s32 v47, v26;
	v40 =	vadd.s32 v39, v63  }
0x5ef: {  	[tilespmem:$0x1BB30] =	vst v7;
	v46 =	vadd.s32 v58, v42;
	v47 =	vld [tilespmem:$0x1B460];
	v45 =	vadd.s32 v49, v41;
	v44 =	vadd.s32 v37, v40  }
0x5f0: {  	[tilespmem:$0x1BAB0] =	vst v11;
	v6 =	vadd.s32 v60, v46;
	v49 =	vld [tilespmem:$0x1B560];
	v4 =	vadd.s32 v51, v45;
	v3 =	vadd.s32 v36, v44  }
0x5f1: {  	[tilespmem:$0x1BAC0] =	vst v10;
	v50 =	vld [tilespmem:$0x1B660];
	v6 =	vadd.s32 v62, v6;
	v4 =	vadd.s32 v12, v4;
	v3 =	vadd.s32 v35, v3  }
0x5f2: {  	[tilespmem:$0x1BAD0] =	vst v8;
	v51 =	vld [tilespmem:$0x1B760];
	v6 =	vadd.s32 v38, v6;
	v4 =	vadd.s32 v13, v4;
	v3 =	vadd.s32 v33, v3  }
0x5f3: {  	[tilespmem:$0x1BAE0] =	vst v0;
	v55 =	vld [tilespmem:$0x1B860];
	v54 =	vadd.s32 v43, v6;
	v53 =	vadd.s32 v14, v4;
	v52 =	vadd.s32 v32, v3  }
0x5f4: {  	[tilespmem:$0x1BAF0] =	vst v1;
	v58 =	vld [tilespmem:$0x1B960];
	v57 =	vadd.s32 v47, v54;
	v56 =	vadd.s32 v15, v53;
	v0 =	vadd.s32 v31, v52  }
0x5f5: {  	[tilespmem:$0x1BB00] =	vst v2;
	v60 =	vld [tilespmem:$0x1BA60];
	v59 =	vadd.s32 v49, v57;
	v1 =	vadd.s32 v16, v56;
	v0 =	vadd.s32 v30, v0  }
0x5f6: {  	[tilespmem:$0x1BB10] =	vst v48;
	v2 =	vadd.s32 v50, v59;
	v1 =	vadd.s32 v18, v1;
	v0 =	vadd.s32 v27, v0  }
0x5f7: {  	[tilespmem:$0x1BB20] =	vst v5;
	v2 =	vadd.s32 v51, v2;
	v1 =	vadd.s32 v19, v1;
	v0 =	vadd.s32 v28, v0  }
0x5f8: {  	[tilespmem:$0x1BA70] =	vst v61;
	v2 =	vadd.s32 v55, v2;
	v1 =	vadd.s32 v20, v1;
	v0 =	vadd.s32 v29, v0  }
0x5f9: {  	v62 =	vadd.s32 v58, v2;
	v61 =	vadd.s32 v21, v1;
	[tilespmem:$0x1BB40] =	vst v0  }
0x5fa: {  	v63 =	vadd.s32 v60, v62;
	[tilespmem:$0x1BB50] =	vst v61  }
0x5fb: {  	s0 =	rddreg [dreg:$0x1b];
	[tilespmem:$0x1BB60] =	vst v63  }
0x5fc: {  	[hbm4b:s0+s10] =	stream.strided.scatter [tilespmem:s12], [sflag:$0x9], $0x100, s11, s10, $0x38;
	[tilespmem:$0x1BB70] =	vst v63  }
0x5fd: {  	_ =	swait.ge [sflag:s7], $0x100  }
0x5fe: {  	[sflag:s7] =	ssyncset.done $0x0  }
0x5ff: {  	[sflag:s7] =	ssyncadd.s32 $0xFFFFFF00  }
0x600: {  	[bflag:$0x0] =	sbarrier.arrive $0xFFFF  }
0x601: {  	s3 =	sld [smem:$0x7FD]  }
0x602: {  	s0 =	rddreg [dreg:$0x5]  }
0x603: {  	s1 =	rddreg [dreg:$0x1c];
	s0 =	sshrl.u32 @!p0 s0, $0x3  }
0x604: {  	[hbm:s1], [sflag:s3] =	dma.local @!p0 [spmem:s0], $0x1000  }
0x605: {  	s0 =	simm.s32 @!p0 $0x9  }
0x606: {  	_ =	swait.ge @!p0 [sflag:s0], $0x1000  }
0x607: {  	[sflag:s0] =	ssyncset.done @!p0 $0x0  }
0x608: {  	s1 =	sshrl.u32 @!p0 s6, $0x3;
	s2 =	rddreg [dreg:$0x1d];
	[sflag:s0] =	ssyncadd.s32 @!p0 $0xFFFFF000  }
0x609: {  	[hbm:s2], [sflag:s3] =	dma.local @!p0 [spmem:s1], $0x1000  }
0x60a: {  	_ =	swait.ge @!p0 [sflag:s0], $0x1000  }
0x60b: {  	s30 =	sld [smem:$0x7F8];
	_ =	sdelay $0x2  }
0x60c: {  	s31 =	rddreg [dreg:$0x1e];
	s2 =	sadd.s32 $0x1, s30  }
0x60d: {  	p1 =	sne.s32 s2, s31  }
.Ltmp7:
0x60e: {  	_ = 	snop;
	(pc) =	sbr.rel @p1 .LBB2_1-.Ltmp7, $3  }
0x60f: {  	_ =	sdelay $0x1  }
0x610: {  	[sflag:s0] =	ssyncset.done @!p0 $0x0  }
0x611: {  	v40 =	vld [tilespmem:$0x1FFF0];
	[sflag:s0] =	ssyncadd.s32 @!p0 $0xFFFFF000  }
0x612: {  	_ =	sfence.sel $0x180000  }
0x613: {  	[bflag:$0x0] =	sbarrier.arrive $0xFFFF  }
0x614: {  	_ =	strace $0x90000047  }
0x615: {  	[bflag:$0x2] =	sbarrier.arrive $0xFFFF  }
0x616: {  	s0 =	rddreg [dreg:$0x8]  }
0x617: {  	s0 =	sadd.s32 @!p0 $0x100000, s0  }
0x618: {  	[sflag:s0] =	ssyncadd.tile.s32 @!p0 $0x1;
	_ =	shalt  }
.Lfunc_end2:
_tile_overlayer_lowered:
.L_overlay_start_2:
0x619: {  	(tag) =	ssettag $0x2  }
0x61a: {  	s0 =	rddreg [dreg:$0x0];
	s2 =	stileid.u32  }
0x61b: {  	s1 =	rddreg [dreg:$0x1];
	p0 =	sne.s32 s2, $0x0  }
0x61c: {  	s3 =	rddreg [dreg:$0x2];
	[bflag:$0x3] =	sbarrier.arrive $0xFFFF;
	s2 =	simm.s32 @!p0 $0x1C09  }
0x61d: {  	[timem:s3], [sflag:s2] =	dma.local @!p0 [hbm:s0], s1  }
0x61e: {  	s0 =	simm.s32 @!p0 $0x9  }
0x61f: {  	_ =	swait.ge @!p0 [sflag:s0], s1  }
0x620: {  	s1 =	ssub.s32 @!p0 $0x0, s1;
	[sflag:s0] =	ssyncset.done @!p0 $0x0  }
0x621: {  	[sflag:s0] =	ssyncadd.s32 @!p0 s1  }
0x622: {  	[bflag:$0x3] =	sbarrier.arrive $0xFFFF  }
0x623: {  	_ =	shalt  }

</sc_bundles>
